<compile_context>
chip_gen: v7x
topology: tpu7x:2x2x1
jax: 0.10.2.dev20260603
libtpu: 0.0.44.dev20260713+nightly
codegen_flags: <defaults>
</compile_context>

<pallas_src>
import functools

import jax
import jax.numpy as jnp
from jax import lax
from jax.experimental import pallas as pl
from jax.experimental.pallas import tpu as pltpu
from jax.experimental.pallas import tpu_sc as plsc

VOCAB = 1_000_000
DIM = 64
BATCH = 16384
NUM_CORES = 2
NUM_SUBCORES = 16
NUM_WORKERS = NUM_CORES * NUM_SUBCORES
LANE = 128
NTC_FULL = VOCAB // LANE
TAIL_LO = NTC_FULL * LANE
TAIL_W = VOCAB - TAIL_LO
NTC_BASE = NTC_FULL // NUM_WORKERS
NTC_EXTRA = NTC_FULL % NUM_WORKERS
CHUNK = 512
NCHUNK = NTC_BASE * LANE // CHUNK
NBUF = 2
NROW = 8
STAGE = 4096
SENTINEL = 0x7FFF


@functools.partial(
    pl.kernel,
    mesh=plsc.VectorSubcoreMesh(core_axis_name="c", subcore_axis_name="s"),
    out_type=jax.ShapeDtypeStruct((BATCH * 2 * DIM,), jnp.float32),
    scratch_types=[
        pltpu.VMEM((STAGE,), jnp.int32),
        pltpu.VMEM((BATCH + 64,), jnp.int32),
        pltpu.VMEM((NBUF * DIM, CHUNK), jnp.float32),
        pltpu.VMEM((DIM, LANE), jnp.float32),
        pltpu.VMEM((DIM, TAIL_W), jnp.float32),
        pltpu.VMEM((NROW * DIM,), jnp.float32),
        pltpu.SemaphoreType.DMA,
        pltpu.SemaphoreType.DMA,
    ],
    compiler_params=pltpu.CompilerParams(
        disable_bounds_checks=True, needs_layout_passes=False
    ),
)
def _sc_gather(idx_hbm, tt_hbm, out_hbm, stage_v, list_v, blk_v, bx_v,
               tail_v, rowr, sem, osem):
    wid = lax.axis_index("s") * NUM_CORES + lax.axis_index("c")
    lane16 = lax.iota(jnp.int32, 16)
    has_extra = wid < NTC_EXTRA
    is_tail_worker = wid == NUM_WORKERS - 1

    tc_lo = wid * NTC_BASE + jnp.minimum(wid, NTC_EXTRA)
    col_lo = pl.multiple_of(tc_lo * LANE, LANE)
    span = NTC_BASE * LANE
    match_hi = (col_lo + span
                + jnp.where(has_extra, LANE, 0)
                + jnp.where(is_tail_worker, TAIL_W, 0))

    def fire(c):
        slot = pl.multiple_of((c % NBUF) * DIM, DIM)
        cb = pl.multiple_of(col_lo + c * CHUNK, LANE)
        pltpu.async_copy(
            tt_hbm.at[:, pl.ds(cb, CHUNK)], blk_v.at[pl.ds(slot, DIM)], sem
        )

    for b in range(NBUF):
        fire(jnp.int32(b))

    def comp_stage(s, ptr):
        soff = pl.multiple_of(s * STAGE, 8)
        pltpu.sync_copy(idx_hbm.at[pl.ds(soff, STAGE)], stage_v)

        def comp_body(i, p):
            packs, masks, cnts = [], [], []
            for t in range(4):
                off = pl.multiple_of(i * 64 + t * 16, 8)
                wv = stage_v[pl.ds(off, 16)]
                m = (wv >= col_lo) & (wv < match_hi)
                pos = s * STAGE + i * 64 + t * 16 + lane16
                packs.append((wv - col_lo) | (pos << 15))
                masks.append(m)
                cnts.append(jnp.max(plsc.all_reduce_population_count(m)))
            for t in range(4):
                plsc.store_compressed(
                    list_v.at[pl.ds(p, 16)], packs[t], mask=masks[t]
                )
                p = p + cnts[t]
            return p

        return lax.fori_loop(0, STAGE // 64, comp_body, ptr)

    cnt = lax.fori_loop(0, BATCH // STAGE, comp_stage, jnp.int32(0))
    for t in range(4):
        list_v[pl.ds(cnt + t * 16, 16)] = jnp.zeros((16,), jnp.int32) + SENTINEL
    nv4 = (cnt + 63) // 64

    def extract_rows(kind, srcbase, lo_local, lwv, pv, m, no):

        def cond(st):
            m_, _ = st
            return jnp.max(plsc.all_reduce_population_count(m_)) > 0

        def body(st):
            m_, no_ = st
            j = jnp.max(plsc.all_reduce_ffs(m_))
            oh = lane16 == j
            lw_j = jnp.max(jnp.where(oh, lwv, 0))
            p_j = jnp.max(jnp.where(oh, pv, 0))
            colv = jnp.zeros((16,), jnp.int32) + (lw_j - lo_local)

            @pl.when(no_ >= NROW)
            def _():
                pltpu.make_async_copy(
                    rowr.at[pl.ds(0, DIM)], out_hbm.at[pl.ds(0, DIM)], osem
                ).wait()

            srow = pl.multiple_of((no_ % NROW) * DIM, DIM)
            for k in range(DIM // 16):
                rows = k * 16 + lane16
                if kind == 0:
                    g = plsc.load_gather(blk_v, [srcbase + rows, colv])
                elif kind == 1:
                    g = plsc.load_gather(bx_v, [rows, colv])
                else:
                    g = plsc.load_gather(tail_v, [rows, colv])
                rowr[pl.ds(srow + k * 16, 16)] = g
            pltpu.async_copy(
                rowr.at[pl.ds(srow, DIM)],
                out_hbm.at[pl.ds(p_j * 2 * DIM, DIM)],
                osem,
            )
            return m_ & jnp.logical_not(oh), no_ + 1

        _, no = lax.while_loop(cond, body, (m, no))
        return no

    def match_phase(kind, srcbase, lo_local, hi_local, n_out, pred=None):
        def vloop(v, no):
            lws, pvs, ms = [], [], []
            for t in range(4):
                voff = pl.multiple_of(v * 64 + t * 16, 8)
                packed = list_v[pl.ds(voff, 16)]
                lwv = packed & 0x7FFF
                pv = packed >> 15
                m = (lwv >= lo_local) & (lwv < hi_local)
                if pred is not None:
                    m = m & pred
                lws.append(lwv)
                pvs.append(pv)
                ms.append(m)
            m_any = (ms[0] | ms[1]) | (ms[2] | ms[3])

            def hit():
                no2 = no
                for t in range(4):
                    no2 = extract_rows(
                        kind, srcbase, lo_local, lws[t], pvs[t], ms[t], no2
                    )
                return no2

            return lax.cond(
                jnp.max(plsc.all_reduce_population_count(m_any)) > 0,
                hit,
                lambda: no,
            )

        return lax.fori_loop(0, nv4, vloop, n_out)

    def chunk_body(c, n_out):
        slot = pl.multiple_of((c % NBUF) * DIM, DIM)
        pltpu.make_async_copy(
            tt_hbm.at[:, pl.ds(0, CHUNK)], blk_v.at[pl.ds(slot, DIM)], sem
        ).wait()
        n_out = match_phase(0, slot, c * CHUNK, c * CHUNK + CHUNK, n_out)

        @pl.when(c + NBUF < NCHUNK)
        def _():
            fire(c + NBUF)

        return n_out

    n_out = lax.fori_loop(0, NCHUNK, chunk_body, jnp.int32(0))

    @pl.when(has_extra)
    def _():
        pltpu.sync_copy(
            tt_hbm.at[:, pl.ds(pl.multiple_of(col_lo + span, LANE), LANE)],
            bx_v,
        )

    n_out = match_phase(1, 0, span, span + LANE, n_out, pred=has_extra)

    @pl.when(is_tail_worker)
    def _():
        pltpu.sync_copy(tt_hbm.at[:, pl.ds(TAIL_LO, TAIL_W)], tail_v)

    n_out = match_phase(2, 0, span, span + TAIL_W, n_out, pred=is_tail_worker)

    def drain_body(r):
        pltpu.make_async_copy(
            rowr.at[pl.ds(0, DIM)], out_hbm.at[pl.ds(0, DIM)], osem
        ).wait()
        return r - 1

    lax.while_loop(lambda r: r > 0, drain_body, jnp.minimum(n_out, NROW))


def kernel(target_word, target_embedding):
    flat = _sc_gather(target_word.astype(jnp.int32), target_embedding.T)
    return flat.reshape(BATCH, 2 * DIM)[:, :DIM]

# --- scband reference (transcript-rebuilt; emitter-appended) ---
"""Pipeline reference for scband-skip-gram-model-19439021981703 (READ-ONLY COPY).

The authoritative reference and input builder live on the scoring server;
editing this copy changes nothing except your own understanding.
"""

import jax, jax.numpy as jnp
import numpy as np

VOCAB_SIZE = 1000000
EMBEDDING_DIM = 64
BATCH = 16384

def setup_inputs(seed: int = 0) -> dict:
    key = jax.random.key(seed)
    k_idx, k_tab = jax.random.split(key)
    target_word = jax.random.randint(k_idx, (BATCH,), 0, VOCAB_SIZE, dtype=jnp.int64 if jax.config.jax_enable_x64 else jnp.int32)
    target_embedding = jax.random.normal(k_tab, (VOCAB_SIZE, EMBEDDING_DIM), dtype=jnp.float32)
    return {"target_word": target_word, "target_embedding": target_embedding}

def reference(target_word, target_embedding):
    # SkipGramModel.forward: emb_target = self.target_embedding(target_word)
    emb_target = jnp.take(target_embedding, target_word, axis=0)
    return emb_target

if __name__ == "__main__":
    import jax
    _d = setup_inputs()
    print(jax.jit(kernel)(*tuple(_d.values())))

</pallas_src>

<mosaic_0001>
#map = affine_map<(d0, d1) -> (0)>
#map1 = affine_map<(d0, d1) -> (0, 0)>
module attributes {stable_mosaic.version = 14 : i64} {
  func.func @_sc_gather(%arg0: i32, %arg1: i32, %arg2: memref<16384xi32, #tpu.memory_space<hbm>>, %arg3: memref<64x1000000xf32, #tpu.memory_space<hbm>>, %arg4: memref<2097152xf32, #tpu.memory_space<hbm>>, %arg5: memref<4096xi32, #tpu.memory_space<vmem>>, %arg6: memref<16448xi32, #tpu.memory_space<vmem>>, %arg7: memref<128x512xf32, #tpu.memory_space<vmem>>, %arg8: memref<64x128xf32, #tpu.memory_space<vmem>>, %arg9: memref<64x64xf32, #tpu.memory_space<vmem>>, %arg10: memref<512xf32, #tpu.memory_space<vmem>>, %arg11: memref<!tpu.dma_semaphore, #tpu.memory_space<semaphore_mem>>, %arg12: memref<!tpu.dma_semaphore, #tpu.memory_space<semaphore_mem>>) attributes {dimension_semantics = [#tpu.dimension_semantics<core_parallel>, #tpu.dimension_semantics<subcore_parallel>], iteration_bounds = array<i64: 2, 16>, scalar_prefetch = 0 : i64, scratch_operands = 8 : i64, tpu.core_type = #tpu.core_type<sc_vector_subcore>, window_params = [{transform_indices = #map}, {transform_indices = #map1}, {transform_indices = #map}]} {
    %mul3A = arith.constant 2 : i32
    %mul3A_0 = arith.muli %arg1, %mul3A : i32
    %add3A = arith.addi %mul3A_0, %arg0 : i32
    %iota3A = tpu.iota {dimensions = array<i32: 0>} : vector<16xi32>
    %lt3A = arith.constant 4 : i32
    %lt3A_1 = arith.cmpi slt, %add3A, %lt3A : i32
    %eq3A = arith.constant 31 : i32
    %eq3A_2 = arith.cmpi eq, %add3A, %eq3A : i32
    %mul3A_3 = arith.constant 244 : i32
    %mul3A_4 = arith.muli %add3A, %mul3A_3 : i32
    %min3A = arith.constant 4 : i32
    %min3A_5 = arith.minsi %add3A, %min3A : i32
    %add3A_6 = arith.addi %mul3A_4, %min3A_5 : i32
    %mul3A_7 = arith.constant 128 : i32
    %mul3A_8 = arith.muli %add3A_6, %mul3A_7 : i32
    %multiple_of3A = tpu.assume_multiple %mul3A_8, 128 : i32
    %add3A_9 = arith.constant 31232 : i32
    %add3A_10 = arith.addi %multiple_of3A, %add3A_9 : i32
    %jit3A = arith.constant 128 : i32
    %jit3A_11 = arith.constant 0 : i32
    %select_n3A = arith.select %lt3A_1, %jit3A, %jit3A_11 : i32
    %add3A_12 = arith.addi %add3A_10, %select_n3A : i32
    %jit3A_13 = arith.constant 64 : i32
    %jit3A_14 = arith.constant 0 : i32
    %select_n3A_15 = arith.select %eq3A_2, %jit3A_13, %jit3A_14 : i32
    %add3A_16 = arith.addi %add3A_12, %select_n3A_15 : i32
    %jit3A_17 = arith.constant 0 : i32
    %jit3A_18 = arith.constant 2 : i32
    %eq3A_19 = arith.constant 0 : i32
    %eq3A_20 = arith.cmpi eq, %jit3A_18, %eq3A_19 : i32
    %jit3A_21 = arith.constant 1 : i32
    %select_n3A_22 = arith.select %eq3A_20, %jit3A_21, %jit3A_18 : i32
    %rem3A = arith.remsi %jit3A_17, %select_n3A_22 : i32
    %ne3A = arith.constant 0 : i32
    %ne3A_23 = arith.cmpi ne, %rem3A, %ne3A : i32
    %lt3A_24 = arith.constant 0 : i32
    %lt3A_25 = arith.cmpi slt, %rem3A, %lt3A_24 : i32
    %lt3A_26 = arith.constant 0 : i32
    %lt3A_27 = arith.cmpi slt, %select_n3A_22, %lt3A_26 : i32
    %ne3A_28 = arith.xori %lt3A_25, %lt3A_27 : i1
    %and3A = arith.andi %ne3A_28, %ne3A_23 : i1
    %add3A_29 = arith.addi %rem3A, %select_n3A_22 : i32
    %select_n3A_30 = arith.select %and3A, %add3A_29, %rem3A : i32
    %mul3A_31 = arith.constant 64 : i32
    %mul3A_32 = arith.muli %select_n3A_30, %mul3A_31 : i32
    %multiple_of3A_33 = tpu.assume_multiple %mul3A_32, 64 : i32
    %mul3A_34 = arith.constant 0 : i32
    %mul3A_35 = arith.constant 512 : i32
    %mul3A_36 = arith.muli %mul3A_34, %mul3A_35 : i32
    %add3A_37 = arith.addi %multiple_of3A, %mul3A_36 : i32
    %multiple_of3A_38 = tpu.assume_multiple %add3A_37, 128 : i32
    %dma_start3A = arith.constant 0 : i32
    %dma_start3A_39 = tpu.memref_slice %arg7[%multiple_of3A_33, %dma_start3A] : memref<128x512xf32, #tpu.memory_space<vmem>> -> memref<64x512xf32, #tpu.memory_space<vmem>>
    %dma_start3A_40 = arith.constant 0 : i32
    %dma_start3A_41 = tpu.memref_slice %arg3[%dma_start3A_40, %multiple_of3A_38] : memref<64x1000000xf32, #tpu.memory_space<hbm>> -> memref<64x512xf32, #tpu.memory_space<hbm>>
    %dma_start3A_42 = arith.constant 0 : i32
    %dma_start3A_43 = tpu.memref_slice %arg7[%multiple_of3A_33, %dma_start3A_42] : memref<128x512xf32, #tpu.memory_space<vmem>> -> memref<64x512xf32, #tpu.memory_space<vmem>>
    %dma_start3A_44 = arith.constant 0 : i32
    %dma_start3A_45 = tpu.memref_slice %arg3[%dma_start3A_44, %multiple_of3A_38] : memref<64x1000000xf32, #tpu.memory_space<hbm>> -> memref<64x512xf32, #tpu.memory_space<hbm>>
    tpu.enqueue_dma source(%dma_start3A_45 : memref<64x512xf32, #tpu.memory_space<hbm>>) target(%dma_start3A_43 : memref<64x512xf32, #tpu.memory_space<vmem>>) target_semaphore(%arg11 : memref<!tpu.dma_semaphore, #tpu.memory_space<semaphore_mem>>)
    %jit3A_46 = arith.constant 1 : i32
    %jit3A_47 = arith.constant 2 : i32
    %eq3A_48 = arith.constant 0 : i32
    %eq3A_49 = arith.cmpi eq, %jit3A_47, %eq3A_48 : i32
    %jit3A_50 = arith.constant 1 : i32
    %select_n3A_51 = arith.select %eq3A_49, %jit3A_50, %jit3A_47 : i32
    %rem3A_52 = arith.remsi %jit3A_46, %select_n3A_51 : i32
    %ne3A_53 = arith.constant 0 : i32
    %ne3A_54 = arith.cmpi ne, %rem3A_52, %ne3A_53 : i32
    %lt3A_55 = arith.constant 0 : i32
    %lt3A_56 = arith.cmpi slt, %rem3A_52, %lt3A_55 : i32
    %lt3A_57 = arith.constant 0 : i32
    %lt3A_58 = arith.cmpi slt, %select_n3A_51, %lt3A_57 : i32
    %ne3A_59 = arith.xori %lt3A_56, %lt3A_58 : i1
    %and3A_60 = arith.andi %ne3A_59, %ne3A_54 : i1
    %add3A_61 = arith.addi %rem3A_52, %select_n3A_51 : i32
    %select_n3A_62 = arith.select %and3A_60, %add3A_61, %rem3A_52 : i32
    %mul3A_63 = arith.constant 64 : i32
    %mul3A_64 = arith.muli %select_n3A_62, %mul3A_63 : i32
    %multiple_of3A_65 = tpu.assume_multiple %mul3A_64, 64 : i32
    %mul3A_66 = arith.constant 1 : i32
    %mul3A_67 = arith.constant 512 : i32
    %mul3A_68 = arith.muli %mul3A_66, %mul3A_67 : i32
    %add3A_69 = arith.addi %multiple_of3A, %mul3A_68 : i32
    %multiple_of3A_70 = tpu.assume_multiple %add3A_69, 128 : i32
    %dma_start3A_71 = arith.constant 0 : i32
    %dma_start3A_72 = tpu.memref_slice %arg7[%multiple_of3A_65, %dma_start3A_71] : memref<128x512xf32, #tpu.memory_space<vmem>> -> memref<64x512xf32, #tpu.memory_space<vmem>>
    %dma_start3A_73 = arith.constant 0 : i32
    %dma_start3A_74 = tpu.memref_slice %arg3[%dma_start3A_73, %multiple_of3A_70] : memref<64x1000000xf32, #tpu.memory_space<hbm>> -> memref<64x512xf32, #tpu.memory_space<hbm>>
    %dma_start3A_75 = arith.constant 0 : i32
    %dma_start3A_76 = tpu.memref_slice %arg7[%multiple_of3A_65, %dma_start3A_75] : memref<128x512xf32, #tpu.memory_space<vmem>> -> memref<64x512xf32, #tpu.memory_space<vmem>>
    %dma_start3A_77 = arith.constant 0 : i32
    %dma_start3A_78 = tpu.memref_slice %arg3[%dma_start3A_77, %multiple_of3A_70] : memref<64x1000000xf32, #tpu.memory_space<hbm>> -> memref<64x512xf32, #tpu.memory_space<hbm>>
    tpu.enqueue_dma source(%dma_start3A_78 : memref<64x512xf32, #tpu.memory_space<hbm>>) target(%dma_start3A_76 : memref<64x512xf32, #tpu.memory_space<vmem>>) target_semaphore(%arg11 : memref<!tpu.dma_semaphore, #tpu.memory_space<semaphore_mem>>)
    %scan3A = arith.constant 0 : i32
    %scan3A_79 = arith.constant 0 : i32
    %scan3A_80 = arith.constant 4 : i32
    %scan3A_81 = arith.addi %scan3A_79, %scan3A_80 : i32
    %scan3A_82 = arith.constant 1 : i32
    %scan3A_83 = scf.for %scan3A_177 = %scan3A_79 to %scan3A_81 step %scan3A_82 iter_args(%scan3A_178 = %scan3A) -> (i32)  : i32 {
      %mul3A_179 = arith.constant 4096 : i32
      %mul3A_180 = arith.muli %scan3A_177, %mul3A_179 : i32
      %multiple_of3A_181 = tpu.assume_multiple %mul3A_180, 8 : i32
      "tpu.region"() ({
        %run_scoped3A = tpu.sem_alloc : memref<!tpu.dma_semaphore, #tpu.memory_space<semaphore_mem>>
        %dma_start3A_188 = tpu.memref_slice %arg2[%multiple_of3A_181] : memref<16384xi32, #tpu.memory_space<hbm>> -> memref<4096xi32, #tpu.memory_space<hbm>>
        %dma_start3A_189 = tpu.memref_slice %arg2[%multiple_of3A_181] : memref<16384xi32, #tpu.memory_space<hbm>> -> memref<4096xi32, #tpu.memory_space<hbm>>
        tpu.enqueue_dma source(%dma_start3A_189 : memref<4096xi32, #tpu.memory_space<hbm>>) target(%arg5 : memref<4096xi32, #tpu.memory_space<vmem>>) target_semaphore(%run_scoped3A : memref<!tpu.dma_semaphore, #tpu.memory_space<semaphore_mem>>)
        %dma_wait3A = tpu.memref_slice %arg2[%multiple_of3A_181] : memref<16384xi32, #tpu.memory_space<hbm>> -> memref<4096xi32, #tpu.memory_space<hbm>>
        %dma_wait3A_190 = tpu.memref_slice %arg2[%multiple_of3A_181] : memref<16384xi32, #tpu.memory_space<hbm>> -> memref<4096xi32, #tpu.memory_space<hbm>>
        tpu.wait_dma2 semaphore(%run_scoped3A : memref<!tpu.dma_semaphore, #tpu.memory_space<semaphore_mem>>) src(%dma_wait3A_190 : memref<4096xi32, #tpu.memory_space<hbm>>) dst(%arg5 : memref<4096xi32, #tpu.memory_space<vmem>>)
        tpu.yield
      }) : () -> ()
      %scan3A_182 = arith.constant 0 : i32
      %scan3A_183 = arith.constant 64 : i32
      %scan3A_184 = arith.addi %scan3A_182, %scan3A_183 : i32
      %scan3A_185 = arith.constant 1 : i32
      %scan3A_186 = scf.for %scan3A_188 = %scan3A_182 to %scan3A_184 step %scan3A_185 iter_args(%scan3A_189 = %scan3A_178) -> (i32)  : i32 {
        %mul3A_190 = arith.constant 64 : i32
        %mul3A_191 = arith.muli %scan3A_188, %mul3A_190 : i32
        %add3A_192 = arith.constant 0 : i32
        %add3A_193 = arith.addi %mul3A_191, %add3A_192 : i32
        %multiple_of3A_194 = tpu.assume_multiple %add3A_193, 8 : i32
        %get3A = arith.index_cast %multiple_of3A_194 : i32 to index
        %get3A_195 = tpu.vector_load %arg5[%get3A] {strides = array<i32>} : memref<4096xi32, #tpu.memory_space<vmem>>, vector<16xi32>,
        %ge3A = vector.broadcast %multiple_of3A : i32 to vector<16xi32>
        %ge3A_196 = arith.cmpi sge, %get3A_195, %ge3A : vector<16xi32>
        %lt3A_197 = vector.broadcast %add3A_16 : i32 to vector<16xi32>
        %lt3A_198 = arith.cmpi slt, %get3A_195, %lt3A_197 : vector<16xi32>
        %and3A_199 = arith.andi %ge3A_196, %lt3A_198 : vector<16xi1>
        %mul3A_200 = arith.constant 4096 : i32
        %mul3A_201 = arith.muli %scan3A_177, %mul3A_200 : i32
        %mul3A_202 = arith.constant 64 : i32
        %mul3A_203 = arith.muli %scan3A_188, %mul3A_202 : i32
        %add3A_204 = arith.addi %mul3A_201, %mul3A_203 : i32
        %add3A_205 = arith.constant 0 : i32
        %add3A_206 = arith.addi %add3A_204, %add3A_205 : i32
        %add3A_207 = vector.broadcast %add3A_206 : i32 to vector<16xi32>
        %add3A_208 = arith.addi %add3A_207, %iota3A : vector<16xi32>
        %sub3A_209 = vector.broadcast %multiple_of3A : i32 to vector<16xi32>
        %sub3A_210 = arith.subi %get3A_195, %sub3A_209 : vector<16xi32>
        %shift_left3A = arith.constant 15 : i32
        %shift_left3A_211 = vector.broadcast %shift_left3A : i32 to vector<16xi32>
        %shift_left3A_212 = arith.shli %add3A_208, %shift_left3A_211 : vector<16xi32>
        %or3A = arith.ori %sub3A_210, %shift_left3A_212 : vector<16xi32>
        %all_reduce_population_count3A = tpu.all_reduce %and3A_199 {dim = 0 : i64, kind = #tpu.reduction_kind<sum>} : vector<16xi1> -> vector<16xi32>
        %reduce_max3A = arith.constant true
        %reduce_max3A_213 = vector.broadcast %reduce_max3A : i1 to vector<16xi1>
        %reduce_max3A_214 = arith.constant -2147483648 : i32
        %reduce_max3A_215 = vector.broadcast %reduce_max3A_214 : i32 to vector<16xi32>
        %reduce_max3A_216 = arith.xori %all_reduce_population_count3A, %reduce_max3A_215 : vector<16xi32>
        %reduce_max3A_217 = tpu.scan <max>, %reduce_max3A_216 masked %reduce_max3A_213 : vector<16xi32>, vector<16xi1> -> vector<16xi32>
        %reduce_max3A_218 = arith.xori %reduce_max3A_217, %reduce_max3A_215 : vector<16xi32>
        %reduce_max3A_219 = vector.extract %reduce_max3A_218[15] : i32 from vector<16xi32>
        %mul3A_220 = arith.constant 64 : i32
        %mul3A_221 = arith.muli %scan3A_188, %mul3A_220 : i32
        %add3A_222 = arith.constant 16 : i32
        %add3A_223 = arith.addi %mul3A_221, %add3A_222 : i32
        %multiple_of3A_224 = tpu.assume_multiple %add3A_223, 8 : i32
        %get3A_225 = arith.index_cast %multiple_of3A_224 : i32 to index
        %get3A_226 = tpu.vector_load %arg5[%get3A_225] {strides = array<i32>} : memref<4096xi32, #tpu.memory_space<vmem>>, vector<16xi32>,
        %ge3A_227 = vector.broadcast %multiple_of3A : i32 to vector<16xi32>
        %ge3A_228 = arith.cmpi sge, %get3A_226, %ge3A_227 : vector<16xi32>
        %lt3A_229 = vector.broadcast %add3A_16 : i32 to vector<16xi32>
        %lt3A_230 = arith.cmpi slt, %get3A_226, %lt3A_229 : vector<16xi32>
        %and3A_231 = arith.andi %ge3A_228, %lt3A_230 : vector<16xi1>
        %mul3A_232 = arith.constant 4096 : i32
        %mul3A_233 = arith.muli %scan3A_177, %mul3A_232 : i32
        %mul3A_234 = arith.constant 64 : i32
        %mul3A_235 = arith.muli %scan3A_188, %mul3A_234 : i32
        %add3A_236 = arith.addi %mul3A_233, %mul3A_235 : i32
        %add3A_237 = arith.constant 16 : i32
        %add3A_238 = arith.addi %add3A_236, %add3A_237 : i32
        %add3A_239 = vector.broadcast %add3A_238 : i32 to vector<16xi32>
        %add3A_240 = arith.addi %add3A_239, %iota3A : vector<16xi32>
        %sub3A_241 = vector.broadcast %multiple_of3A : i32 to vector<16xi32>
        %sub3A_242 = arith.subi %get3A_226, %sub3A_241 : vector<16xi32>
        %shift_left3A_243 = arith.constant 15 : i32
        %shift_left3A_244 = vector.broadcast %shift_left3A_243 : i32 to vector<16xi32>
        %shift_left3A_245 = arith.shli %add3A_240, %shift_left3A_244 : vector<16xi32>
        %or3A_246 = arith.ori %sub3A_242, %shift_left3A_245 : vector<16xi32>
        %all_reduce_population_count3A_247 = tpu.all_reduce %and3A_231 {dim = 0 : i64, kind = #tpu.reduction_kind<sum>} : vector<16xi1> -> vector<16xi32>
        %reduce_max3A_248 = arith.constant true
        %reduce_max3A_249 = vector.broadcast %reduce_max3A_248 : i1 to vector<16xi1>
        %reduce_max3A_250 = arith.constant -2147483648 : i32
        %reduce_max3A_251 = vector.broadcast %reduce_max3A_250 : i32 to vector<16xi32>
        %reduce_max3A_252 = arith.xori %all_reduce_population_count3A_247, %reduce_max3A_251 : vector<16xi32>
        %reduce_max3A_253 = tpu.scan <max>, %reduce_max3A_252 masked %reduce_max3A_249 : vector<16xi32>, vector<16xi1> -> vector<16xi32>
        %reduce_max3A_254 = arith.xori %reduce_max3A_253, %reduce_max3A_251 : vector<16xi32>
        %reduce_max3A_255 = vector.extract %reduce_max3A_254[15] : i32 from vector<16xi32>
        %mul3A_256 = arith.constant 64 : i32
        %mul3A_257 = arith.muli %scan3A_188, %mul3A_256 : i32
        %add3A_258 = arith.constant 32 : i32
        %add3A_259 = arith.addi %mul3A_257, %add3A_258 : i32
        %multiple_of3A_260 = tpu.assume_multiple %add3A_259, 8 : i32
        %get3A_261 = arith.index_cast %multiple_of3A_260 : i32 to index
        %get3A_262 = tpu.vector_load %arg5[%get3A_261] {strides = array<i32>} : memref<4096xi32, #tpu.memory_space<vmem>>, vector<16xi32>,
        %ge3A_263 = vector.broadcast %multiple_of3A : i32 to vector<16xi32>
        %ge3A_264 = arith.cmpi sge, %get3A_262, %ge3A_263 : vector<16xi32>
        %lt3A_265 = vector.broadcast %add3A_16 : i32 to vector<16xi32>
        %lt3A_266 = arith.cmpi slt, %get3A_262, %lt3A_265 : vector<16xi32>
        %and3A_267 = arith.andi %ge3A_264, %lt3A_266 : vector<16xi1>
        %mul3A_268 = arith.constant 4096 : i32
        %mul3A_269 = arith.muli %scan3A_177, %mul3A_268 : i32
        %mul3A_270 = arith.constant 64 : i32
        %mul3A_271 = arith.muli %scan3A_188, %mul3A_270 : i32
        %add3A_272 = arith.addi %mul3A_269, %mul3A_271 : i32
        %add3A_273 = arith.constant 32 : i32
        %add3A_274 = arith.addi %add3A_272, %add3A_273 : i32
        %add3A_275 = vector.broadcast %add3A_274 : i32 to vector<16xi32>
        %add3A_276 = arith.addi %add3A_275, %iota3A : vector<16xi32>
        %sub3A_277 = vector.broadcast %multiple_of3A : i32 to vector<16xi32>
        %sub3A_278 = arith.subi %get3A_262, %sub3A_277 : vector<16xi32>
        %shift_left3A_279 = arith.constant 15 : i32
        %shift_left3A_280 = vector.broadcast %shift_left3A_279 : i32 to vector<16xi32>
        %shift_left3A_281 = arith.shli %add3A_276, %shift_left3A_280 : vector<16xi32>
        %or3A_282 = arith.ori %sub3A_278, %shift_left3A_281 : vector<16xi32>
        %all_reduce_population_count3A_283 = tpu.all_reduce %and3A_267 {dim = 0 : i64, kind = #tpu.reduction_kind<sum>} : vector<16xi1> -> vector<16xi32>
        %reduce_max3A_284 = arith.constant true
        %reduce_max3A_285 = vector.broadcast %reduce_max3A_284 : i1 to vector<16xi1>
        %reduce_max3A_286 = arith.constant -2147483648 : i32
        %reduce_max3A_287 = vector.broadcast %reduce_max3A_286 : i32 to vector<16xi32>
        %reduce_max3A_288 = arith.xori %all_reduce_population_count3A_283, %reduce_max3A_287 : vector<16xi32>
        %reduce_max3A_289 = tpu.scan <max>, %reduce_max3A_288 masked %reduce_max3A_285 : vector<16xi32>, vector<16xi1> -> vector<16xi32>
        %reduce_max3A_290 = arith.xori %reduce_max3A_289, %reduce_max3A_287 : vector<16xi32>
        %reduce_max3A_291 = vector.extract %reduce_max3A_290[15] : i32 from vector<16xi32>
        %mul3A_292 = arith.constant 64 : i32
        %mul3A_293 = arith.muli %scan3A_188, %mul3A_292 : i32
        %add3A_294 = arith.constant 48 : i32
        %add3A_295 = arith.addi %mul3A_293, %add3A_294 : i32
        %multiple_of3A_296 = tpu.assume_multiple %add3A_295, 8 : i32
        %get3A_297 = arith.index_cast %multiple_of3A_296 : i32 to index
        %get3A_298 = tpu.vector_load %arg5[%get3A_297] {strides = array<i32>} : memref<4096xi32, #tpu.memory_space<vmem>>, vector<16xi32>,
        %ge3A_299 = vector.broadcast %multiple_of3A : i32 to vector<16xi32>
        %ge3A_300 = arith.cmpi sge, %get3A_298, %ge3A_299 : vector<16xi32>
        %lt3A_301 = vector.broadcast %add3A_16 : i32 to vector<16xi32>
        %lt3A_302 = arith.cmpi slt, %get3A_298, %lt3A_301 : vector<16xi32>
        %and3A_303 = arith.andi %ge3A_300, %lt3A_302 : vector<16xi1>
        %mul3A_304 = arith.constant 4096 : i32
        %mul3A_305 = arith.muli %scan3A_177, %mul3A_304 : i32
        %mul3A_306 = arith.constant 64 : i32
        %mul3A_307 = arith.muli %scan3A_188, %mul3A_306 : i32
        %add3A_308 = arith.addi %mul3A_305, %mul3A_307 : i32
        %add3A_309 = arith.constant 48 : i32
        %add3A_310 = arith.addi %add3A_308, %add3A_309 : i32
        %add3A_311 = vector.broadcast %add3A_310 : i32 to vector<16xi32>
        %add3A_312 = arith.addi %add3A_311, %iota3A : vector<16xi32>
        %sub3A_313 = vector.broadcast %multiple_of3A : i32 to vector<16xi32>
        %sub3A_314 = arith.subi %get3A_298, %sub3A_313 : vector<16xi32>
        %shift_left3A_315 = arith.constant 15 : i32
        %shift_left3A_316 = vector.broadcast %shift_left3A_315 : i32 to vector<16xi32>
        %shift_left3A_317 = arith.shli %add3A_312, %shift_left3A_316 : vector<16xi32>
        %or3A_318 = arith.ori %sub3A_314, %shift_left3A_317 : vector<16xi32>
        %all_reduce_population_count3A_319 = tpu.all_reduce %and3A_303 {dim = 0 : i64, kind = #tpu.reduction_kind<sum>} : vector<16xi1> -> vector<16xi32>
        %reduce_max3A_320 = arith.constant true
        %reduce_max3A_321 = vector.broadcast %reduce_max3A_320 : i1 to vector<16xi1>
        %reduce_max3A_322 = arith.constant -2147483648 : i32
        %reduce_max3A_323 = vector.broadcast %reduce_max3A_322 : i32 to vector<16xi32>
        %reduce_max3A_324 = arith.xori %all_reduce_population_count3A_319, %reduce_max3A_323 : vector<16xi32>
        %reduce_max3A_325 = tpu.scan <max>, %reduce_max3A_324 masked %reduce_max3A_321 : vector<16xi32>, vector<16xi1> -> vector<16xi32>
        %reduce_max3A_326 = arith.xori %reduce_max3A_325, %reduce_max3A_323 : vector<16xi32>
        %reduce_max3A_327 = vector.extract %reduce_max3A_326[15] : i32 from vector<16xi32>
        %swap3A_328 = arith.index_cast %scan3A_189 : i32 to index
        %swap3A_329 = tpu.vector_load %arg6[%swap3A_328] masked %and3A_199 {strides = array<i32>} : memref<16448xi32, #tpu.memory_space<vmem>>, vector<16xi32>, vector<16xi1>
        tpu.vector_store %arg6[%swap3A_328], %or3A masked %and3A_199 {strides = array<i32>} : memref<16448xi32, #tpu.memory_space<vmem>>, vector<16xi32>, vector<16xi1>
        %add3A_330 = arith.addi %scan3A_189, %reduce_max3A_219 : i32
        %swap3A_331 = arith.index_cast %add3A_330 : i32 to index
        %swap3A_332 = tpu.vector_load %arg6[%swap3A_331] masked %and3A_231 {strides = array<i32>} : memref<16448xi32, #tpu.memory_space<vmem>>, vector<16xi32>, vector<16xi1>
        tpu.vector_store %arg6[%swap3A_331], %or3A_246 masked %and3A_231 {strides = array<i32>} : memref<16448xi32, #tpu.memory_space<vmem>>, vector<16xi32>, vector<16xi1>
        %add3A_333 = arith.addi %add3A_330, %reduce_max3A_255 : i32
        %swap3A_334 = arith.index_cast %add3A_333 : i32 to index
        %swap3A_335 = tpu.vector_load %arg6[%swap3A_334] masked %and3A_267 {strides = array<i32>} : memref<16448xi32, #tpu.memory_space<vmem>>, vector<16xi32>, vector<16xi1>
        tpu.vector_store %arg6[%swap3A_334], %or3A_282 masked %and3A_267 {strides = array<i32>} : memref<16448xi32, #tpu.memory_space<vmem>>, vector<16xi32>, vector<16xi1>
        %add3A_336 = arith.addi %add3A_333, %reduce_max3A_291 : i32
        %swap3A_337 = arith.index_cast %add3A_336 : i32 to index
        %swap3A_338 = tpu.vector_load %arg6[%swap3A_337] masked %and3A_303 {strides = array<i32>} : memref<16448xi32, #tpu.memory_space<vmem>>, vector<16xi32>, vector<16xi1>
        tpu.vector_store %arg6[%swap3A_337], %or3A_318 masked %and3A_303 {strides = array<i32>} : memref<16448xi32, #tpu.memory_space<vmem>>, vector<16xi32>, vector<16xi1>
        %add3A_339 = arith.addi %add3A_336, %reduce_max3A_327 : i32
        scf.yield %add3A_339 : i32
      }
      %scan3A_187 = arith.constant 64 : i32
      scf.yield %scan3A_186 : i32
    }
    %scan3A_84 = arith.constant 4 : i32
    %broadcast_in_dim3A = arith.constant 0 : i32
    %broadcast_in_dim3A_85 = vector.broadcast %broadcast_in_dim3A : i32 to vector<16xi32>
    %add3A_86 = arith.constant 32767 : i32
    %add3A_87 = vector.broadcast %add3A_86 : i32 to vector<16xi32>
    %add3A_88 = arith.addi %broadcast_in_dim3A_85, %add3A_87 : vector<16xi32>
    %add3A_89 = arith.constant 0 : i32
    %add3A_90 = arith.addi %scan3A_83, %add3A_89 : i32
    %swap3A = arith.index_cast %add3A_90 : i32 to index
    %swap3A_91 = tpu.vector_load %arg6[%swap3A] {strides = array<i32>} : memref<16448xi32, #tpu.memory_space<vmem>>, vector<16xi32>,
    tpu.vector_store %arg6[%swap3A], %add3A_88 {strides = array<i32>} : memref<16448xi32, #tpu.memory_space<vmem>>, vector<16xi32>,
    %broadcast_in_dim3A_92 = arith.constant 0 : i32
    %broadcast_in_dim3A_93 = vector.broadcast %broadcast_in_dim3A_92 : i32 to vector<16xi32>
    %add3A_94 = arith.constant 32767 : i32
    %add3A_95 = vector.broadcast %add3A_94 : i32 to vector<16xi32>
    %add3A_96 = arith.addi %broadcast_in_dim3A_93, %add3A_95 : vector<16xi32>
    %add3A_97 = arith.constant 16 : i32
    %add3A_98 = arith.addi %scan3A_83, %add3A_97 : i32
    %swap3A_99 = arith.index_cast %add3A_98 : i32 to index
    %swap3A_100 = tpu.vector_load %arg6[%swap3A_99] {strides = array<i32>} : memref<16448xi32, #tpu.memory_space<vmem>>, vector<16xi32>,
    tpu.vector_store %arg6[%swap3A_99], %add3A_96 {strides = array<i32>} : memref<16448xi32, #tpu.memory_space<vmem>>, vector<16xi32>,
    %broadcast_in_dim3A_101 = arith.constant 0 : i32
    %broadcast_in_dim3A_102 = vector.broadcast %broadcast_in_dim3A_101 : i32 to vector<16xi32>
    %add3A_103 = arith.constant 32767 : i32
    %add3A_104 = vector.broadcast %add3A_103 : i32 to vector<16xi32>
    %add3A_105 = arith.addi %broadcast_in_dim3A_102, %add3A_104 : vector<16xi32>
    %add3A_106 = arith.constant 32 : i32
    %add3A_107 = arith.addi %scan3A_83, %add3A_106 : i32
    %swap3A_108 = arith.index_cast %add3A_107 : i32 to index
    %swap3A_109 = tpu.vector_load %arg6[%swap3A_108] {strides = array<i32>} : memref<16448xi32, #tpu.memory_space<vmem>>, vector<16xi32>,
    tpu.vector_store %arg6[%swap3A_108], %add3A_105 {strides = array<i32>} : memref<16448xi32, #tpu.memory_space<vmem>>, vector<16xi32>,
    %broadcast_in_dim3A_110 = arith.constant 0 : i32
    %broadcast_in_dim3A_111 = vector.broadcast %broadcast_in_dim3A_110 : i32 to vector<16xi32>
    %add3A_112 = arith.constant 32767 : i32
    %add3A_113 = vector.broadcast %add3A_112 : i32 to vector<16xi32>
    %add3A_114 = arith.addi %broadcast_in_dim3A_111, %add3A_113 : vector<16xi32>
    %add3A_115 = arith.constant 48 : i32
    %add3A_116 = arith.addi %scan3A_83, %add3A_115 : i32
    %swap3A_117 = arith.index_cast %add3A_116 : i32 to index
    %swap3A_118 = tpu.vector_load %arg6[%swap3A_117] {strides = array<i32>} : memref<16448xi32, #tpu.memory_space<vmem>>, vector<16xi32>,
    tpu.vector_store %arg6[%swap3A_117], %add3A_114 {strides = array<i32>} : memref<16448xi32, #tpu.memory_space<vmem>>, vector<16xi32>,
    %add3A_119 = arith.constant 63 : i32
    %add3A_120 = arith.addi %scan3A_83, %add3A_119 : i32
    %jit3A_121 = arith.constant 64 : i32
    %div3A = arith.divsi %add3A_120, %jit3A_121 : i32
    %sign3A = arith.constant 0 : i32
    %sign3A_122 = arith.cmpi sgt, %add3A_120, %sign3A : i32
    %sign3A_123 = arith.extui %sign3A_122 : i1 to i32
    %sign3A_124 = arith.constant 0 : i32
    %sign3A_125 = arith.cmpi slt, %add3A_120, %sign3A_124 : i32
    %sign3A_126 = arith.extui %sign3A_125 : i1 to i32
    %sign3A_127 = arith.subi %sign3A_123, %sign3A_126 : i32
    %sign3A_128 = arith.constant 0 : i32
    %sign3A_129 = arith.cmpi sgt, %jit3A_121, %sign3A_128 : i32
    %sign3A_130 = arith.extui %sign3A_129 : i1 to i32
    %sign3A_131 = arith.constant 0 : i32
    %sign3A_132 = arith.cmpi slt, %jit3A_121, %sign3A_131 : i32
    %sign3A_133 = arith.extui %sign3A_132 : i1 to i32
    %sign3A_134 = arith.subi %sign3A_130, %sign3A_133 : i32
    %ne3A_135 = arith.cmpi ne, %sign3A_127, %sign3A_134 : i32
    %rem3A_136 = arith.remsi %add3A_120, %jit3A_121 : i32
    %ne3A_137 = arith.constant 0 : i32
    %ne3A_138 = arith.cmpi ne, %rem3A_136, %ne3A_137 : i32
    %and3A_139 = arith.andi %ne3A_135, %ne3A_138 : i1
    %sub3A = arith.constant 1 : i32
    %sub3A_140 = arith.subi %div3A, %sub3A : i32
    %select_n3A_141 = arith.select %and3A_139, %sub3A_140, %div3A : i32
    %scan3A_142 = arith.constant 0 : i32
    %scan3A_143 = arith.constant 0 : i32
    %scan3A_144 = arith.constant 61 : i32
    %scan3A_145 = arith.addi %scan3A_143, %scan3A_144 : i32
    %scan3A_146 = arith.constant 1 : i32
    %scan3A_147 = scf.for %scan3A_177 = %scan3A_143 to %scan3A_145 step %scan3A_146 iter_args(%scan3A_178 = %scan3A_142) -> (i32)  : i32 {
      %jit3A_179 = arith.constant 2 : i32
      %eq3A_180 = arith.constant 0 : i32
      %eq3A_181 = arith.cmpi eq, %jit3A_179, %eq3A_180 : i32
      %jit3A_182 = arith.constant 1 : i32
      %select_n3A_183 = arith.select %eq3A_181, %jit3A_182, %jit3A_179 : i32
      %rem3A_184 = arith.remsi %scan3A_177, %select_n3A_183 : i32
      %ne3A_185 = arith.constant 0 : i32
      %ne3A_186 = arith.cmpi ne, %rem3A_184, %ne3A_185 : i32
      %lt3A_187 = arith.constant 0 : i32
      %lt3A_188 = arith.cmpi slt, %rem3A_184, %lt3A_187 : i32
      %lt3A_189 = arith.constant 0 : i32
      %lt3A_190 = arith.cmpi slt, %select_n3A_183, %lt3A_189 : i32
      %ne3A_191 = arith.xori %lt3A_188, %lt3A_190 : i1
      %and3A_192 = arith.andi %ne3A_191, %ne3A_186 : i1
      %add3A_193 = arith.addi %rem3A_184, %select_n3A_183 : i32
      %select_n3A_194 = arith.select %and3A_192, %add3A_193, %rem3A_184 : i32
      %mul3A_195 = arith.constant 64 : i32
      %mul3A_196 = arith.muli %select_n3A_194, %mul3A_195 : i32
      %multiple_of3A_197 = tpu.assume_multiple %mul3A_196, 64 : i32
      %dma_wait3A = arith.constant 0 : i32
      %dma_wait3A_198 = tpu.memref_slice %arg7[%multiple_of3A_197, %dma_wait3A] : memref<128x512xf32, #tpu.memory_space<vmem>> -> memref<64x512xf32, #tpu.memory_space<vmem>>
      %dma_wait3A_199 = arith.constant 0 : i32
      %dma_wait3A_200 = arith.constant 0 : i32
      %dma_wait3A_201 = tpu.memref_slice %arg3[%dma_wait3A_199, %dma_wait3A_200] : memref<64x1000000xf32, #tpu.memory_space<hbm>> -> memref<64x512xf32, #tpu.memory_space<hbm>>
      %dma_wait3A_202 = arith.constant 0 : i32
      %dma_wait3A_203 = tpu.memref_slice %arg7[%multiple_of3A_197, %dma_wait3A_202] : memref<128x512xf32, #tpu.memory_space<vmem>> -> memref<64x512xf32, #tpu.memory_space<vmem>>
      %dma_wait3A_204 = arith.constant 0 : i32
      %dma_wait3A_205 = arith.constant 0 : i32
      %dma_wait3A_206 = tpu.memref_slice %arg3[%dma_wait3A_204, %dma_wait3A_205] : memref<64x1000000xf32, #tpu.memory_space<hbm>> -> memref<64x512xf32, #tpu.memory_space<hbm>>
      tpu.wait_dma2 semaphore(%arg11 : memref<!tpu.dma_semaphore, #tpu.memory_space<semaphore_mem>>) src(%dma_wait3A_206 : memref<64x512xf32, #tpu.memory_space<hbm>>) dst(%dma_wait3A_203 : memref<64x512xf32, #tpu.memory_space<vmem>>)
      %mul3A_207 = arith.constant 512 : i32
      %mul3A_208 = arith.muli %scan3A_177, %mul3A_207 : i32
      %mul3A_209 = arith.constant 512 : i32
      %mul3A_210 = arith.muli %scan3A_177, %mul3A_209 : i32
      %add3A_211 = arith.constant 512 : i32
      %add3A_212 = arith.addi %mul3A_210, %add3A_211 : i32
      %while3A_213 = arith.constant 0 : i32
      %while3A_214 = arith.subi %select_n3A_141, %while3A_213 : i32
      %while3A_215 = arith.addi %while3A_213, %while3A_214 : i32
      %while3A_216 = arith.constant 1 : i32
      %while3A_217 = arith.divsi %while3A_214, %while3A_216 : i32
      %while3A_218 = arith.muli %while3A_217, %while3A_216 : i32
      %while3A_219 = arith.addi %while3A_213, %while3A_218 : i32
      %while3A_220 = arith.constant 1 : i32
      %while3A_221 = scf.for %while3A_231 = %while3A_213 to %while3A_219 step %while3A_220 iter_args(%while3A_232 = %scan3A_178) -> (i32)  : i32 {
        %mul3A_233 = arith.constant 64 : i32
        %mul3A_234 = arith.muli %while3A_231, %mul3A_233 : i32
        %add3A_235 = arith.constant 0 : i32
        %add3A_236 = arith.addi %mul3A_234, %add3A_235 : i32
        %multiple_of3A_237 = tpu.assume_multiple %add3A_236, 8 : i32
        %get3A = arith.index_cast %multiple_of3A_237 : i32 to index
        %get3A_238 = tpu.vector_load %arg6[%get3A] {strides = array<i32>} : memref<16448xi32, #tpu.memory_space<vmem>>, vector<16xi32>,
        %and3A_239 = arith.constant 32767 : i32
        %and3A_240 = vector.broadcast %and3A_239 : i32 to vector<16xi32>
        %and3A_241 = arith.andi %get3A_238, %and3A_240 : vector<16xi32>
        %shift_right_arithmetic3A = arith.constant 15 : i32
        %shift_right_arithmetic3A_242 = vector.broadcast %shift_right_arithmetic3A : i32 to vector<16xi32>
        %shift_right_arithmetic3A_243 = arith.shrsi %get3A_238, %shift_right_arithmetic3A_242 : vector<16xi32>
        %ge3A = vector.broadcast %mul3A_208 : i32 to vector<16xi32>
        %ge3A_244 = arith.cmpi sge, %and3A_241, %ge3A : vector<16xi32>
        %lt3A_245 = vector.broadcast %add3A_212 : i32 to vector<16xi32>
        %lt3A_246 = arith.cmpi slt, %and3A_241, %lt3A_245 : vector<16xi32>
        %and3A_247 = arith.andi %ge3A_244, %lt3A_246 : vector<16xi1>
        %mul3A_248 = arith.constant 64 : i32
        %mul3A_249 = arith.muli %while3A_231, %mul3A_248 : i32
        %add3A_250 = arith.constant 16 : i32
        %add3A_251 = arith.addi %mul3A_249, %add3A_250 : i32
        %multiple_of3A_252 = tpu.assume_multiple %add3A_251, 8 : i32
        %get3A_253 = arith.index_cast %multiple_of3A_252 : i32 to index
        %get3A_254 = tpu.vector_load %arg6[%get3A_253] {strides = array<i32>} : memref<16448xi32, #tpu.memory_space<vmem>>, vector<16xi32>,
        %and3A_255 = arith.constant 32767 : i32
        %and3A_256 = vector.broadcast %and3A_255 : i32 to vector<16xi32>
        %and3A_257 = arith.andi %get3A_254, %and3A_256 : vector<16xi32>
        %shift_right_arithmetic3A_258 = arith.constant 15 : i32
        %shift_right_arithmetic3A_259 = vector.broadcast %shift_right_arithmetic3A_258 : i32 to vector<16xi32>
        %shift_right_arithmetic3A_260 = arith.shrsi %get3A_254, %shift_right_arithmetic3A_259 : vector<16xi32>
        %ge3A_261 = vector.broadcast %mul3A_208 : i32 to vector<16xi32>
        %ge3A_262 = arith.cmpi sge, %and3A_257, %ge3A_261 : vector<16xi32>
        %lt3A_263 = vector.broadcast %add3A_212 : i32 to vector<16xi32>
        %lt3A_264 = arith.cmpi slt, %and3A_257, %lt3A_263 : vector<16xi32>
        %and3A_265 = arith.andi %ge3A_262, %lt3A_264 : vector<16xi1>
        %mul3A_266 = arith.constant 64 : i32
        %mul3A_267 = arith.muli %while3A_231, %mul3A_266 : i32
        %add3A_268 = arith.constant 32 : i32
        %add3A_269 = arith.addi %mul3A_267, %add3A_268 : i32
        %multiple_of3A_270 = tpu.assume_multiple %add3A_269, 8 : i32
        %get3A_271 = arith.index_cast %multiple_of3A_270 : i32 to index
        %get3A_272 = tpu.vector_load %arg6[%get3A_271] {strides = array<i32>} : memref<16448xi32, #tpu.memory_space<vmem>>, vector<16xi32>,
        %and3A_273 = arith.constant 32767 : i32
        %and3A_274 = vector.broadcast %and3A_273 : i32 to vector<16xi32>
        %and3A_275 = arith.andi %get3A_272, %and3A_274 : vector<16xi32>
        %shift_right_arithmetic3A_276 = arith.constant 15 : i32
        %shift_right_arithmetic3A_277 = vector.broadcast %shift_right_arithmetic3A_276 : i32 to vector<16xi32>
        %shift_right_arithmetic3A_278 = arith.shrsi %get3A_272, %shift_right_arithmetic3A_277 : vector<16xi32>
        %ge3A_279 = vector.broadcast %mul3A_208 : i32 to vector<16xi32>
        %ge3A_280 = arith.cmpi sge, %and3A_275, %ge3A_279 : vector<16xi32>
        %lt3A_281 = vector.broadcast %add3A_212 : i32 to vector<16xi32>
        %lt3A_282 = arith.cmpi slt, %and3A_275, %lt3A_281 : vector<16xi32>
        %and3A_283 = arith.andi %ge3A_280, %lt3A_282 : vector<16xi1>
        %mul3A_284 = arith.constant 64 : i32
        %mul3A_285 = arith.muli %while3A_231, %mul3A_284 : i32
        %add3A_286 = arith.constant 48 : i32
        %add3A_287 = arith.addi %mul3A_285, %add3A_286 : i32
        %multiple_of3A_288 = tpu.assume_multiple %add3A_287, 8 : i32
        %get3A_289 = arith.index_cast %multiple_of3A_288 : i32 to index
        %get3A_290 = tpu.vector_load %arg6[%get3A_289] {strides = array<i32>} : memref<16448xi32, #tpu.memory_space<vmem>>, vector<16xi32>,
        %and3A_291 = arith.constant 32767 : i32
        %and3A_292 = vector.broadcast %and3A_291 : i32 to vector<16xi32>
        %and3A_293 = arith.andi %get3A_290, %and3A_292 : vector<16xi32>
        %shift_right_arithmetic3A_294 = arith.constant 15 : i32
        %shift_right_arithmetic3A_295 = vector.broadcast %shift_right_arithmetic3A_294 : i32 to vector<16xi32>
        %shift_right_arithmetic3A_296 = arith.shrsi %get3A_290, %shift_right_arithmetic3A_295 : vector<16xi32>
        %ge3A_297 = vector.broadcast %mul3A_208 : i32 to vector<16xi32>
        %ge3A_298 = arith.cmpi sge, %and3A_293, %ge3A_297 : vector<16xi32>
        %lt3A_299 = vector.broadcast %add3A_212 : i32 to vector<16xi32>
        %lt3A_300 = arith.cmpi slt, %and3A_293, %lt3A_299 : vector<16xi32>
        %and3A_301 = arith.andi %ge3A_298, %lt3A_300 : vector<16xi1>
        %or3A = arith.ori %and3A_247, %and3A_265 : vector<16xi1>
        %or3A_302 = arith.ori %and3A_283, %and3A_301 : vector<16xi1>
        %or3A_303 = arith.ori %or3A, %or3A_302 : vector<16xi1>
        %all_reduce_population_count3A = tpu.all_reduce %or3A_303 {dim = 0 : i64, kind = #tpu.reduction_kind<sum>} : vector<16xi1> -> vector<16xi32>
        %reduce_max3A = arith.constant true
        %reduce_max3A_304 = vector.broadcast %reduce_max3A : i1 to vector<16xi1>
        %reduce_max3A_305 = arith.constant -2147483648 : i32
        %reduce_max3A_306 = vector.broadcast %reduce_max3A_305 : i32 to vector<16xi32>
        %reduce_max3A_307 = arith.xori %all_reduce_population_count3A, %reduce_max3A_306 : vector<16xi32>
        %reduce_max3A_308 = tpu.scan <max>, %reduce_max3A_307 masked %reduce_max3A_304 : vector<16xi32>, vector<16xi1> -> vector<16xi32>
        %reduce_max3A_309 = arith.xori %reduce_max3A_308, %reduce_max3A_306 : vector<16xi32>
        %reduce_max3A_310 = vector.extract %reduce_max3A_309[15] : i32 from vector<16xi32>
        %gt3A = arith.constant 0 : i32
        %gt3A_311 = arith.cmpi sgt, %reduce_max3A_310, %gt3A : i32
        %convert_element_type3A_312 = arith.extui %gt3A_311 : i1 to i32
        %cond3A_313 = arith.constant 0 : i32
        %cond3A_314 = arith.cmpi ne, %convert_element_type3A_312, %cond3A_313 : i32
        %cond3A_315 = scf.if %cond3A_314 -> (i32) {
          %while3A_316:2 = scf.while (%while3A_320 = %and3A_247, %while3A_321 = %while3A_232) : (vector<16xi1>, i32) -> (vector<16xi1>, i32) {
            %all_reduce_population_count3A_322 = tpu.all_reduce %while3A_320 {dim = 0 : i64, kind = #tpu.reduction_kind<sum>} : vector<16xi1> -> vector<16xi32>
            %reduce_max3A_323 = arith.constant true
            %reduce_max3A_324 = vector.broadcast %reduce_max3A_323 : i1 to vector<16xi1>
            %reduce_max3A_325 = arith.constant -2147483648 : i32
            %reduce_max3A_326 = vector.broadcast %reduce_max3A_325 : i32 to vector<16xi32>
            %reduce_max3A_327 = arith.xori %all_reduce_population_count3A_322, %reduce_max3A_326 : vector<16xi32>
            %reduce_max3A_328 = tpu.scan <max>, %reduce_max3A_327 masked %reduce_max3A_324 : vector<16xi32>, vector<16xi1> -> vector<16xi32>
            %reduce_max3A_329 = arith.xori %reduce_max3A_328, %reduce_max3A_326 : vector<16xi32>
            %reduce_max3A_330 = vector.extract %reduce_max3A_329[15] : i32 from vector<16xi32>
            %gt3A_331 = arith.constant 0 : i32
            %gt3A_332 = arith.cmpi sgt, %reduce_max3A_330, %gt3A_331 : i32
            scf.condition(%gt3A_332) %while3A_320, %while3A_321 : vector<16xi1>, i32
          } do {
          ^bb0(%while3A_320: vector<16xi1>, %while3A_321: i32):
            %all_reduce_ffs3A = tpu.all_reduce %while3A_320 {dim = 0 : i64, kind = #tpu.reduction_kind<find_first_set>} : vector<16xi1> -> vector<16xi32>
            %reduce_max3A_322 = arith.constant true
            %reduce_max3A_323 = vector.broadcast %reduce_max3A_322 : i1 to vector<16xi1>
            %reduce_max3A_324 = arith.constant -2147483648 : i32
            %reduce_max3A_325 = vector.broadcast %reduce_max3A_324 : i32 to vector<16xi32>
            %reduce_max3A_326 = arith.xori %all_reduce_ffs3A, %reduce_max3A_325 : vector<16xi32>
            %reduce_max3A_327 = tpu.scan <max>, %reduce_max3A_326 masked %reduce_max3A_323 : vector<16xi32>, vector<16xi1> -> vector<16xi32>
            %reduce_max3A_328 = arith.xori %reduce_max3A_327, %reduce_max3A_325 : vector<16xi32>
            %reduce_max3A_329 = vector.extract %reduce_max3A_328[15] : i32 from vector<16xi32>
            %eq3A_330 = vector.broadcast %reduce_max3A_329 : i32 to vector<16xi32>
            %eq3A_331 = arith.cmpi eq, %iota3A, %eq3A_330 : vector<16xi32>
            %jit3A_332 = arith.constant 0 : i32
            %broadcast_in_dim3A_333 = vector.broadcast %jit3A_332 : i32 to vector<16xi32>
            %select_n3A_334 = arith.select %eq3A_331, %and3A_241, %broadcast_in_dim3A_333 : vector<16xi1>, vector<16xi32>
            %reduce_max3A_335 = arith.constant true
            %reduce_max3A_336 = vector.broadcast %reduce_max3A_335 : i1 to vector<16xi1>
            %reduce_max3A_337 = arith.constant -2147483648 : i32
            %reduce_max3A_338 = vector.broadcast %reduce_max3A_337 : i32 to vector<16xi32>
            %reduce_max3A_339 = arith.xori %select_n3A_334, %reduce_max3A_338 : vector<16xi32>
            %reduce_max3A_340 = tpu.scan <max>, %reduce_max3A_339 masked %reduce_max3A_336 : vector<16xi32>, vector<16xi1> -> vector<16xi32>
            %reduce_max3A_341 = arith.xori %reduce_max3A_340, %reduce_max3A_338 : vector<16xi32>
            %reduce_max3A_342 = vector.extract %reduce_max3A_341[15] : i32 from vector<16xi32>
            %jit3A_343 = arith.constant 0 : i32
            %broadcast_in_dim3A_344 = vector.broadcast %jit3A_343 : i32 to vector<16xi32>
            %select_n3A_345 = arith.select %eq3A_331, %shift_right_arithmetic3A_243, %broadcast_in_dim3A_344 : vector<16xi1>, vector<16xi32>
            %reduce_max3A_346 = arith.constant true
            %reduce_max3A_347 = vector.broadcast %reduce_max3A_346 : i1 to vector<16xi1>
            %reduce_max3A_348 = arith.constant -2147483648 : i32
            %reduce_max3A_349 = vector.broadcast %reduce_max3A_348 : i32 to vector<16xi32>
            %reduce_max3A_350 = arith.xori %select_n3A_345, %reduce_max3A_349 : vector<16xi32>
            %reduce_max3A_351 = tpu.scan <max>, %reduce_max3A_350 masked %reduce_max3A_347 : vector<16xi32>, vector<16xi1> -> vector<16xi32>
            %reduce_max3A_352 = arith.xori %reduce_max3A_351, %reduce_max3A_349 : vector<16xi32>
            %reduce_max3A_353 = vector.extract %reduce_max3A_352[15] : i32 from vector<16xi32>
            %broadcast_in_dim3A_354 = arith.constant 0 : i32
            %broadcast_in_dim3A_355 = vector.broadcast %broadcast_in_dim3A_354 : i32 to vector<16xi32>
            %sub3A_356 = arith.subi %reduce_max3A_342, %mul3A_208 : i32
            %add3A_357 = vector.broadcast %sub3A_356 : i32 to vector<16xi32>
            %add3A_358 = arith.addi %broadcast_in_dim3A_355, %add3A_357 : vector<16xi32>
            %ge3A_359 = arith.constant 8 : i32
            %ge3A_360 = arith.cmpi sge, %while3A_321, %ge3A_359 : i32
            %convert_element_type3A_361 = arith.extui %ge3A_360 : i1 to i32
            %cond3A_362 = arith.constant 0 : i32
            %cond3A_363 = arith.cmpi ne, %convert_element_type3A_361, %cond3A_362 : i32
            scf.if %cond3A_363 {
              %dma_wait3A_434 = arith.constant 0 : i32
              %dma_wait3A_435 = tpu.memref_slice %arg10[%dma_wait3A_434] : memref<512xf32, #tpu.memory_space<vmem>> -> memref<64xf32, #tpu.memory_space<vmem>>
              %dma_wait3A_436 = arith.constant 0 : i32
              %dma_wait3A_437 = tpu.memref_slice %arg4[%dma_wait3A_436] : memref<2097152xf32, #tpu.memory_space<hbm>> -> memref<64xf32, #tpu.memory_space<hbm>>
              %dma_wait3A_438 = arith.constant 0 : i32
              %dma_wait3A_439 = tpu.memref_slice %arg4[%dma_wait3A_438] : memref<2097152xf32, #tpu.memory_space<hbm>> -> memref<64xf32, #tpu.memory_space<hbm>>
              %dma_wait3A_440 = arith.constant 0 : i32
              %dma_wait3A_441 = tpu.memref_slice %arg10[%dma_wait3A_440] : memref<512xf32, #tpu.memory_space<vmem>> -> memref<64xf32, #tpu.memory_space<vmem>>
              tpu.wait_dma2 semaphore(%arg12 : memref<!tpu.dma_semaphore, #tpu.memory_space<semaphore_mem>>) src(%dma_wait3A_441 : memref<64xf32, #tpu.memory_space<vmem>>) dst(%dma_wait3A_439 : memref<64xf32, #tpu.memory_space<hbm>>)
            } else {
            }
            %jit3A_364 = arith.constant 8 : i32
            %eq3A_365 = arith.constant 0 : i32
            %eq3A_366 = arith.cmpi eq, %jit3A_364, %eq3A_365 : i32
            %jit3A_367 = arith.constant 1 : i32
            %select_n3A_368 = arith.select %eq3A_366, %jit3A_367, %jit3A_364 : i32
            %rem3A_369 = arith.remsi %while3A_321, %select_n3A_368 : i32
            %ne3A_370 = arith.constant 0 : i32
            %ne3A_371 = arith.cmpi ne, %rem3A_369, %ne3A_370 : i32
            %lt3A_372 = arith.constant 0 : i32
            %lt3A_373 = arith.cmpi slt, %rem3A_369, %lt3A_372 : i32
            %lt3A_374 = arith.constant 0 : i32
            %lt3A_375 = arith.cmpi slt, %select_n3A_368, %lt3A_374 : i32
            %ne3A_376 = arith.xori %lt3A_373, %lt3A_375 : i1
            %and3A_377 = arith.andi %ne3A_376, %ne3A_371 : i1
            %add3A_378 = arith.addi %rem3A_369, %select_n3A_368 : i32
            %select_n3A_379 = arith.select %and3A_377, %add3A_378, %rem3A_369 : i32
            %mul3A_380 = arith.constant 64 : i32
            %mul3A_381 = arith.muli %select_n3A_379, %mul3A_380 : i32
            %multiple_of3A_382 = tpu.assume_multiple %mul3A_381, 64 : i32
            %add3A_383 = arith.constant 0 : i32
            %add3A_384 = vector.broadcast %add3A_383 : i32 to vector<16xi32>
            %add3A_385 = arith.addi %add3A_384, %iota3A : vector<16xi32>
            %add3A_386 = vector.broadcast %multiple_of3A_197 : i32 to vector<16xi32>
            %add3A_387 = arith.addi %add3A_386, %add3A_385 : vector<16xi32>
            %gather3A = tpu.vector_load_idx %arg7[%add3A_387, %add3A_358] : memref<128x512xf32, #tpu.memory_space<vmem>>[vector<16xi32>, vector<16xi32>], vector<16xf32>,
            %add3A_388 = arith.constant 0 : i32
            %add3A_389 = arith.addi %multiple_of3A_382, %add3A_388 : i32
            %swap3A_390 = arith.index_cast %add3A_389 : i32 to index
            %swap3A_391 = tpu.vector_load %arg10[%swap3A_390] {strides = array<i32>} : memref<512xf32, #tpu.memory_space<vmem>>, vector<16xf32>,
            tpu.vector_store %arg10[%swap3A_390], %gather3A {strides = array<i32>} : memref<512xf32, #tpu.memory_space<vmem>>, vector<16xf32>,
            %add3A_392 = arith.constant 16 : i32
            %add3A_393 = vector.broadcast %add3A_392 : i32 to vector<16xi32>
            %add3A_394 = arith.addi %add3A_393, %iota3A : vector<16xi32>
            %add3A_395 = vector.broadcast %multiple_of3A_197 : i32 to vector<16xi32>
            %add3A_396 = arith.addi %add3A_395, %add3A_394 : vector<16xi32>
            %gather3A_397 = tpu.vector_load_idx %arg7[%add3A_396, %add3A_358] : memref<128x512xf32, #tpu.memory_space<vmem>>[vector<16xi32>, vector<16xi32>], vector<16xf32>,
            %add3A_398 = arith.constant 16 : i32
            %add3A_399 = arith.addi %multiple_of3A_382, %add3A_398 : i32
            %swap3A_400 = arith.index_cast %add3A_399 : i32 to index
            %swap3A_401 = tpu.vector_load %arg10[%swap3A_400] {strides = array<i32>} : memref<512xf32, #tpu.memory_space<vmem>>, vector<16xf32>,
            tpu.vector_store %arg10[%swap3A_400], %gather3A_397 {strides = array<i32>} : memref<512xf32, #tpu.memory_space<vmem>>, vector<16xf32>,
            %add3A_402 = arith.constant 32 : i32
            %add3A_403 = vector.broadcast %add3A_402 : i32 to vector<16xi32>
            %add3A_404 = arith.addi %add3A_403, %iota3A : vector<16xi32>
            %add3A_405 = vector.broadcast %multiple_of3A_197 : i32 to vector<16xi32>
            %add3A_406 = arith.addi %add3A_405, %add3A_404 : vector<16xi32>
            %gather3A_407 = tpu.vector_load_idx %arg7[%add3A_406, %add3A_358] : memref<128x512xf32, #tpu.memory_space<vmem>>[vector<16xi32>, vector<16xi32>], vector<16xf32>,
            %add3A_408 = arith.constant 32 : i32
            %add3A_409 = arith.addi %multiple_of3A_382, %add3A_408 : i32
            %swap3A_410 = arith.index_cast %add3A_409 : i32 to index
            %swap3A_411 = tpu.vector_load %arg10[%swap3A_410] {strides = array<i32>} : memref<512xf32, #tpu.memory_space<vmem>>, vector<16xf32>,
            tpu.vector_store %arg10[%swap3A_410], %gather3A_407 {strides = array<i32>} : memref<512xf32, #tpu.memory_space<vmem>>, vector<16xf32>,
            %add3A_412 = arith.constant 48 : i32
            %add3A_413 = vector.broadcast %add3A_412 : i32 to vector<16xi32>
            %add3A_414 = arith.addi %add3A_413, %iota3A : vector<16xi32>
            %add3A_415 = vector.broadcast %multiple_of3A_197 : i32 to vector<16xi32>
            %add3A_416 = arith.addi %add3A_415, %add3A_414 : vector<16xi32>
            %gather3A_417 = tpu.vector_load_idx %arg7[%add3A_416, %add3A_358] : memref<128x512xf32, #tpu.memory_space<vmem>>[vector<16xi32>, vector<16xi32>], vector<16xf32>,
            %add3A_418 = arith.constant 48 : i32
            %add3A_419 = arith.addi %multiple_of3A_382, %add3A_418 : i32
            %swap3A_420 = arith.index_cast %add3A_419 : i32 to index
            %swap3A_421 = tpu.vector_load %arg10[%swap3A_420] {strides = array<i32>} : memref<512xf32, #tpu.memory_space<vmem>>, vector<16xf32>,
            tpu.vector_store %arg10[%swap3A_420], %gather3A_417 {strides = array<i32>} : memref<512xf32, #tpu.memory_space<vmem>>, vector<16xf32>,
            %mul3A_422 = arith.constant 2 : i32
            %mul3A_423 = arith.muli %reduce_max3A_353, %mul3A_422 : i32
            %mul3A_424 = arith.constant 64 : i32
            %mul3A_425 = arith.muli %mul3A_423, %mul3A_424 : i32
            %dma_start3A_426 = tpu.memref_slice %arg10[%multiple_of3A_382] : memref<512xf32, #tpu.memory_space<vmem>> -> memref<64xf32, #tpu.memory_space<vmem>>
            %dma_start3A_427 = tpu.memref_slice %arg4[%mul3A_425] : memref<2097152xf32, #tpu.memory_space<hbm>> -> memref<64xf32, #tpu.memory_space<hbm>>
            %dma_start3A_428 = tpu.memref_slice %arg4[%mul3A_425] : memref<2097152xf32, #tpu.memory_space<hbm>> -> memref<64xf32, #tpu.memory_space<hbm>>
            %dma_start3A_429 = tpu.memref_slice %arg10[%multiple_of3A_382] : memref<512xf32, #tpu.memory_space<vmem>> -> memref<64xf32, #tpu.memory_space<vmem>>
            tpu.enqueue_dma source(%dma_start3A_429 : memref<64xf32, #tpu.memory_space<vmem>>) target(%dma_start3A_428 : memref<64xf32, #tpu.memory_space<hbm>>) target_semaphore(%arg12 : memref<!tpu.dma_semaphore, #tpu.memory_space<semaphore_mem>>)
            %not3A = arith.constant dense<true> : vector<16xi1>
            %not3A_430 = arith.xori %eq3A_331, %not3A : vector<16xi1>
            %and3A_431 = arith.andi %while3A_320, %not3A_430 : vector<16xi1>
            %add3A_432 = arith.constant 1 : i32
            %add3A_433 = arith.addi %while3A_321, %add3A_432 : i32
            scf.yield %and3A_431, %add3A_433 : vector<16xi1>, i32
          }
          %while3A_317:2 = scf.while (%while3A_320 = %and3A_265, %while3A_321 = %while3A_316#1) : (vector<16xi1>, i32) -> (vector<16xi1>, i32) {
            %all_reduce_population_count3A_322 = tpu.all_reduce %while3A_320 {dim = 0 : i64, kind = #tpu.reduction_kind<sum>} : vector<16xi1> -> vector<16xi32>
            %reduce_max3A_323 = arith.constant true
            %reduce_max3A_324 = vector.broadcast %reduce_max3A_323 : i1 to vector<16xi1>
            %reduce_max3A_325 = arith.constant -2147483648 : i32
            %reduce_max3A_326 = vector.broadcast %reduce_max3A_325 : i32 to vector<16xi32>
            %reduce_max3A_327 = arith.xori %all_reduce_population_count3A_322, %reduce_max3A_326 : vector<16xi32>
            %reduce_max3A_328 = tpu.scan <max>, %reduce_max3A_327 masked %reduce_max3A_324 : vector<16xi32>, vector<16xi1> -> vector<16xi32>
            %reduce_max3A_329 = arith.xori %reduce_max3A_328, %reduce_max3A_326 : vector<16xi32>
            %reduce_max3A_330 = vector.extract %reduce_max3A_329[15] : i32 from vector<16xi32>
            %gt3A_331 = arith.constant 0 : i32
            %gt3A_332 = arith.cmpi sgt, %reduce_max3A_330, %gt3A_331 : i32
            scf.condition(%gt3A_332) %while3A_320, %while3A_321 : vector<16xi1>, i32
          } do {
          ^bb0(%while3A_320: vector<16xi1>, %while3A_321: i32):
            %all_reduce_ffs3A = tpu.all_reduce %while3A_320 {dim = 0 : i64, kind = #tpu.reduction_kind<find_first_set>} : vector<16xi1> -> vector<16xi32>
            %reduce_max3A_322 = arith.constant true
            %reduce_max3A_323 = vector.broadcast %reduce_max3A_322 : i1 to vector<16xi1>
            %reduce_max3A_324 = arith.constant -2147483648 : i32
            %reduce_max3A_325 = vector.broadcast %reduce_max3A_324 : i32 to vector<16xi32>
            %reduce_max3A_326 = arith.xori %all_reduce_ffs3A, %reduce_max3A_325 : vector<16xi32>
            %reduce_max3A_327 = tpu.scan <max>, %reduce_max3A_326 masked %reduce_max3A_323 : vector<16xi32>, vector<16xi1> -> vector<16xi32>
            %reduce_max3A_328 = arith.xori %reduce_max3A_327, %reduce_max3A_325 : vector<16xi32>
            %reduce_max3A_329 = vector.extract %reduce_max3A_328[15] : i32 from vector<16xi32>
            %eq3A_330 = vector.broadcast %reduce_max3A_329 : i32 to vector<16xi32>
            %eq3A_331 = arith.cmpi eq, %iota3A, %eq3A_330 : vector<16xi32>
            %jit3A_332 = arith.constant 0 : i32
            %broadcast_in_dim3A_333 = vector.broadcast %jit3A_332 : i32 to vector<16xi32>
            %select_n3A_334 = arith.select %eq3A_331, %and3A_257, %broadcast_in_dim3A_333 : vector<16xi1>, vector<16xi32>
            %reduce_max3A_335 = arith.constant true
            %reduce_max3A_336 = vector.broadcast %reduce_max3A_335 : i1 to vector<16xi1>
            %reduce_max3A_337 = arith.constant -2147483648 : i32
            %reduce_max3A_338 = vector.broadcast %reduce_max3A_337 : i32 to vector<16xi32>
            %reduce_max3A_339 = arith.xori %select_n3A_334, %reduce_max3A_338 : vector<16xi32>
            %reduce_max3A_340 = tpu.scan <max>, %reduce_max3A_339 masked %reduce_max3A_336 : vector<16xi32>, vector<16xi1> -> vector<16xi32>
            %reduce_max3A_341 = arith.xori %reduce_max3A_340, %reduce_max3A_338 : vector<16xi32>
            %reduce_max3A_342 = vector.extract %reduce_max3A_341[15] : i32 from vector<16xi32>
            %jit3A_343 = arith.constant 0 : i32
            %broadcast_in_dim3A_344 = vector.broadcast %jit3A_343 : i32 to vector<16xi32>
            %select_n3A_345 = arith.select %eq3A_331, %shift_right_arithmetic3A_260, %broadcast_in_dim3A_344 : vector<16xi1>, vector<16xi32>
            %reduce_max3A_346 = arith.constant true
            %reduce_max3A_347 = vector.broadcast %reduce_max3A_346 : i1 to vector<16xi1>
            %reduce_max3A_348 = arith.constant -2147483648 : i32
            %reduce_max3A_349 = vector.broadcast %reduce_max3A_348 : i32 to vector<16xi32>
            %reduce_max3A_350 = arith.xori %select_n3A_345, %reduce_max3A_349 : vector<16xi32>
            %reduce_max3A_351 = tpu.scan <max>, %reduce_max3A_350 masked %reduce_max3A_347 : vector<16xi32>, vector<16xi1> -> vector<16xi32>
            %reduce_max3A_352 = arith.xori %reduce_max3A_351, %reduce_max3A_349 : vector<16xi32>
            %reduce_max3A_353 = vector.extract %reduce_max3A_352[15] : i32 from vector<16xi32>
            %broadcast_in_dim3A_354 = arith.constant 0 : i32
            %broadcast_in_dim3A_355 = vector.broadcast %broadcast_in_dim3A_354 : i32 to vector<16xi32>
            %sub3A_356 = arith.subi %reduce_max3A_342, %mul3A_208 : i32
            %add3A_357 = vector.broadcast %sub3A_356 : i32 to vector<16xi32>
            %add3A_358 = arith.addi %broadcast_in_dim3A_355, %add3A_357 : vector<16xi32>
            %ge3A_359 = arith.constant 8 : i32
            %ge3A_360 = arith.cmpi sge, %while3A_321, %ge3A_359 : i32
            %convert_element_type3A_361 = arith.extui %ge3A_360 : i1 to i32
            %cond3A_362 = arith.constant 0 : i32
            %cond3A_363 = arith.cmpi ne, %convert_element_type3A_361, %cond3A_362 : i32
            scf.if %cond3A_363 {
              %dma_wait3A_434 = arith.constant 0 : i32
              %dma_wait3A_435 = tpu.memref_slice %arg10[%dma_wait3A_434] : memref<512xf32, #tpu.memory_space<vmem>> -> memref<64xf32, #tpu.memory_space<vmem>>
              %dma_wait3A_436 = arith.constant 0 : i32
              %dma_wait3A_437 = tpu.memref_slice %arg4[%dma_wait3A_436] : memref<2097152xf32, #tpu.memory_space<hbm>> -> memref<64xf32, #tpu.memory_space<hbm>>
              %dma_wait3A_438 = arith.constant 0 : i32
              %dma_wait3A_439 = tpu.memref_slice %arg4[%dma_wait3A_438] : memref<2097152xf32, #tpu.memory_space<hbm>> -> memref<64xf32, #tpu.memory_space<hbm>>
              %dma_wait3A_440 = arith.constant 0 : i32
              %dma_wait3A_441 = tpu.memref_slice %arg10[%dma_wait3A_440] : memref<512xf32, #tpu.memory_space<vmem>> -> memref<64xf32, #tpu.memory_space<vmem>>
              tpu.wait_dma2 semaphore(%arg12 : memref<!tpu.dma_semaphore, #tpu.memory_space<semaphore_mem>>) src(%dma_wait3A_441 : memref<64xf32, #tpu.memory_space<vmem>>) dst(%dma_wait3A_439 : memref<64xf32, #tpu.memory_space<hbm>>)
            } else {
            }
            %jit3A_364 = arith.constant 8 : i32
            %eq3A_365 = arith.constant 0 : i32
            %eq3A_366 = arith.cmpi eq, %jit3A_364, %eq3A_365 : i32
            %jit3A_367 = arith.constant 1 : i32
            %select_n3A_368 = arith.select %eq3A_366, %jit3A_367, %jit3A_364 : i32
            %rem3A_369 = arith.remsi %while3A_321, %select_n3A_368 : i32
            %ne3A_370 = arith.constant 0 : i32
            %ne3A_371 = arith.cmpi ne, %rem3A_369, %ne3A_370 : i32
            %lt3A_372 = arith.constant 0 : i32
            %lt3A_373 = arith.cmpi slt, %rem3A_369, %lt3A_372 : i32
            %lt3A_374 = arith.constant 0 : i32
            %lt3A_375 = arith.cmpi slt, %select_n3A_368, %lt3A_374 : i32
            %ne3A_376 = arith.xori %lt3A_373, %lt3A_375 : i1
            %and3A_377 = arith.andi %ne3A_376, %ne3A_371 : i1
            %add3A_378 = arith.addi %rem3A_369, %select_n3A_368 : i32
            %select_n3A_379 = arith.select %and3A_377, %add3A_378, %rem3A_369 : i32
            %mul3A_380 = arith.constant 64 : i32
            %mul3A_381 = arith.muli %select_n3A_379, %mul3A_380 : i32
            %multiple_of3A_382 = tpu.assume_multiple %mul3A_381, 64 : i32
            %add3A_383 = arith.constant 0 : i32
            %add3A_384 = vector.broadcast %add3A_383 : i32 to vector<16xi32>
            %add3A_385 = arith.addi %add3A_384, %iota3A : vector<16xi32>
            %add3A_386 = vector.broadcast %multiple_of3A_197 : i32 to vector<16xi32>
            %add3A_387 = arith.addi %add3A_386, %add3A_385 : vector<16xi32>
            %gather3A = tpu.vector_load_idx %arg7[%add3A_387, %add3A_358] : memref<128x512xf32, #tpu.memory_space<vmem>>[vector<16xi32>, vector<16xi32>], vector<16xf32>,
            %add3A_388 = arith.constant 0 : i32
            %add3A_389 = arith.addi %multiple_of3A_382, %add3A_388 : i32
            %swap3A_390 = arith.index_cast %add3A_389 : i32 to index
            %swap3A_391 = tpu.vector_load %arg10[%swap3A_390] {strides = array<i32>} : memref<512xf32, #tpu.memory_space<vmem>>, vector<16xf32>,
            tpu.vector_store %arg10[%swap3A_390], %gather3A {strides = array<i32>} : memref<512xf32, #tpu.memory_space<vmem>>, vector<16xf32>,
            %add3A_392 = arith.constant 16 : i32
            %add3A_393 = vector.broadcast %add3A_392 : i32 to vector<16xi32>
            %add3A_394 = arith.addi %add3A_393, %iota3A : vector<16xi32>
            %add3A_395 = vector.broadcast %multiple_of3A_197 : i32 to vector<16xi32>
            %add3A_396 = arith.addi %add3A_395, %add3A_394 : vector<16xi32>
            %gather3A_397 = tpu.vector_load_idx %arg7[%add3A_396, %add3A_358] : memref<128x512xf32, #tpu.memory_space<vmem>>[vector<16xi32>, vector<16xi32>], vector<16xf32>,
            %add3A_398 = arith.constant 16 : i32
            %add3A_399 = arith.addi %multiple_of3A_382, %add3A_398 : i32
            %swap3A_400 = arith.index_cast %add3A_399 : i32 to index
            %swap3A_401 = tpu.vector_load %arg10[%swap3A_400] {strides = array<i32>} : memref<512xf32, #tpu.memory_space<vmem>>, vector<16xf32>,
            tpu.vector_store %arg10[%swap3A_400], %gather3A_397 {strides = array<i32>} : memref<512xf32, #tpu.memory_space<vmem>>, vector<16xf32>,
            %add3A_402 = arith.constant 32 : i32
            %add3A_403 = vector.broadcast %add3A_402 : i32 to vector<16xi32>
            %add3A_404 = arith.addi %add3A_403, %iota3A : vector<16xi32>
            %add3A_405 = vector.broadcast %multiple_of3A_197 : i32 to vector<16xi32>
            %add3A_406 = arith.addi %add3A_405, %add3A_404 : vector<16xi32>
            %gather3A_407 = tpu.vector_load_idx %arg7[%add3A_406, %add3A_358] : memref<128x512xf32, #tpu.memory_space<vmem>>[vector<16xi32>, vector<16xi32>], vector<16xf32>,
            %add3A_408 = arith.constant 32 : i32
            %add3A_409 = arith.addi %multiple_of3A_382, %add3A_408 : i32
            %swap3A_410 = arith.index_cast %add3A_409 : i32 to index
            %swap3A_411 = tpu.vector_load %arg10[%swap3A_410] {strides = array<i32>} : memref<512xf32, #tpu.memory_space<vmem>>, vector<16xf32>,
            tpu.vector_store %arg10[%swap3A_410], %gather3A_407 {strides = array<i32>} : memref<512xf32, #tpu.memory_space<vmem>>, vector<16xf32>,
            %add3A_412 = arith.constant 48 : i32
            %add3A_413 = vector.broadcast %add3A_412 : i32 to vector<16xi32>
            %add3A_414 = arith.addi %add3A_413, %iota3A : vector<16xi32>
            %add3A_415 = vector.broadcast %multiple_of3A_197 : i32 to vector<16xi32>
            %add3A_416 = arith.addi %add3A_415, %add3A_414 : vector<16xi32>
            %gather3A_417 = tpu.vector_load_idx %arg7[%add3A_416, %add3A_358] : memref<128x512xf32, #tpu.memory_space<vmem>>[vector<16xi32>, vector<16xi32>], vector<16xf32>,
            %add3A_418 = arith.constant 48 : i32
            %add3A_419 = arith.addi %multiple_of3A_382, %add3A_418 : i32
            %swap3A_420 = arith.index_cast %add3A_419 : i32 to index
            %swap3A_421 = tpu.vector_load %arg10[%swap3A_420] {strides = array<i32>} : memref<512xf32, #tpu.memory_space<vmem>>, vector<16xf32>,
            tpu.vector_store %arg10[%swap3A_420], %gather3A_417 {strides = array<i32>} : memref<512xf32, #tpu.memory_space<vmem>>, vector<16xf32>,
            %mul3A_422 = arith.constant 2 : i32
            %mul3A_423 = arith.muli %reduce_max3A_353, %mul3A_422 : i32
            %mul3A_424 = arith.constant 64 : i32
            %mul3A_425 = arith.muli %mul3A_423, %mul3A_424 : i32
            %dma_start3A_426 = tpu.memref_slice %arg10[%multiple_of3A_382] : memref<512xf32, #tpu.memory_space<vmem>> -> memref<64xf32, #tpu.memory_space<vmem>>
            %dma_start3A_427 = tpu.memref_slice %arg4[%mul3A_425] : memref<2097152xf32, #tpu.memory_space<hbm>> -> memref<64xf32, #tpu.memory_space<hbm>>
            %dma_start3A_428 = tpu.memref_slice %arg4[%mul3A_425] : memref<2097152xf32, #tpu.memory_space<hbm>> -> memref<64xf32, #tpu.memory_space<hbm>>
            %dma_start3A_429 = tpu.memref_slice %arg10[%multiple_of3A_382] : memref<512xf32, #tpu.memory_space<vmem>> -> memref<64xf32, #tpu.memory_space<vmem>>
            tpu.enqueue_dma source(%dma_start3A_429 : memref<64xf32, #tpu.memory_space<vmem>>) target(%dma_start3A_428 : memref<64xf32, #tpu.memory_space<hbm>>) target_semaphore(%arg12 : memref<!tpu.dma_semaphore, #tpu.memory_space<semaphore_mem>>)
            %not3A = arith.constant dense<true> : vector<16xi1>
            %not3A_430 = arith.xori %eq3A_331, %not3A : vector<16xi1>
            %and3A_431 = arith.andi %while3A_320, %not3A_430 : vector<16xi1>
            %add3A_432 = arith.constant 1 : i32
            %add3A_433 = arith.addi %while3A_321, %add3A_432 : i32
            scf.yield %and3A_431, %add3A_433 : vector<16xi1>, i32
          }
          %while3A_318:2 = scf.while (%while3A_320 = %and3A_283, %while3A_321 = %while3A_317#1) : (vector<16xi1>, i32) -> (vector<16xi1>, i32) {
            %all_reduce_population_count3A_322 = tpu.all_reduce %while3A_320 {dim = 0 : i64, kind = #tpu.reduction_kind<sum>} : vector<16xi1> -> vector<16xi32>
            %reduce_max3A_323 = arith.constant true
            %reduce_max3A_324 = vector.broadcast %reduce_max3A_323 : i1 to vector<16xi1>
            %reduce_max3A_325 = arith.constant -2147483648 : i32
            %reduce_max3A_326 = vector.broadcast %reduce_max3A_325 : i32 to vector<16xi32>
            %reduce_max3A_327 = arith.xori %all_reduce_population_count3A_322, %reduce_max3A_326 : vector<16xi32>
            %reduce_max3A_328 = tpu.scan <max>, %reduce_max3A_327 masked %reduce_max3A_324 : vector<16xi32>, vector<16xi1> -> vector<16xi32>
            %reduce_max3A_329 = arith.xori %reduce_max3A_328, %reduce_max3A_326 : vector<16xi32>
            %reduce_max3A_330 = vector.extract %reduce_max3A_329[15] : i32 from vector<16xi32>
            %gt3A_331 = arith.constant 0 : i32
            %gt3A_332 = arith.cmpi sgt, %reduce_max3A_330, %gt3A_331 : i32
            scf.condition(%gt3A_332) %while3A_320, %while3A_321 : vector<16xi1>, i32
          } do {
          ^bb0(%while3A_320: vector<16xi1>, %while3A_321: i32):
            %all_reduce_ffs3A = tpu.all_reduce %while3A_320 {dim = 0 : i64, kind = #tpu.reduction_kind<find_first_set>} : vector<16xi1> -> vector<16xi32>
            %reduce_max3A_322 = arith.constant true
            %reduce_max3A_323 = vector.broadcast %reduce_max3A_322 : i1 to vector<16xi1>
            %reduce_max3A_324 = arith.constant -2147483648 : i32
            %reduce_max3A_325 = vector.broadcast %reduce_max3A_324 : i32 to vector<16xi32>
            %reduce_max3A_326 = arith.xori %all_reduce_ffs3A, %reduce_max3A_325 : vector<16xi32>
            %reduce_max3A_327 = tpu.scan <max>, %reduce_max3A_326 masked %reduce_max3A_323 : vector<16xi32>, vector<16xi1> -> vector<16xi32>
            %reduce_max3A_328 = arith.xori %reduce_max3A_327, %reduce_max3A_325 : vector<16xi32>
            %reduce_max3A_329 = vector.extract %reduce_max3A_328[15] : i32 from vector<16xi32>
            %eq3A_330 = vector.broadcast %reduce_max3A_329 : i32 to vector<16xi32>
            %eq3A_331 = arith.cmpi eq, %iota3A, %eq3A_330 : vector<16xi32>
            %jit3A_332 = arith.constant 0 : i32
            %broadcast_in_dim3A_333 = vector.broadcast %jit3A_332 : i32 to vector<16xi32>
            %select_n3A_334 = arith.select %eq3A_331, %and3A_275, %broadcast_in_dim3A_333 : vector<16xi1>, vector<16xi32>
            %reduce_max3A_335 = arith.constant true
            %reduce_max3A_336 = vector.broadcast %reduce_max3A_335 : i1 to vector<16xi1>
            %reduce_max3A_337 = arith.constant -2147483648 : i32
            %reduce_max3A_338 = vector.broadcast %reduce_max3A_337 : i32 to vector<16xi32>
            %reduce_max3A_339 = arith.xori %select_n3A_334, %reduce_max3A_338 : vector<16xi32>
            %reduce_max3A_340 = tpu.scan <max>, %reduce_max3A_339 masked %reduce_max3A_336 : vector<16xi32>, vector<16xi1> -> vector<16xi32>
            %reduce_max3A_341 = arith.xori %reduce_max3A_340, %reduce_max3A_338 : vector<16xi32>
            %reduce_max3A_342 = vector.extract %reduce_max3A_341[15] : i32 from vector<16xi32>
            %jit3A_343 = arith.constant 0 : i32
            %broadcast_in_dim3A_344 = vector.broadcast %jit3A_343 : i32 to vector<16xi32>
            %select_n3A_345 = arith.select %eq3A_331, %shift_right_arithmetic3A_278, %broadcast_in_dim3A_344 : vector<16xi1>, vector<16xi32>
            %reduce_max3A_346 = arith.constant true
            %reduce_max3A_347 = vector.broadcast %reduce_max3A_346 : i1 to vector<16xi1>
            %reduce_max3A_348 = arith.constant -2147483648 : i32
            %reduce_max3A_349 = vector.broadcast %reduce_max3A_348 : i32 to vector<16xi32>
            %reduce_max3A_350 = arith.xori %select_n3A_345, %reduce_max3A_349 : vector<16xi32>
            %reduce_max3A_351 = tpu.scan <max>, %reduce_max3A_350 masked %reduce_max3A_347 : vector<16xi32>, vector<16xi1> -> vector<16xi32>
            %reduce_max3A_352 = arith.xori %reduce_max3A_351, %reduce_max3A_349 : vector<16xi32>
            %reduce_max3A_353 = vector.extract %reduce_max3A_352[15] : i32 from vector<16xi32>
            %broadcast_in_dim3A_354 = arith.constant 0 : i32
            %broadcast_in_dim3A_355 = vector.broadcast %broadcast_in_dim3A_354 : i32 to vector<16xi32>
            %sub3A_356 = arith.subi %reduce_max3A_342, %mul3A_208 : i32
            %add3A_357 = vector.broadcast %sub3A_356 : i32 to vector<16xi32>
            %add3A_358 = arith.addi %broadcast_in_dim3A_355, %add3A_357 : vector<16xi32>
            %ge3A_359 = arith.constant 8 : i32
            %ge3A_360 = arith.cmpi sge, %while3A_321, %ge3A_359 : i32
            %convert_element_type3A_361 = arith.extui %ge3A_360 : i1 to i32
            %cond3A_362 = arith.constant 0 : i32
            %cond3A_363 = arith.cmpi ne, %convert_element_type3A_361, %cond3A_362 : i32
            scf.if %cond3A_363 {
              %dma_wait3A_434 = arith.constant 0 : i32
              %dma_wait3A_435 = tpu.memref_slice %arg10[%dma_wait3A_434] : memref<512xf32, #tpu.memory_space<vmem>> -> memref<64xf32, #tpu.memory_space<vmem>>
              %dma_wait3A_436 = arith.constant 0 : i32
              %dma_wait3A_437 = tpu.memref_slice %arg4[%dma_wait3A_436] : memref<2097152xf32, #tpu.memory_space<hbm>> -> memref<64xf32, #tpu.memory_space<hbm>>
              %dma_wait3A_438 = arith.constant 0 : i32
              %dma_wait3A_439 = tpu.memref_slice %arg4[%dma_wait3A_438] : memref<2097152xf32, #tpu.memory_space<hbm>> -> memref<64xf32, #tpu.memory_space<hbm>>
              %dma_wait3A_440 = arith.constant 0 : i32
              %dma_wait3A_441 = tpu.memref_slice %arg10[%dma_wait3A_440] : memref<512xf32, #tpu.memory_space<vmem>> -> memref<64xf32, #tpu.memory_space<vmem>>
              tpu.wait_dma2 semaphore(%arg12 : memref<!tpu.dma_semaphore, #tpu.memory_space<semaphore_mem>>) src(%dma_wait3A_441 : memref<64xf32, #tpu.memory_space<vmem>>) dst(%dma_wait3A_439 : memref<64xf32, #tpu.memory_space<hbm>>)
            } else {
            }
            %jit3A_364 = arith.constant 8 : i32
            %eq3A_365 = arith.constant 0 : i32
            %eq3A_366 = arith.cmpi eq, %jit3A_364, %eq3A_365 : i32
            %jit3A_367 = arith.constant 1 : i32
            %select_n3A_368 = arith.select %eq3A_366, %jit3A_367, %jit3A_364 : i32
            %rem3A_369 = arith.remsi %while3A_321, %select_n3A_368 : i32
            %ne3A_370 = arith.constant 0 : i32
            %ne3A_371 = arith.cmpi ne, %rem3A_369, %ne3A_370 : i32
            %lt3A_372 = arith.constant 0 : i32
            %lt3A_373 = arith.cmpi slt, %rem3A_369, %lt3A_372 : i32
            %lt3A_374 = arith.constant 0 : i32
            %lt3A_375 = arith.cmpi slt, %select_n3A_368, %lt3A_374 : i32
            %ne3A_376 = arith.xori %lt3A_373, %lt3A_375 : i1
            %and3A_377 = arith.andi %ne3A_376, %ne3A_371 : i1
            %add3A_378 = arith.addi %rem3A_369, %select_n3A_368 : i32
            %select_n3A_379 = arith.select %and3A_377, %add3A_378, %rem3A_369 : i32
            %mul3A_380 = arith.constant 64 : i32
            %mul3A_381 = arith.muli %select_n3A_379, %mul3A_380 : i32
            %multiple_of3A_382 = tpu.assume_multiple %mul3A_381, 64 : i32
            %add3A_383 = arith.constant 0 : i32
            %add3A_384 = vector.broadcast %add3A_383 : i32 to vector<16xi32>
            %add3A_385 = arith.addi %add3A_384, %iota3A : vector<16xi32>
            %add3A_386 = vector.broadcast %multiple_of3A_197 : i32 to vector<16xi32>
            %add3A_387 = arith.addi %add3A_386, %add3A_385 : vector<16xi32>
            %gather3A = tpu.vector_load_idx %arg7[%add3A_387, %add3A_358] : memref<128x512xf32, #tpu.memory_space<vmem>>[vector<16xi32>, vector<16xi32>], vector<16xf32>,
            %add3A_388 = arith.constant 0 : i32
            %add3A_389 = arith.addi %multiple_of3A_382, %add3A_388 : i32
            %swap3A_390 = arith.index_cast %add3A_389 : i32 to index
            %swap3A_391 = tpu.vector_load %arg10[%swap3A_390] {strides = array<i32>} : memref<512xf32, #tpu.memory_space<vmem>>, vector<16xf32>,
            tpu.vector_store %arg10[%swap3A_390], %gather3A {strides = array<i32>} : memref<512xf32, #tpu.memory_space<vmem>>, vector<16xf32>,
            %add3A_392 = arith.constant 16 : i32
            %add3A_393 = vector.broadcast %add3A_392 : i32 to vector<16xi32>
            %add3A_394 = arith.addi %add3A_393, %iota3A : vector<16xi32>
            %add3A_395 = vector.broadcast %multiple_of3A_197 : i32 to vector<16xi32>
            %add3A_396 = arith.addi %add3A_395, %add3A_394 : vector<16xi32>
            %gather3A_397 = tpu.vector_load_idx %arg7[%add3A_396, %add3A_358] : memref<128x512xf32, #tpu.memory_space<vmem>>[vector<16xi32>, vector<16xi32>], vector<16xf32>,
            %add3A_398 = arith.constant 16 : i32
            %add3A_399 = arith.addi %multiple_of3A_382, %add3A_398 : i32
            %swap3A_400 = arith.index_cast %add3A_399 : i32 to index
            %swap3A_401 = tpu.vector_load %arg10[%swap3A_400] {strides = array<i32>} : memref<512xf32, #tpu.memory_space<vmem>>, vector<16xf32>,
            tpu.vector_store %arg10[%swap3A_400], %gather3A_397 {strides = array<i32>} : memref<512xf32, #tpu.memory_space<vmem>>, vector<16xf32>,
            %add3A_402 = arith.constant 32 : i32
            %add3A_403 = vector.broadcast %add3A_402 : i32 to vector<16xi32>
            %add3A_404 = arith.addi %add3A_403, %iota3A : vector<16xi32>
            %add3A_405 = vector.broadcast %multiple_of3A_197 : i32 to vector<16xi32>
            %add3A_406 = arith.addi %add3A_405, %add3A_404 : vector<16xi32>
            %gather3A_407 = tpu.vector_load_idx %arg7[%add3A_406, %add3A_358] : memref<128x512xf32, #tpu.memory_space<vmem>>[vector<16xi32>, vector<16xi32>], vector<16xf32>,
            %add3A_408 = arith.constant 32 : i32
            %add3A_409 = arith.addi %multiple_of3A_382, %add3A_408 : i32
            %swap3A_410 = arith.index_cast %add3A_409 : i32 to index
            %swap3A_411 = tpu.vector_load %arg10[%swap3A_410] {strides = array<i32>} : memref<512xf32, #tpu.memory_space<vmem>>, vector<16xf32>,
            tpu.vector_store %arg10[%swap3A_410], %gather3A_407 {strides = array<i32>} : memref<512xf32, #tpu.memory_space<vmem>>, vector<16xf32>,
            %add3A_412 = arith.constant 48 : i32
            %add3A_413 = vector.broadcast %add3A_412 : i32 to vector<16xi32>
            %add3A_414 = arith.addi %add3A_413, %iota3A : vector<16xi32>
            %add3A_415 = vector.broadcast %multiple_of3A_197 : i32 to vector<16xi32>
            %add3A_416 = arith.addi %add3A_415, %add3A_414 : vector<16xi32>
            %gather3A_417 = tpu.vector_load_idx %arg7[%add3A_416, %add3A_358] : memref<128x512xf32, #tpu.memory_space<vmem>>[vector<16xi32>, vector<16xi32>], vector<16xf32>,
            %add3A_418 = arith.constant 48 : i32
            %add3A_419 = arith.addi %multiple_of3A_382, %add3A_418 : i32
            %swap3A_420 = arith.index_cast %add3A_419 : i32 to index
            %swap3A_421 = tpu.vector_load %arg10[%swap3A_420] {strides = array<i32>} : memref<512xf32, #tpu.memory_space<vmem>>, vector<16xf32>,
            tpu.vector_store %arg10[%swap3A_420], %gather3A_417 {strides = array<i32>} : memref<512xf32, #tpu.memory_space<vmem>>, vector<16xf32>,
            %mul3A_422 = arith.constant 2 : i32
            %mul3A_423 = arith.muli %reduce_max3A_353, %mul3A_422 : i32
            %mul3A_424 = arith.constant 64 : i32
            %mul3A_425 = arith.muli %mul3A_423, %mul3A_424 : i32
            %dma_start3A_426 = tpu.memref_slice %arg10[%multiple_of3A_382] : memref<512xf32, #tpu.memory_space<vmem>> -> memref<64xf32, #tpu.memory_space<vmem>>
            %dma_start3A_427 = tpu.memref_slice %arg4[%mul3A_425] : memref<2097152xf32, #tpu.memory_space<hbm>> -> memref<64xf32, #tpu.memory_space<hbm>>
            %dma_start3A_428 = tpu.memref_slice %arg4[%mul3A_425] : memref<2097152xf32, #tpu.memory_space<hbm>> -> memref<64xf32, #tpu.memory_space<hbm>>
            %dma_start3A_429 = tpu.memref_slice %arg10[%multiple_of3A_382] : memref<512xf32, #tpu.memory_space<vmem>> -> memref<64xf32, #tpu.memory_space<vmem>>
            tpu.enqueue_dma source(%dma_start3A_429 : memref<64xf32, #tpu.memory_space<vmem>>) target(%dma_start3A_428 : memref<64xf32, #tpu.memory_space<hbm>>) target_semaphore(%arg12 : memref<!tpu.dma_semaphore, #tpu.memory_space<semaphore_mem>>)
            %not3A = arith.constant dense<true> : vector<16xi1>
            %not3A_430 = arith.xori %eq3A_331, %not3A : vector<16xi1>
            %and3A_431 = arith.andi %while3A_320, %not3A_430 : vector<16xi1>
            %add3A_432 = arith.constant 1 : i32
            %add3A_433 = arith.addi %while3A_321, %add3A_432 : i32
            scf.yield %and3A_431, %add3A_433 : vector<16xi1>, i32
          }
          %while3A_319:2 = scf.while (%while3A_320 = %and3A_301, %while3A_321 = %while3A_318#1) : (vector<16xi1>, i32) -> (vector<16xi1>, i32) {
            %all_reduce_population_count3A_322 = tpu.all_reduce %while3A_320 {dim = 0 : i64, kind = #tpu.reduction_kind<sum>} : vector<16xi1> -> vector<16xi32>
            %reduce_max3A_323 = arith.constant true
            %reduce_max3A_324 = vector.broadcast %reduce_max3A_323 : i1 to vector<16xi1>
            %reduce_max3A_325 = arith.constant -2147483648 : i32
            %reduce_max3A_326 = vector.broadcast %reduce_max3A_325 : i32 to vector<16xi32>
            %reduce_max3A_327 = arith.xori %all_reduce_population_count3A_322, %reduce_max3A_326 : vector<16xi32>
            %reduce_max3A_328 = tpu.scan <max>, %reduce_max3A_327 masked %reduce_max3A_324 : vector<16xi32>, vector<16xi1> -> vector<16xi32>
            %reduce_max3A_329 = arith.xori %reduce_max3A_328, %reduce_max3A_326 : vector<16xi32>
            %reduce_max3A_330 = vector.extract %reduce_max3A_329[15] : i32 from vector<16xi32>
            %gt3A_331 = arith.constant 0 : i32
            %gt3A_332 = arith.cmpi sgt, %reduce_max3A_330, %gt3A_331 : i32
            scf.condition(%gt3A_332) %while3A_320, %while3A_321 : vector<16xi1>, i32
          } do {
          ^bb0(%while3A_320: vector<16xi1>, %while3A_321: i32):
            %all_reduce_ffs3A = tpu.all_reduce %while3A_320 {dim = 0 : i64, kind = #tpu.reduction_kind<find_first_set>} : vector<16xi1> -> vector<16xi32>
            %reduce_max3A_322 = arith.constant true
            %reduce_max3A_323 = vector.broadcast %reduce_max3A_322 : i1 to vector<16xi1>
            %reduce_max3A_324 = arith.constant -2147483648 : i32
            %reduce_max3A_325 = vector.broadcast %reduce_max3A_324 : i32 to vector<16xi32>
            %reduce_max3A_326 = arith.xori %all_reduce_ffs3A, %reduce_max3A_325 : vector<16xi32>
            %reduce_max3A_327 = tpu.scan <max>, %reduce_max3A_326 masked %reduce_max3A_323 : vector<16xi32>, vector<16xi1> -> vector<16xi32>
            %reduce_max3A_328 = arith.xori %reduce_max3A_327, %reduce_max3A_325 : vector<16xi32>
            %reduce_max3A_329 = vector.extract %reduce_max3A_328[15] : i32 from vector<16xi32>
            %eq3A_330 = vector.broadcast %reduce_max3A_329 : i32 to vector<16xi32>
            %eq3A_331 = arith.cmpi eq, %iota3A, %eq3A_330 : vector<16xi32>
            %jit3A_332 = arith.constant 0 : i32
            %broadcast_in_dim3A_333 = vector.broadcast %jit3A_332 : i32 to vector<16xi32>
            %select_n3A_334 = arith.select %eq3A_331, %and3A_293, %broadcast_in_dim3A_333 : vector<16xi1>, vector<16xi32>
            %reduce_max3A_335 = arith.constant true
            %reduce_max3A_336 = vector.broadcast %reduce_max3A_335 : i1 to vector<16xi1>
            %reduce_max3A_337 = arith.constant -2147483648 : i32
            %reduce_max3A_338 = vector.broadcast %reduce_max3A_337 : i32 to vector<16xi32>
            %reduce_max3A_339 = arith.xori %select_n3A_334, %reduce_max3A_338 : vector<16xi32>
            %reduce_max3A_340 = tpu.scan <max>, %reduce_max3A_339 masked %reduce_max3A_336 : vector<16xi32>, vector<16xi1> -> vector<16xi32>
            %reduce_max3A_341 = arith.xori %reduce_max3A_340, %reduce_max3A_338 : vector<16xi32>
            %reduce_max3A_342 = vector.extract %reduce_max3A_341[15] : i32 from vector<16xi32>
            %jit3A_343 = arith.constant 0 : i32
            %broadcast_in_dim3A_344 = vector.broadcast %jit3A_343 : i32 to vector<16xi32>
            %select_n3A_345 = arith.select %eq3A_331, %shift_right_arithmetic3A_296, %broadcast_in_dim3A_344 : vector<16xi1>, vector<16xi32>
            %reduce_max3A_346 = arith.constant true
            %reduce_max3A_347 = vector.broadcast %reduce_max3A_346 : i1 to vector<16xi1>
            %reduce_max3A_348 = arith.constant -2147483648 : i32
            %reduce_max3A_349 = vector.broadcast %reduce_max3A_348 : i32 to vector<16xi32>
            %reduce_max3A_350 = arith.xori %select_n3A_345, %reduce_max3A_349 : vector<16xi32>
            %reduce_max3A_351 = tpu.scan <max>, %reduce_max3A_350 masked %reduce_max3A_347 : vector<16xi32>, vector<16xi1> -> vector<16xi32>
            %reduce_max3A_352 = arith.xori %reduce_max3A_351, %reduce_max3A_349 : vector<16xi32>
            %reduce_max3A_353 = vector.extract %reduce_max3A_352[15] : i32 from vector<16xi32>
            %broadcast_in_dim3A_354 = arith.constant 0 : i32
            %broadcast_in_dim3A_355 = vector.broadcast %broadcast_in_dim3A_354 : i32 to vector<16xi32>
            %sub3A_356 = arith.subi %reduce_max3A_342, %mul3A_208 : i32
            %add3A_357 = vector.broadcast %sub3A_356 : i32 to vector<16xi32>
            %add3A_358 = arith.addi %broadcast_in_dim3A_355, %add3A_357 : vector<16xi32>
            %ge3A_359 = arith.constant 8 : i32
            %ge3A_360 = arith.cmpi sge, %while3A_321, %ge3A_359 : i32
            %convert_element_type3A_361 = arith.extui %ge3A_360 : i1 to i32
            %cond3A_362 = arith.constant 0 : i32
            %cond3A_363 = arith.cmpi ne, %convert_element_type3A_361, %cond3A_362 : i32
            scf.if %cond3A_363 {
              %dma_wait3A_434 = arith.constant 0 : i32
              %dma_wait3A_435 = tpu.memref_slice %arg10[%dma_wait3A_434] : memref<512xf32, #tpu.memory_space<vmem>> -> memref<64xf32, #tpu.memory_space<vmem>>
              %dma_wait3A_436 = arith.constant 0 : i32
              %dma_wait3A_437 = tpu.memref_slice %arg4[%dma_wait3A_436] : memref<2097152xf32, #tpu.memory_space<hbm>> -> memref<64xf32, #tpu.memory_space<hbm>>
              %dma_wait3A_438 = arith.constant 0 : i32
              %dma_wait3A_439 = tpu.memref_slice %arg4[%dma_wait3A_438] : memref<2097152xf32, #tpu.memory_space<hbm>> -> memref<64xf32, #tpu.memory_space<hbm>>
              %dma_wait3A_440 = arith.constant 0 : i32
              %dma_wait3A_441 = tpu.memref_slice %arg10[%dma_wait3A_440] : memref<512xf32, #tpu.memory_space<vmem>> -> memref<64xf32, #tpu.memory_space<vmem>>
              tpu.wait_dma2 semaphore(%arg12 : memref<!tpu.dma_semaphore, #tpu.memory_space<semaphore_mem>>) src(%dma_wait3A_441 : memref<64xf32, #tpu.memory_space<vmem>>) dst(%dma_wait3A_439 : memref<64xf32, #tpu.memory_space<hbm>>)
            } else {
            }
            %jit3A_364 = arith.constant 8 : i32
            %eq3A_365 = arith.constant 0 : i32
            %eq3A_366 = arith.cmpi eq, %jit3A_364, %eq3A_365 : i32
            %jit3A_367 = arith.constant 1 : i32
            %select_n3A_368 = arith.select %eq3A_366, %jit3A_367, %jit3A_364 : i32
            %rem3A_369 = arith.remsi %while3A_321, %select_n3A_368 : i32
            %ne3A_370 = arith.constant 0 : i32
            %ne3A_371 = arith.cmpi ne, %rem3A_369, %ne3A_370 : i32
            %lt3A_372 = arith.constant 0 : i32
            %lt3A_373 = arith.cmpi slt, %rem3A_369, %lt3A_372 : i32
            %lt3A_374 = arith.constant 0 : i32
            %lt3A_375 = arith.cmpi slt, %select_n3A_368, %lt3A_374 : i32
            %ne3A_376 = arith.xori %lt3A_373, %lt3A_375 : i1
            %and3A_377 = arith.andi %ne3A_376, %ne3A_371 : i1
            %add3A_378 = arith.addi %rem3A_369, %select_n3A_368 : i32
            %select_n3A_379 = arith.select %and3A_377, %add3A_378, %rem3A_369 : i32
            %mul3A_380 = arith.constant 64 : i32
            %mul3A_381 = arith.muli %select_n3A_379, %mul3A_380 : i32
            %multiple_of3A_382 = tpu.assume_multiple %mul3A_381, 64 : i32
            %add3A_383 = arith.constant 0 : i32
            %add3A_384 = vector.broadcast %add3A_383 : i32 to vector<16xi32>
            %add3A_385 = arith.addi %add3A_384, %iota3A : vector<16xi32>
            %add3A_386 = vector.broadcast %multiple_of3A_197 : i32 to vector<16xi32>
            %add3A_387 = arith.addi %add3A_386, %add3A_385 : vector<16xi32>
            %gather3A = tpu.vector_load_idx %arg7[%add3A_387, %add3A_358] : memref<128x512xf32, #tpu.memory_space<vmem>>[vector<16xi32>, vector<16xi32>], vector<16xf32>,
            %add3A_388 = arith.constant 0 : i32
            %add3A_389 = arith.addi %multiple_of3A_382, %add3A_388 : i32
            %swap3A_390 = arith.index_cast %add3A_389 : i32 to index
            %swap3A_391 = tpu.vector_load %arg10[%swap3A_390] {strides = array<i32>} : memref<512xf32, #tpu.memory_space<vmem>>, vector<16xf32>,
            tpu.vector_store %arg10[%swap3A_390], %gather3A {strides = array<i32>} : memref<512xf32, #tpu.memory_space<vmem>>, vector<16xf32>,
            %add3A_392 = arith.constant 16 : i32
            %add3A_393 = vector.broadcast %add3A_392 : i32 to vector<16xi32>
            %add3A_394 = arith.addi %add3A_393, %iota3A : vector<16xi32>
            %add3A_395 = vector.broadcast %multiple_of3A_197 : i32 to vector<16xi32>
            %add3A_396 = arith.addi %add3A_395, %add3A_394 : vector<16xi32>
            %gather3A_397 = tpu.vector_load_idx %arg7[%add3A_396, %add3A_358] : memref<128x512xf32, #tpu.memory_space<vmem>>[vector<16xi32>, vector<16xi32>], vector<16xf32>,
            %add3A_398 = arith.constant 16 : i32
            %add3A_399 = arith.addi %multiple_of3A_382, %add3A_398 : i32
            %swap3A_400 = arith.index_cast %add3A_399 : i32 to index
            %swap3A_401 = tpu.vector_load %arg10[%swap3A_400] {strides = array<i32>} : memref<512xf32, #tpu.memory_space<vmem>>, vector<16xf32>,
            tpu.vector_store %arg10[%swap3A_400], %gather3A_397 {strides = array<i32>} : memref<512xf32, #tpu.memory_space<vmem>>, vector<16xf32>,
            %add3A_402 = arith.constant 32 : i32
            %add3A_403 = vector.broadcast %add3A_402 : i32 to vector<16xi32>
            %add3A_404 = arith.addi %add3A_403, %iota3A : vector<16xi32>
            %add3A_405 = vector.broadcast %multiple_of3A_197 : i32 to vector<16xi32>
            %add3A_406 = arith.addi %add3A_405, %add3A_404 : vector<16xi32>
            %gather3A_407 = tpu.vector_load_idx %arg7[%add3A_406, %add3A_358] : memref<128x512xf32, #tpu.memory_space<vmem>>[vector<16xi32>, vector<16xi32>], vector<16xf32>,
            %add3A_408 = arith.constant 32 : i32
            %add3A_409 = arith.addi %multiple_of3A_382, %add3A_408 : i32
            %swap3A_410 = arith.index_cast %add3A_409 : i32 to index
            %swap3A_411 = tpu.vector_load %arg10[%swap3A_410] {strides = array<i32>} : memref<512xf32, #tpu.memory_space<vmem>>, vector<16xf32>,
            tpu.vector_store %arg10[%swap3A_410], %gather3A_407 {strides = array<i32>} : memref<512xf32, #tpu.memory_space<vmem>>, vector<16xf32>,
            %add3A_412 = arith.constant 48 : i32
            %add3A_413 = vector.broadcast %add3A_412 : i32 to vector<16xi32>
            %add3A_414 = arith.addi %add3A_413, %iota3A : vector<16xi32>
            %add3A_415 = vector.broadcast %multiple_of3A_197 : i32 to vector<16xi32>
            %add3A_416 = arith.addi %add3A_415, %add3A_414 : vector<16xi32>
            %gather3A_417 = tpu.vector_load_idx %arg7[%add3A_416, %add3A_358] : memref<128x512xf32, #tpu.memory_space<vmem>>[vector<16xi32>, vector<16xi32>], vector<16xf32>,
            %add3A_418 = arith.constant 48 : i32
            %add3A_419 = arith.addi %multiple_of3A_382, %add3A_418 : i32
            %swap3A_420 = arith.index_cast %add3A_419 : i32 to index
            %swap3A_421 = tpu.vector_load %arg10[%swap3A_420] {strides = array<i32>} : memref<512xf32, #tpu.memory_space<vmem>>, vector<16xf32>,
            tpu.vector_store %arg10[%swap3A_420], %gather3A_417 {strides = array<i32>} : memref<512xf32, #tpu.memory_space<vmem>>, vector<16xf32>,
            %mul3A_422 = arith.constant 2 : i32
            %mul3A_423 = arith.muli %reduce_max3A_353, %mul3A_422 : i32
            %mul3A_424 = arith.constant 64 : i32
            %mul3A_425 = arith.muli %mul3A_423, %mul3A_424 : i32
            %dma_start3A_426 = tpu.memref_slice %arg10[%multiple_of3A_382] : memref<512xf32, #tpu.memory_space<vmem>> -> memref<64xf32, #tpu.memory_space<vmem>>
            %dma_start3A_427 = tpu.memref_slice %arg4[%mul3A_425] : memref<2097152xf32, #tpu.memory_space<hbm>> -> memref<64xf32, #tpu.memory_space<hbm>>
            %dma_start3A_428 = tpu.memref_slice %arg4[%mul3A_425] : memref<2097152xf32, #tpu.memory_space<hbm>> -> memref<64xf32, #tpu.memory_space<hbm>>
            %dma_start3A_429 = tpu.memref_slice %arg10[%multiple_of3A_382] : memref<512xf32, #tpu.memory_space<vmem>> -> memref<64xf32, #tpu.memory_space<vmem>>
            tpu.enqueue_dma source(%dma_start3A_429 : memref<64xf32, #tpu.memory_space<vmem>>) target(%dma_start3A_428 : memref<64xf32, #tpu.memory_space<hbm>>) target_semaphore(%arg12 : memref<!tpu.dma_semaphore, #tpu.memory_space<semaphore_mem>>)
            %not3A = arith.constant dense<true> : vector<16xi1>
            %not3A_430 = arith.xori %eq3A_331, %not3A : vector<16xi1>
            %and3A_431 = arith.andi %while3A_320, %not3A_430 : vector<16xi1>
            %add3A_432 = arith.constant 1 : i32
            %add3A_433 = arith.addi %while3A_321, %add3A_432 : i32
            scf.yield %and3A_431, %add3A_433 : vector<16xi1>, i32
          }
          scf.yield %while3A_319#1 : i32
        } else {
          scf.yield %while3A_232 : i32
        }
        scf.yield %cond3A_315 : i32
      }
      %while3A_222 = arith.constant 1 : i32
      %while3A_223 = scf.for %while3A_231 = %while3A_219 to %while3A_215 step %while3A_222 iter_args(%while3A_232 = %while3A_221) -> (i32)  : i32 {
        %mul3A_233 = arith.constant 64 : i32
        %mul3A_234 = arith.muli %while3A_231, %mul3A_233 : i32
        %add3A_235 = arith.constant 0 : i32
        %add3A_236 = arith.addi %mul3A_234, %add3A_235 : i32
        %multiple_of3A_237 = tpu.assume_multiple %add3A_236, 8 : i32
        %get3A = arith.index_cast %multiple_of3A_237 : i32 to index
        %get3A_238 = tpu.vector_load %arg6[%get3A] {strides = array<i32>} : memref<16448xi32, #tpu.memory_space<vmem>>, vector<16xi32>,
        %and3A_239 = arith.constant 32767 : i32
        %and3A_240 = vector.broadcast %and3A_239 : i32 to vector<16xi32>
        %and3A_241 = arith.andi %get3A_238, %and3A_240 : vector<16xi32>
        %shift_right_arithmetic3A = arith.constant 15 : i32
        %shift_right_arithmetic3A_242 = vector.broadcast %shift_right_arithmetic3A : i32 to vector<16xi32>
        %shift_right_arithmetic3A_243 = arith.shrsi %get3A_238, %shift_right_arithmetic3A_242 : vector<16xi32>
        %ge3A = vector.broadcast %mul3A_208 : i32 to vector<16xi32>
        %ge3A_244 = arith.cmpi sge, %and3A_241, %ge3A : vector<16xi32>
        %lt3A_245 = vector.broadcast %add3A_212 : i32 to vector<16xi32>
        %lt3A_246 = arith.cmpi slt, %and3A_241, %lt3A_245 : vector<16xi32>
        %and3A_247 = arith.andi %ge3A_244, %lt3A_246 : vector<16xi1>
        %mul3A_248 = arith.constant 64 : i32
        %mul3A_249 = arith.muli %while3A_231, %mul3A_248 : i32
        %add3A_250 = arith.constant 16 : i32
        %add3A_251 = arith.addi %mul3A_249, %add3A_250 : i32
        %multiple_of3A_252 = tpu.assume_multiple %add3A_251, 8 : i32
        %get3A_253 = arith.index_cast %multiple_of3A_252 : i32 to index
        %get3A_254 = tpu.vector_load %arg6[%get3A_253] {strides = array<i32>} : memref<16448xi32, #tpu.memory_space<vmem>>, vector<16xi32>,
        %and3A_255 = arith.constant 32767 : i32
        %and3A_256 = vector.broadcast %and3A_255 : i32 to vector<16xi32>
        %and3A_257 = arith.andi %get3A_254, %and3A_256 : vector<16xi32>
        %shift_right_arithmetic3A_258 = arith.constant 15 : i32
        %shift_right_arithmetic3A_259 = vector.broadcast %shift_right_arithmetic3A_258 : i32 to vector<16xi32>
        %shift_right_arithmetic3A_260 = arith.shrsi %get3A_254, %shift_right_arithmetic3A_259 : vector<16xi32>
        %ge3A_261 = vector.broadcast %mul3A_208 : i32 to vector<16xi32>
        %ge3A_262 = arith.cmpi sge, %and3A_257, %ge3A_261 : vector<16xi32>
        %lt3A_263 = vector.broadcast %add3A_212 : i32 to vector<16xi32>
        %lt3A_264 = arith.cmpi slt, %and3A_257, %lt3A_263 : vector<16xi32>
        %and3A_265 = arith.andi %ge3A_262, %lt3A_264 : vector<16xi1>
        %mul3A_266 = arith.constant 64 : i32
        %mul3A_267 = arith.muli %while3A_231, %mul3A_266 : i32
        %add3A_268 = arith.constant 32 : i32
        %add3A_269 = arith.addi %mul3A_267, %add3A_268 : i32
        %multiple_of3A_270 = tpu.assume_multiple %add3A_269, 8 : i32
        %get3A_271 = arith.index_cast %multiple_of3A_270 : i32 to index
        %get3A_272 = tpu.vector_load %arg6[%get3A_271] {strides = array<i32>} : memref<16448xi32, #tpu.memory_space<vmem>>, vector<16xi32>,
        %and3A_273 = arith.constant 32767 : i32
        %and3A_274 = vector.broadcast %and3A_273 : i32 to vector<16xi32>
        %and3A_275 = arith.andi %get3A_272, %and3A_274 : vector<16xi32>
        %shift_right_arithmetic3A_276 = arith.constant 15 : i32
        %shift_right_arithmetic3A_277 = vector.broadcast %shift_right_arithmetic3A_276 : i32 to vector<16xi32>
        %shift_right_arithmetic3A_278 = arith.shrsi %get3A_272, %shift_right_arithmetic3A_277 : vector<16xi32>
        %ge3A_279 = vector.broadcast %mul3A_208 : i32 to vector<16xi32>
        %ge3A_280 = arith.cmpi sge, %and3A_275, %ge3A_279 : vector<16xi32>
        %lt3A_281 = vector.broadcast %add3A_212 : i32 to vector<16xi32>
        %lt3A_282 = arith.cmpi slt, %and3A_275, %lt3A_281 : vector<16xi32>
        %and3A_283 = arith.andi %ge3A_280, %lt3A_282 : vector<16xi1>
        %mul3A_284 = arith.constant 64 : i32
        %mul3A_285 = arith.muli %while3A_231, %mul3A_284 : i32
        %add3A_286 = arith.constant 48 : i32
        %add3A_287 = arith.addi %mul3A_285, %add3A_286 : i32
        %multiple_of3A_288 = tpu.assume_multiple %add3A_287, 8 : i32
        %get3A_289 = arith.index_cast %multiple_of3A_288 : i32 to index
        %get3A_290 = tpu.vector_load %arg6[%get3A_289] {strides = array<i32>} : memref<16448xi32, #tpu.memory_space<vmem>>, vector<16xi32>,
        %and3A_291 = arith.constant 32767 : i32
        %and3A_292 = vector.broadcast %and3A_291 : i32 to vector<16xi32>
        %and3A_293 = arith.andi %get3A_290, %and3A_292 : vector<16xi32>
        %shift_right_arithmetic3A_294 = arith.constant 15 : i32
        %shift_right_arithmetic3A_295 = vector.broadcast %shift_right_arithmetic3A_294 : i32 to vector<16xi32>
        %shift_right_arithmetic3A_296 = arith.shrsi %get3A_290, %shift_right_arithmetic3A_295 : vector<16xi32>
        %ge3A_297 = vector.broadcast %mul3A_208 : i32 to vector<16xi32>
        %ge3A_298 = arith.cmpi sge, %and3A_293, %ge3A_297 : vector<16xi32>
        %lt3A_299 = vector.broadcast %add3A_212 : i32 to vector<16xi32>
        %lt3A_300 = arith.cmpi slt, %and3A_293, %lt3A_299 : vector<16xi32>
        %and3A_301 = arith.andi %ge3A_298, %lt3A_300 : vector<16xi1>
        %or3A = arith.ori %and3A_247, %and3A_265 : vector<16xi1>
        %or3A_302 = arith.ori %and3A_283, %and3A_301 : vector<16xi1>
        %or3A_303 = arith.ori %or3A, %or3A_302 : vector<16xi1>
        %all_reduce_population_count3A = tpu.all_reduce %or3A_303 {dim = 0 : i64, kind = #tpu.reduction_kind<sum>} : vector<16xi1> -> vector<16xi32>
        %reduce_max3A = arith.constant true
        %reduce_max3A_304 = vector.broadcast %reduce_max3A : i1 to vector<16xi1>
        %reduce_max3A_305 = arith.constant -2147483648 : i32
        %reduce_max3A_306 = vector.broadcast %reduce_max3A_305 : i32 to vector<16xi32>
        %reduce_max3A_307 = arith.xori %all_reduce_population_count3A, %reduce_max3A_306 : vector<16xi32>
        %reduce_max3A_308 = tpu.scan <max>, %reduce_max3A_307 masked %reduce_max3A_304 : vector<16xi32>, vector<16xi1> -> vector<16xi32>
        %reduce_max3A_309 = arith.xori %reduce_max3A_308, %reduce_max3A_306 : vector<16xi32>
        %reduce_max3A_310 = vector.extract %reduce_max3A_309[15] : i32 from vector<16xi32>
        %gt3A = arith.constant 0 : i32
        %gt3A_311 = arith.cmpi sgt, %reduce_max3A_310, %gt3A : i32
        %convert_element_type3A_312 = arith.extui %gt3A_311 : i1 to i32
        %cond3A_313 = arith.constant 0 : i32
        %cond3A_314 = arith.cmpi ne, %convert_element_type3A_312, %cond3A_313 : i32
        %cond3A_315 = scf.if %cond3A_314 -> (i32) {
          %while3A_316:2 = scf.while (%while3A_320 = %and3A_247, %while3A_321 = %while3A_232) : (vector<16xi1>, i32) -> (vector<16xi1>, i32) {
            %all_reduce_population_count3A_322 = tpu.all_reduce %while3A_320 {dim = 0 : i64, kind = #tpu.reduction_kind<sum>} : vector<16xi1> -> vector<16xi32>
            %reduce_max3A_323 = arith.constant true
            %reduce_max3A_324 = vector.broadcast %reduce_max3A_323 : i1 to vector<16xi1>
            %reduce_max3A_325 = arith.constant -2147483648 : i32
            %reduce_max3A_326 = vector.broadcast %reduce_max3A_325 : i32 to vector<16xi32>
            %reduce_max3A_327 = arith.xori %all_reduce_population_count3A_322, %reduce_max3A_326 : vector<16xi32>
            %reduce_max3A_328 = tpu.scan <max>, %reduce_max3A_327 masked %reduce_max3A_324 : vector<16xi32>, vector<16xi1> -> vector<16xi32>
            %reduce_max3A_329 = arith.xori %reduce_max3A_328, %reduce_max3A_326 : vector<16xi32>
            %reduce_max3A_330 = vector.extract %reduce_max3A_329[15] : i32 from vector<16xi32>
            %gt3A_331 = arith.constant 0 : i32
            %gt3A_332 = arith.cmpi sgt, %reduce_max3A_330, %gt3A_331 : i32
            scf.condition(%gt3A_332) %while3A_320, %while3A_321 : vector<16xi1>, i32
          } do {
          ^bb0(%while3A_320: vector<16xi1>, %while3A_321: i32):
            %all_reduce_ffs3A = tpu.all_reduce %while3A_320 {dim = 0 : i64, kind = #tpu.reduction_kind<find_first_set>} : vector<16xi1> -> vector<16xi32>
            %reduce_max3A_322 = arith.constant true
            %reduce_max3A_323 = vector.broadcast %reduce_max3A_322 : i1 to vector<16xi1>
            %reduce_max3A_324 = arith.constant -2147483648 : i32
            %reduce_max3A_325 = vector.broadcast %reduce_max3A_324 : i32 to vector<16xi32>
            %reduce_max3A_326 = arith.xori %all_reduce_ffs3A, %reduce_max3A_325 : vector<16xi32>
            %reduce_max3A_327 = tpu.scan <max>, %reduce_max3A_326 masked %reduce_max3A_323 : vector<16xi32>, vector<16xi1> -> vector<16xi32>
            %reduce_max3A_328 = arith.xori %reduce_max3A_327, %reduce_max3A_325 : vector<16xi32>
            %reduce_max3A_329 = vector.extract %reduce_max3A_328[15] : i32 from vector<16xi32>
            %eq3A_330 = vector.broadcast %reduce_max3A_329 : i32 to vector<16xi32>
            %eq3A_331 = arith.cmpi eq, %iota3A, %eq3A_330 : vector<16xi32>
            %jit3A_332 = arith.constant 0 : i32
            %broadcast_in_dim3A_333 = vector.broadcast %jit3A_332 : i32 to vector<16xi32>
            %select_n3A_334 = arith.select %eq3A_331, %and3A_241, %broadcast_in_dim3A_333 : vector<16xi1>, vector<16xi32>
            %reduce_max3A_335 = arith.constant true
            %reduce_max3A_336 = vector.broadcast %reduce_max3A_335 : i1 to vector<16xi1>
            %reduce_max3A_337 = arith.constant -2147483648 : i32
            %reduce_max3A_338 = vector.broadcast %reduce_max3A_337 : i32 to vector<16xi32>
            %reduce_max3A_339 = arith.xori %select_n3A_334, %reduce_max3A_338 : vector<16xi32>
            %reduce_max3A_340 = tpu.scan <max>, %reduce_max3A_339 masked %reduce_max3A_336 : vector<16xi32>, vector<16xi1> -> vector<16xi32>
            %reduce_max3A_341 = arith.xori %reduce_max3A_340, %reduce_max3A_338 : vector<16xi32>
            %reduce_max3A_342 = vector.extract %reduce_max3A_341[15] : i32 from vector<16xi32>
            %jit3A_343 = arith.constant 0 : i32
            %broadcast_in_dim3A_344 = vector.broadcast %jit3A_343 : i32 to vector<16xi32>
            %select_n3A_345 = arith.select %eq3A_331, %shift_right_arithmetic3A_243, %broadcast_in_dim3A_344 : vector<16xi1>, vector<16xi32>
            %reduce_max3A_346 = arith.constant true
            %reduce_max3A_347 = vector.broadcast %reduce_max3A_346 : i1 to vector<16xi1>
            %reduce_max3A_348 = arith.constant -2147483648 : i32
            %reduce_max3A_349 = vector.broadcast %reduce_max3A_348 : i32 to vector<16xi32>
            %reduce_max3A_350 = arith.xori %select_n3A_345, %reduce_max3A_349 : vector<16xi32>
            %reduce_max3A_351 = tpu.scan <max>, %reduce_max3A_350 masked %reduce_max3A_347 : vector<16xi32>, vector<16xi1> -> vector<16xi32>
            %reduce_max3A_352 = arith.xori %reduce_max3A_351, %reduce_max3A_349 : vector<16xi32>
            %reduce_max3A_353 = vector.extract %reduce_max3A_352[15] : i32 from vector<16xi32>
            %broadcast_in_dim3A_354 = arith.constant 0 : i32
            %broadcast_in_dim3A_355 = vector.broadcast %broadcast_in_dim3A_354 : i32 to vector<16xi32>
            %sub3A_356 = arith.subi %reduce_max3A_342, %mul3A_208 : i32
            %add3A_357 = vector.broadcast %sub3A_356 : i32 to vector<16xi32>
            %add3A_358 = arith.addi %broadcast_in_dim3A_355, %add3A_357 : vector<16xi32>
            %ge3A_359 = arith.constant 8 : i32
            %ge3A_360 = arith.cmpi sge, %while3A_321, %ge3A_359 : i32
            %convert_element_type3A_361 = arith.extui %ge3A_360 : i1 to i32
            %cond3A_362 = arith.constant 0 : i32
            %cond3A_363 = arith.cmpi ne, %convert_element_type3A_361, %cond3A_362 : i32
            scf.if %cond3A_363 {
              %dma_wait3A_434 = arith.constant 0 : i32
              %dma_wait3A_435 = tpu.memref_slice %arg10[%dma_wait3A_434] : memref<512xf32, #tpu.memory_space<vmem>> -> memref<64xf32, #tpu.memory_space<vmem>>
              %dma_wait3A_436 = arith.constant 0 : i32
              %dma_wait3A_437 = tpu.memref_slice %arg4[%dma_wait3A_436] : memref<2097152xf32, #tpu.memory_space<hbm>> -> memref<64xf32, #tpu.memory_space<hbm>>
              %dma_wait3A_438 = arith.constant 0 : i32
              %dma_wait3A_439 = tpu.memref_slice %arg4[%dma_wait3A_438] : memref<2097152xf32, #tpu.memory_space<hbm>> -> memref<64xf32, #tpu.memory_space<hbm>>
              %dma_wait3A_440 = arith.constant 0 : i32
              %dma_wait3A_441 = tpu.memref_slice %arg10[%dma_wait3A_440] : memref<512xf32, #tpu.memory_space<vmem>> -> memref<64xf32, #tpu.memory_space<vmem>>
              tpu.wait_dma2 semaphore(%arg12 : memref<!tpu.dma_semaphore, #tpu.memory_space<semaphore_mem>>) src(%dma_wait3A_441 : memref<64xf32, #tpu.memory_space<vmem>>) dst(%dma_wait3A_439 : memref<64xf32, #tpu.memory_space<hbm>>)
            } else {
            }
            %jit3A_364 = arith.constant 8 : i32
            %eq3A_365 = arith.constant 0 : i32
            %eq3A_366 = arith.cmpi eq, %jit3A_364, %eq3A_365 : i32
            %jit3A_367 = arith.constant 1 : i32
            %select_n3A_368 = arith.select %eq3A_366, %jit3A_367, %jit3A_364 : i32
            %rem3A_369 = arith.remsi %while3A_321, %select_n3A_368 : i32
            %ne3A_370 = arith.constant 0 : i32
            %ne3A_371 = arith.cmpi ne, %rem3A_369, %ne3A_370 : i32
            %lt3A_372 = arith.constant 0 : i32
            %lt3A_373 = arith.cmpi slt, %rem3A_369, %lt3A_372 : i32
            %lt3A_374 = arith.constant 0 : i32
            %lt3A_375 = arith.cmpi slt, %select_n3A_368, %lt3A_374 : i32
            %ne3A_376 = arith.xori %lt3A_373, %lt3A_375 : i1
            %and3A_377 = arith.andi %ne3A_376, %ne3A_371 : i1
            %add3A_378 = arith.addi %rem3A_369, %select_n3A_368 : i32
            %select_n3A_379 = arith.select %and3A_377, %add3A_378, %rem3A_369 : i32
            %mul3A_380 = arith.constant 64 : i32
            %mul3A_381 = arith.muli %select_n3A_379, %mul3A_380 : i32
            %multiple_of3A_382 = tpu.assume_multiple %mul3A_381, 64 : i32
            %add3A_383 = arith.constant 0 : i32
            %add3A_384 = vector.broadcast %add3A_383 : i32 to vector<16xi32>
            %add3A_385 = arith.addi %add3A_384, %iota3A : vector<16xi32>
            %add3A_386 = vector.broadcast %multiple_of3A_197 : i32 to vector<16xi32>
            %add3A_387 = arith.addi %add3A_386, %add3A_385 : vector<16xi32>
            %gather3A = tpu.vector_load_idx %arg7[%add3A_387, %add3A_358] : memref<128x512xf32, #tpu.memory_space<vmem>>[vector<16xi32>, vector<16xi32>], vector<16xf32>,
            %add3A_388 = arith.constant 0 : i32
            %add3A_389 = arith.addi %multiple_of3A_382, %add3A_388 : i32
            %swap3A_390 = arith.index_cast %add3A_389 : i32 to index
            %swap3A_391 = tpu.vector_load %arg10[%swap3A_390] {strides = array<i32>} : memref<512xf32, #tpu.memory_space<vmem>>, vector<16xf32>,
            tpu.vector_store %arg10[%swap3A_390], %gather3A {strides = array<i32>} : memref<512xf32, #tpu.memory_space<vmem>>, vector<16xf32>,
            %add3A_392 = arith.constant 16 : i32
            %add3A_393 = vector.broadcast %add3A_392 : i32 to vector<16xi32>
            %add3A_394 = arith.addi %add3A_393, %iota3A : vector<16xi32>
            %add3A_395 = vector.broadcast %multiple_of3A_197 : i32 to vector<16xi32>
            %add3A_396 = arith.addi %add3A_395, %add3A_394 : vector<16xi32>
            %gather3A_397 = tpu.vector_load_idx %arg7[%add3A_396, %add3A_358] : memref<128x512xf32, #tpu.memory_space<vmem>>[vector<16xi32>, vector<16xi32>], vector<16xf32>,
            %add3A_398 = arith.constant 16 : i32
            %add3A_399 = arith.addi %multiple_of3A_382, %add3A_398 : i32
            %swap3A_400 = arith.index_cast %add3A_399 : i32 to index
            %swap3A_401 = tpu.vector_load %arg10[%swap3A_400] {strides = array<i32>} : memref<512xf32, #tpu.memory_space<vmem>>, vector<16xf32>,
            tpu.vector_store %arg10[%swap3A_400], %gather3A_397 {strides = array<i32>} : memref<512xf32, #tpu.memory_space<vmem>>, vector<16xf32>,
            %add3A_402 = arith.constant 32 : i32
            %add3A_403 = vector.broadcast %add3A_402 : i32 to vector<16xi32>
            %add3A_404 = arith.addi %add3A_403, %iota3A : vector<16xi32>
            %add3A_405 = vector.broadcast %multiple_of3A_197 : i32 to vector<16xi32>
            %add3A_406 = arith.addi %add3A_405, %add3A_404 : vector<16xi32>
            %gather3A_407 = tpu.vector_load_idx %arg7[%add3A_406, %add3A_358] : memref<128x512xf32, #tpu.memory_space<vmem>>[vector<16xi32>, vector<16xi32>], vector<16xf32>,
            %add3A_408 = arith.constant 32 : i32
            %add3A_409 = arith.addi %multiple_of3A_382, %add3A_408 : i32
            %swap3A_410 = arith.index_cast %add3A_409 : i32 to index
            %swap3A_411 = tpu.vector_load %arg10[%swap3A_410] {strides = array<i32>} : memref<512xf32, #tpu.memory_space<vmem>>, vector<16xf32>,
            tpu.vector_store %arg10[%swap3A_410], %gather3A_407 {strides = array<i32>} : memref<512xf32, #tpu.memory_space<vmem>>, vector<16xf32>,
            %add3A_412 = arith.constant 48 : i32
            %add3A_413 = vector.broadcast %add3A_412 : i32 to vector<16xi32>
            %add3A_414 = arith.addi %add3A_413, %iota3A : vector<16xi32>
            %add3A_415 = vector.broadcast %multiple_of3A_197 : i32 to vector<16xi32>
            %add3A_416 = arith.addi %add3A_415, %add3A_414 : vector<16xi32>
            %gather3A_417 = tpu.vector_load_idx %arg7[%add3A_416, %add3A_358] : memref<128x512xf32, #tpu.memory_space<vmem>>[vector<16xi32>, vector<16xi32>], vector<16xf32>,
            %add3A_418 = arith.constant 48 : i32
            %add3A_419 = arith.addi %multiple_of3A_382, %add3A_418 : i32
            %swap3A_420 = arith.index_cast %add3A_419 : i32 to index
            %swap3A_421 = tpu.vector_load %arg10[%swap3A_420] {strides = array<i32>} : memref<512xf32, #tpu.memory_space<vmem>>, vector<16xf32>,
            tpu.vector_store %arg10[%swap3A_420], %gather3A_417 {strides = array<i32>} : memref<512xf32, #tpu.memory_space<vmem>>, vector<16xf32>,
            %mul3A_422 = arith.constant 2 : i32
            %mul3A_423 = arith.muli %reduce_max3A_353, %mul3A_422 : i32
            %mul3A_424 = arith.constant 64 : i32
            %mul3A_425 = arith.muli %mul3A_423, %mul3A_424 : i32
            %dma_start3A_426 = tpu.memref_slice %arg10[%multiple_of3A_382] : memref<512xf32, #tpu.memory_space<vmem>> -> memref<64xf32, #tpu.memory_space<vmem>>
            %dma_start3A_427 = tpu.memref_slice %arg4[%mul3A_425] : memref<2097152xf32, #tpu.memory_space<hbm>> -> memref<64xf32, #tpu.memory_space<hbm>>
            %dma_start3A_428 = tpu.memref_slice %arg4[%mul3A_425] : memref<2097152xf32, #tpu.memory_space<hbm>> -> memref<64xf32, #tpu.memory_space<hbm>>
            %dma_start3A_429 = tpu.memref_slice %arg10[%multiple_of3A_382] : memref<512xf32, #tpu.memory_space<vmem>> -> memref<64xf32, #tpu.memory_space<vmem>>
            tpu.enqueue_dma source(%dma_start3A_429 : memref<64xf32, #tpu.memory_space<vmem>>) target(%dma_start3A_428 : memref<64xf32, #tpu.memory_space<hbm>>) target_semaphore(%arg12 : memref<!tpu.dma_semaphore, #tpu.memory_space<semaphore_mem>>)
            %not3A = arith.constant dense<true> : vector<16xi1>
            %not3A_430 = arith.xori %eq3A_331, %not3A : vector<16xi1>
            %and3A_431 = arith.andi %while3A_320, %not3A_430 : vector<16xi1>
            %add3A_432 = arith.constant 1 : i32
            %add3A_433 = arith.addi %while3A_321, %add3A_432 : i32
            scf.yield %and3A_431, %add3A_433 : vector<16xi1>, i32
          }
          %while3A_317:2 = scf.while (%while3A_320 = %and3A_265, %while3A_321 = %while3A_316#1) : (vector<16xi1>, i32) -> (vector<16xi1>, i32) {
            %all_reduce_population_count3A_322 = tpu.all_reduce %while3A_320 {dim = 0 : i64, kind = #tpu.reduction_kind<sum>} : vector<16xi1> -> vector<16xi32>
            %reduce_max3A_323 = arith.constant true
            %reduce_max3A_324 = vector.broadcast %reduce_max3A_323 : i1 to vector<16xi1>
            %reduce_max3A_325 = arith.constant -2147483648 : i32
            %reduce_max3A_326 = vector.broadcast %reduce_max3A_325 : i32 to vector<16xi32>
            %reduce_max3A_327 = arith.xori %all_reduce_population_count3A_322, %reduce_max3A_326 : vector<16xi32>
            %reduce_max3A_328 = tpu.scan <max>, %reduce_max3A_327 masked %reduce_max3A_324 : vector<16xi32>, vector<16xi1> -> vector<16xi32>
            %reduce_max3A_329 = arith.xori %reduce_max3A_328, %reduce_max3A_326 : vector<16xi32>
            %reduce_max3A_330 = vector.extract %reduce_max3A_329[15] : i32 from vector<16xi32>
            %gt3A_331 = arith.constant 0 : i32
            %gt3A_332 = arith.cmpi sgt, %reduce_max3A_330, %gt3A_331 : i32
            scf.condition(%gt3A_332) %while3A_320, %while3A_321 : vector<16xi1>, i32
          } do {
          ^bb0(%while3A_320: vector<16xi1>, %while3A_321: i32):
            %all_reduce_ffs3A = tpu.all_reduce %while3A_320 {dim = 0 : i64, kind = #tpu.reduction_kind<find_first_set>} : vector<16xi1> -> vector<16xi32>
            %reduce_max3A_322 = arith.constant true
            %reduce_max3A_323 = vector.broadcast %reduce_max3A_322 : i1 to vector<16xi1>
            %reduce_max3A_324 = arith.constant -2147483648 : i32
            %reduce_max3A_325 = vector.broadcast %reduce_max3A_324 : i32 to vector<16xi32>
            %reduce_max3A_326 = arith.xori %all_reduce_ffs3A, %reduce_max3A_325 : vector<16xi32>
            %reduce_max3A_327 = tpu.scan <max>, %reduce_max3A_326 masked %reduce_max3A_323 : vector<16xi32>, vector<16xi1> -> vector<16xi32>
            %reduce_max3A_328 = arith.xori %reduce_max3A_327, %reduce_max3A_325 : vector<16xi32>
            %reduce_max3A_329 = vector.extract %reduce_max3A_328[15] : i32 from vector<16xi32>
            %eq3A_330 = vector.broadcast %reduce_max3A_329 : i32 to vector<16xi32>
            %eq3A_331 = arith.cmpi eq, %iota3A, %eq3A_330 : vector<16xi32>
            %jit3A_332 = arith.constant 0 : i32
            %broadcast_in_dim3A_333 = vector.broadcast %jit3A_332 : i32 to vector<16xi32>
            %select_n3A_334 = arith.select %eq3A_331, %and3A_257, %broadcast_in_dim3A_333 : vector<16xi1>, vector<16xi32>
            %reduce_max3A_335 = arith.constant true
            %reduce_max3A_336 = vector.broadcast %reduce_max3A_335 : i1 to vector<16xi1>
            %reduce_max3A_337 = arith.constant -2147483648 : i32
            %reduce_max3A_338 = vector.broadcast %reduce_max3A_337 : i32 to vector<16xi32>
            %reduce_max3A_339 = arith.xori %select_n3A_334, %reduce_max3A_338 : vector<16xi32>
            %reduce_max3A_340 = tpu.scan <max>, %reduce_max3A_339 masked %reduce_max3A_336 : vector<16xi32>, vector<16xi1> -> vector<16xi32>
            %reduce_max3A_341 = arith.xori %reduce_max3A_340, %reduce_max3A_338 : vector<16xi32>
            %reduce_max3A_342 = vector.extract %reduce_max3A_341[15] : i32 from vector<16xi32>
            %jit3A_343 = arith.constant 0 : i32
            %broadcast_in_dim3A_344 = vector.broadcast %jit3A_343 : i32 to vector<16xi32>
            %select_n3A_345 = arith.select %eq3A_331, %shift_right_arithmetic3A_260, %broadcast_in_dim3A_344 : vector<16xi1>, vector<16xi32>
            %reduce_max3A_346 = arith.constant true
            %reduce_max3A_347 = vector.broadcast %reduce_max3A_346 : i1 to vector<16xi1>
            %reduce_max3A_348 = arith.constant -2147483648 : i32
            %reduce_max3A_349 = vector.broadcast %reduce_max3A_348 : i32 to vector<16xi32>
            %reduce_max3A_350 = arith.xori %select_n3A_345, %reduce_max3A_349 : vector<16xi32>
            %reduce_max3A_351 = tpu.scan <max>, %reduce_max3A_350 masked %reduce_max3A_347 : vector<16xi32>, vector<16xi1> -> vector<16xi32>
            %reduce_max3A_352 = arith.xori %reduce_max3A_351, %reduce_max3A_349 : vector<16xi32>
            %reduce_max3A_353 = vector.extract %reduce_max3A_352[15] : i32 from vector<16xi32>
            %broadcast_in_dim3A_354 = arith.constant 0 : i32
            %broadcast_in_dim3A_355 = vector.broadcast %broadcast_in_dim3A_354 : i32 to vector<16xi32>
            %sub3A_356 = arith.subi %reduce_max3A_342, %mul3A_208 : i32
            %add3A_357 = vector.broadcast %sub3A_356 : i32 to vector<16xi32>
            %add3A_358 = arith.addi %broadcast_in_dim3A_355, %add3A_357 : vector<16xi32>
            %ge3A_359 = arith.constant 8 : i32
            %ge3A_360 = arith.cmpi sge, %while3A_321, %ge3A_359 : i32
            %convert_element_type3A_361 = arith.extui %ge3A_360 : i1 to i32
            %cond3A_362 = arith.constant 0 : i32
            %cond3A_363 = arith.cmpi ne, %convert_element_type3A_361, %cond3A_362 : i32
            scf.if %cond3A_363 {
              %dma_wait3A_434 = arith.constant 0 : i32
              %dma_wait3A_435 = tpu.memref_slice %arg10[%dma_wait3A_434] : memref<512xf32, #tpu.memory_space<vmem>> -> memref<64xf32, #tpu.memory_space<vmem>>
              %dma_wait3A_436 = arith.constant 0 : i32
              %dma_wait3A_437 = tpu.memref_slice %arg4[%dma_wait3A_436] : memref<2097152xf32, #tpu.memory_space<hbm>> -> memref<64xf32, #tpu.memory_space<hbm>>
              %dma_wait3A_438 = arith.constant 0 : i32
              %dma_wait3A_439 = tpu.memref_slice %arg4[%dma_wait3A_438] : memref<2097152xf32, #tpu.memory_space<hbm>> -> memref<64xf32, #tpu.memory_space<hbm>>
              %dma_wait3A_440 = arith.constant 0 : i32
              %dma_wait3A_441 = tpu.memref_slice %arg10[%dma_wait3A_440] : memref<512xf32, #tpu.memory_space<vmem>> -> memref<64xf32, #tpu.memory_space<vmem>>
              tpu.wait_dma2 semaphore(%arg12 : memref<!tpu.dma_semaphore, #tpu.memory_space<semaphore_mem>>) src(%dma_wait3A_441 : memref<64xf32, #tpu.memory_space<vmem>>) dst(%dma_wait3A_439 : memref<64xf32, #tpu.memory_space<hbm>>)
            } else {
            }
            %jit3A_364 = arith.constant 8 : i32
            %eq3A_365 = arith.constant 0 : i32
            %eq3A_366 = arith.cmpi eq, %jit3A_364, %eq3A_365 : i32
            %jit3A_367 = arith.constant 1 : i32
            %select_n3A_368 = arith.select %eq3A_366, %jit3A_367, %jit3A_364 : i32
            %rem3A_369 = arith.remsi %while3A_321, %select_n3A_368 : i32
            %ne3A_370 = arith.constant 0 : i32
            %ne3A_371 = arith.cmpi ne, %rem3A_369, %ne3A_370 : i32
            %lt3A_372 = arith.constant 0 : i32
            %lt3A_373 = arith.cmpi slt, %rem3A_369, %lt3A_372 : i32
            %lt3A_374 = arith.constant 0 : i32
            %lt3A_375 = arith.cmpi slt, %select_n3A_368, %lt3A_374 : i32
            %ne3A_376 = arith.xori %lt3A_373, %lt3A_375 : i1
            %and3A_377 = arith.andi %ne3A_376, %ne3A_371 : i1
            %add3A_378 = arith.addi %rem3A_369, %select_n3A_368 : i32
            %select_n3A_379 = arith.select %and3A_377, %add3A_378, %rem3A_369 : i32
            %mul3A_380 = arith.constant 64 : i32
            %mul3A_381 = arith.muli %select_n3A_379, %mul3A_380 : i32
            %multiple_of3A_382 = tpu.assume_multiple %mul3A_381, 64 : i32
            %add3A_383 = arith.constant 0 : i32
            %add3A_384 = vector.broadcast %add3A_383 : i32 to vector<16xi32>
            %add3A_385 = arith.addi %add3A_384, %iota3A : vector<16xi32>
            %add3A_386 = vector.broadcast %multiple_of3A_197 : i32 to vector<16xi32>
            %add3A_387 = arith.addi %add3A_386, %add3A_385 : vector<16xi32>
            %gather3A = tpu.vector_load_idx %arg7[%add3A_387, %add3A_358] : memref<128x512xf32, #tpu.memory_space<vmem>>[vector<16xi32>, vector<16xi32>], vector<16xf32>,
            %add3A_388 = arith.constant 0 : i32
            %add3A_389 = arith.addi %multiple_of3A_382, %add3A_388 : i32
            %swap3A_390 = arith.index_cast %add3A_389 : i32 to index
            %swap3A_391 = tpu.vector_load %arg10[%swap3A_390] {strides = array<i32>} : memref<512xf32, #tpu.memory_space<vmem>>, vector<16xf32>,
            tpu.vector_store %arg10[%swap3A_390], %gather3A {strides = array<i32>} : memref<512xf32, #tpu.memory_space<vmem>>, vector<16xf32>,
            %add3A_392 = arith.constant 16 : i32
            %add3A_393 = vector.broadcast %add3A_392 : i32 to vector<16xi32>
            %add3A_394 = arith.addi %add3A_393, %iota3A : vector<16xi32>
            %add3A_395 = vector.broadcast %multiple_of3A_197 : i32 to vector<16xi32>
            %add3A_396 = arith.addi %add3A_395, %add3A_394 : vector<16xi32>
            %gather3A_397 = tpu.vector_load_idx %arg7[%add3A_396, %add3A_358] : memref<128x512xf32, #tpu.memory_space<vmem>>[vector<16xi32>, vector<16xi32>], vector<16xf32>,
            %add3A_398 = arith.constant 16 : i32
            %add3A_399 = arith.addi %multiple_of3A_382, %add3A_398 : i32
            %swap3A_400 = arith.index_cast %add3A_399 : i32 to index
            %swap3A_401 = tpu.vector_load %arg10[%swap3A_400] {strides = array<i32>} : memref<512xf32, #tpu.memory_space<vmem>>, vector<16xf32>,
            tpu.vector_store %arg10[%swap3A_400], %gather3A_397 {strides = array<i32>} : memref<512xf32, #tpu.memory_space<vmem>>, vector<16xf32>,
            %add3A_402 = arith.constant 32 : i32
            %add3A_403 = vector.broadcast %add3A_402 : i32 to vector<16xi32>
            %add3A_404 = arith.addi %add3A_403, %iota3A : vector<16xi32>
            %add3A_405 = vector.broadcast %multiple_of3A_197 : i32 to vector<16xi32>
            %add3A_406 = arith.addi %add3A_405, %add3A_404 : vector<16xi32>
            %gather3A_407 = tpu.vector_load_idx %arg7[%add3A_406, %add3A_358] : memref<128x512xf32, #tpu.memory_space<vmem>>[vector<16xi32>, vector<16xi32>], vector<16xf32>,
            %add3A_408 = arith.constant 32 : i32
            %add3A_409 = arith.addi %multiple_of3A_382, %add3A_408 : i32
            %swap3A_410 = arith.index_cast %add3A_409 : i32 to index
            %swap3A_411 = tpu.vector_load %arg10[%swap3A_410] {strides = array<i32>} : memref<512xf32, #tpu.memory_space<vmem>>, vector<16xf32>,
            tpu.vector_store %arg10[%swap3A_410], %gather3A_407 {strides = array<i32>} : memref<512xf32, #tpu.memory_space<vmem>>, vector<16xf32>,
            %add3A_412 = arith.constant 48 : i32
            %add3A_413 = vector.broadcast %add3A_412 : i32 to vector<16xi32>
            %add3A_414 = arith.addi %add3A_413, %iota3A : vector<16xi32>
            %add3A_415 = vector.broadcast %multiple_of3A_197 : i32 to vector<16xi32>
            %add3A_416 = arith.addi %add3A_415, %add3A_414 : vector<16xi32>
            %gather3A_417 = tpu.vector_load_idx %arg7[%add3A_416, %add3A_358] : memref<128x512xf32, #tpu.memory_space<vmem>>[vector<16xi32>, vector<16xi32>], vector<16xf32>,
            %add3A_418 = arith.constant 48 : i32
            %add3A_419 = arith.addi %multiple_of3A_382, %add3A_418 : i32
            %swap3A_420 = arith.index_cast %add3A_419 : i32 to index
            %swap3A_421 = tpu.vector_load %arg10[%swap3A_420] {strides = array<i32>} : memref<512xf32, #tpu.memory_space<vmem>>, vector<16xf32>,
            tpu.vector_store %arg10[%swap3A_420], %gather3A_417 {strides = array<i32>} : memref<512xf32, #tpu.memory_space<vmem>>, vector<16xf32>,
            %mul3A_422 = arith.constant 2 : i32
            %mul3A_423 = arith.muli %reduce_max3A_353, %mul3A_422 : i32
            %mul3A_424 = arith.constant 64 : i32
            %mul3A_425 = arith.muli %mul3A_423, %mul3A_424 : i32
            %dma_start3A_426 = tpu.memref_slice %arg10[%multiple_of3A_382] : memref<512xf32, #tpu.memory_space<vmem>> -> memref<64xf32, #tpu.memory_space<vmem>>
            %dma_start3A_427 = tpu.memref_slice %arg4[%mul3A_425] : memref<2097152xf32, #tpu.memory_space<hbm>> -> memref<64xf32, #tpu.memory_space<hbm>>
            %dma_start3A_428 = tpu.memref_slice %arg4[%mul3A_425] : memref<2097152xf32, #tpu.memory_space<hbm>> -> memref<64xf32, #tpu.memory_space<hbm>>
            %dma_start3A_429 = tpu.memref_slice %arg10[%multiple_of3A_382] : memref<512xf32, #tpu.memory_space<vmem>> -> memref<64xf32, #tpu.memory_space<vmem>>
            tpu.enqueue_dma source(%dma_start3A_429 : memref<64xf32, #tpu.memory_space<vmem>>) target(%dma_start3A_428 : memref<64xf32, #tpu.memory_space<hbm>>) target_semaphore(%arg12 : memref<!tpu.dma_semaphore, #tpu.memory_space<semaphore_mem>>)
            %not3A = arith.constant dense<true> : vector<16xi1>
            %not3A_430 = arith.xori %eq3A_331, %not3A : vector<16xi1>
            %and3A_431 = arith.andi %while3A_320, %not3A_430 : vector<16xi1>
            %add3A_432 = arith.constant 1 : i32
            %add3A_433 = arith.addi %while3A_321, %add3A_432 : i32
            scf.yield %and3A_431, %add3A_433 : vector<16xi1>, i32
          }
          %while3A_318:2 = scf.while (%while3A_320 = %and3A_283, %while3A_321 = %while3A_317#1) : (vector<16xi1>, i32) -> (vector<16xi1>, i32) {
            %all_reduce_population_count3A_322 = tpu.all_reduce %while3A_320 {dim = 0 : i64, kind = #tpu.reduction_kind<sum>} : vector<16xi1> -> vector<16xi32>
            %reduce_max3A_323 = arith.constant true
            %reduce_max3A_324 = vector.broadcast %reduce_max3A_323 : i1 to vector<16xi1>
            %reduce_max3A_325 = arith.constant -2147483648 : i32
            %reduce_max3A_326 = vector.broadcast %reduce_max3A_325 : i32 to vector<16xi32>
            %reduce_max3A_327 = arith.xori %all_reduce_population_count3A_322, %reduce_max3A_326 : vector<16xi32>
            %reduce_max3A_328 = tpu.scan <max>, %reduce_max3A_327 masked %reduce_max3A_324 : vector<16xi32>, vector<16xi1> -> vector<16xi32>
            %reduce_max3A_329 = arith.xori %reduce_max3A_328, %reduce_max3A_326 : vector<16xi32>
            %reduce_max3A_330 = vector.extract %reduce_max3A_329[15] : i32 from vector<16xi32>
            %gt3A_331 = arith.constant 0 : i32
            %gt3A_332 = arith.cmpi sgt, %reduce_max3A_330, %gt3A_331 : i32
            scf.condition(%gt3A_332) %while3A_320, %while3A_321 : vector<16xi1>, i32
          } do {
          ^bb0(%while3A_320: vector<16xi1>, %while3A_321: i32):
            %all_reduce_ffs3A = tpu.all_reduce %while3A_320 {dim = 0 : i64, kind = #tpu.reduction_kind<find_first_set>} : vector<16xi1> -> vector<16xi32>
            %reduce_max3A_322 = arith.constant true
            %reduce_max3A_323 = vector.broadcast %reduce_max3A_322 : i1 to vector<16xi1>
            %reduce_max3A_324 = arith.constant -2147483648 : i32
            %reduce_max3A_325 = vector.broadcast %reduce_max3A_324 : i32 to vector<16xi32>
            %reduce_max3A_326 = arith.xori %all_reduce_ffs3A, %reduce_max3A_325 : vector<16xi32>
            %reduce_max3A_327 = tpu.scan <max>, %reduce_max3A_326 masked %reduce_max3A_323 : vector<16xi32>, vector<16xi1> -> vector<16xi32>
            %reduce_max3A_328 = arith.xori %reduce_max3A_327, %reduce_max3A_325 : vector<16xi32>
            %reduce_max3A_329 = vector.extract %reduce_max3A_328[15] : i32 from vector<16xi32>
            %eq3A_330 = vector.broadcast %reduce_max3A_329 : i32 to vector<16xi32>
            %eq3A_331 = arith.cmpi eq, %iota3A, %eq3A_330 : vector<16xi32>
            %jit3A_332 = arith.constant 0 : i32
            %broadcast_in_dim3A_333 = vector.broadcast %jit3A_332 : i32 to vector<16xi32>
            %select_n3A_334 = arith.select %eq3A_331, %and3A_275, %broadcast_in_dim3A_333 : vector<16xi1>, vector<16xi32>
            %reduce_max3A_335 = arith.constant true
            %reduce_max3A_336 = vector.broadcast %reduce_max3A_335 : i1 to vector<16xi1>
            %reduce_max3A_337 = arith.constant -2147483648 : i32
            %reduce_max3A_338 = vector.broadcast %reduce_max3A_337 : i32 to vector<16xi32>
            %reduce_max3A_339 = arith.xori %select_n3A_334, %reduce_max3A_338 : vector<16xi32>
            %reduce_max3A_340 = tpu.scan <max>, %reduce_max3A_339 masked %reduce_max3A_336 : vector<16xi32>, vector<16xi1> -> vector<16xi32>
            %reduce_max3A_341 = arith.xori %reduce_max3A_340, %reduce_max3A_338 : vector<16xi32>
            %reduce_max3A_342 = vector.extract %reduce_max3A_341[15] : i32 from vector<16xi32>
            %jit3A_343 = arith.constant 0 : i32
            %broadcast_in_dim3A_344 = vector.broadcast %jit3A_343 : i32 to vector<16xi32>
            %select_n3A_345 = arith.select %eq3A_331, %shift_right_arithmetic3A_278, %broadcast_in_dim3A_344 : vector<16xi1>, vector<16xi32>
            %reduce_max3A_346 = arith.constant true
            %reduce_max3A_347 = vector.broadcast %reduce_max3A_346 : i1 to vector<16xi1>
            %reduce_max3A_348 = arith.constant -2147483648 : i32
            %reduce_max3A_349 = vector.broadcast %reduce_max3A_348 : i32 to vector<16xi32>
            %reduce_max3A_350 = arith.xori %select_n3A_345, %reduce_max3A_349 : vector<16xi32>
            %reduce_max3A_351 = tpu.scan <max>, %reduce_max3A_350 masked %reduce_max3A_347 : vector<16xi32>, vector<16xi1> -> vector<16xi32>
            %reduce_max3A_352 = arith.xori %reduce_max3A_351, %reduce_max3A_349 : vector<16xi32>
            %reduce_max3A_353 = vector.extract %reduce_max3A_352[15] : i32 from vector<16xi32>
            %broadcast_in_dim3A_354 = arith.constant 0 : i32
            %broadcast_in_dim3A_355 = vector.broadcast %broadcast_in_dim3A_354 : i32 to vector<16xi32>
            %sub3A_356 = arith.subi %reduce_max3A_342, %mul3A_208 : i32
            %add3A_357 = vector.broadcast %sub3A_356 : i32 to vector<16xi32>
            %add3A_358 = arith.addi %broadcast_in_dim3A_355, %add3A_357 : vector<16xi32>
            %ge3A_359 = arith.constant 8 : i32
            %ge3A_360 = arith.cmpi sge, %while3A_321, %ge3A_359 : i32
            %convert_element_type3A_361 = arith.extui %ge3A_360 : i1 to i32
            %cond3A_362 = arith.constant 0 : i32
            %cond3A_363 = arith.cmpi ne, %convert_element_type3A_361, %cond3A_362 : i32
            scf.if %cond3A_363 {
              %dma_wait3A_434 = arith.constant 0 : i32
              %dma_wait3A_435 = tpu.memref_slice %arg10[%dma_wait3A_434] : memref<512xf32, #tpu.memory_space<vmem>> -> memref<64xf32, #tpu.memory_space<vmem>>
              %dma_wait3A_436 = arith.constant 0 : i32
              %dma_wait3A_437 = tpu.memref_slice %arg4[%dma_wait3A_436] : memref<2097152xf32, #tpu.memory_space<hbm>> -> memref<64xf32, #tpu.memory_space<hbm>>
              %dma_wait3A_438 = arith.constant 0 : i32
              %dma_wait3A_439 = tpu.memref_slice %arg4[%dma_wait3A_438] : memref<2097152xf32, #tpu.memory_space<hbm>> -> memref<64xf32, #tpu.memory_space<hbm>>
              %dma_wait3A_440 = arith.constant 0 : i32
              %dma_wait3A_441 = tpu.memref_slice %arg10[%dma_wait3A_440] : memref<512xf32, #tpu.memory_space<vmem>> -> memref<64xf32, #tpu.memory_space<vmem>>
              tpu.wait_dma2 semaphore(%arg12 : memref<!tpu.dma_semaphore, #tpu.memory_space<semaphore_mem>>) src(%dma_wait3A_441 : memref<64xf32, #tpu.memory_space<vmem>>) dst(%dma_wait3A_439 : memref<64xf32, #tpu.memory_space<hbm>>)
            } else {
            }
            %jit3A_364 = arith.constant 8 : i32
            %eq3A_365 = arith.constant 0 : i32
            %eq3A_366 = arith.cmpi eq, %jit3A_364, %eq3A_365 : i32
            %jit3A_367 = arith.constant 1 : i32
            %select_n3A_368 = arith.select %eq3A_366, %jit3A_367, %jit3A_364 : i32
            %rem3A_369 = arith.remsi %while3A_321, %select_n3A_368 : i32
            %ne3A_370 = arith.constant 0 : i32
            %ne3A_371 = arith.cmpi ne, %rem3A_369, %ne3A_370 : i32
            %lt3A_372 = arith.constant 0 : i32
            %lt3A_373 = arith.cmpi slt, %rem3A_369, %lt3A_372 : i32
            %lt3A_374 = arith.constant 0 : i32
            %lt3A_375 = arith.cmpi slt, %select_n3A_368, %lt3A_374 : i32
            %ne3A_376 = arith.xori %lt3A_373, %lt3A_375 : i1
            %and3A_377 = arith.andi %ne3A_376, %ne3A_371 : i1
            %add3A_378 = arith.addi %rem3A_369, %select_n3A_368 : i32
            %select_n3A_379 = arith.select %and3A_377, %add3A_378, %rem3A_369 : i32
            %mul3A_380 = arith.constant 64 : i32
            %mul3A_381 = arith.muli %select_n3A_379, %mul3A_380 : i32
            %multiple_of3A_382 = tpu.assume_multiple %mul3A_381, 64 : i32
            %add3A_383 = arith.constant 0 : i32
            %add3A_384 = vector.broadcast %add3A_383 : i32 to vector<16xi32>
            %add3A_385 = arith.addi %add3A_384, %iota3A : vector<16xi32>
            %add3A_386 = vector.broadcast %multiple_of3A_197 : i32 to vector<16xi32>
            %add3A_387 = arith.addi %add3A_386, %add3A_385 : vector<16xi32>
            %gather3A = tpu.vector_load_idx %arg7[%add3A_387, %add3A_358] : memref<128x512xf32, #tpu.memory_space<vmem>>[vector<16xi32>, vector<16xi32>], vector<16xf32>,
            %add3A_388 = arith.constant 0 : i32
            %add3A_389 = arith.addi %multiple_of3A_382, %add3A_388 : i32
            %swap3A_390 = arith.index_cast %add3A_389 : i32 to index
            %swap3A_391 = tpu.vector_load %arg10[%swap3A_390] {strides = array<i32>} : memref<512xf32, #tpu.memory_space<vmem>>, vector<16xf32>,
            tpu.vector_store %arg10[%swap3A_390], %gather3A {strides = array<i32>} : memref<512xf32, #tpu.memory_space<vmem>>, vector<16xf32>,
            %add3A_392 = arith.constant 16 : i32
            %add3A_393 = vector.broadcast %add3A_392 : i32 to vector<16xi32>
            %add3A_394 = arith.addi %add3A_393, %iota3A : vector<16xi32>
            %add3A_395 = vector.broadcast %multiple_of3A_197 : i32 to vector<16xi32>
            %add3A_396 = arith.addi %add3A_395, %add3A_394 : vector<16xi32>
            %gather3A_397 = tpu.vector_load_idx %arg7[%add3A_396, %add3A_358] : memref<128x512xf32, #tpu.memory_space<vmem>>[vector<16xi32>, vector<16xi32>], vector<16xf32>,
            %add3A_398 = arith.constant 16 : i32
            %add3A_399 = arith.addi %multiple_of3A_382, %add3A_398 : i32
            %swap3A_400 = arith.index_cast %add3A_399 : i32 to index
            %swap3A_401 = tpu.vector_load %arg10[%swap3A_400] {strides = array<i32>} : memref<512xf32, #tpu.memory_space<vmem>>, vector<16xf32>,
            tpu.vector_store %arg10[%swap3A_400], %gather3A_397 {strides = array<i32>} : memref<512xf32, #tpu.memory_space<vmem>>, vector<16xf32>,
            %add3A_402 = arith.constant 32 : i32
            %add3A_403 = vector.broadcast %add3A_402 : i32 to vector<16xi32>
            %add3A_404 = arith.addi %add3A_403, %iota3A : vector<16xi32>
            %add3A_405 = vector.broadcast %multiple_of3A_197 : i32 to vector<16xi32>
            %add3A_406 = arith.addi %add3A_405, %add3A_404 : vector<16xi32>
            %gather3A_407 = tpu.vector_load_idx %arg7[%add3A_406, %add3A_358] : memref<128x512xf32, #tpu.memory_space<vmem>>[vector<16xi32>, vector<16xi32>], vector<16xf32>,
            %add3A_408 = arith.constant 32 : i32
            %add3A_409 = arith.addi %multiple_of3A_382, %add3A_408 : i32
            %swap3A_410 = arith.index_cast %add3A_409 : i32 to index
            %swap3A_411 = tpu.vector_load %arg10[%swap3A_410] {strides = array<i32>} : memref<512xf32, #tpu.memory_space<vmem>>, vector<16xf32>,
            tpu.vector_store %arg10[%swap3A_410], %gather3A_407 {strides = array<i32>} : memref<512xf32, #tpu.memory_space<vmem>>, vector<16xf32>,
            %add3A_412 = arith.constant 48 : i32
            %add3A_413 = vector.broadcast %add3A_412 : i32 to vector<16xi32>
            %add3A_414 = arith.addi %add3A_413, %iota3A : vector<16xi32>
            %add3A_415 = vector.broadcast %multiple_of3A_197 : i32 to vector<16xi32>
            %add3A_416 = arith.addi %add3A_415, %add3A_414 : vector<16xi32>
            %gather3A_417 = tpu.vector_load_idx %arg7[%add3A_416, %add3A_358] : memref<128x512xf32, #tpu.memory_space<vmem>>[vector<16xi32>, vector<16xi32>], vector<16xf32>,
            %add3A_418 = arith.constant 48 : i32
            %add3A_419 = arith.addi %multiple_of3A_382, %add3A_418 : i32
            %swap3A_420 = arith.index_cast %add3A_419 : i32 to index
            %swap3A_421 = tpu.vector_load %arg10[%swap3A_420] {strides = array<i32>} : memref<512xf32, #tpu.memory_space<vmem>>, vector<16xf32>,
            tpu.vector_store %arg10[%swap3A_420], %gather3A_417 {strides = array<i32>} : memref<512xf32, #tpu.memory_space<vmem>>, vector<16xf32>,
            %mul3A_422 = arith.constant 2 : i32
            %mul3A_423 = arith.muli %reduce_max3A_353, %mul3A_422 : i32
            %mul3A_424 = arith.constant 64 : i32
            %mul3A_425 = arith.muli %mul3A_423, %mul3A_424 : i32
            %dma_start3A_426 = tpu.memref_slice %arg10[%multiple_of3A_382] : memref<512xf32, #tpu.memory_space<vmem>> -> memref<64xf32, #tpu.memory_space<vmem>>
            %dma_start3A_427 = tpu.memref_slice %arg4[%mul3A_425] : memref<2097152xf32, #tpu.memory_space<hbm>> -> memref<64xf32, #tpu.memory_space<hbm>>
            %dma_start3A_428 = tpu.memref_slice %arg4[%mul3A_425] : memref<2097152xf32, #tpu.memory_space<hbm>> -> memref<64xf32, #tpu.memory_space<hbm>>
            %dma_start3A_429 = tpu.memref_slice %arg10[%multiple_of3A_382] : memref<512xf32, #tpu.memory_space<vmem>> -> memref<64xf32, #tpu.memory_space<vmem>>
            tpu.enqueue_dma source(%dma_start3A_429 : memref<64xf32, #tpu.memory_space<vmem>>) target(%dma_start3A_428 : memref<64xf32, #tpu.memory_space<hbm>>) target_semaphore(%arg12 : memref<!tpu.dma_semaphore, #tpu.memory_space<semaphore_mem>>)
            %not3A = arith.constant dense<true> : vector<16xi1>
            %not3A_430 = arith.xori %eq3A_331, %not3A : vector<16xi1>
            %and3A_431 = arith.andi %while3A_320, %not3A_430 : vector<16xi1>
            %add3A_432 = arith.constant 1 : i32
            %add3A_433 = arith.addi %while3A_321, %add3A_432 : i32
            scf.yield %and3A_431, %add3A_433 : vector<16xi1>, i32
          }
          %while3A_319:2 = scf.while (%while3A_320 = %and3A_301, %while3A_321 = %while3A_318#1) : (vector<16xi1>, i32) -> (vector<16xi1>, i32) {
            %all_reduce_population_count3A_322 = tpu.all_reduce %while3A_320 {dim = 0 : i64, kind = #tpu.reduction_kind<sum>} : vector<16xi1> -> vector<16xi32>
            %reduce_max3A_323 = arith.constant true
            %reduce_max3A_324 = vector.broadcast %reduce_max3A_323 : i1 to vector<16xi1>
            %reduce_max3A_325 = arith.constant -2147483648 : i32
            %reduce_max3A_326 = vector.broadcast %reduce_max3A_325 : i32 to vector<16xi32>
            %reduce_max3A_327 = arith.xori %all_reduce_population_count3A_322, %reduce_max3A_326 : vector<16xi32>
            %reduce_max3A_328 = tpu.scan <max>, %reduce_max3A_327 masked %reduce_max3A_324 : vector<16xi32>, vector<16xi1> -> vector<16xi32>
            %reduce_max3A_329 = arith.xori %reduce_max3A_328, %reduce_max3A_326 : vector<16xi32>
            %reduce_max3A_330 = vector.extract %reduce_max3A_329[15] : i32 from vector<16xi32>
            %gt3A_331 = arith.constant 0 : i32
            %gt3A_332 = arith.cmpi sgt, %reduce_max3A_330, %gt3A_331 : i32
            scf.condition(%gt3A_332) %while3A_320, %while3A_321 : vector<16xi1>, i32
          } do {
          ^bb0(%while3A_320: vector<16xi1>, %while3A_321: i32):
            %all_reduce_ffs3A = tpu.all_reduce %while3A_320 {dim = 0 : i64, kind = #tpu.reduction_kind<find_first_set>} : vector<16xi1> -> vector<16xi32>
            %reduce_max3A_322 = arith.constant true
            %reduce_max3A_323 = vector.broadcast %reduce_max3A_322 : i1 to vector<16xi1>
            %reduce_max3A_324 = arith.constant -2147483648 : i32
            %reduce_max3A_325 = vector.broadcast %reduce_max3A_324 : i32 to vector<16xi32>
            %reduce_max3A_326 = arith.xori %all_reduce_ffs3A, %reduce_max3A_325 : vector<16xi32>
            %reduce_max3A_327 = tpu.scan <max>, %reduce_max3A_326 masked %reduce_max3A_323 : vector<16xi32>, vector<16xi1> -> vector<16xi32>
            %reduce_max3A_328 = arith.xori %reduce_max3A_327, %reduce_max3A_325 : vector<16xi32>
            %reduce_max3A_329 = vector.extract %reduce_max3A_328[15] : i32 from vector<16xi32>
            %eq3A_330 = vector.broadcast %reduce_max3A_329 : i32 to vector<16xi32>
            %eq3A_331 = arith.cmpi eq, %iota3A, %eq3A_330 : vector<16xi32>
            %jit3A_332 = arith.constant 0 : i32
            %broadcast_in_dim3A_333 = vector.broadcast %jit3A_332 : i32 to vector<16xi32>
            %select_n3A_334 = arith.select %eq3A_331, %and3A_293, %broadcast_in_dim3A_333 : vector<16xi1>, vector<16xi32>
            %reduce_max3A_335 = arith.constant true
            %reduce_max3A_336 = vector.broadcast %reduce_max3A_335 : i1 to vector<16xi1>
            %reduce_max3A_337 = arith.constant -2147483648 : i32
            %reduce_max3A_338 = vector.broadcast %reduce_max3A_337 : i32 to vector<16xi32>
            %reduce_max3A_339 = arith.xori %select_n3A_334, %reduce_max3A_338 : vector<16xi32>
            %reduce_max3A_340 = tpu.scan <max>, %reduce_max3A_339 masked %reduce_max3A_336 : vector<16xi32>, vector<16xi1> -> vector<16xi32>
            %reduce_max3A_341 = arith.xori %reduce_max3A_340, %reduce_max3A_338 : vector<16xi32>
            %reduce_max3A_342 = vector.extract %reduce_max3A_341[15] : i32 from vector<16xi32>
            %jit3A_343 = arith.constant 0 : i32
            %broadcast_in_dim3A_344 = vector.broadcast %jit3A_343 : i32 to vector<16xi32>
            %select_n3A_345 = arith.select %eq3A_331, %shift_right_arithmetic3A_296, %broadcast_in_dim3A_344 : vector<16xi1>, vector<16xi32>
            %reduce_max3A_346 = arith.constant true
            %reduce_max3A_347 = vector.broadcast %reduce_max3A_346 : i1 to vector<16xi1>
            %reduce_max3A_348 = arith.constant -2147483648 : i32
            %reduce_max3A_349 = vector.broadcast %reduce_max3A_348 : i32 to vector<16xi32>
            %reduce_max3A_350 = arith.xori %select_n3A_345, %reduce_max3A_349 : vector<16xi32>
            %reduce_max3A_351 = tpu.scan <max>, %reduce_max3A_350 masked %reduce_max3A_347 : vector<16xi32>, vector<16xi1> -> vector<16xi32>
            %reduce_max3A_352 = arith.xori %reduce_max3A_351, %reduce_max3A_349 : vector<16xi32>
            %reduce_max3A_353 = vector.extract %reduce_max3A_352[15] : i32 from vector<16xi32>
            %broadcast_in_dim3A_354 = arith.constant 0 : i32
            %broadcast_in_dim3A_355 = vector.broadcast %broadcast_in_dim3A_354 : i32 to vector<16xi32>
            %sub3A_356 = arith.subi %reduce_max3A_342, %mul3A_208 : i32
            %add3A_357 = vector.broadcast %sub3A_356 : i32 to vector<16xi32>
            %add3A_358 = arith.addi %broadcast_in_dim3A_355, %add3A_357 : vector<16xi32>
            %ge3A_359 = arith.constant 8 : i32
            %ge3A_360 = arith.cmpi sge, %while3A_321, %ge3A_359 : i32
            %convert_element_type3A_361 = arith.extui %ge3A_360 : i1 to i32
            %cond3A_362 = arith.constant 0 : i32
            %cond3A_363 = arith.cmpi ne, %convert_element_type3A_361, %cond3A_362 : i32
            scf.if %cond3A_363 {
              %dma_wait3A_434 = arith.constant 0 : i32
              %dma_wait3A_435 = tpu.memref_slice %arg10[%dma_wait3A_434] : memref<512xf32, #tpu.memory_space<vmem>> -> memref<64xf32, #tpu.memory_space<vmem>>
              %dma_wait3A_436 = arith.constant 0 : i32
              %dma_wait3A_437 = tpu.memref_slice %arg4[%dma_wait3A_436] : memref<2097152xf32, #tpu.memory_space<hbm>> -> memref<64xf32, #tpu.memory_space<hbm>>
              %dma_wait3A_438 = arith.constant 0 : i32
              %dma_wait3A_439 = tpu.memref_slice %arg4[%dma_wait3A_438] : memref<2097152xf32, #tpu.memory_space<hbm>> -> memref<64xf32, #tpu.memory_space<hbm>>
              %dma_wait3A_440 = arith.constant 0 : i32
              %dma_wait3A_441 = tpu.memref_slice %arg10[%dma_wait3A_440] : memref<512xf32, #tpu.memory_space<vmem>> -> memref<64xf32, #tpu.memory_space<vmem>>
              tpu.wait_dma2 semaphore(%arg12 : memref<!tpu.dma_semaphore, #tpu.memory_space<semaphore_mem>>) src(%dma_wait3A_441 : memref<64xf32, #tpu.memory_space<vmem>>) dst(%dma_wait3A_439 : memref<64xf32, #tpu.memory_space<hbm>>)
            } else {
            }
            %jit3A_364 = arith.constant 8 : i32
            %eq3A_365 = arith.constant 0 : i32
            %eq3A_366 = arith.cmpi eq, %jit3A_364, %eq3A_365 : i32
            %jit3A_367 = arith.constant 1 : i32
            %select_n3A_368 = arith.select %eq3A_366, %jit3A_367, %jit3A_364 : i32
            %rem3A_369 = arith.remsi %while3A_321, %select_n3A_368 : i32
            %ne3A_370 = arith.constant 0 : i32
            %ne3A_371 = arith.cmpi ne, %rem3A_369, %ne3A_370 : i32
            %lt3A_372 = arith.constant 0 : i32
            %lt3A_373 = arith.cmpi slt, %rem3A_369, %lt3A_372 : i32
            %lt3A_374 = arith.constant 0 : i32
            %lt3A_375 = arith.cmpi slt, %select_n3A_368, %lt3A_374 : i32
            %ne3A_376 = arith.xori %lt3A_373, %lt3A_375 : i1
            %and3A_377 = arith.andi %ne3A_376, %ne3A_371 : i1
            %add3A_378 = arith.addi %rem3A_369, %select_n3A_368 : i32
            %select_n3A_379 = arith.select %and3A_377, %add3A_378, %rem3A_369 : i32
            %mul3A_380 = arith.constant 64 : i32
            %mul3A_381 = arith.muli %select_n3A_379, %mul3A_380 : i32
            %multiple_of3A_382 = tpu.assume_multiple %mul3A_381, 64 : i32
            %add3A_383 = arith.constant 0 : i32
            %add3A_384 = vector.broadcast %add3A_383 : i32 to vector<16xi32>
            %add3A_385 = arith.addi %add3A_384, %iota3A : vector<16xi32>
            %add3A_386 = vector.broadcast %multiple_of3A_197 : i32 to vector<16xi32>
            %add3A_387 = arith.addi %add3A_386, %add3A_385 : vector<16xi32>
            %gather3A = tpu.vector_load_idx %arg7[%add3A_387, %add3A_358] : memref<128x512xf32, #tpu.memory_space<vmem>>[vector<16xi32>, vector<16xi32>], vector<16xf32>,
            %add3A_388 = arith.constant 0 : i32
            %add3A_389 = arith.addi %multiple_of3A_382, %add3A_388 : i32
            %swap3A_390 = arith.index_cast %add3A_389 : i32 to index
            %swap3A_391 = tpu.vector_load %arg10[%swap3A_390] {strides = array<i32>} : memref<512xf32, #tpu.memory_space<vmem>>, vector<16xf32>,
            tpu.vector_store %arg10[%swap3A_390], %gather3A {strides = array<i32>} : memref<512xf32, #tpu.memory_space<vmem>>, vector<16xf32>,
            %add3A_392 = arith.constant 16 : i32
            %add3A_393 = vector.broadcast %add3A_392 : i32 to vector<16xi32>
            %add3A_394 = arith.addi %add3A_393, %iota3A : vector<16xi32>
            %add3A_395 = vector.broadcast %multiple_of3A_197 : i32 to vector<16xi32>
            %add3A_396 = arith.addi %add3A_395, %add3A_394 : vector<16xi32>
            %gather3A_397 = tpu.vector_load_idx %arg7[%add3A_396, %add3A_358] : memref<128x512xf32, #tpu.memory_space<vmem>>[vector<16xi32>, vector<16xi32>], vector<16xf32>,
            %add3A_398 = arith.constant 16 : i32
            %add3A_399 = arith.addi %multiple_of3A_382, %add3A_398 : i32
            %swap3A_400 = arith.index_cast %add3A_399 : i32 to index
            %swap3A_401 = tpu.vector_load %arg10[%swap3A_400] {strides = array<i32>} : memref<512xf32, #tpu.memory_space<vmem>>, vector<16xf32>,
            tpu.vector_store %arg10[%swap3A_400], %gather3A_397 {strides = array<i32>} : memref<512xf32, #tpu.memory_space<vmem>>, vector<16xf32>,
            %add3A_402 = arith.constant 32 : i32
            %add3A_403 = vector.broadcast %add3A_402 : i32 to vector<16xi32>
            %add3A_404 = arith.addi %add3A_403, %iota3A : vector<16xi32>
            %add3A_405 = vector.broadcast %multiple_of3A_197 : i32 to vector<16xi32>
            %add3A_406 = arith.addi %add3A_405, %add3A_404 : vector<16xi32>
            %gather3A_407 = tpu.vector_load_idx %arg7[%add3A_406, %add3A_358] : memref<128x512xf32, #tpu.memory_space<vmem>>[vector<16xi32>, vector<16xi32>], vector<16xf32>,
            %add3A_408 = arith.constant 32 : i32
            %add3A_409 = arith.addi %multiple_of3A_382, %add3A_408 : i32
            %swap3A_410 = arith.index_cast %add3A_409 : i32 to index
            %swap3A_411 = tpu.vector_load %arg10[%swap3A_410] {strides = array<i32>} : memref<512xf32, #tpu.memory_space<vmem>>, vector<16xf32>,
            tpu.vector_store %arg10[%swap3A_410], %gather3A_407 {strides = array<i32>} : memref<512xf32, #tpu.memory_space<vmem>>, vector<16xf32>,
            %add3A_412 = arith.constant 48 : i32
            %add3A_413 = vector.broadcast %add3A_412 : i32 to vector<16xi32>
            %add3A_414 = arith.addi %add3A_413, %iota3A : vector<16xi32>
            %add3A_415 = vector.broadcast %multiple_of3A_197 : i32 to vector<16xi32>
            %add3A_416 = arith.addi %add3A_415, %add3A_414 : vector<16xi32>
            %gather3A_417 = tpu.vector_load_idx %arg7[%add3A_416, %add3A_358] : memref<128x512xf32, #tpu.memory_space<vmem>>[vector<16xi32>, vector<16xi32>], vector<16xf32>,
            %add3A_418 = arith.constant 48 : i32
            %add3A_419 = arith.addi %multiple_of3A_382, %add3A_418 : i32
            %swap3A_420 = arith.index_cast %add3A_419 : i32 to index
            %swap3A_421 = tpu.vector_load %arg10[%swap3A_420] {strides = array<i32>} : memref<512xf32, #tpu.memory_space<vmem>>, vector<16xf32>,
            tpu.vector_store %arg10[%swap3A_420], %gather3A_417 {strides = array<i32>} : memref<512xf32, #tpu.memory_space<vmem>>, vector<16xf32>,
            %mul3A_422 = arith.constant 2 : i32
            %mul3A_423 = arith.muli %reduce_max3A_353, %mul3A_422 : i32
            %mul3A_424 = arith.constant 64 : i32
            %mul3A_425 = arith.muli %mul3A_423, %mul3A_424 : i32
            %dma_start3A_426 = tpu.memref_slice %arg10[%multiple_of3A_382] : memref<512xf32, #tpu.memory_space<vmem>> -> memref<64xf32, #tpu.memory_space<vmem>>
            %dma_start3A_427 = tpu.memref_slice %arg4[%mul3A_425] : memref<2097152xf32, #tpu.memory_space<hbm>> -> memref<64xf32, #tpu.memory_space<hbm>>
            %dma_start3A_428 = tpu.memref_slice %arg4[%mul3A_425] : memref<2097152xf32, #tpu.memory_space<hbm>> -> memref<64xf32, #tpu.memory_space<hbm>>
            %dma_start3A_429 = tpu.memref_slice %arg10[%multiple_of3A_382] : memref<512xf32, #tpu.memory_space<vmem>> -> memref<64xf32, #tpu.memory_space<vmem>>
            tpu.enqueue_dma source(%dma_start3A_429 : memref<64xf32, #tpu.memory_space<vmem>>) target(%dma_start3A_428 : memref<64xf32, #tpu.memory_space<hbm>>) target_semaphore(%arg12 : memref<!tpu.dma_semaphore, #tpu.memory_space<semaphore_mem>>)
            %not3A = arith.constant dense<true> : vector<16xi1>
            %not3A_430 = arith.xori %eq3A_331, %not3A : vector<16xi1>
            %and3A_431 = arith.andi %while3A_320, %not3A_430 : vector<16xi1>
            %add3A_432 = arith.constant 1 : i32
            %add3A_433 = arith.addi %while3A_321, %add3A_432 : i32
            scf.yield %and3A_431, %add3A_433 : vector<16xi1>, i32
          }
          scf.yield %while3A_319#1 : i32
        } else {
          scf.yield %while3A_232 : i32
        }
        scf.yield %cond3A_315 : i32
      }
      %add3A_224 = arith.constant 2 : i32
      %add3A_225 = arith.addi %scan3A_177, %add3A_224 : i32
      %lt3A_226 = arith.constant 61 : i32
      %lt3A_227 = arith.cmpi slt, %add3A_225, %lt3A_226 : i32
      %convert_element_type3A_228 = arith.extui %lt3A_227 : i1 to i32
      %cond3A_229 = arith.constant 0 : i32
      %cond3A_230 = arith.cmpi ne, %convert_element_type3A_228, %cond3A_229 : i32
      scf.if %cond3A_230 {
        %add3A_231 = arith.constant 2 : i32
        %add3A_232 = arith.addi %scan3A_177, %add3A_231 : i32
        %jit3A_233 = arith.constant 2 : i32
        %eq3A_234 = arith.constant 0 : i32
        %eq3A_235 = arith.cmpi eq, %jit3A_233, %eq3A_234 : i32
        %jit3A_236 = arith.constant 1 : i32
        %select_n3A_237 = arith.select %eq3A_235, %jit3A_236, %jit3A_233 : i32
        %rem3A_238 = arith.remsi %add3A_232, %select_n3A_237 : i32
        %ne3A_239 = arith.constant 0 : i32
        %ne3A_240 = arith.cmpi ne, %rem3A_238, %ne3A_239 : i32
        %lt3A_241 = arith.constant 0 : i32
        %lt3A_242 = arith.cmpi slt, %rem3A_238, %lt3A_241 : i32
        %lt3A_243 = arith.constant 0 : i32
        %lt3A_244 = arith.cmpi slt, %select_n3A_237, %lt3A_243 : i32
        %ne3A_245 = arith.xori %lt3A_242, %lt3A_244 : i1
        %and3A_246 = arith.andi %ne3A_245, %ne3A_240 : i1
        %add3A_247 = arith.addi %rem3A_238, %select_n3A_237 : i32
        %select_n3A_248 = arith.select %and3A_246, %add3A_247, %rem3A_238 : i32
        %mul3A_249 = arith.constant 64 : i32
        %mul3A_250 = arith.muli %select_n3A_248, %mul3A_249 : i32
        %multiple_of3A_251 = tpu.assume_multiple %mul3A_250, 64 : i32
        %mul3A_252 = arith.constant 512 : i32
        %mul3A_253 = arith.muli %add3A_232, %mul3A_252 : i32
        %add3A_254 = arith.addi %multiple_of3A, %mul3A_253 : i32
        %multiple_of3A_255 = tpu.assume_multiple %add3A_254, 128 : i32
        %dma_start3A_256 = arith.constant 0 : i32
        %dma_start3A_257 = tpu.memref_slice %arg7[%multiple_of3A_251, %dma_start3A_256] : memref<128x512xf32, #tpu.memory_space<vmem>> -> memref<64x512xf32, #tpu.memory_space<vmem>>
        %dma_start3A_258 = arith.constant 0 : i32
        %dma_start3A_259 = tpu.memref_slice %arg3[%dma_start3A_258, %multiple_of3A_255] : memref<64x1000000xf32, #tpu.memory_space<hbm>> -> memref<64x512xf32, #tpu.memory_space<hbm>>
        %dma_start3A_260 = arith.constant 0 : i32
        %dma_start3A_261 = tpu.memref_slice %arg7[%multiple_of3A_251, %dma_start3A_260] : memref<128x512xf32, #tpu.memory_space<vmem>> -> memref<64x512xf32, #tpu.memory_space<vmem>>
        %dma_start3A_262 = arith.constant 0 : i32
        %dma_start3A_263 = tpu.memref_slice %arg3[%dma_start3A_262, %multiple_of3A_255] : memref<64x1000000xf32, #tpu.memory_space<hbm>> -> memref<64x512xf32, #tpu.memory_space<hbm>>
        tpu.enqueue_dma source(%dma_start3A_263 : memref<64x512xf32, #tpu.memory_space<hbm>>) target(%dma_start3A_261 : memref<64x512xf32, #tpu.memory_space<vmem>>) target_semaphore(%arg11 : memref<!tpu.dma_semaphore, #tpu.memory_space<semaphore_mem>>)
      } else {
      }
      scf.yield %while3A_223 : i32
    }
    %scan3A_148 = arith.constant 61 : i32
    %convert_element_type3A = arith.extui %lt3A_1 : i1 to i32
    %cond3A = arith.constant 0 : i32
    %cond3A_149 = arith.cmpi ne, %convert_element_type3A, %cond3A : i32
    scf.if %cond3A_149 {
      %add3A_177 = arith.constant 31232 : i32
      %add3A_178 = arith.addi %multiple_of3A, %add3A_177 : i32
      %multiple_of3A_179 = tpu.assume_multiple %add3A_178, 128 : i32
      "tpu.region"() ({
        %run_scoped3A = tpu.sem_alloc : memref<!tpu.dma_semaphore, #tpu.memory_space<semaphore_mem>>
        %dma_start3A_180 = arith.constant 0 : i32
        %dma_start3A_181 = tpu.memref_slice %arg3[%dma_start3A_180, %multiple_of3A_179] : memref<64x1000000xf32, #tpu.memory_space<hbm>> -> memref<64x128xf32, #tpu.memory_space<hbm>>
        %dma_start3A_182 = arith.constant 0 : i32
        %dma_start3A_183 = tpu.memref_slice %arg3[%dma_start3A_182, %multiple_of3A_179] : memref<64x1000000xf32, #tpu.memory_space<hbm>> -> memref<64x128xf32, #tpu.memory_space<hbm>>
        tpu.enqueue_dma source(%dma_start3A_183 : memref<64x128xf32, #tpu.memory_space<hbm>>) target(%arg8 : memref<64x128xf32, #tpu.memory_space<vmem>>) target_semaphore(%run_scoped3A : memref<!tpu.dma_semaphore, #tpu.memory_space<semaphore_mem>>)
        %dma_wait3A = arith.constant 0 : i32
        %dma_wait3A_184 = tpu.memref_slice %arg3[%dma_wait3A, %multiple_of3A_179] : memref<64x1000000xf32, #tpu.memory_space<hbm>> -> memref<64x128xf32, #tpu.memory_space<hbm>>
        %dma_wait3A_185 = arith.constant 0 : i32
        %dma_wait3A_186 = tpu.memref_slice %arg3[%dma_wait3A_185, %multiple_of3A_179] : memref<64x1000000xf32, #tpu.memory_space<hbm>> -> memref<64x128xf32, #tpu.memory_space<hbm>>
        tpu.wait_dma2 semaphore(%run_scoped3A : memref<!tpu.dma_semaphore, #tpu.memory_space<semaphore_mem>>) src(%dma_wait3A_186 : memref<64x128xf32, #tpu.memory_space<hbm>>) dst(%arg8 : memref<64x128xf32, #tpu.memory_space<vmem>>)
        tpu.yield
      }) : () -> ()
    } else {
    }
    %while3A = arith.constant 0 : i32
    %while3A_150 = arith.subi %select_n3A_141, %while3A : i32
    %while3A_151 = arith.addi %while3A, %while3A_150 : i32
    %while3A_152 = arith.constant 1 : i32
    %while3A_153 = arith.divsi %while3A_150, %while3A_152 : i32
    %while3A_154 = arith.muli %while3A_153, %while3A_152 : i32
    %while3A_155 = arith.addi %while3A, %while3A_154 : i32
    %while3A_156 = arith.constant 1 : i32
    %while3A_157 = scf.for %while3A_177 = %while3A to %while3A_155 step %while3A_156 iter_args(%while3A_178 = %scan3A_147) -> (i32)  : i32 {
      %mul3A_179 = arith.constant 64 : i32
      %mul3A_180 = arith.muli %while3A_177, %mul3A_179 : i32
      %add3A_181 = arith.constant 0 : i32
      %add3A_182 = arith.addi %mul3A_180, %add3A_181 : i32
      %multiple_of3A_183 = tpu.assume_multiple %add3A_182, 8 : i32
      %get3A = arith.index_cast %multiple_of3A_183 : i32 to index
      %get3A_184 = tpu.vector_load %arg6[%get3A] {strides = array<i32>} : memref<16448xi32, #tpu.memory_space<vmem>>, vector<16xi32>,
      %and3A_185 = arith.constant 32767 : i32
      %and3A_186 = vector.broadcast %and3A_185 : i32 to vector<16xi32>
      %and3A_187 = arith.andi %get3A_184, %and3A_186 : vector<16xi32>
      %shift_right_arithmetic3A = arith.constant 15 : i32
      %shift_right_arithmetic3A_188 = vector.broadcast %shift_right_arithmetic3A : i32 to vector<16xi32>
      %shift_right_arithmetic3A_189 = arith.shrsi %get3A_184, %shift_right_arithmetic3A_188 : vector<16xi32>
      %ge3A = arith.constant 31232 : i32
      %ge3A_190 = vector.broadcast %ge3A : i32 to vector<16xi32>
      %ge3A_191 = arith.cmpi sge, %and3A_187, %ge3A_190 : vector<16xi32>
      %lt3A_192 = arith.constant 31360 : i32
      %lt3A_193 = vector.broadcast %lt3A_192 : i32 to vector<16xi32>
      %lt3A_194 = arith.cmpi slt, %and3A_187, %lt3A_193 : vector<16xi32>
      %and3A_195 = arith.andi %ge3A_191, %lt3A_194 : vector<16xi1>
      %and3A_196 = vector.broadcast %lt3A_1 : i1 to vector<16xi1>
      %and3A_197 = arith.andi %and3A_195, %and3A_196 : vector<16xi1>
      %mul3A_198 = arith.constant 64 : i32
      %mul3A_199 = arith.muli %while3A_177, %mul3A_198 : i32
      %add3A_200 = arith.constant 16 : i32
      %add3A_201 = arith.addi %mul3A_199, %add3A_200 : i32
      %multiple_of3A_202 = tpu.assume_multiple %add3A_201, 8 : i32
      %get3A_203 = arith.index_cast %multiple_of3A_202 : i32 to index
      %get3A_204 = tpu.vector_load %arg6[%get3A_203] {strides = array<i32>} : memref<16448xi32, #tpu.memory_space<vmem>>, vector<16xi32>,
      %and3A_205 = arith.constant 32767 : i32
      %and3A_206 = vector.broadcast %and3A_205 : i32 to vector<16xi32>
      %and3A_207 = arith.andi %get3A_204, %and3A_206 : vector<16xi32>
      %shift_right_arithmetic3A_208 = arith.constant 15 : i32
      %shift_right_arithmetic3A_209 = vector.broadcast %shift_right_arithmetic3A_208 : i32 to vector<16xi32>
      %shift_right_arithmetic3A_210 = arith.shrsi %get3A_204, %shift_right_arithmetic3A_209 : vector<16xi32>
      %ge3A_211 = arith.constant 31232 : i32
      %ge3A_212 = vector.broadcast %ge3A_211 : i32 to vector<16xi32>
      %ge3A_213 = arith.cmpi sge, %and3A_207, %ge3A_212 : vector<16xi32>
      %lt3A_214 = arith.constant 31360 : i32
      %lt3A_215 = vector.broadcast %lt3A_214 : i32 to vector<16xi32>
      %lt3A_216 = arith.cmpi slt, %and3A_207, %lt3A_215 : vector<16xi32>
      %and3A_217 = arith.andi %ge3A_213, %lt3A_216 : vector<16xi1>
      %and3A_218 = vector.broadcast %lt3A_1 : i1 to vector<16xi1>
      %and3A_219 = arith.andi %and3A_217, %and3A_218 : vector<16xi1>
      %mul3A_220 = arith.constant 64 : i32
      %mul3A_221 = arith.muli %while3A_177, %mul3A_220 : i32
      %add3A_222 = arith.constant 32 : i32
      %add3A_223 = arith.addi %mul3A_221, %add3A_222 : i32
      %multiple_of3A_224 = tpu.assume_multiple %add3A_223, 8 : i32
      %get3A_225 = arith.index_cast %multiple_of3A_224 : i32 to index
      %get3A_226 = tpu.vector_load %arg6[%get3A_225] {strides = array<i32>} : memref<16448xi32, #tpu.memory_space<vmem>>, vector<16xi32>,
      %and3A_227 = arith.constant 32767 : i32
      %and3A_228 = vector.broadcast %and3A_227 : i32 to vector<16xi32>
      %and3A_229 = arith.andi %get3A_226, %and3A_228 : vector<16xi32>
      %shift_right_arithmetic3A_230 = arith.constant 15 : i32
      %shift_right_arithmetic3A_231 = vector.broadcast %shift_right_arithmetic3A_230 : i32 to vector<16xi32>
      %shift_right_arithmetic3A_232 = arith.shrsi %get3A_226, %shift_right_arithmetic3A_231 : vector<16xi32>
      %ge3A_233 = arith.constant 31232 : i32
      %ge3A_234 = vector.broadcast %ge3A_233 : i32 to vector<16xi32>
      %ge3A_235 = arith.cmpi sge, %and3A_229, %ge3A_234 : vector<16xi32>
      %lt3A_236 = arith.constant 31360 : i32
      %lt3A_237 = vector.broadcast %lt3A_236 : i32 to vector<16xi32>
      %lt3A_238 = arith.cmpi slt, %and3A_229, %lt3A_237 : vector<16xi32>
      %and3A_239 = arith.andi %ge3A_235, %lt3A_238 : vector<16xi1>
      %and3A_240 = vector.broadcast %lt3A_1 : i1 to vector<16xi1>
      %and3A_241 = arith.andi %and3A_239, %and3A_240 : vector<16xi1>
      %mul3A_242 = arith.constant 64 : i32
      %mul3A_243 = arith.muli %while3A_177, %mul3A_242 : i32
      %add3A_244 = arith.constant 48 : i32
      %add3A_245 = arith.addi %mul3A_243, %add3A_244 : i32
      %multiple_of3A_246 = tpu.assume_multiple %add3A_245, 8 : i32
      %get3A_247 = arith.index_cast %multiple_of3A_246 : i32 to index
      %get3A_248 = tpu.vector_load %arg6[%get3A_247] {strides = array<i32>} : memref<16448xi32, #tpu.memory_space<vmem>>, vector<16xi32>,
      %and3A_249 = arith.constant 32767 : i32
      %and3A_250 = vector.broadcast %and3A_249 : i32 to vector<16xi32>
      %and3A_251 = arith.andi %get3A_248, %and3A_250 : vector<16xi32>
      %shift_right_arithmetic3A_252 = arith.constant 15 : i32
      %shift_right_arithmetic3A_253 = vector.broadcast %shift_right_arithmetic3A_252 : i32 to vector<16xi32>
      %shift_right_arithmetic3A_254 = arith.shrsi %get3A_248, %shift_right_arithmetic3A_253 : vector<16xi32>
      %ge3A_255 = arith.constant 31232 : i32
      %ge3A_256 = vector.broadcast %ge3A_255 : i32 to vector<16xi32>
      %ge3A_257 = arith.cmpi sge, %and3A_251, %ge3A_256 : vector<16xi32>
      %lt3A_258 = arith.constant 31360 : i32
      %lt3A_259 = vector.broadcast %lt3A_258 : i32 to vector<16xi32>
      %lt3A_260 = arith.cmpi slt, %and3A_251, %lt3A_259 : vector<16xi32>
      %and3A_261 = arith.andi %ge3A_257, %lt3A_260 : vector<16xi1>
      %and3A_262 = vector.broadcast %lt3A_1 : i1 to vector<16xi1>
      %and3A_263 = arith.andi %and3A_261, %and3A_262 : vector<16xi1>
      %or3A = arith.ori %and3A_197, %and3A_219 : vector<16xi1>
      %or3A_264 = arith.ori %and3A_241, %and3A_263 : vector<16xi1>
      %or3A_265 = arith.ori %or3A, %or3A_264 : vector<16xi1>
      %all_reduce_population_count3A = tpu.all_reduce %or3A_265 {dim = 0 : i64, kind = #tpu.reduction_kind<sum>} : vector<16xi1> -> vector<16xi32>
      %reduce_max3A = arith.constant true
      %reduce_max3A_266 = vector.broadcast %reduce_max3A : i1 to vector<16xi1>
      %reduce_max3A_267 = arith.constant -2147483648 : i32
      %reduce_max3A_268 = vector.broadcast %reduce_max3A_267 : i32 to vector<16xi32>
      %reduce_max3A_269 = arith.xori %all_reduce_population_count3A, %reduce_max3A_268 : vector<16xi32>
      %reduce_max3A_270 = tpu.scan <max>, %reduce_max3A_269 masked %reduce_max3A_266 : vector<16xi32>, vector<16xi1> -> vector<16xi32>
      %reduce_max3A_271 = arith.xori %reduce_max3A_270, %reduce_max3A_268 : vector<16xi32>
      %reduce_max3A_272 = vector.extract %reduce_max3A_271[15] : i32 from vector<16xi32>
      %gt3A = arith.constant 0 : i32
      %gt3A_273 = arith.cmpi sgt, %reduce_max3A_272, %gt3A : i32
      %convert_element_type3A_274 = arith.extui %gt3A_273 : i1 to i32
      %cond3A_275 = arith.constant 0 : i32
      %cond3A_276 = arith.cmpi ne, %convert_element_type3A_274, %cond3A_275 : i32
      %cond3A_277 = scf.if %cond3A_276 -> (i32) {
        %while3A_278:2 = scf.while (%while3A_282 = %and3A_197, %while3A_283 = %while3A_178) : (vector<16xi1>, i32) -> (vector<16xi1>, i32) {
          %all_reduce_population_count3A_284 = tpu.all_reduce %while3A_282 {dim = 0 : i64, kind = #tpu.reduction_kind<sum>} : vector<16xi1> -> vector<16xi32>
          %reduce_max3A_285 = arith.constant true
          %reduce_max3A_286 = vector.broadcast %reduce_max3A_285 : i1 to vector<16xi1>
          %reduce_max3A_287 = arith.constant -2147483648 : i32
          %reduce_max3A_288 = vector.broadcast %reduce_max3A_287 : i32 to vector<16xi32>
          %reduce_max3A_289 = arith.xori %all_reduce_population_count3A_284, %reduce_max3A_288 : vector<16xi32>
          %reduce_max3A_290 = tpu.scan <max>, %reduce_max3A_289 masked %reduce_max3A_286 : vector<16xi32>, vector<16xi1> -> vector<16xi32>
          %reduce_max3A_291 = arith.xori %reduce_max3A_290, %reduce_max3A_288 : vector<16xi32>
          %reduce_max3A_292 = vector.extract %reduce_max3A_291[15] : i32 from vector<16xi32>
          %gt3A_293 = arith.constant 0 : i32
          %gt3A_294 = arith.cmpi sgt, %reduce_max3A_292, %gt3A_293 : i32
          scf.condition(%gt3A_294) %while3A_282, %while3A_283 : vector<16xi1>, i32
        } do {
        ^bb0(%while3A_282: vector<16xi1>, %while3A_283: i32):
          %all_reduce_ffs3A = tpu.all_reduce %while3A_282 {dim = 0 : i64, kind = #tpu.reduction_kind<find_first_set>} : vector<16xi1> -> vector<16xi32>
          %reduce_max3A_284 = arith.constant true
          %reduce_max3A_285 = vector.broadcast %reduce_max3A_284 : i1 to vector<16xi1>
          %reduce_max3A_286 = arith.constant -2147483648 : i32
          %reduce_max3A_287 = vector.broadcast %reduce_max3A_286 : i32 to vector<16xi32>
          %reduce_max3A_288 = arith.xori %all_reduce_ffs3A, %reduce_max3A_287 : vector<16xi32>
          %reduce_max3A_289 = tpu.scan <max>, %reduce_max3A_288 masked %reduce_max3A_285 : vector<16xi32>, vector<16xi1> -> vector<16xi32>
          %reduce_max3A_290 = arith.xori %reduce_max3A_289, %reduce_max3A_287 : vector<16xi32>
          %reduce_max3A_291 = vector.extract %reduce_max3A_290[15] : i32 from vector<16xi32>
          %eq3A_292 = vector.broadcast %reduce_max3A_291 : i32 to vector<16xi32>
          %eq3A_293 = arith.cmpi eq, %iota3A, %eq3A_292 : vector<16xi32>
          %jit3A_294 = arith.constant 0 : i32
          %broadcast_in_dim3A_295 = vector.broadcast %jit3A_294 : i32 to vector<16xi32>
          %select_n3A_296 = arith.select %eq3A_293, %and3A_187, %broadcast_in_dim3A_295 : vector<16xi1>, vector<16xi32>
          %reduce_max3A_297 = arith.constant true
          %reduce_max3A_298 = vector.broadcast %reduce_max3A_297 : i1 to vector<16xi1>
          %reduce_max3A_299 = arith.constant -2147483648 : i32
          %reduce_max3A_300 = vector.broadcast %reduce_max3A_299 : i32 to vector<16xi32>
          %reduce_max3A_301 = arith.xori %select_n3A_296, %reduce_max3A_300 : vector<16xi32>
          %reduce_max3A_302 = tpu.scan <max>, %reduce_max3A_301 masked %reduce_max3A_298 : vector<16xi32>, vector<16xi1> -> vector<16xi32>
          %reduce_max3A_303 = arith.xori %reduce_max3A_302, %reduce_max3A_300 : vector<16xi32>
          %reduce_max3A_304 = vector.extract %reduce_max3A_303[15] : i32 from vector<16xi32>
          %jit3A_305 = arith.constant 0 : i32
          %broadcast_in_dim3A_306 = vector.broadcast %jit3A_305 : i32 to vector<16xi32>
          %select_n3A_307 = arith.select %eq3A_293, %shift_right_arithmetic3A_189, %broadcast_in_dim3A_306 : vector<16xi1>, vector<16xi32>
          %reduce_max3A_308 = arith.constant true
          %reduce_max3A_309 = vector.broadcast %reduce_max3A_308 : i1 to vector<16xi1>
          %reduce_max3A_310 = arith.constant -2147483648 : i32
          %reduce_max3A_311 = vector.broadcast %reduce_max3A_310 : i32 to vector<16xi32>
          %reduce_max3A_312 = arith.xori %select_n3A_307, %reduce_max3A_311 : vector<16xi32>
          %reduce_max3A_313 = tpu.scan <max>, %reduce_max3A_312 masked %reduce_max3A_309 : vector<16xi32>, vector<16xi1> -> vector<16xi32>
          %reduce_max3A_314 = arith.xori %reduce_max3A_313, %reduce_max3A_311 : vector<16xi32>
          %reduce_max3A_315 = vector.extract %reduce_max3A_314[15] : i32 from vector<16xi32>
          %broadcast_in_dim3A_316 = arith.constant 0 : i32
          %broadcast_in_dim3A_317 = vector.broadcast %broadcast_in_dim3A_316 : i32 to vector<16xi32>
          %sub3A_318 = arith.constant 31232 : i32
          %sub3A_319 = arith.subi %reduce_max3A_304, %sub3A_318 : i32
          %add3A_320 = vector.broadcast %sub3A_319 : i32 to vector<16xi32>
          %add3A_321 = arith.addi %broadcast_in_dim3A_317, %add3A_320 : vector<16xi32>
          %ge3A_322 = arith.constant 8 : i32
          %ge3A_323 = arith.cmpi sge, %while3A_283, %ge3A_322 : i32
          %convert_element_type3A_324 = arith.extui %ge3A_323 : i1 to i32
          %cond3A_325 = arith.constant 0 : i32
          %cond3A_326 = arith.cmpi ne, %convert_element_type3A_324, %cond3A_325 : i32
          scf.if %cond3A_326 {
            %dma_wait3A = arith.constant 0 : i32
            %dma_wait3A_389 = tpu.memref_slice %arg10[%dma_wait3A] : memref<512xf32, #tpu.memory_space<vmem>> -> memref<64xf32, #tpu.memory_space<vmem>>
            %dma_wait3A_390 = arith.constant 0 : i32
            %dma_wait3A_391 = tpu.memref_slice %arg4[%dma_wait3A_390] : memref<2097152xf32, #tpu.memory_space<hbm>> -> memref<64xf32, #tpu.memory_space<hbm>>
            %dma_wait3A_392 = arith.constant 0 : i32
            %dma_wait3A_393 = tpu.memref_slice %arg4[%dma_wait3A_392] : memref<2097152xf32, #tpu.memory_space<hbm>> -> memref<64xf32, #tpu.memory_space<hbm>>
            %dma_wait3A_394 = arith.constant 0 : i32
            %dma_wait3A_395 = tpu.memref_slice %arg10[%dma_wait3A_394] : memref<512xf32, #tpu.memory_space<vmem>> -> memref<64xf32, #tpu.memory_space<vmem>>
            tpu.wait_dma2 semaphore(%arg12 : memref<!tpu.dma_semaphore, #tpu.memory_space<semaphore_mem>>) src(%dma_wait3A_395 : memref<64xf32, #tpu.memory_space<vmem>>) dst(%dma_wait3A_393 : memref<64xf32, #tpu.memory_space<hbm>>)
          } else {
          }
          %jit3A_327 = arith.constant 8 : i32
          %eq3A_328 = arith.constant 0 : i32
          %eq3A_329 = arith.cmpi eq, %jit3A_327, %eq3A_328 : i32
          %jit3A_330 = arith.constant 1 : i32
          %select_n3A_331 = arith.select %eq3A_329, %jit3A_330, %jit3A_327 : i32
          %rem3A_332 = arith.remsi %while3A_283, %select_n3A_331 : i32
          %ne3A_333 = arith.constant 0 : i32
          %ne3A_334 = arith.cmpi ne, %rem3A_332, %ne3A_333 : i32
          %lt3A_335 = arith.constant 0 : i32
          %lt3A_336 = arith.cmpi slt, %rem3A_332, %lt3A_335 : i32
          %lt3A_337 = arith.constant 0 : i32
          %lt3A_338 = arith.cmpi slt, %select_n3A_331, %lt3A_337 : i32
          %ne3A_339 = arith.xori %lt3A_336, %lt3A_338 : i1
          %and3A_340 = arith.andi %ne3A_339, %ne3A_334 : i1
          %add3A_341 = arith.addi %rem3A_332, %select_n3A_331 : i32
          %select_n3A_342 = arith.select %and3A_340, %add3A_341, %rem3A_332 : i32
          %mul3A_343 = arith.constant 64 : i32
          %mul3A_344 = arith.muli %select_n3A_342, %mul3A_343 : i32
          %multiple_of3A_345 = tpu.assume_multiple %mul3A_344, 64 : i32
          %add3A_346 = arith.constant 0 : i32
          %add3A_347 = vector.broadcast %add3A_346 : i32 to vector<16xi32>
          %add3A_348 = arith.addi %add3A_347, %iota3A : vector<16xi32>
          %gather3A = tpu.vector_load_idx %arg8[%add3A_348, %add3A_321] : memref<64x128xf32, #tpu.memory_space<vmem>>[vector<16xi32>, vector<16xi32>], vector<16xf32>,
          %add3A_349 = arith.constant 0 : i32
          %add3A_350 = arith.addi %multiple_of3A_345, %add3A_349 : i32
          %swap3A_351 = arith.index_cast %add3A_350 : i32 to index
          %swap3A_352 = tpu.vector_load %arg10[%swap3A_351] {strides = array<i32>} : memref<512xf32, #tpu.memory_space<vmem>>, vector<16xf32>,
          tpu.vector_store %arg10[%swap3A_351], %gather3A {strides = array<i32>} : memref<512xf32, #tpu.memory_space<vmem>>, vector<16xf32>,
          %add3A_353 = arith.constant 16 : i32
          %add3A_354 = vector.broadcast %add3A_353 : i32 to vector<16xi32>
          %add3A_355 = arith.addi %add3A_354, %iota3A : vector<16xi32>
          %gather3A_356 = tpu.vector_load_idx %arg8[%add3A_355, %add3A_321] : memref<64x128xf32, #tpu.memory_space<vmem>>[vector<16xi32>, vector<16xi32>], vector<16xf32>,
          %add3A_357 = arith.constant 16 : i32
          %add3A_358 = arith.addi %multiple_of3A_345, %add3A_357 : i32
          %swap3A_359 = arith.index_cast %add3A_358 : i32 to index
          %swap3A_360 = tpu.vector_load %arg10[%swap3A_359] {strides = array<i32>} : memref<512xf32, #tpu.memory_space<vmem>>, vector<16xf32>,
          tpu.vector_store %arg10[%swap3A_359], %gather3A_356 {strides = array<i32>} : memref<512xf32, #tpu.memory_space<vmem>>, vector<16xf32>,
          %add3A_361 = arith.constant 32 : i32
          %add3A_362 = vector.broadcast %add3A_361 : i32 to vector<16xi32>
          %add3A_363 = arith.addi %add3A_362, %iota3A : vector<16xi32>
          %gather3A_364 = tpu.vector_load_idx %arg8[%add3A_363, %add3A_321] : memref<64x128xf32, #tpu.memory_space<vmem>>[vector<16xi32>, vector<16xi32>], vector<16xf32>,
          %add3A_365 = arith.constant 32 : i32
          %add3A_366 = arith.addi %multiple_of3A_345, %add3A_365 : i32
          %swap3A_367 = arith.index_cast %add3A_366 : i32 to index
          %swap3A_368 = tpu.vector_load %arg10[%swap3A_367] {strides = array<i32>} : memref<512xf32, #tpu.memory_space<vmem>>, vector<16xf32>,
          tpu.vector_store %arg10[%swap3A_367], %gather3A_364 {strides = array<i32>} : memref<512xf32, #tpu.memory_space<vmem>>, vector<16xf32>,
          %add3A_369 = arith.constant 48 : i32
          %add3A_370 = vector.broadcast %add3A_369 : i32 to vector<16xi32>
          %add3A_371 = arith.addi %add3A_370, %iota3A : vector<16xi32>
          %gather3A_372 = tpu.vector_load_idx %arg8[%add3A_371, %add3A_321] : memref<64x128xf32, #tpu.memory_space<vmem>>[vector<16xi32>, vector<16xi32>], vector<16xf32>,
          %add3A_373 = arith.constant 48 : i32
          %add3A_374 = arith.addi %multiple_of3A_345, %add3A_373 : i32
          %swap3A_375 = arith.index_cast %add3A_374 : i32 to index
          %swap3A_376 = tpu.vector_load %arg10[%swap3A_375] {strides = array<i32>} : memref<512xf32, #tpu.memory_space<vmem>>, vector<16xf32>,
          tpu.vector_store %arg10[%swap3A_375], %gather3A_372 {strides = array<i32>} : memref<512xf32, #tpu.memory_space<vmem>>, vector<16xf32>,
          %mul3A_377 = arith.constant 2 : i32
          %mul3A_378 = arith.muli %reduce_max3A_315, %mul3A_377 : i32
          %mul3A_379 = arith.constant 64 : i32
          %mul3A_380 = arith.muli %mul3A_378, %mul3A_379 : i32
          %dma_start3A_381 = tpu.memref_slice %arg10[%multiple_of3A_345] : memref<512xf32, #tpu.memory_space<vmem>> -> memref<64xf32, #tpu.memory_space<vmem>>
          %dma_start3A_382 = tpu.memref_slice %arg4[%mul3A_380] : memref<2097152xf32, #tpu.memory_space<hbm>> -> memref<64xf32, #tpu.memory_space<hbm>>
          %dma_start3A_383 = tpu.memref_slice %arg4[%mul3A_380] : memref<2097152xf32, #tpu.memory_space<hbm>> -> memref<64xf32, #tpu.memory_space<hbm>>
          %dma_start3A_384 = tpu.memref_slice %arg10[%multiple_of3A_345] : memref<512xf32, #tpu.memory_space<vmem>> -> memref<64xf32, #tpu.memory_space<vmem>>
          tpu.enqueue_dma source(%dma_start3A_384 : memref<64xf32, #tpu.memory_space<vmem>>) target(%dma_start3A_383 : memref<64xf32, #tpu.memory_space<hbm>>) target_semaphore(%arg12 : memref<!tpu.dma_semaphore, #tpu.memory_space<semaphore_mem>>)
          %not3A = arith.constant dense<true> : vector<16xi1>
          %not3A_385 = arith.xori %eq3A_293, %not3A : vector<16xi1>
          %and3A_386 = arith.andi %while3A_282, %not3A_385 : vector<16xi1>
          %add3A_387 = arith.constant 1 : i32
          %add3A_388 = arith.addi %while3A_283, %add3A_387 : i32
          scf.yield %and3A_386, %add3A_388 : vector<16xi1>, i32
        }
        %while3A_279:2 = scf.while (%while3A_282 = %and3A_219, %while3A_283 = %while3A_278#1) : (vector<16xi1>, i32) -> (vector<16xi1>, i32) {
          %all_reduce_population_count3A_284 = tpu.all_reduce %while3A_282 {dim = 0 : i64, kind = #tpu.reduction_kind<sum>} : vector<16xi1> -> vector<16xi32>
          %reduce_max3A_285 = arith.constant true
          %reduce_max3A_286 = vector.broadcast %reduce_max3A_285 : i1 to vector<16xi1>
          %reduce_max3A_287 = arith.constant -2147483648 : i32
          %reduce_max3A_288 = vector.broadcast %reduce_max3A_287 : i32 to vector<16xi32>
          %reduce_max3A_289 = arith.xori %all_reduce_population_count3A_284, %reduce_max3A_288 : vector<16xi32>
          %reduce_max3A_290 = tpu.scan <max>, %reduce_max3A_289 masked %reduce_max3A_286 : vector<16xi32>, vector<16xi1> -> vector<16xi32>
          %reduce_max3A_291 = arith.xori %reduce_max3A_290, %reduce_max3A_288 : vector<16xi32>
          %reduce_max3A_292 = vector.extract %reduce_max3A_291[15] : i32 from vector<16xi32>
          %gt3A_293 = arith.constant 0 : i32
          %gt3A_294 = arith.cmpi sgt, %reduce_max3A_292, %gt3A_293 : i32
          scf.condition(%gt3A_294) %while3A_282, %while3A_283 : vector<16xi1>, i32
        } do {
        ^bb0(%while3A_282: vector<16xi1>, %while3A_283: i32):
          %all_reduce_ffs3A = tpu.all_reduce %while3A_282 {dim = 0 : i64, kind = #tpu.reduction_kind<find_first_set>} : vector<16xi1> -> vector<16xi32>
          %reduce_max3A_284 = arith.constant true
          %reduce_max3A_285 = vector.broadcast %reduce_max3A_284 : i1 to vector<16xi1>
          %reduce_max3A_286 = arith.constant -2147483648 : i32
          %reduce_max3A_287 = vector.broadcast %reduce_max3A_286 : i32 to vector<16xi32>
          %reduce_max3A_288 = arith.xori %all_reduce_ffs3A, %reduce_max3A_287 : vector<16xi32>
          %reduce_max3A_289 = tpu.scan <max>, %reduce_max3A_288 masked %reduce_max3A_285 : vector<16xi32>, vector<16xi1> -> vector<16xi32>
          %reduce_max3A_290 = arith.xori %reduce_max3A_289, %reduce_max3A_287 : vector<16xi32>
          %reduce_max3A_291 = vector.extract %reduce_max3A_290[15] : i32 from vector<16xi32>
          %eq3A_292 = vector.broadcast %reduce_max3A_291 : i32 to vector<16xi32>
          %eq3A_293 = arith.cmpi eq, %iota3A, %eq3A_292 : vector<16xi32>
          %jit3A_294 = arith.constant 0 : i32
          %broadcast_in_dim3A_295 = vector.broadcast %jit3A_294 : i32 to vector<16xi32>
          %select_n3A_296 = arith.select %eq3A_293, %and3A_207, %broadcast_in_dim3A_295 : vector<16xi1>, vector<16xi32>
          %reduce_max3A_297 = arith.constant true
          %reduce_max3A_298 = vector.broadcast %reduce_max3A_297 : i1 to vector<16xi1>
          %reduce_max3A_299 = arith.constant -2147483648 : i32
          %reduce_max3A_300 = vector.broadcast %reduce_max3A_299 : i32 to vector<16xi32>
          %reduce_max3A_301 = arith.xori %select_n3A_296, %reduce_max3A_300 : vector<16xi32>
          %reduce_max3A_302 = tpu.scan <max>, %reduce_max3A_301 masked %reduce_max3A_298 : vector<16xi32>, vector<16xi1> -> vector<16xi32>
          %reduce_max3A_303 = arith.xori %reduce_max3A_302, %reduce_max3A_300 : vector<16xi32>
          %reduce_max3A_304 = vector.extract %reduce_max3A_303[15] : i32 from vector<16xi32>
          %jit3A_305 = arith.constant 0 : i32
          %broadcast_in_dim3A_306 = vector.broadcast %jit3A_305 : i32 to vector<16xi32>
          %select_n3A_307 = arith.select %eq3A_293, %shift_right_arithmetic3A_210, %broadcast_in_dim3A_306 : vector<16xi1>, vector<16xi32>
          %reduce_max3A_308 = arith.constant true
          %reduce_max3A_309 = vector.broadcast %reduce_max3A_308 : i1 to vector<16xi1>
          %reduce_max3A_310 = arith.constant -2147483648 : i32
          %reduce_max3A_311 = vector.broadcast %reduce_max3A_310 : i32 to vector<16xi32>
          %reduce_max3A_312 = arith.xori %select_n3A_307, %reduce_max3A_311 : vector<16xi32>
          %reduce_max3A_313 = tpu.scan <max>, %reduce_max3A_312 masked %reduce_max3A_309 : vector<16xi32>, vector<16xi1> -> vector<16xi32>
          %reduce_max3A_314 = arith.xori %reduce_max3A_313, %reduce_max3A_311 : vector<16xi32>
          %reduce_max3A_315 = vector.extract %reduce_max3A_314[15] : i32 from vector<16xi32>
          %broadcast_in_dim3A_316 = arith.constant 0 : i32
          %broadcast_in_dim3A_317 = vector.broadcast %broadcast_in_dim3A_316 : i32 to vector<16xi32>
          %sub3A_318 = arith.constant 31232 : i32
          %sub3A_319 = arith.subi %reduce_max3A_304, %sub3A_318 : i32
          %add3A_320 = vector.broadcast %sub3A_319 : i32 to vector<16xi32>
          %add3A_321 = arith.addi %broadcast_in_dim3A_317, %add3A_320 : vector<16xi32>
          %ge3A_322 = arith.constant 8 : i32
          %ge3A_323 = arith.cmpi sge, %while3A_283, %ge3A_322 : i32
          %convert_element_type3A_324 = arith.extui %ge3A_323 : i1 to i32
          %cond3A_325 = arith.constant 0 : i32
          %cond3A_326 = arith.cmpi ne, %convert_element_type3A_324, %cond3A_325 : i32
          scf.if %cond3A_326 {
            %dma_wait3A = arith.constant 0 : i32
            %dma_wait3A_389 = tpu.memref_slice %arg10[%dma_wait3A] : memref<512xf32, #tpu.memory_space<vmem>> -> memref<64xf32, #tpu.memory_space<vmem>>
            %dma_wait3A_390 = arith.constant 0 : i32
            %dma_wait3A_391 = tpu.memref_slice %arg4[%dma_wait3A_390] : memref<2097152xf32, #tpu.memory_space<hbm>> -> memref<64xf32, #tpu.memory_space<hbm>>
            %dma_wait3A_392 = arith.constant 0 : i32
            %dma_wait3A_393 = tpu.memref_slice %arg4[%dma_wait3A_392] : memref<2097152xf32, #tpu.memory_space<hbm>> -> memref<64xf32, #tpu.memory_space<hbm>>
            %dma_wait3A_394 = arith.constant 0 : i32
            %dma_wait3A_395 = tpu.memref_slice %arg10[%dma_wait3A_394] : memref<512xf32, #tpu.memory_space<vmem>> -> memref<64xf32, #tpu.memory_space<vmem>>
            tpu.wait_dma2 semaphore(%arg12 : memref<!tpu.dma_semaphore, #tpu.memory_space<semaphore_mem>>) src(%dma_wait3A_395 : memref<64xf32, #tpu.memory_space<vmem>>) dst(%dma_wait3A_393 : memref<64xf32, #tpu.memory_space<hbm>>)
          } else {
          }
          %jit3A_327 = arith.constant 8 : i32
          %eq3A_328 = arith.constant 0 : i32
          %eq3A_329 = arith.cmpi eq, %jit3A_327, %eq3A_328 : i32
          %jit3A_330 = arith.constant 1 : i32
          %select_n3A_331 = arith.select %eq3A_329, %jit3A_330, %jit3A_327 : i32
          %rem3A_332 = arith.remsi %while3A_283, %select_n3A_331 : i32
          %ne3A_333 = arith.constant 0 : i32
          %ne3A_334 = arith.cmpi ne, %rem3A_332, %ne3A_333 : i32
          %lt3A_335 = arith.constant 0 : i32
          %lt3A_336 = arith.cmpi slt, %rem3A_332, %lt3A_335 : i32
          %lt3A_337 = arith.constant 0 : i32
          %lt3A_338 = arith.cmpi slt, %select_n3A_331, %lt3A_337 : i32
          %ne3A_339 = arith.xori %lt3A_336, %lt3A_338 : i1
          %and3A_340 = arith.andi %ne3A_339, %ne3A_334 : i1
          %add3A_341 = arith.addi %rem3A_332, %select_n3A_331 : i32
          %select_n3A_342 = arith.select %and3A_340, %add3A_341, %rem3A_332 : i32
          %mul3A_343 = arith.constant 64 : i32
          %mul3A_344 = arith.muli %select_n3A_342, %mul3A_343 : i32
          %multiple_of3A_345 = tpu.assume_multiple %mul3A_344, 64 : i32
          %add3A_346 = arith.constant 0 : i32
          %add3A_347 = vector.broadcast %add3A_346 : i32 to vector<16xi32>
          %add3A_348 = arith.addi %add3A_347, %iota3A : vector<16xi32>
          %gather3A = tpu.vector_load_idx %arg8[%add3A_348, %add3A_321] : memref<64x128xf32, #tpu.memory_space<vmem>>[vector<16xi32>, vector<16xi32>], vector<16xf32>,
          %add3A_349 = arith.constant 0 : i32
          %add3A_350 = arith.addi %multiple_of3A_345, %add3A_349 : i32
          %swap3A_351 = arith.index_cast %add3A_350 : i32 to index
          %swap3A_352 = tpu.vector_load %arg10[%swap3A_351] {strides = array<i32>} : memref<512xf32, #tpu.memory_space<vmem>>, vector<16xf32>,
          tpu.vector_store %arg10[%swap3A_351], %gather3A {strides = array<i32>} : memref<512xf32, #tpu.memory_space<vmem>>, vector<16xf32>,
          %add3A_353 = arith.constant 16 : i32
          %add3A_354 = vector.broadcast %add3A_353 : i32 to vector<16xi32>
          %add3A_355 = arith.addi %add3A_354, %iota3A : vector<16xi32>
          %gather3A_356 = tpu.vector_load_idx %arg8[%add3A_355, %add3A_321] : memref<64x128xf32, #tpu.memory_space<vmem>>[vector<16xi32>, vector<16xi32>], vector<16xf32>,
          %add3A_357 = arith.constant 16 : i32
          %add3A_358 = arith.addi %multiple_of3A_345, %add3A_357 : i32
          %swap3A_359 = arith.index_cast %add3A_358 : i32 to index
          %swap3A_360 = tpu.vector_load %arg10[%swap3A_359] {strides = array<i32>} : memref<512xf32, #tpu.memory_space<vmem>>, vector<16xf32>,
          tpu.vector_store %arg10[%swap3A_359], %gather3A_356 {strides = array<i32>} : memref<512xf32, #tpu.memory_space<vmem>>, vector<16xf32>,
          %add3A_361 = arith.constant 32 : i32
          %add3A_362 = vector.broadcast %add3A_361 : i32 to vector<16xi32>
          %add3A_363 = arith.addi %add3A_362, %iota3A : vector<16xi32>
          %gather3A_364 = tpu.vector_load_idx %arg8[%add3A_363, %add3A_321] : memref<64x128xf32, #tpu.memory_space<vmem>>[vector<16xi32>, vector<16xi32>], vector<16xf32>,
          %add3A_365 = arith.constant 32 : i32
          %add3A_366 = arith.addi %multiple_of3A_345, %add3A_365 : i32
          %swap3A_367 = arith.index_cast %add3A_366 : i32 to index
          %swap3A_368 = tpu.vector_load %arg10[%swap3A_367] {strides = array<i32>} : memref<512xf32, #tpu.memory_space<vmem>>, vector<16xf32>,
          tpu.vector_store %arg10[%swap3A_367], %gather3A_364 {strides = array<i32>} : memref<512xf32, #tpu.memory_space<vmem>>, vector<16xf32>,
          %add3A_369 = arith.constant 48 : i32
          %add3A_370 = vector.broadcast %add3A_369 : i32 to vector<16xi32>
          %add3A_371 = arith.addi %add3A_370, %iota3A : vector<16xi32>
          %gather3A_372 = tpu.vector_load_idx %arg8[%add3A_371, %add3A_321] : memref<64x128xf32, #tpu.memory_space<vmem>>[vector<16xi32>, vector<16xi32>], vector<16xf32>,
          %add3A_373 = arith.constant 48 : i32
          %add3A_374 = arith.addi %multiple_of3A_345, %add3A_373 : i32
          %swap3A_375 = arith.index_cast %add3A_374 : i32 to index
          %swap3A_376 = tpu.vector_load %arg10[%swap3A_375] {strides = array<i32>} : memref<512xf32, #tpu.memory_space<vmem>>, vector<16xf32>,
          tpu.vector_store %arg10[%swap3A_375], %gather3A_372 {strides = array<i32>} : memref<512xf32, #tpu.memory_space<vmem>>, vector<16xf32>,
          %mul3A_377 = arith.constant 2 : i32
          %mul3A_378 = arith.muli %reduce_max3A_315, %mul3A_377 : i32
          %mul3A_379 = arith.constant 64 : i32
          %mul3A_380 = arith.muli %mul3A_378, %mul3A_379 : i32
          %dma_start3A_381 = tpu.memref_slice %arg10[%multiple_of3A_345] : memref<512xf32, #tpu.memory_space<vmem>> -> memref<64xf32, #tpu.memory_space<vmem>>
          %dma_start3A_382 = tpu.memref_slice %arg4[%mul3A_380] : memref<2097152xf32, #tpu.memory_space<hbm>> -> memref<64xf32, #tpu.memory_space<hbm>>
          %dma_start3A_383 = tpu.memref_slice %arg4[%mul3A_380] : memref<2097152xf32, #tpu.memory_space<hbm>> -> memref<64xf32, #tpu.memory_space<hbm>>
          %dma_start3A_384 = tpu.memref_slice %arg10[%multiple_of3A_345] : memref<512xf32, #tpu.memory_space<vmem>> -> memref<64xf32, #tpu.memory_space<vmem>>
          tpu.enqueue_dma source(%dma_start3A_384 : memref<64xf32, #tpu.memory_space<vmem>>) target(%dma_start3A_383 : memref<64xf32, #tpu.memory_space<hbm>>) target_semaphore(%arg12 : memref<!tpu.dma_semaphore, #tpu.memory_space<semaphore_mem>>)
          %not3A = arith.constant dense<true> : vector<16xi1>
          %not3A_385 = arith.xori %eq3A_293, %not3A : vector<16xi1>
          %and3A_386 = arith.andi %while3A_282, %not3A_385 : vector<16xi1>
          %add3A_387 = arith.constant 1 : i32
          %add3A_388 = arith.addi %while3A_283, %add3A_387 : i32
          scf.yield %and3A_386, %add3A_388 : vector<16xi1>, i32
        }
        %while3A_280:2 = scf.while (%while3A_282 = %and3A_241, %while3A_283 = %while3A_279#1) : (vector<16xi1>, i32) -> (vector<16xi1>, i32) {
          %all_reduce_population_count3A_284 = tpu.all_reduce %while3A_282 {dim = 0 : i64, kind = #tpu.reduction_kind<sum>} : vector<16xi1> -> vector<16xi32>
          %reduce_max3A_285 = arith.constant true
          %reduce_max3A_286 = vector.broadcast %reduce_max3A_285 : i1 to vector<16xi1>
          %reduce_max3A_287 = arith.constant -2147483648 : i32
          %reduce_max3A_288 = vector.broadcast %reduce_max3A_287 : i32 to vector<16xi32>
          %reduce_max3A_289 = arith.xori %all_reduce_population_count3A_284, %reduce_max3A_288 : vector<16xi32>
          %reduce_max3A_290 = tpu.scan <max>, %reduce_max3A_289 masked %reduce_max3A_286 : vector<16xi32>, vector<16xi1> -> vector<16xi32>
          %reduce_max3A_291 = arith.xori %reduce_max3A_290, %reduce_max3A_288 : vector<16xi32>
          %reduce_max3A_292 = vector.extract %reduce_max3A_291[15] : i32 from vector<16xi32>
          %gt3A_293 = arith.constant 0 : i32
          %gt3A_294 = arith.cmpi sgt, %reduce_max3A_292, %gt3A_293 : i32
          scf.condition(%gt3A_294) %while3A_282, %while3A_283 : vector<16xi1>, i32
        } do {
        ^bb0(%while3A_282: vector<16xi1>, %while3A_283: i32):
          %all_reduce_ffs3A = tpu.all_reduce %while3A_282 {dim = 0 : i64, kind = #tpu.reduction_kind<find_first_set>} : vector<16xi1> -> vector<16xi32>
          %reduce_max3A_284 = arith.constant true
          %reduce_max3A_285 = vector.broadcast %reduce_max3A_284 : i1 to vector<16xi1>
          %reduce_max3A_286 = arith.constant -2147483648 : i32
          %reduce_max3A_287 = vector.broadcast %reduce_max3A_286 : i32 to vector<16xi32>
          %reduce_max3A_288 = arith.xori %all_reduce_ffs3A, %reduce_max3A_287 : vector<16xi32>
          %reduce_max3A_289 = tpu.scan <max>, %reduce_max3A_288 masked %reduce_max3A_285 : vector<16xi32>, vector<16xi1> -> vector<16xi32>
          %reduce_max3A_290 = arith.xori %reduce_max3A_289, %reduce_max3A_287 : vector<16xi32>
          %reduce_max3A_291 = vector.extract %reduce_max3A_290[15] : i32 from vector<16xi32>
          %eq3A_292 = vector.broadcast %reduce_max3A_291 : i32 to vector<16xi32>
          %eq3A_293 = arith.cmpi eq, %iota3A, %eq3A_292 : vector<16xi32>
          %jit3A_294 = arith.constant 0 : i32
          %broadcast_in_dim3A_295 = vector.broadcast %jit3A_294 : i32 to vector<16xi32>
          %select_n3A_296 = arith.select %eq3A_293, %and3A_229, %broadcast_in_dim3A_295 : vector<16xi1>, vector<16xi32>
          %reduce_max3A_297 = arith.constant true
          %reduce_max3A_298 = vector.broadcast %reduce_max3A_297 : i1 to vector<16xi1>
          %reduce_max3A_299 = arith.constant -2147483648 : i32
          %reduce_max3A_300 = vector.broadcast %reduce_max3A_299 : i32 to vector<16xi32>
          %reduce_max3A_301 = arith.xori %select_n3A_296, %reduce_max3A_300 : vector<16xi32>
          %reduce_max3A_302 = tpu.scan <max>, %reduce_max3A_301 masked %reduce_max3A_298 : vector<16xi32>, vector<16xi1> -> vector<16xi32>
          %reduce_max3A_303 = arith.xori %reduce_max3A_302, %reduce_max3A_300 : vector<16xi32>
          %reduce_max3A_304 = vector.extract %reduce_max3A_303[15] : i32 from vector<16xi32>
          %jit3A_305 = arith.constant 0 : i32
          %broadcast_in_dim3A_306 = vector.broadcast %jit3A_305 : i32 to vector<16xi32>
          %select_n3A_307 = arith.select %eq3A_293, %shift_right_arithmetic3A_232, %broadcast_in_dim3A_306 : vector<16xi1>, vector<16xi32>
          %reduce_max3A_308 = arith.constant true
          %reduce_max3A_309 = vector.broadcast %reduce_max3A_308 : i1 to vector<16xi1>
          %reduce_max3A_310 = arith.constant -2147483648 : i32
          %reduce_max3A_311 = vector.broadcast %reduce_max3A_310 : i32 to vector<16xi32>
          %reduce_max3A_312 = arith.xori %select_n3A_307, %reduce_max3A_311 : vector<16xi32>
          %reduce_max3A_313 = tpu.scan <max>, %reduce_max3A_312 masked %reduce_max3A_309 : vector<16xi32>, vector<16xi1> -> vector<16xi32>
          %reduce_max3A_314 = arith.xori %reduce_max3A_313, %reduce_max3A_311 : vector<16xi32>
          %reduce_max3A_315 = vector.extract %reduce_max3A_314[15] : i32 from vector<16xi32>
          %broadcast_in_dim3A_316 = arith.constant 0 : i32
          %broadcast_in_dim3A_317 = vector.broadcast %broadcast_in_dim3A_316 : i32 to vector<16xi32>
          %sub3A_318 = arith.constant 31232 : i32
          %sub3A_319 = arith.subi %reduce_max3A_304, %sub3A_318 : i32
          %add3A_320 = vector.broadcast %sub3A_319 : i32 to vector<16xi32>
          %add3A_321 = arith.addi %broadcast_in_dim3A_317, %add3A_320 : vector<16xi32>
          %ge3A_322 = arith.constant 8 : i32
          %ge3A_323 = arith.cmpi sge, %while3A_283, %ge3A_322 : i32
          %convert_element_type3A_324 = arith.extui %ge3A_323 : i1 to i32
          %cond3A_325 = arith.constant 0 : i32
          %cond3A_326 = arith.cmpi ne, %convert_element_type3A_324, %cond3A_325 : i32
          scf.if %cond3A_326 {
            %dma_wait3A = arith.constant 0 : i32
            %dma_wait3A_389 = tpu.memref_slice %arg10[%dma_wait3A] : memref<512xf32, #tpu.memory_space<vmem>> -> memref<64xf32, #tpu.memory_space<vmem>>
            %dma_wait3A_390 = arith.constant 0 : i32
            %dma_wait3A_391 = tpu.memref_slice %arg4[%dma_wait3A_390] : memref<2097152xf32, #tpu.memory_space<hbm>> -> memref<64xf32, #tpu.memory_space<hbm>>
            %dma_wait3A_392 = arith.constant 0 : i32
            %dma_wait3A_393 = tpu.memref_slice %arg4[%dma_wait3A_392] : memref<2097152xf32, #tpu.memory_space<hbm>> -> memref<64xf32, #tpu.memory_space<hbm>>
            %dma_wait3A_394 = arith.constant 0 : i32
            %dma_wait3A_395 = tpu.memref_slice %arg10[%dma_wait3A_394] : memref<512xf32, #tpu.memory_space<vmem>> -> memref<64xf32, #tpu.memory_space<vmem>>
            tpu.wait_dma2 semaphore(%arg12 : memref<!tpu.dma_semaphore, #tpu.memory_space<semaphore_mem>>) src(%dma_wait3A_395 : memref<64xf32, #tpu.memory_space<vmem>>) dst(%dma_wait3A_393 : memref<64xf32, #tpu.memory_space<hbm>>)
          } else {
          }
          %jit3A_327 = arith.constant 8 : i32
          %eq3A_328 = arith.constant 0 : i32
          %eq3A_329 = arith.cmpi eq, %jit3A_327, %eq3A_328 : i32
          %jit3A_330 = arith.constant 1 : i32
          %select_n3A_331 = arith.select %eq3A_329, %jit3A_330, %jit3A_327 : i32
          %rem3A_332 = arith.remsi %while3A_283, %select_n3A_331 : i32
          %ne3A_333 = arith.constant 0 : i32
          %ne3A_334 = arith.cmpi ne, %rem3A_332, %ne3A_333 : i32
          %lt3A_335 = arith.constant 0 : i32
          %lt3A_336 = arith.cmpi slt, %rem3A_332, %lt3A_335 : i32
          %lt3A_337 = arith.constant 0 : i32
          %lt3A_338 = arith.cmpi slt, %select_n3A_331, %lt3A_337 : i32
          %ne3A_339 = arith.xori %lt3A_336, %lt3A_338 : i1
          %and3A_340 = arith.andi %ne3A_339, %ne3A_334 : i1
          %add3A_341 = arith.addi %rem3A_332, %select_n3A_331 : i32
          %select_n3A_342 = arith.select %and3A_340, %add3A_341, %rem3A_332 : i32
          %mul3A_343 = arith.constant 64 : i32
          %mul3A_344 = arith.muli %select_n3A_342, %mul3A_343 : i32
          %multiple_of3A_345 = tpu.assume_multiple %mul3A_344, 64 : i32
          %add3A_346 = arith.constant 0 : i32
          %add3A_347 = vector.broadcast %add3A_346 : i32 to vector<16xi32>
          %add3A_348 = arith.addi %add3A_347, %iota3A : vector<16xi32>
          %gather3A = tpu.vector_load_idx %arg8[%add3A_348, %add3A_321] : memref<64x128xf32, #tpu.memory_space<vmem>>[vector<16xi32>, vector<16xi32>], vector<16xf32>,
          %add3A_349 = arith.constant 0 : i32
          %add3A_350 = arith.addi %multiple_of3A_345, %add3A_349 : i32
          %swap3A_351 = arith.index_cast %add3A_350 : i32 to index
          %swap3A_352 = tpu.vector_load %arg10[%swap3A_351] {strides = array<i32>} : memref<512xf32, #tpu.memory_space<vmem>>, vector<16xf32>,
          tpu.vector_store %arg10[%swap3A_351], %gather3A {strides = array<i32>} : memref<512xf32, #tpu.memory_space<vmem>>, vector<16xf32>,
          %add3A_353 = arith.constant 16 : i32
          %add3A_354 = vector.broadcast %add3A_353 : i32 to vector<16xi32>
          %add3A_355 = arith.addi %add3A_354, %iota3A : vector<16xi32>
          %gather3A_356 = tpu.vector_load_idx %arg8[%add3A_355, %add3A_321] : memref<64x128xf32, #tpu.memory_space<vmem>>[vector<16xi32>, vector<16xi32>], vector<16xf32>,
          %add3A_357 = arith.constant 16 : i32
          %add3A_358 = arith.addi %multiple_of3A_345, %add3A_357 : i32
          %swap3A_359 = arith.index_cast %add3A_358 : i32 to index
          %swap3A_360 = tpu.vector_load %arg10[%swap3A_359] {strides = array<i32>} : memref<512xf32, #tpu.memory_space<vmem>>, vector<16xf32>,
          tpu.vector_store %arg10[%swap3A_359], %gather3A_356 {strides = array<i32>} : memref<512xf32, #tpu.memory_space<vmem>>, vector<16xf32>,
          %add3A_361 = arith.constant 32 : i32
          %add3A_362 = vector.broadcast %add3A_361 : i32 to vector<16xi32>
          %add3A_363 = arith.addi %add3A_362, %iota3A : vector<16xi32>
          %gather3A_364 = tpu.vector_load_idx %arg8[%add3A_363, %add3A_321] : memref<64x128xf32, #tpu.memory_space<vmem>>[vector<16xi32>, vector<16xi32>], vector<16xf32>,
          %add3A_365 = arith.constant 32 : i32
          %add3A_366 = arith.addi %multiple_of3A_345, %add3A_365 : i32
          %swap3A_367 = arith.index_cast %add3A_366 : i32 to index
          %swap3A_368 = tpu.vector_load %arg10[%swap3A_367] {strides = array<i32>} : memref<512xf32, #tpu.memory_space<vmem>>, vector<16xf32>,
          tpu.vector_store %arg10[%swap3A_367], %gather3A_364 {strides = array<i32>} : memref<512xf32, #tpu.memory_space<vmem>>, vector<16xf32>,
          %add3A_369 = arith.constant 48 : i32
          %add3A_370 = vector.broadcast %add3A_369 : i32 to vector<16xi32>
          %add3A_371 = arith.addi %add3A_370, %iota3A : vector<16xi32>
          %gather3A_372 = tpu.vector_load_idx %arg8[%add3A_371, %add3A_321] : memref<64x128xf32, #tpu.memory_space<vmem>>[vector<16xi32>, vector<16xi32>], vector<16xf32>,
          %add3A_373 = arith.constant 48 : i32
          %add3A_374 = arith.addi %multiple_of3A_345, %add3A_373 : i32
          %swap3A_375 = arith.index_cast %add3A_374 : i32 to index
          %swap3A_376 = tpu.vector_load %arg10[%swap3A_375] {strides = array<i32>} : memref<512xf32, #tpu.memory_space<vmem>>, vector<16xf32>,
          tpu.vector_store %arg10[%swap3A_375], %gather3A_372 {strides = array<i32>} : memref<512xf32, #tpu.memory_space<vmem>>, vector<16xf32>,
          %mul3A_377 = arith.constant 2 : i32
          %mul3A_378 = arith.muli %reduce_max3A_315, %mul3A_377 : i32
          %mul3A_379 = arith.constant 64 : i32
          %mul3A_380 = arith.muli %mul3A_378, %mul3A_379 : i32
          %dma_start3A_381 = tpu.memref_slice %arg10[%multiple_of3A_345] : memref<512xf32, #tpu.memory_space<vmem>> -> memref<64xf32, #tpu.memory_space<vmem>>
          %dma_start3A_382 = tpu.memref_slice %arg4[%mul3A_380] : memref<2097152xf32, #tpu.memory_space<hbm>> -> memref<64xf32, #tpu.memory_space<hbm>>
          %dma_start3A_383 = tpu.memref_slice %arg4[%mul3A_380] : memref<2097152xf32, #tpu.memory_space<hbm>> -> memref<64xf32, #tpu.memory_space<hbm>>
          %dma_start3A_384 = tpu.memref_slice %arg10[%multiple_of3A_345] : memref<512xf32, #tpu.memory_space<vmem>> -> memref<64xf32, #tpu.memory_space<vmem>>
          tpu.enqueue_dma source(%dma_start3A_384 : memref<64xf32, #tpu.memory_space<vmem>>) target(%dma_start3A_383 : memref<64xf32, #tpu.memory_space<hbm>>) target_semaphore(%arg12 : memref<!tpu.dma_semaphore, #tpu.memory_space<semaphore_mem>>)
          %not3A = arith.constant dense<true> : vector<16xi1>
          %not3A_385 = arith.xori %eq3A_293, %not3A : vector<16xi1>
          %and3A_386 = arith.andi %while3A_282, %not3A_385 : vector<16xi1>
          %add3A_387 = arith.constant 1 : i32
          %add3A_388 = arith.addi %while3A_283, %add3A_387 : i32
          scf.yield %and3A_386, %add3A_388 : vector<16xi1>, i32
        }
        %while3A_281:2 = scf.while (%while3A_282 = %and3A_263, %while3A_283 = %while3A_280#1) : (vector<16xi1>, i32) -> (vector<16xi1>, i32) {
          %all_reduce_population_count3A_284 = tpu.all_reduce %while3A_282 {dim = 0 : i64, kind = #tpu.reduction_kind<sum>} : vector<16xi1> -> vector<16xi32>
          %reduce_max3A_285 = arith.constant true
          %reduce_max3A_286 = vector.broadcast %reduce_max3A_285 : i1 to vector<16xi1>
          %reduce_max3A_287 = arith.constant -2147483648 : i32
          %reduce_max3A_288 = vector.broadcast %reduce_max3A_287 : i32 to vector<16xi32>
          %reduce_max3A_289 = arith.xori %all_reduce_population_count3A_284, %reduce_max3A_288 : vector<16xi32>
          %reduce_max3A_290 = tpu.scan <max>, %reduce_max3A_289 masked %reduce_max3A_286 : vector<16xi32>, vector<16xi1> -> vector<16xi32>
          %reduce_max3A_291 = arith.xori %reduce_max3A_290, %reduce_max3A_288 : vector<16xi32>
          %reduce_max3A_292 = vector.extract %reduce_max3A_291[15] : i32 from vector<16xi32>
          %gt3A_293 = arith.constant 0 : i32
          %gt3A_294 = arith.cmpi sgt, %reduce_max3A_292, %gt3A_293 : i32
          scf.condition(%gt3A_294) %while3A_282, %while3A_283 : vector<16xi1>, i32
        } do {
        ^bb0(%while3A_282: vector<16xi1>, %while3A_283: i32):
          %all_reduce_ffs3A = tpu.all_reduce %while3A_282 {dim = 0 : i64, kind = #tpu.reduction_kind<find_first_set>} : vector<16xi1> -> vector<16xi32>
          %reduce_max3A_284 = arith.constant true
          %reduce_max3A_285 = vector.broadcast %reduce_max3A_284 : i1 to vector<16xi1>
          %reduce_max3A_286 = arith.constant -2147483648 : i32
          %reduce_max3A_287 = vector.broadcast %reduce_max3A_286 : i32 to vector<16xi32>
          %reduce_max3A_288 = arith.xori %all_reduce_ffs3A, %reduce_max3A_287 : vector<16xi32>
          %reduce_max3A_289 = tpu.scan <max>, %reduce_max3A_288 masked %reduce_max3A_285 : vector<16xi32>, vector<16xi1> -> vector<16xi32>
          %reduce_max3A_290 = arith.xori %reduce_max3A_289, %reduce_max3A_287 : vector<16xi32>
          %reduce_max3A_291 = vector.extract %reduce_max3A_290[15] : i32 from vector<16xi32>
          %eq3A_292 = vector.broadcast %reduce_max3A_291 : i32 to vector<16xi32>
          %eq3A_293 = arith.cmpi eq, %iota3A, %eq3A_292 : vector<16xi32>
          %jit3A_294 = arith.constant 0 : i32
          %broadcast_in_dim3A_295 = vector.broadcast %jit3A_294 : i32 to vector<16xi32>
          %select_n3A_296 = arith.select %eq3A_293, %and3A_251, %broadcast_in_dim3A_295 : vector<16xi1>, vector<16xi32>
          %reduce_max3A_297 = arith.constant true
          %reduce_max3A_298 = vector.broadcast %reduce_max3A_297 : i1 to vector<16xi1>
          %reduce_max3A_299 = arith.constant -2147483648 : i32
          %reduce_max3A_300 = vector.broadcast %reduce_max3A_299 : i32 to vector<16xi32>
          %reduce_max3A_301 = arith.xori %select_n3A_296, %reduce_max3A_300 : vector<16xi32>
          %reduce_max3A_302 = tpu.scan <max>, %reduce_max3A_301 masked %reduce_max3A_298 : vector<16xi32>, vector<16xi1> -> vector<16xi32>
          %reduce_max3A_303 = arith.xori %reduce_max3A_302, %reduce_max3A_300 : vector<16xi32>
          %reduce_max3A_304 = vector.extract %reduce_max3A_303[15] : i32 from vector<16xi32>
          %jit3A_305 = arith.constant 0 : i32
          %broadcast_in_dim3A_306 = vector.broadcast %jit3A_305 : i32 to vector<16xi32>
          %select_n3A_307 = arith.select %eq3A_293, %shift_right_arithmetic3A_254, %broadcast_in_dim3A_306 : vector<16xi1>, vector<16xi32>
          %reduce_max3A_308 = arith.constant true
          %reduce_max3A_309 = vector.broadcast %reduce_max3A_308 : i1 to vector<16xi1>
          %reduce_max3A_310 = arith.constant -2147483648 : i32
          %reduce_max3A_311 = vector.broadcast %reduce_max3A_310 : i32 to vector<16xi32>
          %reduce_max3A_312 = arith.xori %select_n3A_307, %reduce_max3A_311 : vector<16xi32>
          %reduce_max3A_313 = tpu.scan <max>, %reduce_max3A_312 masked %reduce_max3A_309 : vector<16xi32>, vector<16xi1> -> vector<16xi32>
          %reduce_max3A_314 = arith.xori %reduce_max3A_313, %reduce_max3A_311 : vector<16xi32>
          %reduce_max3A_315 = vector.extract %reduce_max3A_314[15] : i32 from vector<16xi32>
          %broadcast_in_dim3A_316 = arith.constant 0 : i32
          %broadcast_in_dim3A_317 = vector.broadcast %broadcast_in_dim3A_316 : i32 to vector<16xi32>
          %sub3A_318 = arith.constant 31232 : i32
          %sub3A_319 = arith.subi %reduce_max3A_304, %sub3A_318 : i32
          %add3A_320 = vector.broadcast %sub3A_319 : i32 to vector<16xi32>
          %add3A_321 = arith.addi %broadcast_in_dim3A_317, %add3A_320 : vector<16xi32>
          %ge3A_322 = arith.constant 8 : i32
          %ge3A_323 = arith.cmpi sge, %while3A_283, %ge3A_322 : i32
          %convert_element_type3A_324 = arith.extui %ge3A_323 : i1 to i32
          %cond3A_325 = arith.constant 0 : i32
          %cond3A_326 = arith.cmpi ne, %convert_element_type3A_324, %cond3A_325 : i32
          scf.if %cond3A_326 {
            %dma_wait3A = arith.constant 0 : i32
            %dma_wait3A_389 = tpu.memref_slice %arg10[%dma_wait3A] : memref<512xf32, #tpu.memory_space<vmem>> -> memref<64xf32, #tpu.memory_space<vmem>>
            %dma_wait3A_390 = arith.constant 0 : i32
            %dma_wait3A_391 = tpu.memref_slice %arg4[%dma_wait3A_390] : memref<2097152xf32, #tpu.memory_space<hbm>> -> memref<64xf32, #tpu.memory_space<hbm>>
            %dma_wait3A_392 = arith.constant 0 : i32
            %dma_wait3A_393 = tpu.memref_slice %arg4[%dma_wait3A_392] : memref<2097152xf32, #tpu.memory_space<hbm>> -> memref<64xf32, #tpu.memory_space<hbm>>
            %dma_wait3A_394 = arith.constant 0 : i32
            %dma_wait3A_395 = tpu.memref_slice %arg10[%dma_wait3A_394] : memref<512xf32, #tpu.memory_space<vmem>> -> memref<64xf32, #tpu.memory_space<vmem>>
            tpu.wait_dma2 semaphore(%arg12 : memref<!tpu.dma_semaphore, #tpu.memory_space<semaphore_mem>>) src(%dma_wait3A_395 : memref<64xf32, #tpu.memory_space<vmem>>) dst(%dma_wait3A_393 : memref<64xf32, #tpu.memory_space<hbm>>)
          } else {
          }
          %jit3A_327 = arith.constant 8 : i32
          %eq3A_328 = arith.constant 0 : i32
          %eq3A_329 = arith.cmpi eq, %jit3A_327, %eq3A_328 : i32
          %jit3A_330 = arith.constant 1 : i32
          %select_n3A_331 = arith.select %eq3A_329, %jit3A_330, %jit3A_327 : i32
          %rem3A_332 = arith.remsi %while3A_283, %select_n3A_331 : i32
          %ne3A_333 = arith.constant 0 : i32
          %ne3A_334 = arith.cmpi ne, %rem3A_332, %ne3A_333 : i32
          %lt3A_335 = arith.constant 0 : i32
          %lt3A_336 = arith.cmpi slt, %rem3A_332, %lt3A_335 : i32
          %lt3A_337 = arith.constant 0 : i32
          %lt3A_338 = arith.cmpi slt, %select_n3A_331, %lt3A_337 : i32
          %ne3A_339 = arith.xori %lt3A_336, %lt3A_338 : i1
          %and3A_340 = arith.andi %ne3A_339, %ne3A_334 : i1
          %add3A_341 = arith.addi %rem3A_332, %select_n3A_331 : i32
          %select_n3A_342 = arith.select %and3A_340, %add3A_341, %rem3A_332 : i32
          %mul3A_343 = arith.constant 64 : i32
          %mul3A_344 = arith.muli %select_n3A_342, %mul3A_343 : i32
          %multiple_of3A_345 = tpu.assume_multiple %mul3A_344, 64 : i32
          %add3A_346 = arith.constant 0 : i32
          %add3A_347 = vector.broadcast %add3A_346 : i32 to vector<16xi32>
          %add3A_348 = arith.addi %add3A_347, %iota3A : vector<16xi32>
          %gather3A = tpu.vector_load_idx %arg8[%add3A_348, %add3A_321] : memref<64x128xf32, #tpu.memory_space<vmem>>[vector<16xi32>, vector<16xi32>], vector<16xf32>,
          %add3A_349 = arith.constant 0 : i32
          %add3A_350 = arith.addi %multiple_of3A_345, %add3A_349 : i32
          %swap3A_351 = arith.index_cast %add3A_350 : i32 to index
          %swap3A_352 = tpu.vector_load %arg10[%swap3A_351] {strides = array<i32>} : memref<512xf32, #tpu.memory_space<vmem>>, vector<16xf32>,
          tpu.vector_store %arg10[%swap3A_351], %gather3A {strides = array<i32>} : memref<512xf32, #tpu.memory_space<vmem>>, vector<16xf32>,
          %add3A_353 = arith.constant 16 : i32
          %add3A_354 = vector.broadcast %add3A_353 : i32 to vector<16xi32>
          %add3A_355 = arith.addi %add3A_354, %iota3A : vector<16xi32>
          %gather3A_356 = tpu.vector_load_idx %arg8[%add3A_355, %add3A_321] : memref<64x128xf32, #tpu.memory_space<vmem>>[vector<16xi32>, vector<16xi32>], vector<16xf32>,
          %add3A_357 = arith.constant 16 : i32
          %add3A_358 = arith.addi %multiple_of3A_345, %add3A_357 : i32
          %swap3A_359 = arith.index_cast %add3A_358 : i32 to index
          %swap3A_360 = tpu.vector_load %arg10[%swap3A_359] {strides = array<i32>} : memref<512xf32, #tpu.memory_space<vmem>>, vector<16xf32>,
          tpu.vector_store %arg10[%swap3A_359], %gather3A_356 {strides = array<i32>} : memref<512xf32, #tpu.memory_space<vmem>>, vector<16xf32>,
          %add3A_361 = arith.constant 32 : i32
          %add3A_362 = vector.broadcast %add3A_361 : i32 to vector<16xi32>
          %add3A_363 = arith.addi %add3A_362, %iota3A : vector<16xi32>
          %gather3A_364 = tpu.vector_load_idx %arg8[%add3A_363, %add3A_321] : memref<64x128xf32, #tpu.memory_space<vmem>>[vector<16xi32>, vector<16xi32>], vector<16xf32>,
          %add3A_365 = arith.constant 32 : i32
          %add3A_366 = arith.addi %multiple_of3A_345, %add3A_365 : i32
          %swap3A_367 = arith.index_cast %add3A_366 : i32 to index
          %swap3A_368 = tpu.vector_load %arg10[%swap3A_367] {strides = array<i32>} : memref<512xf32, #tpu.memory_space<vmem>>, vector<16xf32>,
          tpu.vector_store %arg10[%swap3A_367], %gather3A_364 {strides = array<i32>} : memref<512xf32, #tpu.memory_space<vmem>>, vector<16xf32>,
          %add3A_369 = arith.constant 48 : i32
          %add3A_370 = vector.broadcast %add3A_369 : i32 to vector<16xi32>
          %add3A_371 = arith.addi %add3A_370, %iota3A : vector<16xi32>
          %gather3A_372 = tpu.vector_load_idx %arg8[%add3A_371, %add3A_321] : memref<64x128xf32, #tpu.memory_space<vmem>>[vector<16xi32>, vector<16xi32>], vector<16xf32>,
          %add3A_373 = arith.constant 48 : i32
          %add3A_374 = arith.addi %multiple_of3A_345, %add3A_373 : i32
          %swap3A_375 = arith.index_cast %add3A_374 : i32 to index
          %swap3A_376 = tpu.vector_load %arg10[%swap3A_375] {strides = array<i32>} : memref<512xf32, #tpu.memory_space<vmem>>, vector<16xf32>,
          tpu.vector_store %arg10[%swap3A_375], %gather3A_372 {strides = array<i32>} : memref<512xf32, #tpu.memory_space<vmem>>, vector<16xf32>,
          %mul3A_377 = arith.constant 2 : i32
          %mul3A_378 = arith.muli %reduce_max3A_315, %mul3A_377 : i32
          %mul3A_379 = arith.constant 64 : i32
          %mul3A_380 = arith.muli %mul3A_378, %mul3A_379 : i32
          %dma_start3A_381 = tpu.memref_slice %arg10[%multiple_of3A_345] : memref<512xf32, #tpu.memory_space<vmem>> -> memref<64xf32, #tpu.memory_space<vmem>>
          %dma_start3A_382 = tpu.memref_slice %arg4[%mul3A_380] : memref<2097152xf32, #tpu.memory_space<hbm>> -> memref<64xf32, #tpu.memory_space<hbm>>
          %dma_start3A_383 = tpu.memref_slice %arg4[%mul3A_380] : memref<2097152xf32, #tpu.memory_space<hbm>> -> memref<64xf32, #tpu.memory_space<hbm>>
          %dma_start3A_384 = tpu.memref_slice %arg10[%multiple_of3A_345] : memref<512xf32, #tpu.memory_space<vmem>> -> memref<64xf32, #tpu.memory_space<vmem>>
          tpu.enqueue_dma source(%dma_start3A_384 : memref<64xf32, #tpu.memory_space<vmem>>) target(%dma_start3A_383 : memref<64xf32, #tpu.memory_space<hbm>>) target_semaphore(%arg12 : memref<!tpu.dma_semaphore, #tpu.memory_space<semaphore_mem>>)
          %not3A = arith.constant dense<true> : vector<16xi1>
          %not3A_385 = arith.xori %eq3A_293, %not3A : vector<16xi1>
          %and3A_386 = arith.andi %while3A_282, %not3A_385 : vector<16xi1>
          %add3A_387 = arith.constant 1 : i32
          %add3A_388 = arith.addi %while3A_283, %add3A_387 : i32
          scf.yield %and3A_386, %add3A_388 : vector<16xi1>, i32
        }
        scf.yield %while3A_281#1 : i32
      } else {
        scf.yield %while3A_178 : i32
      }
      scf.yield %cond3A_277 : i32
    }
    %while3A_158 = arith.constant 1 : i32
    %while3A_159 = scf.for %while3A_177 = %while3A_155 to %while3A_151 step %while3A_158 iter_args(%while3A_178 = %while3A_157) -> (i32)  : i32 {
      %mul3A_179 = arith.constant 64 : i32
      %mul3A_180 = arith.muli %while3A_177, %mul3A_179 : i32
      %add3A_181 = arith.constant 0 : i32
      %add3A_182 = arith.addi %mul3A_180, %add3A_181 : i32
      %multiple_of3A_183 = tpu.assume_multiple %add3A_182, 8 : i32
      %get3A = arith.index_cast %multiple_of3A_183 : i32 to index
      %get3A_184 = tpu.vector_load %arg6[%get3A] {strides = array<i32>} : memref<16448xi32, #tpu.memory_space<vmem>>, vector<16xi32>,
      %and3A_185 = arith.constant 32767 : i32
      %and3A_186 = vector.broadcast %and3A_185 : i32 to vector<16xi32>
      %and3A_187 = arith.andi %get3A_184, %and3A_186 : vector<16xi32>
      %shift_right_arithmetic3A = arith.constant 15 : i32
      %shift_right_arithmetic3A_188 = vector.broadcast %shift_right_arithmetic3A : i32 to vector<16xi32>
      %shift_right_arithmetic3A_189 = arith.shrsi %get3A_184, %shift_right_arithmetic3A_188 : vector<16xi32>
      %ge3A = arith.constant 31232 : i32
      %ge3A_190 = vector.broadcast %ge3A : i32 to vector<16xi32>
      %ge3A_191 = arith.cmpi sge, %and3A_187, %ge3A_190 : vector<16xi32>
      %lt3A_192 = arith.constant 31360 : i32
      %lt3A_193 = vector.broadcast %lt3A_192 : i32 to vector<16xi32>
      %lt3A_194 = arith.cmpi slt, %and3A_187, %lt3A_193 : vector<16xi32>
      %and3A_195 = arith.andi %ge3A_191, %lt3A_194 : vector<16xi1>
      %and3A_196 = vector.broadcast %lt3A_1 : i1 to vector<16xi1>
      %and3A_197 = arith.andi %and3A_195, %and3A_196 : vector<16xi1>
      %mul3A_198 = arith.constant 64 : i32
      %mul3A_199 = arith.muli %while3A_177, %mul3A_198 : i32
      %add3A_200 = arith.constant 16 : i32
      %add3A_201 = arith.addi %mul3A_199, %add3A_200 : i32
      %multiple_of3A_202 = tpu.assume_multiple %add3A_201, 8 : i32
      %get3A_203 = arith.index_cast %multiple_of3A_202 : i32 to index
      %get3A_204 = tpu.vector_load %arg6[%get3A_203] {strides = array<i32>} : memref<16448xi32, #tpu.memory_space<vmem>>, vector<16xi32>,
      %and3A_205 = arith.constant 32767 : i32
      %and3A_206 = vector.broadcast %and3A_205 : i32 to vector<16xi32>
      %and3A_207 = arith.andi %get3A_204, %and3A_206 : vector<16xi32>
      %shift_right_arithmetic3A_208 = arith.constant 15 : i32
      %shift_right_arithmetic3A_209 = vector.broadcast %shift_right_arithmetic3A_208 : i32 to vector<16xi32>
      %shift_right_arithmetic3A_210 = arith.shrsi %get3A_204, %shift_right_arithmetic3A_209 : vector<16xi32>
      %ge3A_211 = arith.constant 31232 : i32
      %ge3A_212 = vector.broadcast %ge3A_211 : i32 to vector<16xi32>
      %ge3A_213 = arith.cmpi sge, %and3A_207, %ge3A_212 : vector<16xi32>
      %lt3A_214 = arith.constant 31360 : i32
      %lt3A_215 = vector.broadcast %lt3A_214 : i32 to vector<16xi32>
      %lt3A_216 = arith.cmpi slt, %and3A_207, %lt3A_215 : vector<16xi32>
      %and3A_217 = arith.andi %ge3A_213, %lt3A_216 : vector<16xi1>
      %and3A_218 = vector.broadcast %lt3A_1 : i1 to vector<16xi1>
      %and3A_219 = arith.andi %and3A_217, %and3A_218 : vector<16xi1>
      %mul3A_220 = arith.constant 64 : i32
      %mul3A_221 = arith.muli %while3A_177, %mul3A_220 : i32
      %add3A_222 = arith.constant 32 : i32
      %add3A_223 = arith.addi %mul3A_221, %add3A_222 : i32
      %multiple_of3A_224 = tpu.assume_multiple %add3A_223, 8 : i32
      %get3A_225 = arith.index_cast %multiple_of3A_224 : i32 to index
      %get3A_226 = tpu.vector_load %arg6[%get3A_225] {strides = array<i32>} : memref<16448xi32, #tpu.memory_space<vmem>>, vector<16xi32>,
      %and3A_227 = arith.constant 32767 : i32
      %and3A_228 = vector.broadcast %and3A_227 : i32 to vector<16xi32>
      %and3A_229 = arith.andi %get3A_226, %and3A_228 : vector<16xi32>
      %shift_right_arithmetic3A_230 = arith.constant 15 : i32
      %shift_right_arithmetic3A_231 = vector.broadcast %shift_right_arithmetic3A_230 : i32 to vector<16xi32>
      %shift_right_arithmetic3A_232 = arith.shrsi %get3A_226, %shift_right_arithmetic3A_231 : vector<16xi32>
      %ge3A_233 = arith.constant 31232 : i32
      %ge3A_234 = vector.broadcast %ge3A_233 : i32 to vector<16xi32>
      %ge3A_235 = arith.cmpi sge, %and3A_229, %ge3A_234 : vector<16xi32>
      %lt3A_236 = arith.constant 31360 : i32
      %lt3A_237 = vector.broadcast %lt3A_236 : i32 to vector<16xi32>
      %lt3A_238 = arith.cmpi slt, %and3A_229, %lt3A_237 : vector<16xi32>
      %and3A_239 = arith.andi %ge3A_235, %lt3A_238 : vector<16xi1>
      %and3A_240 = vector.broadcast %lt3A_1 : i1 to vector<16xi1>
      %and3A_241 = arith.andi %and3A_239, %and3A_240 : vector<16xi1>
      %mul3A_242 = arith.constant 64 : i32
      %mul3A_243 = arith.muli %while3A_177, %mul3A_242 : i32
      %add3A_244 = arith.constant 48 : i32
      %add3A_245 = arith.addi %mul3A_243, %add3A_244 : i32
      %multiple_of3A_246 = tpu.assume_multiple %add3A_245, 8 : i32
      %get3A_247 = arith.index_cast %multiple_of3A_246 : i32 to index
      %get3A_248 = tpu.vector_load %arg6[%get3A_247] {strides = array<i32>} : memref<16448xi32, #tpu.memory_space<vmem>>, vector<16xi32>,
      %and3A_249 = arith.constant 32767 : i32
      %and3A_250 = vector.broadcast %and3A_249 : i32 to vector<16xi32>
      %and3A_251 = arith.andi %get3A_248, %and3A_250 : vector<16xi32>
      %shift_right_arithmetic3A_252 = arith.constant 15 : i32
      %shift_right_arithmetic3A_253 = vector.broadcast %shift_right_arithmetic3A_252 : i32 to vector<16xi32>
      %shift_right_arithmetic3A_254 = arith.shrsi %get3A_248, %shift_right_arithmetic3A_253 : vector<16xi32>
      %ge3A_255 = arith.constant 31232 : i32
      %ge3A_256 = vector.broadcast %ge3A_255 : i32 to vector<16xi32>
      %ge3A_257 = arith.cmpi sge, %and3A_251, %ge3A_256 : vector<16xi32>
      %lt3A_258 = arith.constant 31360 : i32
      %lt3A_259 = vector.broadcast %lt3A_258 : i32 to vector<16xi32>
      %lt3A_260 = arith.cmpi slt, %and3A_251, %lt3A_259 : vector<16xi32>
      %and3A_261 = arith.andi %ge3A_257, %lt3A_260 : vector<16xi1>
      %and3A_262 = vector.broadcast %lt3A_1 : i1 to vector<16xi1>
      %and3A_263 = arith.andi %and3A_261, %and3A_262 : vector<16xi1>
      %or3A = arith.ori %and3A_197, %and3A_219 : vector<16xi1>
      %or3A_264 = arith.ori %and3A_241, %and3A_263 : vector<16xi1>
      %or3A_265 = arith.ori %or3A, %or3A_264 : vector<16xi1>
      %all_reduce_population_count3A = tpu.all_reduce %or3A_265 {dim = 0 : i64, kind = #tpu.reduction_kind<sum>} : vector<16xi1> -> vector<16xi32>
      %reduce_max3A = arith.constant true
      %reduce_max3A_266 = vector.broadcast %reduce_max3A : i1 to vector<16xi1>
      %reduce_max3A_267 = arith.constant -2147483648 : i32
      %reduce_max3A_268 = vector.broadcast %reduce_max3A_267 : i32 to vector<16xi32>
      %reduce_max3A_269 = arith.xori %all_reduce_population_count3A, %reduce_max3A_268 : vector<16xi32>
      %reduce_max3A_270 = tpu.scan <max>, %reduce_max3A_269 masked %reduce_max3A_266 : vector<16xi32>, vector<16xi1> -> vector<16xi32>
      %reduce_max3A_271 = arith.xori %reduce_max3A_270, %reduce_max3A_268 : vector<16xi32>
      %reduce_max3A_272 = vector.extract %reduce_max3A_271[15] : i32 from vector<16xi32>
      %gt3A = arith.constant 0 : i32
      %gt3A_273 = arith.cmpi sgt, %reduce_max3A_272, %gt3A : i32
      %convert_element_type3A_274 = arith.extui %gt3A_273 : i1 to i32
      %cond3A_275 = arith.constant 0 : i32
      %cond3A_276 = arith.cmpi ne, %convert_element_type3A_274, %cond3A_275 : i32
      %cond3A_277 = scf.if %cond3A_276 -> (i32) {
        %while3A_278:2 = scf.while (%while3A_282 = %and3A_197, %while3A_283 = %while3A_178) : (vector<16xi1>, i32) -> (vector<16xi1>, i32) {
          %all_reduce_population_count3A_284 = tpu.all_reduce %while3A_282 {dim = 0 : i64, kind = #tpu.reduction_kind<sum>} : vector<16xi1> -> vector<16xi32>
          %reduce_max3A_285 = arith.constant true
          %reduce_max3A_286 = vector.broadcast %reduce_max3A_285 : i1 to vector<16xi1>
          %reduce_max3A_287 = arith.constant -2147483648 : i32
          %reduce_max3A_288 = vector.broadcast %reduce_max3A_287 : i32 to vector<16xi32>
          %reduce_max3A_289 = arith.xori %all_reduce_population_count3A_284, %reduce_max3A_288 : vector<16xi32>
          %reduce_max3A_290 = tpu.scan <max>, %reduce_max3A_289 masked %reduce_max3A_286 : vector<16xi32>, vector<16xi1> -> vector<16xi32>
          %reduce_max3A_291 = arith.xori %reduce_max3A_290, %reduce_max3A_288 : vector<16xi32>
          %reduce_max3A_292 = vector.extract %reduce_max3A_291[15] : i32 from vector<16xi32>
          %gt3A_293 = arith.constant 0 : i32
          %gt3A_294 = arith.cmpi sgt, %reduce_max3A_292, %gt3A_293 : i32
          scf.condition(%gt3A_294) %while3A_282, %while3A_283 : vector<16xi1>, i32
        } do {
        ^bb0(%while3A_282: vector<16xi1>, %while3A_283: i32):
          %all_reduce_ffs3A = tpu.all_reduce %while3A_282 {dim = 0 : i64, kind = #tpu.reduction_kind<find_first_set>} : vector<16xi1> -> vector<16xi32>
          %reduce_max3A_284 = arith.constant true
          %reduce_max3A_285 = vector.broadcast %reduce_max3A_284 : i1 to vector<16xi1>
          %reduce_max3A_286 = arith.constant -2147483648 : i32
          %reduce_max3A_287 = vector.broadcast %reduce_max3A_286 : i32 to vector<16xi32>
          %reduce_max3A_288 = arith.xori %all_reduce_ffs3A, %reduce_max3A_287 : vector<16xi32>
          %reduce_max3A_289 = tpu.scan <max>, %reduce_max3A_288 masked %reduce_max3A_285 : vector<16xi32>, vector<16xi1> -> vector<16xi32>
          %reduce_max3A_290 = arith.xori %reduce_max3A_289, %reduce_max3A_287 : vector<16xi32>
          %reduce_max3A_291 = vector.extract %reduce_max3A_290[15] : i32 from vector<16xi32>
          %eq3A_292 = vector.broadcast %reduce_max3A_291 : i32 to vector<16xi32>
          %eq3A_293 = arith.cmpi eq, %iota3A, %eq3A_292 : vector<16xi32>
          %jit3A_294 = arith.constant 0 : i32
          %broadcast_in_dim3A_295 = vector.broadcast %jit3A_294 : i32 to vector<16xi32>
          %select_n3A_296 = arith.select %eq3A_293, %and3A_187, %broadcast_in_dim3A_295 : vector<16xi1>, vector<16xi32>
          %reduce_max3A_297 = arith.constant true
          %reduce_max3A_298 = vector.broadcast %reduce_max3A_297 : i1 to vector<16xi1>
          %reduce_max3A_299 = arith.constant -2147483648 : i32
          %reduce_max3A_300 = vector.broadcast %reduce_max3A_299 : i32 to vector<16xi32>
          %reduce_max3A_301 = arith.xori %select_n3A_296, %reduce_max3A_300 : vector<16xi32>
          %reduce_max3A_302 = tpu.scan <max>, %reduce_max3A_301 masked %reduce_max3A_298 : vector<16xi32>, vector<16xi1> -> vector<16xi32>
          %reduce_max3A_303 = arith.xori %reduce_max3A_302, %reduce_max3A_300 : vector<16xi32>
          %reduce_max3A_304 = vector.extract %reduce_max3A_303[15] : i32 from vector<16xi32>
          %jit3A_305 = arith.constant 0 : i32
          %broadcast_in_dim3A_306 = vector.broadcast %jit3A_305 : i32 to vector<16xi32>
          %select_n3A_307 = arith.select %eq3A_293, %shift_right_arithmetic3A_189, %broadcast_in_dim3A_306 : vector<16xi1>, vector<16xi32>
          %reduce_max3A_308 = arith.constant true
          %reduce_max3A_309 = vector.broadcast %reduce_max3A_308 : i1 to vector<16xi1>
          %reduce_max3A_310 = arith.constant -2147483648 : i32
          %reduce_max3A_311 = vector.broadcast %reduce_max3A_310 : i32 to vector<16xi32>
          %reduce_max3A_312 = arith.xori %select_n3A_307, %reduce_max3A_311 : vector<16xi32>
          %reduce_max3A_313 = tpu.scan <max>, %reduce_max3A_312 masked %reduce_max3A_309 : vector<16xi32>, vector<16xi1> -> vector<16xi32>
          %reduce_max3A_314 = arith.xori %reduce_max3A_313, %reduce_max3A_311 : vector<16xi32>
          %reduce_max3A_315 = vector.extract %reduce_max3A_314[15] : i32 from vector<16xi32>
          %broadcast_in_dim3A_316 = arith.constant 0 : i32
          %broadcast_in_dim3A_317 = vector.broadcast %broadcast_in_dim3A_316 : i32 to vector<16xi32>
          %sub3A_318 = arith.constant 31232 : i32
          %sub3A_319 = arith.subi %reduce_max3A_304, %sub3A_318 : i32
          %add3A_320 = vector.broadcast %sub3A_319 : i32 to vector<16xi32>
          %add3A_321 = arith.addi %broadcast_in_dim3A_317, %add3A_320 : vector<16xi32>
          %ge3A_322 = arith.constant 8 : i32
          %ge3A_323 = arith.cmpi sge, %while3A_283, %ge3A_322 : i32
          %convert_element_type3A_324 = arith.extui %ge3A_323 : i1 to i32
          %cond3A_325 = arith.constant 0 : i32
          %cond3A_326 = arith.cmpi ne, %convert_element_type3A_324, %cond3A_325 : i32
          scf.if %cond3A_326 {
            %dma_wait3A = arith.constant 0 : i32
            %dma_wait3A_389 = tpu.memref_slice %arg10[%dma_wait3A] : memref<512xf32, #tpu.memory_space<vmem>> -> memref<64xf32, #tpu.memory_space<vmem>>
            %dma_wait3A_390 = arith.constant 0 : i32
            %dma_wait3A_391 = tpu.memref_slice %arg4[%dma_wait3A_390] : memref<2097152xf32, #tpu.memory_space<hbm>> -> memref<64xf32, #tpu.memory_space<hbm>>
            %dma_wait3A_392 = arith.constant 0 : i32
            %dma_wait3A_393 = tpu.memref_slice %arg4[%dma_wait3A_392] : memref<2097152xf32, #tpu.memory_space<hbm>> -> memref<64xf32, #tpu.memory_space<hbm>>
            %dma_wait3A_394 = arith.constant 0 : i32
            %dma_wait3A_395 = tpu.memref_slice %arg10[%dma_wait3A_394] : memref<512xf32, #tpu.memory_space<vmem>> -> memref<64xf32, #tpu.memory_space<vmem>>
            tpu.wait_dma2 semaphore(%arg12 : memref<!tpu.dma_semaphore, #tpu.memory_space<semaphore_mem>>) src(%dma_wait3A_395 : memref<64xf32, #tpu.memory_space<vmem>>) dst(%dma_wait3A_393 : memref<64xf32, #tpu.memory_space<hbm>>)
          } else {
          }
          %jit3A_327 = arith.constant 8 : i32
          %eq3A_328 = arith.constant 0 : i32
          %eq3A_329 = arith.cmpi eq, %jit3A_327, %eq3A_328 : i32
          %jit3A_330 = arith.constant 1 : i32
          %select_n3A_331 = arith.select %eq3A_329, %jit3A_330, %jit3A_327 : i32
          %rem3A_332 = arith.remsi %while3A_283, %select_n3A_331 : i32
          %ne3A_333 = arith.constant 0 : i32
          %ne3A_334 = arith.cmpi ne, %rem3A_332, %ne3A_333 : i32
          %lt3A_335 = arith.constant 0 : i32
          %lt3A_336 = arith.cmpi slt, %rem3A_332, %lt3A_335 : i32
          %lt3A_337 = arith.constant 0 : i32
          %lt3A_338 = arith.cmpi slt, %select_n3A_331, %lt3A_337 : i32
          %ne3A_339 = arith.xori %lt3A_336, %lt3A_338 : i1
          %and3A_340 = arith.andi %ne3A_339, %ne3A_334 : i1
          %add3A_341 = arith.addi %rem3A_332, %select_n3A_331 : i32
          %select_n3A_342 = arith.select %and3A_340, %add3A_341, %rem3A_332 : i32
          %mul3A_343 = arith.constant 64 : i32
          %mul3A_344 = arith.muli %select_n3A_342, %mul3A_343 : i32
          %multiple_of3A_345 = tpu.assume_multiple %mul3A_344, 64 : i32
          %add3A_346 = arith.constant 0 : i32
          %add3A_347 = vector.broadcast %add3A_346 : i32 to vector<16xi32>
          %add3A_348 = arith.addi %add3A_347, %iota3A : vector<16xi32>
          %gather3A = tpu.vector_load_idx %arg8[%add3A_348, %add3A_321] : memref<64x128xf32, #tpu.memory_space<vmem>>[vector<16xi32>, vector<16xi32>], vector<16xf32>,
          %add3A_349 = arith.constant 0 : i32
          %add3A_350 = arith.addi %multiple_of3A_345, %add3A_349 : i32
          %swap3A_351 = arith.index_cast %add3A_350 : i32 to index
          %swap3A_352 = tpu.vector_load %arg10[%swap3A_351] {strides = array<i32>} : memref<512xf32, #tpu.memory_space<vmem>>, vector<16xf32>,
          tpu.vector_store %arg10[%swap3A_351], %gather3A {strides = array<i32>} : memref<512xf32, #tpu.memory_space<vmem>>, vector<16xf32>,
          %add3A_353 = arith.constant 16 : i32
          %add3A_354 = vector.broadcast %add3A_353 : i32 to vector<16xi32>
          %add3A_355 = arith.addi %add3A_354, %iota3A : vector<16xi32>
          %gather3A_356 = tpu.vector_load_idx %arg8[%add3A_355, %add3A_321] : memref<64x128xf32, #tpu.memory_space<vmem>>[vector<16xi32>, vector<16xi32>], vector<16xf32>,
          %add3A_357 = arith.constant 16 : i32
          %add3A_358 = arith.addi %multiple_of3A_345, %add3A_357 : i32
          %swap3A_359 = arith.index_cast %add3A_358 : i32 to index
          %swap3A_360 = tpu.vector_load %arg10[%swap3A_359] {strides = array<i32>} : memref<512xf32, #tpu.memory_space<vmem>>, vector<16xf32>,
          tpu.vector_store %arg10[%swap3A_359], %gather3A_356 {strides = array<i32>} : memref<512xf32, #tpu.memory_space<vmem>>, vector<16xf32>,
          %add3A_361 = arith.constant 32 : i32
          %add3A_362 = vector.broadcast %add3A_361 : i32 to vector<16xi32>
          %add3A_363 = arith.addi %add3A_362, %iota3A : vector<16xi32>
          %gather3A_364 = tpu.vector_load_idx %arg8[%add3A_363, %add3A_321] : memref<64x128xf32, #tpu.memory_space<vmem>>[vector<16xi32>, vector<16xi32>], vector<16xf32>,
          %add3A_365 = arith.constant 32 : i32
          %add3A_366 = arith.addi %multiple_of3A_345, %add3A_365 : i32
          %swap3A_367 = arith.index_cast %add3A_366 : i32 to index
          %swap3A_368 = tpu.vector_load %arg10[%swap3A_367] {strides = array<i32>} : memref<512xf32, #tpu.memory_space<vmem>>, vector<16xf32>,
          tpu.vector_store %arg10[%swap3A_367], %gather3A_364 {strides = array<i32>} : memref<512xf32, #tpu.memory_space<vmem>>, vector<16xf32>,
          %add3A_369 = arith.constant 48 : i32
          %add3A_370 = vector.broadcast %add3A_369 : i32 to vector<16xi32>
          %add3A_371 = arith.addi %add3A_370, %iota3A : vector<16xi32>
          %gather3A_372 = tpu.vector_load_idx %arg8[%add3A_371, %add3A_321] : memref<64x128xf32, #tpu.memory_space<vmem>>[vector<16xi32>, vector<16xi32>], vector<16xf32>,
          %add3A_373 = arith.constant 48 : i32
          %add3A_374 = arith.addi %multiple_of3A_345, %add3A_373 : i32
          %swap3A_375 = arith.index_cast %add3A_374 : i32 to index
          %swap3A_376 = tpu.vector_load %arg10[%swap3A_375] {strides = array<i32>} : memref<512xf32, #tpu.memory_space<vmem>>, vector<16xf32>,
          tpu.vector_store %arg10[%swap3A_375], %gather3A_372 {strides = array<i32>} : memref<512xf32, #tpu.memory_space<vmem>>, vector<16xf32>,
          %mul3A_377 = arith.constant 2 : i32
          %mul3A_378 = arith.muli %reduce_max3A_315, %mul3A_377 : i32
          %mul3A_379 = arith.constant 64 : i32
          %mul3A_380 = arith.muli %mul3A_378, %mul3A_379 : i32
          %dma_start3A_381 = tpu.memref_slice %arg10[%multiple_of3A_345] : memref<512xf32, #tpu.memory_space<vmem>> -> memref<64xf32, #tpu.memory_space<vmem>>
          %dma_start3A_382 = tpu.memref_slice %arg4[%mul3A_380] : memref<2097152xf32, #tpu.memory_space<hbm>> -> memref<64xf32, #tpu.memory_space<hbm>>
          %dma_start3A_383 = tpu.memref_slice %arg4[%mul3A_380] : memref<2097152xf32, #tpu.memory_space<hbm>> -> memref<64xf32, #tpu.memory_space<hbm>>
          %dma_start3A_384 = tpu.memref_slice %arg10[%multiple_of3A_345] : memref<512xf32, #tpu.memory_space<vmem>> -> memref<64xf32, #tpu.memory_space<vmem>>
          tpu.enqueue_dma source(%dma_start3A_384 : memref<64xf32, #tpu.memory_space<vmem>>) target(%dma_start3A_383 : memref<64xf32, #tpu.memory_space<hbm>>) target_semaphore(%arg12 : memref<!tpu.dma_semaphore, #tpu.memory_space<semaphore_mem>>)
          %not3A = arith.constant dense<true> : vector<16xi1>
          %not3A_385 = arith.xori %eq3A_293, %not3A : vector<16xi1>
          %and3A_386 = arith.andi %while3A_282, %not3A_385 : vector<16xi1>
          %add3A_387 = arith.constant 1 : i32
          %add3A_388 = arith.addi %while3A_283, %add3A_387 : i32
          scf.yield %and3A_386, %add3A_388 : vector<16xi1>, i32
        }
        %while3A_279:2 = scf.while (%while3A_282 = %and3A_219, %while3A_283 = %while3A_278#1) : (vector<16xi1>, i32) -> (vector<16xi1>, i32) {
          %all_reduce_population_count3A_284 = tpu.all_reduce %while3A_282 {dim = 0 : i64, kind = #tpu.reduction_kind<sum>} : vector<16xi1> -> vector<16xi32>
          %reduce_max3A_285 = arith.constant true
          %reduce_max3A_286 = vector.broadcast %reduce_max3A_285 : i1 to vector<16xi1>
          %reduce_max3A_287 = arith.constant -2147483648 : i32
          %reduce_max3A_288 = vector.broadcast %reduce_max3A_287 : i32 to vector<16xi32>
          %reduce_max3A_289 = arith.xori %all_reduce_population_count3A_284, %reduce_max3A_288 : vector<16xi32>
          %reduce_max3A_290 = tpu.scan <max>, %reduce_max3A_289 masked %reduce_max3A_286 : vector<16xi32>, vector<16xi1> -> vector<16xi32>
          %reduce_max3A_291 = arith.xori %reduce_max3A_290, %reduce_max3A_288 : vector<16xi32>
          %reduce_max3A_292 = vector.extract %reduce_max3A_291[15] : i32 from vector<16xi32>
          %gt3A_293 = arith.constant 0 : i32
          %gt3A_294 = arith.cmpi sgt, %reduce_max3A_292, %gt3A_293 : i32
          scf.condition(%gt3A_294) %while3A_282, %while3A_283 : vector<16xi1>, i32
        } do {
        ^bb0(%while3A_282: vector<16xi1>, %while3A_283: i32):
          %all_reduce_ffs3A = tpu.all_reduce %while3A_282 {dim = 0 : i64, kind = #tpu.reduction_kind<find_first_set>} : vector<16xi1> -> vector<16xi32>
          %reduce_max3A_284 = arith.constant true
          %reduce_max3A_285 = vector.broadcast %reduce_max3A_284 : i1 to vector<16xi1>
          %reduce_max3A_286 = arith.constant -2147483648 : i32
          %reduce_max3A_287 = vector.broadcast %reduce_max3A_286 : i32 to vector<16xi32>
          %reduce_max3A_288 = arith.xori %all_reduce_ffs3A, %reduce_max3A_287 : vector<16xi32>
          %reduce_max3A_289 = tpu.scan <max>, %reduce_max3A_288 masked %reduce_max3A_285 : vector<16xi32>, vector<16xi1> -> vector<16xi32>
          %reduce_max3A_290 = arith.xori %reduce_max3A_289, %reduce_max3A_287 : vector<16xi32>
          %reduce_max3A_291 = vector.extract %reduce_max3A_290[15] : i32 from vector<16xi32>
          %eq3A_292 = vector.broadcast %reduce_max3A_291 : i32 to vector<16xi32>
          %eq3A_293 = arith.cmpi eq, %iota3A, %eq3A_292 : vector<16xi32>
          %jit3A_294 = arith.constant 0 : i32
          %broadcast_in_dim3A_295 = vector.broadcast %jit3A_294 : i32 to vector<16xi32>
          %select_n3A_296 = arith.select %eq3A_293, %and3A_207, %broadcast_in_dim3A_295 : vector<16xi1>, vector<16xi32>
          %reduce_max3A_297 = arith.constant true
          %reduce_max3A_298 = vector.broadcast %reduce_max3A_297 : i1 to vector<16xi1>
          %reduce_max3A_299 = arith.constant -2147483648 : i32
          %reduce_max3A_300 = vector.broadcast %reduce_max3A_299 : i32 to vector<16xi32>
          %reduce_max3A_301 = arith.xori %select_n3A_296, %reduce_max3A_300 : vector<16xi32>
          %reduce_max3A_302 = tpu.scan <max>, %reduce_max3A_301 masked %reduce_max3A_298 : vector<16xi32>, vector<16xi1> -> vector<16xi32>
          %reduce_max3A_303 = arith.xori %reduce_max3A_302, %reduce_max3A_300 : vector<16xi32>
          %reduce_max3A_304 = vector.extract %reduce_max3A_303[15] : i32 from vector<16xi32>
          %jit3A_305 = arith.constant 0 : i32
          %broadcast_in_dim3A_306 = vector.broadcast %jit3A_305 : i32 to vector<16xi32>
          %select_n3A_307 = arith.select %eq3A_293, %shift_right_arithmetic3A_210, %broadcast_in_dim3A_306 : vector<16xi1>, vector<16xi32>
          %reduce_max3A_308 = arith.constant true
          %reduce_max3A_309 = vector.broadcast %reduce_max3A_308 : i1 to vector<16xi1>
          %reduce_max3A_310 = arith.constant -2147483648 : i32
          %reduce_max3A_311 = vector.broadcast %reduce_max3A_310 : i32 to vector<16xi32>
          %reduce_max3A_312 = arith.xori %select_n3A_307, %reduce_max3A_311 : vector<16xi32>
          %reduce_max3A_313 = tpu.scan <max>, %reduce_max3A_312 masked %reduce_max3A_309 : vector<16xi32>, vector<16xi1> -> vector<16xi32>
          %reduce_max3A_314 = arith.xori %reduce_max3A_313, %reduce_max3A_311 : vector<16xi32>
          %reduce_max3A_315 = vector.extract %reduce_max3A_314[15] : i32 from vector<16xi32>
          %broadcast_in_dim3A_316 = arith.constant 0 : i32
          %broadcast_in_dim3A_317 = vector.broadcast %broadcast_in_dim3A_316 : i32 to vector<16xi32>
          %sub3A_318 = arith.constant 31232 : i32
          %sub3A_319 = arith.subi %reduce_max3A_304, %sub3A_318 : i32
          %add3A_320 = vector.broadcast %sub3A_319 : i32 to vector<16xi32>
          %add3A_321 = arith.addi %broadcast_in_dim3A_317, %add3A_320 : vector<16xi32>
          %ge3A_322 = arith.constant 8 : i32
          %ge3A_323 = arith.cmpi sge, %while3A_283, %ge3A_322 : i32
          %convert_element_type3A_324 = arith.extui %ge3A_323 : i1 to i32
          %cond3A_325 = arith.constant 0 : i32
          %cond3A_326 = arith.cmpi ne, %convert_element_type3A_324, %cond3A_325 : i32
          scf.if %cond3A_326 {
            %dma_wait3A = arith.constant 0 : i32
            %dma_wait3A_389 = tpu.memref_slice %arg10[%dma_wait3A] : memref<512xf32, #tpu.memory_space<vmem>> -> memref<64xf32, #tpu.memory_space<vmem>>
            %dma_wait3A_390 = arith.constant 0 : i32
            %dma_wait3A_391 = tpu.memref_slice %arg4[%dma_wait3A_390] : memref<2097152xf32, #tpu.memory_space<hbm>> -> memref<64xf32, #tpu.memory_space<hbm>>
            %dma_wait3A_392 = arith.constant 0 : i32
            %dma_wait3A_393 = tpu.memref_slice %arg4[%dma_wait3A_392] : memref<2097152xf32, #tpu.memory_space<hbm>> -> memref<64xf32, #tpu.memory_space<hbm>>
            %dma_wait3A_394 = arith.constant 0 : i32
            %dma_wait3A_395 = tpu.memref_slice %arg10[%dma_wait3A_394] : memref<512xf32, #tpu.memory_space<vmem>> -> memref<64xf32, #tpu.memory_space<vmem>>
            tpu.wait_dma2 semaphore(%arg12 : memref<!tpu.dma_semaphore, #tpu.memory_space<semaphore_mem>>) src(%dma_wait3A_395 : memref<64xf32, #tpu.memory_space<vmem>>) dst(%dma_wait3A_393 : memref<64xf32, #tpu.memory_space<hbm>>)
          } else {
          }
          %jit3A_327 = arith.constant 8 : i32
          %eq3A_328 = arith.constant 0 : i32
          %eq3A_329 = arith.cmpi eq, %jit3A_327, %eq3A_328 : i32
          %jit3A_330 = arith.constant 1 : i32
          %select_n3A_331 = arith.select %eq3A_329, %jit3A_330, %jit3A_327 : i32
          %rem3A_332 = arith.remsi %while3A_283, %select_n3A_331 : i32
          %ne3A_333 = arith.constant 0 : i32
          %ne3A_334 = arith.cmpi ne, %rem3A_332, %ne3A_333 : i32
          %lt3A_335 = arith.constant 0 : i32
          %lt3A_336 = arith.cmpi slt, %rem3A_332, %lt3A_335 : i32
          %lt3A_337 = arith.constant 0 : i32
          %lt3A_338 = arith.cmpi slt, %select_n3A_331, %lt3A_337 : i32
          %ne3A_339 = arith.xori %lt3A_336, %lt3A_338 : i1
          %and3A_340 = arith.andi %ne3A_339, %ne3A_334 : i1
          %add3A_341 = arith.addi %rem3A_332, %select_n3A_331 : i32
          %select_n3A_342 = arith.select %and3A_340, %add3A_341, %rem3A_332 : i32
          %mul3A_343 = arith.constant 64 : i32
          %mul3A_344 = arith.muli %select_n3A_342, %mul3A_343 : i32
          %multiple_of3A_345 = tpu.assume_multiple %mul3A_344, 64 : i32
          %add3A_346 = arith.constant 0 : i32
          %add3A_347 = vector.broadcast %add3A_346 : i32 to vector<16xi32>
          %add3A_348 = arith.addi %add3A_347, %iota3A : vector<16xi32>
          %gather3A = tpu.vector_load_idx %arg8[%add3A_348, %add3A_321] : memref<64x128xf32, #tpu.memory_space<vmem>>[vector<16xi32>, vector<16xi32>], vector<16xf32>,
          %add3A_349 = arith.constant 0 : i32
          %add3A_350 = arith.addi %multiple_of3A_345, %add3A_349 : i32
          %swap3A_351 = arith.index_cast %add3A_350 : i32 to index
          %swap3A_352 = tpu.vector_load %arg10[%swap3A_351] {strides = array<i32>} : memref<512xf32, #tpu.memory_space<vmem>>, vector<16xf32>,
          tpu.vector_store %arg10[%swap3A_351], %gather3A {strides = array<i32>} : memref<512xf32, #tpu.memory_space<vmem>>, vector<16xf32>,
          %add3A_353 = arith.constant 16 : i32
          %add3A_354 = vector.broadcast %add3A_353 : i32 to vector<16xi32>
          %add3A_355 = arith.addi %add3A_354, %iota3A : vector<16xi32>
          %gather3A_356 = tpu.vector_load_idx %arg8[%add3A_355, %add3A_321] : memref<64x128xf32, #tpu.memory_space<vmem>>[vector<16xi32>, vector<16xi32>], vector<16xf32>,
          %add3A_357 = arith.constant 16 : i32
          %add3A_358 = arith.addi %multiple_of3A_345, %add3A_357 : i32
          %swap3A_359 = arith.index_cast %add3A_358 : i32 to index
          %swap3A_360 = tpu.vector_load %arg10[%swap3A_359] {strides = array<i32>} : memref<512xf32, #tpu.memory_space<vmem>>, vector<16xf32>,
          tpu.vector_store %arg10[%swap3A_359], %gather3A_356 {strides = array<i32>} : memref<512xf32, #tpu.memory_space<vmem>>, vector<16xf32>,
          %add3A_361 = arith.constant 32 : i32
          %add3A_362 = vector.broadcast %add3A_361 : i32 to vector<16xi32>
          %add3A_363 = arith.addi %add3A_362, %iota3A : vector<16xi32>
          %gather3A_364 = tpu.vector_load_idx %arg8[%add3A_363, %add3A_321] : memref<64x128xf32, #tpu.memory_space<vmem>>[vector<16xi32>, vector<16xi32>], vector<16xf32>,
          %add3A_365 = arith.constant 32 : i32
          %add3A_366 = arith.addi %multiple_of3A_345, %add3A_365 : i32
          %swap3A_367 = arith.index_cast %add3A_366 : i32 to index
          %swap3A_368 = tpu.vector_load %arg10[%swap3A_367] {strides = array<i32>} : memref<512xf32, #tpu.memory_space<vmem>>, vector<16xf32>,
          tpu.vector_store %arg10[%swap3A_367], %gather3A_364 {strides = array<i32>} : memref<512xf32, #tpu.memory_space<vmem>>, vector<16xf32>,
          %add3A_369 = arith.constant 48 : i32
          %add3A_370 = vector.broadcast %add3A_369 : i32 to vector<16xi32>
          %add3A_371 = arith.addi %add3A_370, %iota3A : vector<16xi32>
          %gather3A_372 = tpu.vector_load_idx %arg8[%add3A_371, %add3A_321] : memref<64x128xf32, #tpu.memory_space<vmem>>[vector<16xi32>, vector<16xi32>], vector<16xf32>,
          %add3A_373 = arith.constant 48 : i32
          %add3A_374 = arith.addi %multiple_of3A_345, %add3A_373 : i32
          %swap3A_375 = arith.index_cast %add3A_374 : i32 to index
          %swap3A_376 = tpu.vector_load %arg10[%swap3A_375] {strides = array<i32>} : memref<512xf32, #tpu.memory_space<vmem>>, vector<16xf32>,
          tpu.vector_store %arg10[%swap3A_375], %gather3A_372 {strides = array<i32>} : memref<512xf32, #tpu.memory_space<vmem>>, vector<16xf32>,
          %mul3A_377 = arith.constant 2 : i32
          %mul3A_378 = arith.muli %reduce_max3A_315, %mul3A_377 : i32
          %mul3A_379 = arith.constant 64 : i32
          %mul3A_380 = arith.muli %mul3A_378, %mul3A_379 : i32
          %dma_start3A_381 = tpu.memref_slice %arg10[%multiple_of3A_345] : memref<512xf32, #tpu.memory_space<vmem>> -> memref<64xf32, #tpu.memory_space<vmem>>
          %dma_start3A_382 = tpu.memref_slice %arg4[%mul3A_380] : memref<2097152xf32, #tpu.memory_space<hbm>> -> memref<64xf32, #tpu.memory_space<hbm>>
          %dma_start3A_383 = tpu.memref_slice %arg4[%mul3A_380] : memref<2097152xf32, #tpu.memory_space<hbm>> -> memref<64xf32, #tpu.memory_space<hbm>>
          %dma_start3A_384 = tpu.memref_slice %arg10[%multiple_of3A_345] : memref<512xf32, #tpu.memory_space<vmem>> -> memref<64xf32, #tpu.memory_space<vmem>>
          tpu.enqueue_dma source(%dma_start3A_384 : memref<64xf32, #tpu.memory_space<vmem>>) target(%dma_start3A_383 : memref<64xf32, #tpu.memory_space<hbm>>) target_semaphore(%arg12 : memref<!tpu.dma_semaphore, #tpu.memory_space<semaphore_mem>>)
          %not3A = arith.constant dense<true> : vector<16xi1>
          %not3A_385 = arith.xori %eq3A_293, %not3A : vector<16xi1>
          %and3A_386 = arith.andi %while3A_282, %not3A_385 : vector<16xi1>
          %add3A_387 = arith.constant 1 : i32
          %add3A_388 = arith.addi %while3A_283, %add3A_387 : i32
          scf.yield %and3A_386, %add3A_388 : vector<16xi1>, i32
        }
        %while3A_280:2 = scf.while (%while3A_282 = %and3A_241, %while3A_283 = %while3A_279#1) : (vector<16xi1>, i32) -> (vector<16xi1>, i32) {
          %all_reduce_population_count3A_284 = tpu.all_reduce %while3A_282 {dim = 0 : i64, kind = #tpu.reduction_kind<sum>} : vector<16xi1> -> vector<16xi32>
          %reduce_max3A_285 = arith.constant true
          %reduce_max3A_286 = vector.broadcast %reduce_max3A_285 : i1 to vector<16xi1>
          %reduce_max3A_287 = arith.constant -2147483648 : i32
          %reduce_max3A_288 = vector.broadcast %reduce_max3A_287 : i32 to vector<16xi32>
          %reduce_max3A_289 = arith.xori %all_reduce_population_count3A_284, %reduce_max3A_288 : vector<16xi32>
          %reduce_max3A_290 = tpu.scan <max>, %reduce_max3A_289 masked %reduce_max3A_286 : vector<16xi32>, vector<16xi1> -> vector<16xi32>
          %reduce_max3A_291 = arith.xori %reduce_max3A_290, %reduce_max3A_288 : vector<16xi32>
          %reduce_max3A_292 = vector.extract %reduce_max3A_291[15] : i32 from vector<16xi32>
          %gt3A_293 = arith.constant 0 : i32
          %gt3A_294 = arith.cmpi sgt, %reduce_max3A_292, %gt3A_293 : i32
          scf.condition(%gt3A_294) %while3A_282, %while3A_283 : vector<16xi1>, i32
        } do {
        ^bb0(%while3A_282: vector<16xi1>, %while3A_283: i32):
          %all_reduce_ffs3A = tpu.all_reduce %while3A_282 {dim = 0 : i64, kind = #tpu.reduction_kind<find_first_set>} : vector<16xi1> -> vector<16xi32>
          %reduce_max3A_284 = arith.constant true
          %reduce_max3A_285 = vector.broadcast %reduce_max3A_284 : i1 to vector<16xi1>
          %reduce_max3A_286 = arith.constant -2147483648 : i32
          %reduce_max3A_287 = vector.broadcast %reduce_max3A_286 : i32 to vector<16xi32>
          %reduce_max3A_288 = arith.xori %all_reduce_ffs3A, %reduce_max3A_287 : vector<16xi32>
          %reduce_max3A_289 = tpu.scan <max>, %reduce_max3A_288 masked %reduce_max3A_285 : vector<16xi32>, vector<16xi1> -> vector<16xi32>
          %reduce_max3A_290 = arith.xori %reduce_max3A_289, %reduce_max3A_287 : vector<16xi32>
          %reduce_max3A_291 = vector.extract %reduce_max3A_290[15] : i32 from vector<16xi32>
          %eq3A_292 = vector.broadcast %reduce_max3A_291 : i32 to vector<16xi32>
          %eq3A_293 = arith.cmpi eq, %iota3A, %eq3A_292 : vector<16xi32>
          %jit3A_294 = arith.constant 0 : i32
          %broadcast_in_dim3A_295 = vector.broadcast %jit3A_294 : i32 to vector<16xi32>
          %select_n3A_296 = arith.select %eq3A_293, %and3A_229, %broadcast_in_dim3A_295 : vector<16xi1>, vector<16xi32>
          %reduce_max3A_297 = arith.constant true
          %reduce_max3A_298 = vector.broadcast %reduce_max3A_297 : i1 to vector<16xi1>
          %reduce_max3A_299 = arith.constant -2147483648 : i32
          %reduce_max3A_300 = vector.broadcast %reduce_max3A_299 : i32 to vector<16xi32>
          %reduce_max3A_301 = arith.xori %select_n3A_296, %reduce_max3A_300 : vector<16xi32>
          %reduce_max3A_302 = tpu.scan <max>, %reduce_max3A_301 masked %reduce_max3A_298 : vector<16xi32>, vector<16xi1> -> vector<16xi32>
          %reduce_max3A_303 = arith.xori %reduce_max3A_302, %reduce_max3A_300 : vector<16xi32>
          %reduce_max3A_304 = vector.extract %reduce_max3A_303[15] : i32 from vector<16xi32>
          %jit3A_305 = arith.constant 0 : i32
          %broadcast_in_dim3A_306 = vector.broadcast %jit3A_305 : i32 to vector<16xi32>
          %select_n3A_307 = arith.select %eq3A_293, %shift_right_arithmetic3A_232, %broadcast_in_dim3A_306 : vector<16xi1>, vector<16xi32>
          %reduce_max3A_308 = arith.constant true
          %reduce_max3A_309 = vector.broadcast %reduce_max3A_308 : i1 to vector<16xi1>
          %reduce_max3A_310 = arith.constant -2147483648 : i32
          %reduce_max3A_311 = vector.broadcast %reduce_max3A_310 : i32 to vector<16xi32>
          %reduce_max3A_312 = arith.xori %select_n3A_307, %reduce_max3A_311 : vector<16xi32>
          %reduce_max3A_313 = tpu.scan <max>, %reduce_max3A_312 masked %reduce_max3A_309 : vector<16xi32>, vector<16xi1> -> vector<16xi32>
          %reduce_max3A_314 = arith.xori %reduce_max3A_313, %reduce_max3A_311 : vector<16xi32>
          %reduce_max3A_315 = vector.extract %reduce_max3A_314[15] : i32 from vector<16xi32>
          %broadcast_in_dim3A_316 = arith.constant 0 : i32
          %broadcast_in_dim3A_317 = vector.broadcast %broadcast_in_dim3A_316 : i32 to vector<16xi32>
          %sub3A_318 = arith.constant 31232 : i32
          %sub3A_319 = arith.subi %reduce_max3A_304, %sub3A_318 : i32
          %add3A_320 = vector.broadcast %sub3A_319 : i32 to vector<16xi32>
          %add3A_321 = arith.addi %broadcast_in_dim3A_317, %add3A_320 : vector<16xi32>
          %ge3A_322 = arith.constant 8 : i32
          %ge3A_323 = arith.cmpi sge, %while3A_283, %ge3A_322 : i32
          %convert_element_type3A_324 = arith.extui %ge3A_323 : i1 to i32
          %cond3A_325 = arith.constant 0 : i32
          %cond3A_326 = arith.cmpi ne, %convert_element_type3A_324, %cond3A_325 : i32
          scf.if %cond3A_326 {
            %dma_wait3A = arith.constant 0 : i32
            %dma_wait3A_389 = tpu.memref_slice %arg10[%dma_wait3A] : memref<512xf32, #tpu.memory_space<vmem>> -> memref<64xf32, #tpu.memory_space<vmem>>
            %dma_wait3A_390 = arith.constant 0 : i32
            %dma_wait3A_391 = tpu.memref_slice %arg4[%dma_wait3A_390] : memref<2097152xf32, #tpu.memory_space<hbm>> -> memref<64xf32, #tpu.memory_space<hbm>>
            %dma_wait3A_392 = arith.constant 0 : i32
            %dma_wait3A_393 = tpu.memref_slice %arg4[%dma_wait3A_392] : memref<2097152xf32, #tpu.memory_space<hbm>> -> memref<64xf32, #tpu.memory_space<hbm>>
            %dma_wait3A_394 = arith.constant 0 : i32
            %dma_wait3A_395 = tpu.memref_slice %arg10[%dma_wait3A_394] : memref<512xf32, #tpu.memory_space<vmem>> -> memref<64xf32, #tpu.memory_space<vmem>>
            tpu.wait_dma2 semaphore(%arg12 : memref<!tpu.dma_semaphore, #tpu.memory_space<semaphore_mem>>) src(%dma_wait3A_395 : memref<64xf32, #tpu.memory_space<vmem>>) dst(%dma_wait3A_393 : memref<64xf32, #tpu.memory_space<hbm>>)
          } else {
          }
          %jit3A_327 = arith.constant 8 : i32
          %eq3A_328 = arith.constant 0 : i32
          %eq3A_329 = arith.cmpi eq, %jit3A_327, %eq3A_328 : i32
          %jit3A_330 = arith.constant 1 : i32
          %select_n3A_331 = arith.select %eq3A_329, %jit3A_330, %jit3A_327 : i32
          %rem3A_332 = arith.remsi %while3A_283, %select_n3A_331 : i32
          %ne3A_333 = arith.constant 0 : i32
          %ne3A_334 = arith.cmpi ne, %rem3A_332, %ne3A_333 : i32
          %lt3A_335 = arith.constant 0 : i32
          %lt3A_336 = arith.cmpi slt, %rem3A_332, %lt3A_335 : i32
          %lt3A_337 = arith.constant 0 : i32
          %lt3A_338 = arith.cmpi slt, %select_n3A_331, %lt3A_337 : i32
          %ne3A_339 = arith.xori %lt3A_336, %lt3A_338 : i1
          %and3A_340 = arith.andi %ne3A_339, %ne3A_334 : i1
          %add3A_341 = arith.addi %rem3A_332, %select_n3A_331 : i32
          %select_n3A_342 = arith.select %and3A_340, %add3A_341, %rem3A_332 : i32
          %mul3A_343 = arith.constant 64 : i32
          %mul3A_344 = arith.muli %select_n3A_342, %mul3A_343 : i32
          %multiple_of3A_345 = tpu.assume_multiple %mul3A_344, 64 : i32
          %add3A_346 = arith.constant 0 : i32
          %add3A_347 = vector.broadcast %add3A_346 : i32 to vector<16xi32>
          %add3A_348 = arith.addi %add3A_347, %iota3A : vector<16xi32>
          %gather3A = tpu.vector_load_idx %arg8[%add3A_348, %add3A_321] : memref<64x128xf32, #tpu.memory_space<vmem>>[vector<16xi32>, vector<16xi32>], vector<16xf32>,
          %add3A_349 = arith.constant 0 : i32
          %add3A_350 = arith.addi %multiple_of3A_345, %add3A_349 : i32
          %swap3A_351 = arith.index_cast %add3A_350 : i32 to index
          %swap3A_352 = tpu.vector_load %arg10[%swap3A_351] {strides = array<i32>} : memref<512xf32, #tpu.memory_space<vmem>>, vector<16xf32>,
          tpu.vector_store %arg10[%swap3A_351], %gather3A {strides = array<i32>} : memref<512xf32, #tpu.memory_space<vmem>>, vector<16xf32>,
          %add3A_353 = arith.constant 16 : i32
          %add3A_354 = vector.broadcast %add3A_353 : i32 to vector<16xi32>
          %add3A_355 = arith.addi %add3A_354, %iota3A : vector<16xi32>
          %gather3A_356 = tpu.vector_load_idx %arg8[%add3A_355, %add3A_321] : memref<64x128xf32, #tpu.memory_space<vmem>>[vector<16xi32>, vector<16xi32>], vector<16xf32>,
          %add3A_357 = arith.constant 16 : i32
          %add3A_358 = arith.addi %multiple_of3A_345, %add3A_357 : i32
          %swap3A_359 = arith.index_cast %add3A_358 : i32 to index
          %swap3A_360 = tpu.vector_load %arg10[%swap3A_359] {strides = array<i32>} : memref<512xf32, #tpu.memory_space<vmem>>, vector<16xf32>,
          tpu.vector_store %arg10[%swap3A_359], %gather3A_356 {strides = array<i32>} : memref<512xf32, #tpu.memory_space<vmem>>, vector<16xf32>,
          %add3A_361 = arith.constant 32 : i32
          %add3A_362 = vector.broadcast %add3A_361 : i32 to vector<16xi32>
          %add3A_363 = arith.addi %add3A_362, %iota3A : vector<16xi32>
          %gather3A_364 = tpu.vector_load_idx %arg8[%add3A_363, %add3A_321] : memref<64x128xf32, #tpu.memory_space<vmem>>[vector<16xi32>, vector<16xi32>], vector<16xf32>,
          %add3A_365 = arith.constant 32 : i32
          %add3A_366 = arith.addi %multiple_of3A_345, %add3A_365 : i32
          %swap3A_367 = arith.index_cast %add3A_366 : i32 to index
          %swap3A_368 = tpu.vector_load %arg10[%swap3A_367] {strides = array<i32>} : memref<512xf32, #tpu.memory_space<vmem>>, vector<16xf32>,
          tpu.vector_store %arg10[%swap3A_367], %gather3A_364 {strides = array<i32>} : memref<512xf32, #tpu.memory_space<vmem>>, vector<16xf32>,
          %add3A_369 = arith.constant 48 : i32
          %add3A_370 = vector.broadcast %add3A_369 : i32 to vector<16xi32>
          %add3A_371 = arith.addi %add3A_370, %iota3A : vector<16xi32>
          %gather3A_372 = tpu.vector_load_idx %arg8[%add3A_371, %add3A_321] : memref<64x128xf32, #tpu.memory_space<vmem>>[vector<16xi32>, vector<16xi32>], vector<16xf32>,
          %add3A_373 = arith.constant 48 : i32
          %add3A_374 = arith.addi %multiple_of3A_345, %add3A_373 : i32
          %swap3A_375 = arith.index_cast %add3A_374 : i32 to index
          %swap3A_376 = tpu.vector_load %arg10[%swap3A_375] {strides = array<i32>} : memref<512xf32, #tpu.memory_space<vmem>>, vector<16xf32>,
          tpu.vector_store %arg10[%swap3A_375], %gather3A_372 {strides = array<i32>} : memref<512xf32, #tpu.memory_space<vmem>>, vector<16xf32>,
          %mul3A_377 = arith.constant 2 : i32
          %mul3A_378 = arith.muli %reduce_max3A_315, %mul3A_377 : i32
          %mul3A_379 = arith.constant 64 : i32
          %mul3A_380 = arith.muli %mul3A_378, %mul3A_379 : i32
          %dma_start3A_381 = tpu.memref_slice %arg10[%multiple_of3A_345] : memref<512xf32, #tpu.memory_space<vmem>> -> memref<64xf32, #tpu.memory_space<vmem>>
          %dma_start3A_382 = tpu.memref_slice %arg4[%mul3A_380] : memref<2097152xf32, #tpu.memory_space<hbm>> -> memref<64xf32, #tpu.memory_space<hbm>>
          %dma_start3A_383 = tpu.memref_slice %arg4[%mul3A_380] : memref<2097152xf32, #tpu.memory_space<hbm>> -> memref<64xf32, #tpu.memory_space<hbm>>
          %dma_start3A_384 = tpu.memref_slice %arg10[%multiple_of3A_345] : memref<512xf32, #tpu.memory_space<vmem>> -> memref<64xf32, #tpu.memory_space<vmem>>
          tpu.enqueue_dma source(%dma_start3A_384 : memref<64xf32, #tpu.memory_space<vmem>>) target(%dma_start3A_383 : memref<64xf32, #tpu.memory_space<hbm>>) target_semaphore(%arg12 : memref<!tpu.dma_semaphore, #tpu.memory_space<semaphore_mem>>)
          %not3A = arith.constant dense<true> : vector<16xi1>
          %not3A_385 = arith.xori %eq3A_293, %not3A : vector<16xi1>
          %and3A_386 = arith.andi %while3A_282, %not3A_385 : vector<16xi1>
          %add3A_387 = arith.constant 1 : i32
          %add3A_388 = arith.addi %while3A_283, %add3A_387 : i32
          scf.yield %and3A_386, %add3A_388 : vector<16xi1>, i32
        }
        %while3A_281:2 = scf.while (%while3A_282 = %and3A_263, %while3A_283 = %while3A_280#1) : (vector<16xi1>, i32) -> (vector<16xi1>, i32) {
          %all_reduce_population_count3A_284 = tpu.all_reduce %while3A_282 {dim = 0 : i64, kind = #tpu.reduction_kind<sum>} : vector<16xi1> -> vector<16xi32>
          %reduce_max3A_285 = arith.constant true
          %reduce_max3A_286 = vector.broadcast %reduce_max3A_285 : i1 to vector<16xi1>
          %reduce_max3A_287 = arith.constant -2147483648 : i32
          %reduce_max3A_288 = vector.broadcast %reduce_max3A_287 : i32 to vector<16xi32>
          %reduce_max3A_289 = arith.xori %all_reduce_population_count3A_284, %reduce_max3A_288 : vector<16xi32>
          %reduce_max3A_290 = tpu.scan <max>, %reduce_max3A_289 masked %reduce_max3A_286 : vector<16xi32>, vector<16xi1> -> vector<16xi32>
          %reduce_max3A_291 = arith.xori %reduce_max3A_290, %reduce_max3A_288 : vector<16xi32>
          %reduce_max3A_292 = vector.extract %reduce_max3A_291[15] : i32 from vector<16xi32>
          %gt3A_293 = arith.constant 0 : i32
          %gt3A_294 = arith.cmpi sgt, %reduce_max3A_292, %gt3A_293 : i32
          scf.condition(%gt3A_294) %while3A_282, %while3A_283 : vector<16xi1>, i32
        } do {
        ^bb0(%while3A_282: vector<16xi1>, %while3A_283: i32):
          %all_reduce_ffs3A = tpu.all_reduce %while3A_282 {dim = 0 : i64, kind = #tpu.reduction_kind<find_first_set>} : vector<16xi1> -> vector<16xi32>
          %reduce_max3A_284 = arith.constant true
          %reduce_max3A_285 = vector.broadcast %reduce_max3A_284 : i1 to vector<16xi1>
          %reduce_max3A_286 = arith.constant -2147483648 : i32
          %reduce_max3A_287 = vector.broadcast %reduce_max3A_286 : i32 to vector<16xi32>
          %reduce_max3A_288 = arith.xori %all_reduce_ffs3A, %reduce_max3A_287 : vector<16xi32>
          %reduce_max3A_289 = tpu.scan <max>, %reduce_max3A_288 masked %reduce_max3A_285 : vector<16xi32>, vector<16xi1> -> vector<16xi32>
          %reduce_max3A_290 = arith.xori %reduce_max3A_289, %reduce_max3A_287 : vector<16xi32>
          %reduce_max3A_291 = vector.extract %reduce_max3A_290[15] : i32 from vector<16xi32>
          %eq3A_292 = vector.broadcast %reduce_max3A_291 : i32 to vector<16xi32>
          %eq3A_293 = arith.cmpi eq, %iota3A, %eq3A_292 : vector<16xi32>
          %jit3A_294 = arith.constant 0 : i32
          %broadcast_in_dim3A_295 = vector.broadcast %jit3A_294 : i32 to vector<16xi32>
          %select_n3A_296 = arith.select %eq3A_293, %and3A_251, %broadcast_in_dim3A_295 : vector<16xi1>, vector<16xi32>
          %reduce_max3A_297 = arith.constant true
          %reduce_max3A_298 = vector.broadcast %reduce_max3A_297 : i1 to vector<16xi1>
          %reduce_max3A_299 = arith.constant -2147483648 : i32
          %reduce_max3A_300 = vector.broadcast %reduce_max3A_299 : i32 to vector<16xi32>
          %reduce_max3A_301 = arith.xori %select_n3A_296, %reduce_max3A_300 : vector<16xi32>
          %reduce_max3A_302 = tpu.scan <max>, %reduce_max3A_301 masked %reduce_max3A_298 : vector<16xi32>, vector<16xi1> -> vector<16xi32>
          %reduce_max3A_303 = arith.xori %reduce_max3A_302, %reduce_max3A_300 : vector<16xi32>
          %reduce_max3A_304 = vector.extract %reduce_max3A_303[15] : i32 from vector<16xi32>
          %jit3A_305 = arith.constant 0 : i32
          %broadcast_in_dim3A_306 = vector.broadcast %jit3A_305 : i32 to vector<16xi32>
          %select_n3A_307 = arith.select %eq3A_293, %shift_right_arithmetic3A_254, %broadcast_in_dim3A_306 : vector<16xi1>, vector<16xi32>
          %reduce_max3A_308 = arith.constant true
          %reduce_max3A_309 = vector.broadcast %reduce_max3A_308 : i1 to vector<16xi1>
          %reduce_max3A_310 = arith.constant -2147483648 : i32
          %reduce_max3A_311 = vector.broadcast %reduce_max3A_310 : i32 to vector<16xi32>
          %reduce_max3A_312 = arith.xori %select_n3A_307, %reduce_max3A_311 : vector<16xi32>
          %reduce_max3A_313 = tpu.scan <max>, %reduce_max3A_312 masked %reduce_max3A_309 : vector<16xi32>, vector<16xi1> -> vector<16xi32>
          %reduce_max3A_314 = arith.xori %reduce_max3A_313, %reduce_max3A_311 : vector<16xi32>
          %reduce_max3A_315 = vector.extract %reduce_max3A_314[15] : i32 from vector<16xi32>
          %broadcast_in_dim3A_316 = arith.constant 0 : i32
          %broadcast_in_dim3A_317 = vector.broadcast %broadcast_in_dim3A_316 : i32 to vector<16xi32>
          %sub3A_318 = arith.constant 31232 : i32
          %sub3A_319 = arith.subi %reduce_max3A_304, %sub3A_318 : i32
          %add3A_320 = vector.broadcast %sub3A_319 : i32 to vector<16xi32>
          %add3A_321 = arith.addi %broadcast_in_dim3A_317, %add3A_320 : vector<16xi32>
          %ge3A_322 = arith.constant 8 : i32
          %ge3A_323 = arith.cmpi sge, %while3A_283, %ge3A_322 : i32
          %convert_element_type3A_324 = arith.extui %ge3A_323 : i1 to i32
          %cond3A_325 = arith.constant 0 : i32
          %cond3A_326 = arith.cmpi ne, %convert_element_type3A_324, %cond3A_325 : i32
          scf.if %cond3A_326 {
            %dma_wait3A = arith.constant 0 : i32
            %dma_wait3A_389 = tpu.memref_slice %arg10[%dma_wait3A] : memref<512xf32, #tpu.memory_space<vmem>> -> memref<64xf32, #tpu.memory_space<vmem>>
            %dma_wait3A_390 = arith.constant 0 : i32
            %dma_wait3A_391 = tpu.memref_slice %arg4[%dma_wait3A_390] : memref<2097152xf32, #tpu.memory_space<hbm>> -> memref<64xf32, #tpu.memory_space<hbm>>
            %dma_wait3A_392 = arith.constant 0 : i32
            %dma_wait3A_393 = tpu.memref_slice %arg4[%dma_wait3A_392] : memref<2097152xf32, #tpu.memory_space<hbm>> -> memref<64xf32, #tpu.memory_space<hbm>>
            %dma_wait3A_394 = arith.constant 0 : i32
            %dma_wait3A_395 = tpu.memref_slice %arg10[%dma_wait3A_394] : memref<512xf32, #tpu.memory_space<vmem>> -> memref<64xf32, #tpu.memory_space<vmem>>
            tpu.wait_dma2 semaphore(%arg12 : memref<!tpu.dma_semaphore, #tpu.memory_space<semaphore_mem>>) src(%dma_wait3A_395 : memref<64xf32, #tpu.memory_space<vmem>>) dst(%dma_wait3A_393 : memref<64xf32, #tpu.memory_space<hbm>>)
          } else {
          }
          %jit3A_327 = arith.constant 8 : i32
          %eq3A_328 = arith.constant 0 : i32
          %eq3A_329 = arith.cmpi eq, %jit3A_327, %eq3A_328 : i32
          %jit3A_330 = arith.constant 1 : i32
          %select_n3A_331 = arith.select %eq3A_329, %jit3A_330, %jit3A_327 : i32
          %rem3A_332 = arith.remsi %while3A_283, %select_n3A_331 : i32
          %ne3A_333 = arith.constant 0 : i32
          %ne3A_334 = arith.cmpi ne, %rem3A_332, %ne3A_333 : i32
          %lt3A_335 = arith.constant 0 : i32
          %lt3A_336 = arith.cmpi slt, %rem3A_332, %lt3A_335 : i32
          %lt3A_337 = arith.constant 0 : i32
          %lt3A_338 = arith.cmpi slt, %select_n3A_331, %lt3A_337 : i32
          %ne3A_339 = arith.xori %lt3A_336, %lt3A_338 : i1
          %and3A_340 = arith.andi %ne3A_339, %ne3A_334 : i1
          %add3A_341 = arith.addi %rem3A_332, %select_n3A_331 : i32
          %select_n3A_342 = arith.select %and3A_340, %add3A_341, %rem3A_332 : i32
          %mul3A_343 = arith.constant 64 : i32
          %mul3A_344 = arith.muli %select_n3A_342, %mul3A_343 : i32
          %multiple_of3A_345 = tpu.assume_multiple %mul3A_344, 64 : i32
          %add3A_346 = arith.constant 0 : i32
          %add3A_347 = vector.broadcast %add3A_346 : i32 to vector<16xi32>
          %add3A_348 = arith.addi %add3A_347, %iota3A : vector<16xi32>
          %gather3A = tpu.vector_load_idx %arg8[%add3A_348, %add3A_321] : memref<64x128xf32, #tpu.memory_space<vmem>>[vector<16xi32>, vector<16xi32>], vector<16xf32>,
          %add3A_349 = arith.constant 0 : i32
          %add3A_350 = arith.addi %multiple_of3A_345, %add3A_349 : i32
          %swap3A_351 = arith.index_cast %add3A_350 : i32 to index
          %swap3A_352 = tpu.vector_load %arg10[%swap3A_351] {strides = array<i32>} : memref<512xf32, #tpu.memory_space<vmem>>, vector<16xf32>,
          tpu.vector_store %arg10[%swap3A_351], %gather3A {strides = array<i32>} : memref<512xf32, #tpu.memory_space<vmem>>, vector<16xf32>,
          %add3A_353 = arith.constant 16 : i32
          %add3A_354 = vector.broadcast %add3A_353 : i32 to vector<16xi32>
          %add3A_355 = arith.addi %add3A_354, %iota3A : vector<16xi32>
          %gather3A_356 = tpu.vector_load_idx %arg8[%add3A_355, %add3A_321] : memref<64x128xf32, #tpu.memory_space<vmem>>[vector<16xi32>, vector<16xi32>], vector<16xf32>,
          %add3A_357 = arith.constant 16 : i32
          %add3A_358 = arith.addi %multiple_of3A_345, %add3A_357 : i32
          %swap3A_359 = arith.index_cast %add3A_358 : i32 to index
          %swap3A_360 = tpu.vector_load %arg10[%swap3A_359] {strides = array<i32>} : memref<512xf32, #tpu.memory_space<vmem>>, vector<16xf32>,
          tpu.vector_store %arg10[%swap3A_359], %gather3A_356 {strides = array<i32>} : memref<512xf32, #tpu.memory_space<vmem>>, vector<16xf32>,
          %add3A_361 = arith.constant 32 : i32
          %add3A_362 = vector.broadcast %add3A_361 : i32 to vector<16xi32>
          %add3A_363 = arith.addi %add3A_362, %iota3A : vector<16xi32>
          %gather3A_364 = tpu.vector_load_idx %arg8[%add3A_363, %add3A_321] : memref<64x128xf32, #tpu.memory_space<vmem>>[vector<16xi32>, vector<16xi32>], vector<16xf32>,
          %add3A_365 = arith.constant 32 : i32
          %add3A_366 = arith.addi %multiple_of3A_345, %add3A_365 : i32
          %swap3A_367 = arith.index_cast %add3A_366 : i32 to index
          %swap3A_368 = tpu.vector_load %arg10[%swap3A_367] {strides = array<i32>} : memref<512xf32, #tpu.memory_space<vmem>>, vector<16xf32>,
          tpu.vector_store %arg10[%swap3A_367], %gather3A_364 {strides = array<i32>} : memref<512xf32, #tpu.memory_space<vmem>>, vector<16xf32>,
          %add3A_369 = arith.constant 48 : i32
          %add3A_370 = vector.broadcast %add3A_369 : i32 to vector<16xi32>
          %add3A_371 = arith.addi %add3A_370, %iota3A : vector<16xi32>
          %gather3A_372 = tpu.vector_load_idx %arg8[%add3A_371, %add3A_321] : memref<64x128xf32, #tpu.memory_space<vmem>>[vector<16xi32>, vector<16xi32>], vector<16xf32>,
          %add3A_373 = arith.constant 48 : i32
          %add3A_374 = arith.addi %multiple_of3A_345, %add3A_373 : i32
          %swap3A_375 = arith.index_cast %add3A_374 : i32 to index
          %swap3A_376 = tpu.vector_load %arg10[%swap3A_375] {strides = array<i32>} : memref<512xf32, #tpu.memory_space<vmem>>, vector<16xf32>,
          tpu.vector_store %arg10[%swap3A_375], %gather3A_372 {strides = array<i32>} : memref<512xf32, #tpu.memory_space<vmem>>, vector<16xf32>,
          %mul3A_377 = arith.constant 2 : i32
          %mul3A_378 = arith.muli %reduce_max3A_315, %mul3A_377 : i32
          %mul3A_379 = arith.constant 64 : i32
          %mul3A_380 = arith.muli %mul3A_378, %mul3A_379 : i32
          %dma_start3A_381 = tpu.memref_slice %arg10[%multiple_of3A_345] : memref<512xf32, #tpu.memory_space<vmem>> -> memref<64xf32, #tpu.memory_space<vmem>>
          %dma_start3A_382 = tpu.memref_slice %arg4[%mul3A_380] : memref<2097152xf32, #tpu.memory_space<hbm>> -> memref<64xf32, #tpu.memory_space<hbm>>
          %dma_start3A_383 = tpu.memref_slice %arg4[%mul3A_380] : memref<2097152xf32, #tpu.memory_space<hbm>> -> memref<64xf32, #tpu.memory_space<hbm>>
          %dma_start3A_384 = tpu.memref_slice %arg10[%multiple_of3A_345] : memref<512xf32, #tpu.memory_space<vmem>> -> memref<64xf32, #tpu.memory_space<vmem>>
          tpu.enqueue_dma source(%dma_start3A_384 : memref<64xf32, #tpu.memory_space<vmem>>) target(%dma_start3A_383 : memref<64xf32, #tpu.memory_space<hbm>>) target_semaphore(%arg12 : memref<!tpu.dma_semaphore, #tpu.memory_space<semaphore_mem>>)
          %not3A = arith.constant dense<true> : vector<16xi1>
          %not3A_385 = arith.xori %eq3A_293, %not3A : vector<16xi1>
          %and3A_386 = arith.andi %while3A_282, %not3A_385 : vector<16xi1>
          %add3A_387 = arith.constant 1 : i32
          %add3A_388 = arith.addi %while3A_283, %add3A_387 : i32
          scf.yield %and3A_386, %add3A_388 : vector<16xi1>, i32
        }
        scf.yield %while3A_281#1 : i32
      } else {
        scf.yield %while3A_178 : i32
      }
      scf.yield %cond3A_277 : i32
    }
    %convert_element_type3A_160 = arith.extui %eq3A_2 : i1 to i32
    %cond3A_161 = arith.constant 0 : i32
    %cond3A_162 = arith.cmpi ne, %convert_element_type3A_160, %cond3A_161 : i32
    scf.if %cond3A_162 {
      "tpu.region"() ({
        %run_scoped3A = tpu.sem_alloc : memref<!tpu.dma_semaphore, #tpu.memory_space<semaphore_mem>>
        %dma_start3A_177 = arith.constant 0 : i32
        %dma_start3A_178 = arith.constant 999936 : i32
        %dma_start3A_179 = tpu.memref_slice %arg3[%dma_start3A_177, %dma_start3A_178] : memref<64x1000000xf32, #tpu.memory_space<hbm>> -> memref<64x64xf32, #tpu.memory_space<hbm>>
        %dma_start3A_180 = arith.constant 0 : i32
        %dma_start3A_181 = arith.constant 999936 : i32
        %dma_start3A_182 = tpu.memref_slice %arg3[%dma_start3A_180, %dma_start3A_181] : memref<64x1000000xf32, #tpu.memory_space<hbm>> -> memref<64x64xf32, #tpu.memory_space<hbm>>
        tpu.enqueue_dma source(%dma_start3A_182 : memref<64x64xf32, #tpu.memory_space<hbm>>) target(%arg9 : memref<64x64xf32, #tpu.memory_space<vmem>>) target_semaphore(%run_scoped3A : memref<!tpu.dma_semaphore, #tpu.memory_space<semaphore_mem>>)
        %dma_wait3A = arith.constant 0 : i32
        %dma_wait3A_183 = arith.constant 999936 : i32
        %dma_wait3A_184 = tpu.memref_slice %arg3[%dma_wait3A, %dma_wait3A_183] : memref<64x1000000xf32, #tpu.memory_space<hbm>> -> memref<64x64xf32, #tpu.memory_space<hbm>>
        %dma_wait3A_185 = arith.constant 0 : i32
        %dma_wait3A_186 = arith.constant 999936 : i32
        %dma_wait3A_187 = tpu.memref_slice %arg3[%dma_wait3A_185, %dma_wait3A_186] : memref<64x1000000xf32, #tpu.memory_space<hbm>> -> memref<64x64xf32, #tpu.memory_space<hbm>>
        tpu.wait_dma2 semaphore(%run_scoped3A : memref<!tpu.dma_semaphore, #tpu.memory_space<semaphore_mem>>) src(%dma_wait3A_187 : memref<64x64xf32, #tpu.memory_space<hbm>>) dst(%arg9 : memref<64x64xf32, #tpu.memory_space<vmem>>)
        tpu.yield
      }) : () -> ()
    } else {
    }
    %while3A_163 = arith.constant 0 : i32
    %while3A_164 = arith.subi %select_n3A_141, %while3A_163 : i32
    %while3A_165 = arith.addi %while3A_163, %while3A_164 : i32
    %while3A_166 = arith.constant 1 : i32
    %while3A_167 = arith.divsi %while3A_164, %while3A_166 : i32
    %while3A_168 = arith.muli %while3A_167, %while3A_166 : i32
    %while3A_169 = arith.addi %while3A_163, %while3A_168 : i32
    %while3A_170 = arith.constant 1 : i32
    %while3A_171 = scf.for %while3A_177 = %while3A_163 to %while3A_169 step %while3A_170 iter_args(%while3A_178 = %while3A_159) -> (i32)  : i32 {
      %mul3A_179 = arith.constant 64 : i32
      %mul3A_180 = arith.muli %while3A_177, %mul3A_179 : i32
      %add3A_181 = arith.constant 0 : i32
      %add3A_182 = arith.addi %mul3A_180, %add3A_181 : i32
      %multiple_of3A_183 = tpu.assume_multiple %add3A_182, 8 : i32
      %get3A = arith.index_cast %multiple_of3A_183 : i32 to index
      %get3A_184 = tpu.vector_load %arg6[%get3A] {strides = array<i32>} : memref<16448xi32, #tpu.memory_space<vmem>>, vector<16xi32>,
      %and3A_185 = arith.constant 32767 : i32
      %and3A_186 = vector.broadcast %and3A_185 : i32 to vector<16xi32>
      %and3A_187 = arith.andi %get3A_184, %and3A_186 : vector<16xi32>
      %shift_right_arithmetic3A = arith.constant 15 : i32
      %shift_right_arithmetic3A_188 = vector.broadcast %shift_right_arithmetic3A : i32 to vector<16xi32>
      %shift_right_arithmetic3A_189 = arith.shrsi %get3A_184, %shift_right_arithmetic3A_188 : vector<16xi32>
      %ge3A = arith.constant 31232 : i32
      %ge3A_190 = vector.broadcast %ge3A : i32 to vector<16xi32>
      %ge3A_191 = arith.cmpi sge, %and3A_187, %ge3A_190 : vector<16xi32>
      %lt3A_192 = arith.constant 31296 : i32
      %lt3A_193 = vector.broadcast %lt3A_192 : i32 to vector<16xi32>
      %lt3A_194 = arith.cmpi slt, %and3A_187, %lt3A_193 : vector<16xi32>
      %and3A_195 = arith.andi %ge3A_191, %lt3A_194 : vector<16xi1>
      %and3A_196 = vector.broadcast %eq3A_2 : i1 to vector<16xi1>
      %and3A_197 = arith.andi %and3A_195, %and3A_196 : vector<16xi1>
      %mul3A_198 = arith.constant 64 : i32
      %mul3A_199 = arith.muli %while3A_177, %mul3A_198 : i32
      %add3A_200 = arith.constant 16 : i32
      %add3A_201 = arith.addi %mul3A_199, %add3A_200 : i32
      %multiple_of3A_202 = tpu.assume_multiple %add3A_201, 8 : i32
      %get3A_203 = arith.index_cast %multiple_of3A_202 : i32 to index
      %get3A_204 = tpu.vector_load %arg6[%get3A_203] {strides = array<i32>} : memref<16448xi32, #tpu.memory_space<vmem>>, vector<16xi32>,
      %and3A_205 = arith.constant 32767 : i32
      %and3A_206 = vector.broadcast %and3A_205 : i32 to vector<16xi32>
      %and3A_207 = arith.andi %get3A_204, %and3A_206 : vector<16xi32>
      %shift_right_arithmetic3A_208 = arith.constant 15 : i32
      %shift_right_arithmetic3A_209 = vector.broadcast %shift_right_arithmetic3A_208 : i32 to vector<16xi32>
      %shift_right_arithmetic3A_210 = arith.shrsi %get3A_204, %shift_right_arithmetic3A_209 : vector<16xi32>
      %ge3A_211 = arith.constant 31232 : i32
      %ge3A_212 = vector.broadcast %ge3A_211 : i32 to vector<16xi32>
      %ge3A_213 = arith.cmpi sge, %and3A_207, %ge3A_212 : vector<16xi32>
      %lt3A_214 = arith.constant 31296 : i32
      %lt3A_215 = vector.broadcast %lt3A_214 : i32 to vector<16xi32>
      %lt3A_216 = arith.cmpi slt, %and3A_207, %lt3A_215 : vector<16xi32>
      %and3A_217 = arith.andi %ge3A_213, %lt3A_216 : vector<16xi1>
      %and3A_218 = vector.broadcast %eq3A_2 : i1 to vector<16xi1>
      %and3A_219 = arith.andi %and3A_217, %and3A_218 : vector<16xi1>
      %mul3A_220 = arith.constant 64 : i32
      %mul3A_221 = arith.muli %while3A_177, %mul3A_220 : i32
      %add3A_222 = arith.constant 32 : i32
      %add3A_223 = arith.addi %mul3A_221, %add3A_222 : i32
      %multiple_of3A_224 = tpu.assume_multiple %add3A_223, 8 : i32
      %get3A_225 = arith.index_cast %multiple_of3A_224 : i32 to index
      %get3A_226 = tpu.vector_load %arg6[%get3A_225] {strides = array<i32>} : memref<16448xi32, #tpu.memory_space<vmem>>, vector<16xi32>,
      %and3A_227 = arith.constant 32767 : i32
      %and3A_228 = vector.broadcast %and3A_227 : i32 to vector<16xi32>
      %and3A_229 = arith.andi %get3A_226, %and3A_228 : vector<16xi32>
      %shift_right_arithmetic3A_230 = arith.constant 15 : i32
      %shift_right_arithmetic3A_231 = vector.broadcast %shift_right_arithmetic3A_230 : i32 to vector<16xi32>
      %shift_right_arithmetic3A_232 = arith.shrsi %get3A_226, %shift_right_arithmetic3A_231 : vector<16xi32>
      %ge3A_233 = arith.constant 31232 : i32
      %ge3A_234 = vector.broadcast %ge3A_233 : i32 to vector<16xi32>
      %ge3A_235 = arith.cmpi sge, %and3A_229, %ge3A_234 : vector<16xi32>
      %lt3A_236 = arith.constant 31296 : i32
      %lt3A_237 = vector.broadcast %lt3A_236 : i32 to vector<16xi32>
      %lt3A_238 = arith.cmpi slt, %and3A_229, %lt3A_237 : vector<16xi32>
      %and3A_239 = arith.andi %ge3A_235, %lt3A_238 : vector<16xi1>
      %and3A_240 = vector.broadcast %eq3A_2 : i1 to vector<16xi1>
      %and3A_241 = arith.andi %and3A_239, %and3A_240 : vector<16xi1>
      %mul3A_242 = arith.constant 64 : i32
      %mul3A_243 = arith.muli %while3A_177, %mul3A_242 : i32
      %add3A_244 = arith.constant 48 : i32
      %add3A_245 = arith.addi %mul3A_243, %add3A_244 : i32
      %multiple_of3A_246 = tpu.assume_multiple %add3A_245, 8 : i32
      %get3A_247 = arith.index_cast %multiple_of3A_246 : i32 to index
      %get3A_248 = tpu.vector_load %arg6[%get3A_247] {strides = array<i32>} : memref<16448xi32, #tpu.memory_space<vmem>>, vector<16xi32>,
      %and3A_249 = arith.constant 32767 : i32
      %and3A_250 = vector.broadcast %and3A_249 : i32 to vector<16xi32>
      %and3A_251 = arith.andi %get3A_248, %and3A_250 : vector<16xi32>
      %shift_right_arithmetic3A_252 = arith.constant 15 : i32
      %shift_right_arithmetic3A_253 = vector.broadcast %shift_right_arithmetic3A_252 : i32 to vector<16xi32>
      %shift_right_arithmetic3A_254 = arith.shrsi %get3A_248, %shift_right_arithmetic3A_253 : vector<16xi32>
      %ge3A_255 = arith.constant 31232 : i32
      %ge3A_256 = vector.broadcast %ge3A_255 : i32 to vector<16xi32>
      %ge3A_257 = arith.cmpi sge, %and3A_251, %ge3A_256 : vector<16xi32>
      %lt3A_258 = arith.constant 31296 : i32
      %lt3A_259 = vector.broadcast %lt3A_258 : i32 to vector<16xi32>
      %lt3A_260 = arith.cmpi slt, %and3A_251, %lt3A_259 : vector<16xi32>
      %and3A_261 = arith.andi %ge3A_257, %lt3A_260 : vector<16xi1>
      %and3A_262 = vector.broadcast %eq3A_2 : i1 to vector<16xi1>
      %and3A_263 = arith.andi %and3A_261, %and3A_262 : vector<16xi1>
      %or3A = arith.ori %and3A_197, %and3A_219 : vector<16xi1>
      %or3A_264 = arith.ori %and3A_241, %and3A_263 : vector<16xi1>
      %or3A_265 = arith.ori %or3A, %or3A_264 : vector<16xi1>
      %all_reduce_population_count3A = tpu.all_reduce %or3A_265 {dim = 0 : i64, kind = #tpu.reduction_kind<sum>} : vector<16xi1> -> vector<16xi32>
      %reduce_max3A = arith.constant true
      %reduce_max3A_266 = vector.broadcast %reduce_max3A : i1 to vector<16xi1>
      %reduce_max3A_267 = arith.constant -2147483648 : i32
      %reduce_max3A_268 = vector.broadcast %reduce_max3A_267 : i32 to vector<16xi32>
      %reduce_max3A_269 = arith.xori %all_reduce_population_count3A, %reduce_max3A_268 : vector<16xi32>
      %reduce_max3A_270 = tpu.scan <max>, %reduce_max3A_269 masked %reduce_max3A_266 : vector<16xi32>, vector<16xi1> -> vector<16xi32>
      %reduce_max3A_271 = arith.xori %reduce_max3A_270, %reduce_max3A_268 : vector<16xi32>
      %reduce_max3A_272 = vector.extract %reduce_max3A_271[15] : i32 from vector<16xi32>
      %gt3A = arith.constant 0 : i32
      %gt3A_273 = arith.cmpi sgt, %reduce_max3A_272, %gt3A : i32
      %convert_element_type3A_274 = arith.extui %gt3A_273 : i1 to i32
      %cond3A_275 = arith.constant 0 : i32
      %cond3A_276 = arith.cmpi ne, %convert_element_type3A_274, %cond3A_275 : i32
      %cond3A_277 = scf.if %cond3A_276 -> (i32) {
        %while3A_278:2 = scf.while (%while3A_282 = %and3A_197, %while3A_283 = %while3A_178) : (vector<16xi1>, i32) -> (vector<16xi1>, i32) {
          %all_reduce_population_count3A_284 = tpu.all_reduce %while3A_282 {dim = 0 : i64, kind = #tpu.reduction_kind<sum>} : vector<16xi1> -> vector<16xi32>
          %reduce_max3A_285 = arith.constant true
          %reduce_max3A_286 = vector.broadcast %reduce_max3A_285 : i1 to vector<16xi1>
          %reduce_max3A_287 = arith.constant -2147483648 : i32
          %reduce_max3A_288 = vector.broadcast %reduce_max3A_287 : i32 to vector<16xi32>
          %reduce_max3A_289 = arith.xori %all_reduce_population_count3A_284, %reduce_max3A_288 : vector<16xi32>
          %reduce_max3A_290 = tpu.scan <max>, %reduce_max3A_289 masked %reduce_max3A_286 : vector<16xi32>, vector<16xi1> -> vector<16xi32>
          %reduce_max3A_291 = arith.xori %reduce_max3A_290, %reduce_max3A_288 : vector<16xi32>
          %reduce_max3A_292 = vector.extract %reduce_max3A_291[15] : i32 from vector<16xi32>
          %gt3A_293 = arith.constant 0 : i32
          %gt3A_294 = arith.cmpi sgt, %reduce_max3A_292, %gt3A_293 : i32
          scf.condition(%gt3A_294) %while3A_282, %while3A_283 : vector<16xi1>, i32
        } do {
        ^bb0(%while3A_282: vector<16xi1>, %while3A_283: i32):
          %all_reduce_ffs3A = tpu.all_reduce %while3A_282 {dim = 0 : i64, kind = #tpu.reduction_kind<find_first_set>} : vector<16xi1> -> vector<16xi32>
          %reduce_max3A_284 = arith.constant true
          %reduce_max3A_285 = vector.broadcast %reduce_max3A_284 : i1 to vector<16xi1>
          %reduce_max3A_286 = arith.constant -2147483648 : i32
          %reduce_max3A_287 = vector.broadcast %reduce_max3A_286 : i32 to vector<16xi32>
          %reduce_max3A_288 = arith.xori %all_reduce_ffs3A, %reduce_max3A_287 : vector<16xi32>
          %reduce_max3A_289 = tpu.scan <max>, %reduce_max3A_288 masked %reduce_max3A_285 : vector<16xi32>, vector<16xi1> -> vector<16xi32>
          %reduce_max3A_290 = arith.xori %reduce_max3A_289, %reduce_max3A_287 : vector<16xi32>
          %reduce_max3A_291 = vector.extract %reduce_max3A_290[15] : i32 from vector<16xi32>
          %eq3A_292 = vector.broadcast %reduce_max3A_291 : i32 to vector<16xi32>
          %eq3A_293 = arith.cmpi eq, %iota3A, %eq3A_292 : vector<16xi32>
          %jit3A_294 = arith.constant 0 : i32
          %broadcast_in_dim3A_295 = vector.broadcast %jit3A_294 : i32 to vector<16xi32>
          %select_n3A_296 = arith.select %eq3A_293, %and3A_187, %broadcast_in_dim3A_295 : vector<16xi1>, vector<16xi32>
          %reduce_max3A_297 = arith.constant true
          %reduce_max3A_298 = vector.broadcast %reduce_max3A_297 : i1 to vector<16xi1>
          %reduce_max3A_299 = arith.constant -2147483648 : i32
          %reduce_max3A_300 = vector.broadcast %reduce_max3A_299 : i32 to vector<16xi32>
          %reduce_max3A_301 = arith.xori %select_n3A_296, %reduce_max3A_300 : vector<16xi32>
          %reduce_max3A_302 = tpu.scan <max>, %reduce_max3A_301 masked %reduce_max3A_298 : vector<16xi32>, vector<16xi1> -> vector<16xi32>
          %reduce_max3A_303 = arith.xori %reduce_max3A_302, %reduce_max3A_300 : vector<16xi32>
          %reduce_max3A_304 = vector.extract %reduce_max3A_303[15] : i32 from vector<16xi32>
          %jit3A_305 = arith.constant 0 : i32
          %broadcast_in_dim3A_306 = vector.broadcast %jit3A_305 : i32 to vector<16xi32>
          %select_n3A_307 = arith.select %eq3A_293, %shift_right_arithmetic3A_189, %broadcast_in_dim3A_306 : vector<16xi1>, vector<16xi32>
          %reduce_max3A_308 = arith.constant true
          %reduce_max3A_309 = vector.broadcast %reduce_max3A_308 : i1 to vector<16xi1>
          %reduce_max3A_310 = arith.constant -2147483648 : i32
          %reduce_max3A_311 = vector.broadcast %reduce_max3A_310 : i32 to vector<16xi32>
          %reduce_max3A_312 = arith.xori %select_n3A_307, %reduce_max3A_311 : vector<16xi32>
          %reduce_max3A_313 = tpu.scan <max>, %reduce_max3A_312 masked %reduce_max3A_309 : vector<16xi32>, vector<16xi1> -> vector<16xi32>
          %reduce_max3A_314 = arith.xori %reduce_max3A_313, %reduce_max3A_311 : vector<16xi32>
          %reduce_max3A_315 = vector.extract %reduce_max3A_314[15] : i32 from vector<16xi32>
          %broadcast_in_dim3A_316 = arith.constant 0 : i32
          %broadcast_in_dim3A_317 = vector.broadcast %broadcast_in_dim3A_316 : i32 to vector<16xi32>
          %sub3A_318 = arith.constant 31232 : i32
          %sub3A_319 = arith.subi %reduce_max3A_304, %sub3A_318 : i32
          %add3A_320 = vector.broadcast %sub3A_319 : i32 to vector<16xi32>
          %add3A_321 = arith.addi %broadcast_in_dim3A_317, %add3A_320 : vector<16xi32>
          %ge3A_322 = arith.constant 8 : i32
          %ge3A_323 = arith.cmpi sge, %while3A_283, %ge3A_322 : i32
          %convert_element_type3A_324 = arith.extui %ge3A_323 : i1 to i32
          %cond3A_325 = arith.constant 0 : i32
          %cond3A_326 = arith.cmpi ne, %convert_element_type3A_324, %cond3A_325 : i32
          scf.if %cond3A_326 {
            %dma_wait3A = arith.constant 0 : i32
            %dma_wait3A_389 = tpu.memref_slice %arg10[%dma_wait3A] : memref<512xf32, #tpu.memory_space<vmem>> -> memref<64xf32, #tpu.memory_space<vmem>>
            %dma_wait3A_390 = arith.constant 0 : i32
            %dma_wait3A_391 = tpu.memref_slice %arg4[%dma_wait3A_390] : memref<2097152xf32, #tpu.memory_space<hbm>> -> memref<64xf32, #tpu.memory_space<hbm>>
            %dma_wait3A_392 = arith.constant 0 : i32
            %dma_wait3A_393 = tpu.memref_slice %arg4[%dma_wait3A_392] : memref<2097152xf32, #tpu.memory_space<hbm>> -> memref<64xf32, #tpu.memory_space<hbm>>
            %dma_wait3A_394 = arith.constant 0 : i32
            %dma_wait3A_395 = tpu.memref_slice %arg10[%dma_wait3A_394] : memref<512xf32, #tpu.memory_space<vmem>> -> memref<64xf32, #tpu.memory_space<vmem>>
            tpu.wait_dma2 semaphore(%arg12 : memref<!tpu.dma_semaphore, #tpu.memory_space<semaphore_mem>>) src(%dma_wait3A_395 : memref<64xf32, #tpu.memory_space<vmem>>) dst(%dma_wait3A_393 : memref<64xf32, #tpu.memory_space<hbm>>)
          } else {
          }
          %jit3A_327 = arith.constant 8 : i32
          %eq3A_328 = arith.constant 0 : i32
          %eq3A_329 = arith.cmpi eq, %jit3A_327, %eq3A_328 : i32
          %jit3A_330 = arith.constant 1 : i32
          %select_n3A_331 = arith.select %eq3A_329, %jit3A_330, %jit3A_327 : i32
          %rem3A_332 = arith.remsi %while3A_283, %select_n3A_331 : i32
          %ne3A_333 = arith.constant 0 : i32
          %ne3A_334 = arith.cmpi ne, %rem3A_332, %ne3A_333 : i32
          %lt3A_335 = arith.constant 0 : i32
          %lt3A_336 = arith.cmpi slt, %rem3A_332, %lt3A_335 : i32
          %lt3A_337 = arith.constant 0 : i32
          %lt3A_338 = arith.cmpi slt, %select_n3A_331, %lt3A_337 : i32
          %ne3A_339 = arith.xori %lt3A_336, %lt3A_338 : i1
          %and3A_340 = arith.andi %ne3A_339, %ne3A_334 : i1
          %add3A_341 = arith.addi %rem3A_332, %select_n3A_331 : i32
          %select_n3A_342 = arith.select %and3A_340, %add3A_341, %rem3A_332 : i32
          %mul3A_343 = arith.constant 64 : i32
          %mul3A_344 = arith.muli %select_n3A_342, %mul3A_343 : i32
          %multiple_of3A_345 = tpu.assume_multiple %mul3A_344, 64 : i32
          %add3A_346 = arith.constant 0 : i32
          %add3A_347 = vector.broadcast %add3A_346 : i32 to vector<16xi32>
          %add3A_348 = arith.addi %add3A_347, %iota3A : vector<16xi32>
          %gather3A = tpu.vector_load_idx %arg9[%add3A_348, %add3A_321] : memref<64x64xf32, #tpu.memory_space<vmem>>[vector<16xi32>, vector<16xi32>], vector<16xf32>,
          %add3A_349 = arith.constant 0 : i32
          %add3A_350 = arith.addi %multiple_of3A_345, %add3A_349 : i32
          %swap3A_351 = arith.index_cast %add3A_350 : i32 to index
          %swap3A_352 = tpu.vector_load %arg10[%swap3A_351] {strides = array<i32>} : memref<512xf32, #tpu.memory_space<vmem>>, vector<16xf32>,
          tpu.vector_store %arg10[%swap3A_351], %gather3A {strides = array<i32>} : memref<512xf32, #tpu.memory_space<vmem>>, vector<16xf32>,
          %add3A_353 = arith.constant 16 : i32
          %add3A_354 = vector.broadcast %add3A_353 : i32 to vector<16xi32>
          %add3A_355 = arith.addi %add3A_354, %iota3A : vector<16xi32>
          %gather3A_356 = tpu.vector_load_idx %arg9[%add3A_355, %add3A_321] : memref<64x64xf32, #tpu.memory_space<vmem>>[vector<16xi32>, vector<16xi32>], vector<16xf32>,
          %add3A_357 = arith.constant 16 : i32
          %add3A_358 = arith.addi %multiple_of3A_345, %add3A_357 : i32
          %swap3A_359 = arith.index_cast %add3A_358 : i32 to index
          %swap3A_360 = tpu.vector_load %arg10[%swap3A_359] {strides = array<i32>} : memref<512xf32, #tpu.memory_space<vmem>>, vector<16xf32>,
          tpu.vector_store %arg10[%swap3A_359], %gather3A_356 {strides = array<i32>} : memref<512xf32, #tpu.memory_space<vmem>>, vector<16xf32>,
          %add3A_361 = arith.constant 32 : i32
          %add3A_362 = vector.broadcast %add3A_361 : i32 to vector<16xi32>
          %add3A_363 = arith.addi %add3A_362, %iota3A : vector<16xi32>
          %gather3A_364 = tpu.vector_load_idx %arg9[%add3A_363, %add3A_321] : memref<64x64xf32, #tpu.memory_space<vmem>>[vector<16xi32>, vector<16xi32>], vector<16xf32>,
          %add3A_365 = arith.constant 32 : i32
          %add3A_366 = arith.addi %multiple_of3A_345, %add3A_365 : i32
          %swap3A_367 = arith.index_cast %add3A_366 : i32 to index
          %swap3A_368 = tpu.vector_load %arg10[%swap3A_367] {strides = array<i32>} : memref<512xf32, #tpu.memory_space<vmem>>, vector<16xf32>,
          tpu.vector_store %arg10[%swap3A_367], %gather3A_364 {strides = array<i32>} : memref<512xf32, #tpu.memory_space<vmem>>, vector<16xf32>,
          %add3A_369 = arith.constant 48 : i32
          %add3A_370 = vector.broadcast %add3A_369 : i32 to vector<16xi32>
          %add3A_371 = arith.addi %add3A_370, %iota3A : vector<16xi32>
          %gather3A_372 = tpu.vector_load_idx %arg9[%add3A_371, %add3A_321] : memref<64x64xf32, #tpu.memory_space<vmem>>[vector<16xi32>, vector<16xi32>], vector<16xf32>,
          %add3A_373 = arith.constant 48 : i32
          %add3A_374 = arith.addi %multiple_of3A_345, %add3A_373 : i32
          %swap3A_375 = arith.index_cast %add3A_374 : i32 to index
          %swap3A_376 = tpu.vector_load %arg10[%swap3A_375] {strides = array<i32>} : memref<512xf32, #tpu.memory_space<vmem>>, vector<16xf32>,
          tpu.vector_store %arg10[%swap3A_375], %gather3A_372 {strides = array<i32>} : memref<512xf32, #tpu.memory_space<vmem>>, vector<16xf32>,
          %mul3A_377 = arith.constant 2 : i32
          %mul3A_378 = arith.muli %reduce_max3A_315, %mul3A_377 : i32
          %mul3A_379 = arith.constant 64 : i32
          %mul3A_380 = arith.muli %mul3A_378, %mul3A_379 : i32
          %dma_start3A_381 = tpu.memref_slice %arg10[%multiple_of3A_345] : memref<512xf32, #tpu.memory_space<vmem>> -> memref<64xf32, #tpu.memory_space<vmem>>
          %dma_start3A_382 = tpu.memref_slice %arg4[%mul3A_380] : memref<2097152xf32, #tpu.memory_space<hbm>> -> memref<64xf32, #tpu.memory_space<hbm>>
          %dma_start3A_383 = tpu.memref_slice %arg4[%mul3A_380] : memref<2097152xf32, #tpu.memory_space<hbm>> -> memref<64xf32, #tpu.memory_space<hbm>>
          %dma_start3A_384 = tpu.memref_slice %arg10[%multiple_of3A_345] : memref<512xf32, #tpu.memory_space<vmem>> -> memref<64xf32, #tpu.memory_space<vmem>>
          tpu.enqueue_dma source(%dma_start3A_384 : memref<64xf32, #tpu.memory_space<vmem>>) target(%dma_start3A_383 : memref<64xf32, #tpu.memory_space<hbm>>) target_semaphore(%arg12 : memref<!tpu.dma_semaphore, #tpu.memory_space<semaphore_mem>>)
          %not3A = arith.constant dense<true> : vector<16xi1>
          %not3A_385 = arith.xori %eq3A_293, %not3A : vector<16xi1>
          %and3A_386 = arith.andi %while3A_282, %not3A_385 : vector<16xi1>
          %add3A_387 = arith.constant 1 : i32
          %add3A_388 = arith.addi %while3A_283, %add3A_387 : i32
          scf.yield %and3A_386, %add3A_388 : vector<16xi1>, i32
        }
        %while3A_279:2 = scf.while (%while3A_282 = %and3A_219, %while3A_283 = %while3A_278#1) : (vector<16xi1>, i32) -> (vector<16xi1>, i32) {
          %all_reduce_population_count3A_284 = tpu.all_reduce %while3A_282 {dim = 0 : i64, kind = #tpu.reduction_kind<sum>} : vector<16xi1> -> vector<16xi32>
          %reduce_max3A_285 = arith.constant true
          %reduce_max3A_286 = vector.broadcast %reduce_max3A_285 : i1 to vector<16xi1>
          %reduce_max3A_287 = arith.constant -2147483648 : i32
          %reduce_max3A_288 = vector.broadcast %reduce_max3A_287 : i32 to vector<16xi32>
          %reduce_max3A_289 = arith.xori %all_reduce_population_count3A_284, %reduce_max3A_288 : vector<16xi32>
          %reduce_max3A_290 = tpu.scan <max>, %reduce_max3A_289 masked %reduce_max3A_286 : vector<16xi32>, vector<16xi1> -> vector<16xi32>
          %reduce_max3A_291 = arith.xori %reduce_max3A_290, %reduce_max3A_288 : vector<16xi32>
          %reduce_max3A_292 = vector.extract %reduce_max3A_291[15] : i32 from vector<16xi32>
          %gt3A_293 = arith.constant 0 : i32
          %gt3A_294 = arith.cmpi sgt, %reduce_max3A_292, %gt3A_293 : i32
          scf.condition(%gt3A_294) %while3A_282, %while3A_283 : vector<16xi1>, i32
        } do {
        ^bb0(%while3A_282: vector<16xi1>, %while3A_283: i32):
          %all_reduce_ffs3A = tpu.all_reduce %while3A_282 {dim = 0 : i64, kind = #tpu.reduction_kind<find_first_set>} : vector<16xi1> -> vector<16xi32>
          %reduce_max3A_284 = arith.constant true
          %reduce_max3A_285 = vector.broadcast %reduce_max3A_284 : i1 to vector<16xi1>
          %reduce_max3A_286 = arith.constant -2147483648 : i32
          %reduce_max3A_287 = vector.broadcast %reduce_max3A_286 : i32 to vector<16xi32>
          %reduce_max3A_288 = arith.xori %all_reduce_ffs3A, %reduce_max3A_287 : vector<16xi32>
          %reduce_max3A_289 = tpu.scan <max>, %reduce_max3A_288 masked %reduce_max3A_285 : vector<16xi32>, vector<16xi1> -> vector<16xi32>
          %reduce_max3A_290 = arith.xori %reduce_max3A_289, %reduce_max3A_287 : vector<16xi32>
          %reduce_max3A_291 = vector.extract %reduce_max3A_290[15] : i32 from vector<16xi32>
          %eq3A_292 = vector.broadcast %reduce_max3A_291 : i32 to vector<16xi32>
          %eq3A_293 = arith.cmpi eq, %iota3A, %eq3A_292 : vector<16xi32>
          %jit3A_294 = arith.constant 0 : i32
          %broadcast_in_dim3A_295 = vector.broadcast %jit3A_294 : i32 to vector<16xi32>
          %select_n3A_296 = arith.select %eq3A_293, %and3A_207, %broadcast_in_dim3A_295 : vector<16xi1>, vector<16xi32>
          %reduce_max3A_297 = arith.constant true
          %reduce_max3A_298 = vector.broadcast %reduce_max3A_297 : i1 to vector<16xi1>
          %reduce_max3A_299 = arith.constant -2147483648 : i32
          %reduce_max3A_300 = vector.broadcast %reduce_max3A_299 : i32 to vector<16xi32>
          %reduce_max3A_301 = arith.xori %select_n3A_296, %reduce_max3A_300 : vector<16xi32>
          %reduce_max3A_302 = tpu.scan <max>, %reduce_max3A_301 masked %reduce_max3A_298 : vector<16xi32>, vector<16xi1> -> vector<16xi32>
          %reduce_max3A_303 = arith.xori %reduce_max3A_302, %reduce_max3A_300 : vector<16xi32>
          %reduce_max3A_304 = vector.extract %reduce_max3A_303[15] : i32 from vector<16xi32>
          %jit3A_305 = arith.constant 0 : i32
          %broadcast_in_dim3A_306 = vector.broadcast %jit3A_305 : i32 to vector<16xi32>
          %select_n3A_307 = arith.select %eq3A_293, %shift_right_arithmetic3A_210, %broadcast_in_dim3A_306 : vector<16xi1>, vector<16xi32>
          %reduce_max3A_308 = arith.constant true
          %reduce_max3A_309 = vector.broadcast %reduce_max3A_308 : i1 to vector<16xi1>
          %reduce_max3A_310 = arith.constant -2147483648 : i32
          %reduce_max3A_311 = vector.broadcast %reduce_max3A_310 : i32 to vector<16xi32>
          %reduce_max3A_312 = arith.xori %select_n3A_307, %reduce_max3A_311 : vector<16xi32>
          %reduce_max3A_313 = tpu.scan <max>, %reduce_max3A_312 masked %reduce_max3A_309 : vector<16xi32>, vector<16xi1> -> vector<16xi32>
          %reduce_max3A_314 = arith.xori %reduce_max3A_313, %reduce_max3A_311 : vector<16xi32>
          %reduce_max3A_315 = vector.extract %reduce_max3A_314[15] : i32 from vector<16xi32>
          %broadcast_in_dim3A_316 = arith.constant 0 : i32
          %broadcast_in_dim3A_317 = vector.broadcast %broadcast_in_dim3A_316 : i32 to vector<16xi32>
          %sub3A_318 = arith.constant 31232 : i32
          %sub3A_319 = arith.subi %reduce_max3A_304, %sub3A_318 : i32
          %add3A_320 = vector.broadcast %sub3A_319 : i32 to vector<16xi32>
          %add3A_321 = arith.addi %broadcast_in_dim3A_317, %add3A_320 : vector<16xi32>
          %ge3A_322 = arith.constant 8 : i32
          %ge3A_323 = arith.cmpi sge, %while3A_283, %ge3A_322 : i32
          %convert_element_type3A_324 = arith.extui %ge3A_323 : i1 to i32
          %cond3A_325 = arith.constant 0 : i32
          %cond3A_326 = arith.cmpi ne, %convert_element_type3A_324, %cond3A_325 : i32
          scf.if %cond3A_326 {
            %dma_wait3A = arith.constant 0 : i32
            %dma_wait3A_389 = tpu.memref_slice %arg10[%dma_wait3A] : memref<512xf32, #tpu.memory_space<vmem>> -> memref<64xf32, #tpu.memory_space<vmem>>
            %dma_wait3A_390 = arith.constant 0 : i32
            %dma_wait3A_391 = tpu.memref_slice %arg4[%dma_wait3A_390] : memref<2097152xf32, #tpu.memory_space<hbm>> -> memref<64xf32, #tpu.memory_space<hbm>>
            %dma_wait3A_392 = arith.constant 0 : i32
            %dma_wait3A_393 = tpu.memref_slice %arg4[%dma_wait3A_392] : memref<2097152xf32, #tpu.memory_space<hbm>> -> memref<64xf32, #tpu.memory_space<hbm>>
            %dma_wait3A_394 = arith.constant 0 : i32
            %dma_wait3A_395 = tpu.memref_slice %arg10[%dma_wait3A_394] : memref<512xf32, #tpu.memory_space<vmem>> -> memref<64xf32, #tpu.memory_space<vmem>>
            tpu.wait_dma2 semaphore(%arg12 : memref<!tpu.dma_semaphore, #tpu.memory_space<semaphore_mem>>) src(%dma_wait3A_395 : memref<64xf32, #tpu.memory_space<vmem>>) dst(%dma_wait3A_393 : memref<64xf32, #tpu.memory_space<hbm>>)
          } else {
          }
          %jit3A_327 = arith.constant 8 : i32
          %eq3A_328 = arith.constant 0 : i32
          %eq3A_329 = arith.cmpi eq, %jit3A_327, %eq3A_328 : i32
          %jit3A_330 = arith.constant 1 : i32
          %select_n3A_331 = arith.select %eq3A_329, %jit3A_330, %jit3A_327 : i32
          %rem3A_332 = arith.remsi %while3A_283, %select_n3A_331 : i32
          %ne3A_333 = arith.constant 0 : i32
          %ne3A_334 = arith.cmpi ne, %rem3A_332, %ne3A_333 : i32
          %lt3A_335 = arith.constant 0 : i32
          %lt3A_336 = arith.cmpi slt, %rem3A_332, %lt3A_335 : i32
          %lt3A_337 = arith.constant 0 : i32
          %lt3A_338 = arith.cmpi slt, %select_n3A_331, %lt3A_337 : i32
          %ne3A_339 = arith.xori %lt3A_336, %lt3A_338 : i1
          %and3A_340 = arith.andi %ne3A_339, %ne3A_334 : i1
          %add3A_341 = arith.addi %rem3A_332, %select_n3A_331 : i32
          %select_n3A_342 = arith.select %and3A_340, %add3A_341, %rem3A_332 : i32
          %mul3A_343 = arith.constant 64 : i32
          %mul3A_344 = arith.muli %select_n3A_342, %mul3A_343 : i32
          %multiple_of3A_345 = tpu.assume_multiple %mul3A_344, 64 : i32
          %add3A_346 = arith.constant 0 : i32
          %add3A_347 = vector.broadcast %add3A_346 : i32 to vector<16xi32>
          %add3A_348 = arith.addi %add3A_347, %iota3A : vector<16xi32>
          %gather3A = tpu.vector_load_idx %arg9[%add3A_348, %add3A_321] : memref<64x64xf32, #tpu.memory_space<vmem>>[vector<16xi32>, vector<16xi32>], vector<16xf32>,
          %add3A_349 = arith.constant 0 : i32
          %add3A_350 = arith.addi %multiple_of3A_345, %add3A_349 : i32
          %swap3A_351 = arith.index_cast %add3A_350 : i32 to index
          %swap3A_352 = tpu.vector_load %arg10[%swap3A_351] {strides = array<i32>} : memref<512xf32, #tpu.memory_space<vmem>>, vector<16xf32>,
          tpu.vector_store %arg10[%swap3A_351], %gather3A {strides = array<i32>} : memref<512xf32, #tpu.memory_space<vmem>>, vector<16xf32>,
          %add3A_353 = arith.constant 16 : i32
          %add3A_354 = vector.broadcast %add3A_353 : i32 to vector<16xi32>
          %add3A_355 = arith.addi %add3A_354, %iota3A : vector<16xi32>
          %gather3A_356 = tpu.vector_load_idx %arg9[%add3A_355, %add3A_321] : memref<64x64xf32, #tpu.memory_space<vmem>>[vector<16xi32>, vector<16xi32>], vector<16xf32>,
          %add3A_357 = arith.constant 16 : i32
          %add3A_358 = arith.addi %multiple_of3A_345, %add3A_357 : i32
          %swap3A_359 = arith.index_cast %add3A_358 : i32 to index
          %swap3A_360 = tpu.vector_load %arg10[%swap3A_359] {strides = array<i32>} : memref<512xf32, #tpu.memory_space<vmem>>, vector<16xf32>,
          tpu.vector_store %arg10[%swap3A_359], %gather3A_356 {strides = array<i32>} : memref<512xf32, #tpu.memory_space<vmem>>, vector<16xf32>,
          %add3A_361 = arith.constant 32 : i32
          %add3A_362 = vector.broadcast %add3A_361 : i32 to vector<16xi32>
          %add3A_363 = arith.addi %add3A_362, %iota3A : vector<16xi32>
          %gather3A_364 = tpu.vector_load_idx %arg9[%add3A_363, %add3A_321] : memref<64x64xf32, #tpu.memory_space<vmem>>[vector<16xi32>, vector<16xi32>], vector<16xf32>,
          %add3A_365 = arith.constant 32 : i32
          %add3A_366 = arith.addi %multiple_of3A_345, %add3A_365 : i32
          %swap3A_367 = arith.index_cast %add3A_366 : i32 to index
          %swap3A_368 = tpu.vector_load %arg10[%swap3A_367] {strides = array<i32>} : memref<512xf32, #tpu.memory_space<vmem>>, vector<16xf32>,
          tpu.vector_store %arg10[%swap3A_367], %gather3A_364 {strides = array<i32>} : memref<512xf32, #tpu.memory_space<vmem>>, vector<16xf32>,
          %add3A_369 = arith.constant 48 : i32
          %add3A_370 = vector.broadcast %add3A_369 : i32 to vector<16xi32>
          %add3A_371 = arith.addi %add3A_370, %iota3A : vector<16xi32>
          %gather3A_372 = tpu.vector_load_idx %arg9[%add3A_371, %add3A_321] : memref<64x64xf32, #tpu.memory_space<vmem>>[vector<16xi32>, vector<16xi32>], vector<16xf32>,
          %add3A_373 = arith.constant 48 : i32
          %add3A_374 = arith.addi %multiple_of3A_345, %add3A_373 : i32
          %swap3A_375 = arith.index_cast %add3A_374 : i32 to index
          %swap3A_376 = tpu.vector_load %arg10[%swap3A_375] {strides = array<i32>} : memref<512xf32, #tpu.memory_space<vmem>>, vector<16xf32>,
          tpu.vector_store %arg10[%swap3A_375], %gather3A_372 {strides = array<i32>} : memref<512xf32, #tpu.memory_space<vmem>>, vector<16xf32>,
          %mul3A_377 = arith.constant 2 : i32
          %mul3A_378 = arith.muli %reduce_max3A_315, %mul3A_377 : i32
          %mul3A_379 = arith.constant 64 : i32
          %mul3A_380 = arith.muli %mul3A_378, %mul3A_379 : i32
          %dma_start3A_381 = tpu.memref_slice %arg10[%multiple_of3A_345] : memref<512xf32, #tpu.memory_space<vmem>> -> memref<64xf32, #tpu.memory_space<vmem>>
          %dma_start3A_382 = tpu.memref_slice %arg4[%mul3A_380] : memref<2097152xf32, #tpu.memory_space<hbm>> -> memref<64xf32, #tpu.memory_space<hbm>>
          %dma_start3A_383 = tpu.memref_slice %arg4[%mul3A_380] : memref<2097152xf32, #tpu.memory_space<hbm>> -> memref<64xf32, #tpu.memory_space<hbm>>
          %dma_start3A_384 = tpu.memref_slice %arg10[%multiple_of3A_345] : memref<512xf32, #tpu.memory_space<vmem>> -> memref<64xf32, #tpu.memory_space<vmem>>
          tpu.enqueue_dma source(%dma_start3A_384 : memref<64xf32, #tpu.memory_space<vmem>>) target(%dma_start3A_383 : memref<64xf32, #tpu.memory_space<hbm>>) target_semaphore(%arg12 : memref<!tpu.dma_semaphore, #tpu.memory_space<semaphore_mem>>)
          %not3A = arith.constant dense<true> : vector<16xi1>
          %not3A_385 = arith.xori %eq3A_293, %not3A : vector<16xi1>
          %and3A_386 = arith.andi %while3A_282, %not3A_385 : vector<16xi1>
          %add3A_387 = arith.constant 1 : i32
          %add3A_388 = arith.addi %while3A_283, %add3A_387 : i32
          scf.yield %and3A_386, %add3A_388 : vector<16xi1>, i32
        }
        %while3A_280:2 = scf.while (%while3A_282 = %and3A_241, %while3A_283 = %while3A_279#1) : (vector<16xi1>, i32) -> (vector<16xi1>, i32) {
          %all_reduce_population_count3A_284 = tpu.all_reduce %while3A_282 {dim = 0 : i64, kind = #tpu.reduction_kind<sum>} : vector<16xi1> -> vector<16xi32>
          %reduce_max3A_285 = arith.constant true
          %reduce_max3A_286 = vector.broadcast %reduce_max3A_285 : i1 to vector<16xi1>
          %reduce_max3A_287 = arith.constant -2147483648 : i32
          %reduce_max3A_288 = vector.broadcast %reduce_max3A_287 : i32 to vector<16xi32>
          %reduce_max3A_289 = arith.xori %all_reduce_population_count3A_284, %reduce_max3A_288 : vector<16xi32>
          %reduce_max3A_290 = tpu.scan <max>, %reduce_max3A_289 masked %reduce_max3A_286 : vector<16xi32>, vector<16xi1> -> vector<16xi32>
          %reduce_max3A_291 = arith.xori %reduce_max3A_290, %reduce_max3A_288 : vector<16xi32>
          %reduce_max3A_292 = vector.extract %reduce_max3A_291[15] : i32 from vector<16xi32>
          %gt3A_293 = arith.constant 0 : i32
          %gt3A_294 = arith.cmpi sgt, %reduce_max3A_292, %gt3A_293 : i32
          scf.condition(%gt3A_294) %while3A_282, %while3A_283 : vector<16xi1>, i32
        } do {
        ^bb0(%while3A_282: vector<16xi1>, %while3A_283: i32):
          %all_reduce_ffs3A = tpu.all_reduce %while3A_282 {dim = 0 : i64, kind = #tpu.reduction_kind<find_first_set>} : vector<16xi1> -> vector<16xi32>
          %reduce_max3A_284 = arith.constant true
          %reduce_max3A_285 = vector.broadcast %reduce_max3A_284 : i1 to vector<16xi1>
          %reduce_max3A_286 = arith.constant -2147483648 : i32
          %reduce_max3A_287 = vector.broadcast %reduce_max3A_286 : i32 to vector<16xi32>
          %reduce_max3A_288 = arith.xori %all_reduce_ffs3A, %reduce_max3A_287 : vector<16xi32>
          %reduce_max3A_289 = tpu.scan <max>, %reduce_max3A_288 masked %reduce_max3A_285 : vector<16xi32>, vector<16xi1> -> vector<16xi32>
          %reduce_max3A_290 = arith.xori %reduce_max3A_289, %reduce_max3A_287 : vector<16xi32>
          %reduce_max3A_291 = vector.extract %reduce_max3A_290[15] : i32 from vector<16xi32>
          %eq3A_292 = vector.broadcast %reduce_max3A_291 : i32 to vector<16xi32>
          %eq3A_293 = arith.cmpi eq, %iota3A, %eq3A_292 : vector<16xi32>
          %jit3A_294 = arith.constant 0 : i32
          %broadcast_in_dim3A_295 = vector.broadcast %jit3A_294 : i32 to vector<16xi32>
          %select_n3A_296 = arith.select %eq3A_293, %and3A_229, %broadcast_in_dim3A_295 : vector<16xi1>, vector<16xi32>
          %reduce_max3A_297 = arith.constant true
          %reduce_max3A_298 = vector.broadcast %reduce_max3A_297 : i1 to vector<16xi1>
          %reduce_max3A_299 = arith.constant -2147483648 : i32
          %reduce_max3A_300 = vector.broadcast %reduce_max3A_299 : i32 to vector<16xi32>
          %reduce_max3A_301 = arith.xori %select_n3A_296, %reduce_max3A_300 : vector<16xi32>
          %reduce_max3A_302 = tpu.scan <max>, %reduce_max3A_301 masked %reduce_max3A_298 : vector<16xi32>, vector<16xi1> -> vector<16xi32>
          %reduce_max3A_303 = arith.xori %reduce_max3A_302, %reduce_max3A_300 : vector<16xi32>
          %reduce_max3A_304 = vector.extract %reduce_max3A_303[15] : i32 from vector<16xi32>
          %jit3A_305 = arith.constant 0 : i32
          %broadcast_in_dim3A_306 = vector.broadcast %jit3A_305 : i32 to vector<16xi32>
          %select_n3A_307 = arith.select %eq3A_293, %shift_right_arithmetic3A_232, %broadcast_in_dim3A_306 : vector<16xi1>, vector<16xi32>
          %reduce_max3A_308 = arith.constant true
          %reduce_max3A_309 = vector.broadcast %reduce_max3A_308 : i1 to vector<16xi1>
          %reduce_max3A_310 = arith.constant -2147483648 : i32
          %reduce_max3A_311 = vector.broadcast %reduce_max3A_310 : i32 to vector<16xi32>
          %reduce_max3A_312 = arith.xori %select_n3A_307, %reduce_max3A_311 : vector<16xi32>
          %reduce_max3A_313 = tpu.scan <max>, %reduce_max3A_312 masked %reduce_max3A_309 : vector<16xi32>, vector<16xi1> -> vector<16xi32>
          %reduce_max3A_314 = arith.xori %reduce_max3A_313, %reduce_max3A_311 : vector<16xi32>
          %reduce_max3A_315 = vector.extract %reduce_max3A_314[15] : i32 from vector<16xi32>
          %broadcast_in_dim3A_316 = arith.constant 0 : i32
          %broadcast_in_dim3A_317 = vector.broadcast %broadcast_in_dim3A_316 : i32 to vector<16xi32>
          %sub3A_318 = arith.constant 31232 : i32
          %sub3A_319 = arith.subi %reduce_max3A_304, %sub3A_318 : i32
          %add3A_320 = vector.broadcast %sub3A_319 : i32 to vector<16xi32>
          %add3A_321 = arith.addi %broadcast_in_dim3A_317, %add3A_320 : vector<16xi32>
          %ge3A_322 = arith.constant 8 : i32
          %ge3A_323 = arith.cmpi sge, %while3A_283, %ge3A_322 : i32
          %convert_element_type3A_324 = arith.extui %ge3A_323 : i1 to i32
          %cond3A_325 = arith.constant 0 : i32
          %cond3A_326 = arith.cmpi ne, %convert_element_type3A_324, %cond3A_325 : i32
          scf.if %cond3A_326 {
            %dma_wait3A = arith.constant 0 : i32
            %dma_wait3A_389 = tpu.memref_slice %arg10[%dma_wait3A] : memref<512xf32, #tpu.memory_space<vmem>> -> memref<64xf32, #tpu.memory_space<vmem>>
            %dma_wait3A_390 = arith.constant 0 : i32
            %dma_wait3A_391 = tpu.memref_slice %arg4[%dma_wait3A_390] : memref<2097152xf32, #tpu.memory_space<hbm>> -> memref<64xf32, #tpu.memory_space<hbm>>
            %dma_wait3A_392 = arith.constant 0 : i32
            %dma_wait3A_393 = tpu.memref_slice %arg4[%dma_wait3A_392] : memref<2097152xf32, #tpu.memory_space<hbm>> -> memref<64xf32, #tpu.memory_space<hbm>>
            %dma_wait3A_394 = arith.constant 0 : i32
            %dma_wait3A_395 = tpu.memref_slice %arg10[%dma_wait3A_394] : memref<512xf32, #tpu.memory_space<vmem>> -> memref<64xf32, #tpu.memory_space<vmem>>
            tpu.wait_dma2 semaphore(%arg12 : memref<!tpu.dma_semaphore, #tpu.memory_space<semaphore_mem>>) src(%dma_wait3A_395 : memref<64xf32, #tpu.memory_space<vmem>>) dst(%dma_wait3A_393 : memref<64xf32, #tpu.memory_space<hbm>>)
          } else {
          }
          %jit3A_327 = arith.constant 8 : i32
          %eq3A_328 = arith.constant 0 : i32
          %eq3A_329 = arith.cmpi eq, %jit3A_327, %eq3A_328 : i32
          %jit3A_330 = arith.constant 1 : i32
          %select_n3A_331 = arith.select %eq3A_329, %jit3A_330, %jit3A_327 : i32
          %rem3A_332 = arith.remsi %while3A_283, %select_n3A_331 : i32
          %ne3A_333 = arith.constant 0 : i32
          %ne3A_334 = arith.cmpi ne, %rem3A_332, %ne3A_333 : i32
          %lt3A_335 = arith.constant 0 : i32
          %lt3A_336 = arith.cmpi slt, %rem3A_332, %lt3A_335 : i32
          %lt3A_337 = arith.constant 0 : i32
          %lt3A_338 = arith.cmpi slt, %select_n3A_331, %lt3A_337 : i32
          %ne3A_339 = arith.xori %lt3A_336, %lt3A_338 : i1
          %and3A_340 = arith.andi %ne3A_339, %ne3A_334 : i1
          %add3A_341 = arith.addi %rem3A_332, %select_n3A_331 : i32
          %select_n3A_342 = arith.select %and3A_340, %add3A_341, %rem3A_332 : i32
          %mul3A_343 = arith.constant 64 : i32
          %mul3A_344 = arith.muli %select_n3A_342, %mul3A_343 : i32
          %multiple_of3A_345 = tpu.assume_multiple %mul3A_344, 64 : i32
          %add3A_346 = arith.constant 0 : i32
          %add3A_347 = vector.broadcast %add3A_346 : i32 to vector<16xi32>
          %add3A_348 = arith.addi %add3A_347, %iota3A : vector<16xi32>
          %gather3A = tpu.vector_load_idx %arg9[%add3A_348, %add3A_321] : memref<64x64xf32, #tpu.memory_space<vmem>>[vector<16xi32>, vector<16xi32>], vector<16xf32>,
          %add3A_349 = arith.constant 0 : i32
          %add3A_350 = arith.addi %multiple_of3A_345, %add3A_349 : i32
          %swap3A_351 = arith.index_cast %add3A_350 : i32 to index
          %swap3A_352 = tpu.vector_load %arg10[%swap3A_351] {strides = array<i32>} : memref<512xf32, #tpu.memory_space<vmem>>, vector<16xf32>,
          tpu.vector_store %arg10[%swap3A_351], %gather3A {strides = array<i32>} : memref<512xf32, #tpu.memory_space<vmem>>, vector<16xf32>,
          %add3A_353 = arith.constant 16 : i32
          %add3A_354 = vector.broadcast %add3A_353 : i32 to vector<16xi32>
          %add3A_355 = arith.addi %add3A_354, %iota3A : vector<16xi32>
          %gather3A_356 = tpu.vector_load_idx %arg9[%add3A_355, %add3A_321] : memref<64x64xf32, #tpu.memory_space<vmem>>[vector<16xi32>, vector<16xi32>], vector<16xf32>,
          %add3A_357 = arith.constant 16 : i32
          %add3A_358 = arith.addi %multiple_of3A_345, %add3A_357 : i32
          %swap3A_359 = arith.index_cast %add3A_358 : i32 to index
          %swap3A_360 = tpu.vector_load %arg10[%swap3A_359] {strides = array<i32>} : memref<512xf32, #tpu.memory_space<vmem>>, vector<16xf32>,
          tpu.vector_store %arg10[%swap3A_359], %gather3A_356 {strides = array<i32>} : memref<512xf32, #tpu.memory_space<vmem>>, vector<16xf32>,
          %add3A_361 = arith.constant 32 : i32
          %add3A_362 = vector.broadcast %add3A_361 : i32 to vector<16xi32>
          %add3A_363 = arith.addi %add3A_362, %iota3A : vector<16xi32>
          %gather3A_364 = tpu.vector_load_idx %arg9[%add3A_363, %add3A_321] : memref<64x64xf32, #tpu.memory_space<vmem>>[vector<16xi32>, vector<16xi32>], vector<16xf32>,
          %add3A_365 = arith.constant 32 : i32
          %add3A_366 = arith.addi %multiple_of3A_345, %add3A_365 : i32
          %swap3A_367 = arith.index_cast %add3A_366 : i32 to index
          %swap3A_368 = tpu.vector_load %arg10[%swap3A_367] {strides = array<i32>} : memref<512xf32, #tpu.memory_space<vmem>>, vector<16xf32>,
          tpu.vector_store %arg10[%swap3A_367], %gather3A_364 {strides = array<i32>} : memref<512xf32, #tpu.memory_space<vmem>>, vector<16xf32>,
          %add3A_369 = arith.constant 48 : i32
          %add3A_370 = vector.broadcast %add3A_369 : i32 to vector<16xi32>
          %add3A_371 = arith.addi %add3A_370, %iota3A : vector<16xi32>
          %gather3A_372 = tpu.vector_load_idx %arg9[%add3A_371, %add3A_321] : memref<64x64xf32, #tpu.memory_space<vmem>>[vector<16xi32>, vector<16xi32>], vector<16xf32>,
          %add3A_373 = arith.constant 48 : i32
          %add3A_374 = arith.addi %multiple_of3A_345, %add3A_373 : i32
          %swap3A_375 = arith.index_cast %add3A_374 : i32 to index
          %swap3A_376 = tpu.vector_load %arg10[%swap3A_375] {strides = array<i32>} : memref<512xf32, #tpu.memory_space<vmem>>, vector<16xf32>,
          tpu.vector_store %arg10[%swap3A_375], %gather3A_372 {strides = array<i32>} : memref<512xf32, #tpu.memory_space<vmem>>, vector<16xf32>,
          %mul3A_377 = arith.constant 2 : i32
          %mul3A_378 = arith.muli %reduce_max3A_315, %mul3A_377 : i32
          %mul3A_379 = arith.constant 64 : i32
          %mul3A_380 = arith.muli %mul3A_378, %mul3A_379 : i32
          %dma_start3A_381 = tpu.memref_slice %arg10[%multiple_of3A_345] : memref<512xf32, #tpu.memory_space<vmem>> -> memref<64xf32, #tpu.memory_space<vmem>>
          %dma_start3A_382 = tpu.memref_slice %arg4[%mul3A_380] : memref<2097152xf32, #tpu.memory_space<hbm>> -> memref<64xf32, #tpu.memory_space<hbm>>
          %dma_start3A_383 = tpu.memref_slice %arg4[%mul3A_380] : memref<2097152xf32, #tpu.memory_space<hbm>> -> memref<64xf32, #tpu.memory_space<hbm>>
          %dma_start3A_384 = tpu.memref_slice %arg10[%multiple_of3A_345] : memref<512xf32, #tpu.memory_space<vmem>> -> memref<64xf32, #tpu.memory_space<vmem>>
          tpu.enqueue_dma source(%dma_start3A_384 : memref<64xf32, #tpu.memory_space<vmem>>) target(%dma_start3A_383 : memref<64xf32, #tpu.memory_space<hbm>>) target_semaphore(%arg12 : memref<!tpu.dma_semaphore, #tpu.memory_space<semaphore_mem>>)
          %not3A = arith.constant dense<true> : vector<16xi1>
          %not3A_385 = arith.xori %eq3A_293, %not3A : vector<16xi1>
          %and3A_386 = arith.andi %while3A_282, %not3A_385 : vector<16xi1>
          %add3A_387 = arith.constant 1 : i32
          %add3A_388 = arith.addi %while3A_283, %add3A_387 : i32
          scf.yield %and3A_386, %add3A_388 : vector<16xi1>, i32
        }
        %while3A_281:2 = scf.while (%while3A_282 = %and3A_263, %while3A_283 = %while3A_280#1) : (vector<16xi1>, i32) -> (vector<16xi1>, i32) {
          %all_reduce_population_count3A_284 = tpu.all_reduce %while3A_282 {dim = 0 : i64, kind = #tpu.reduction_kind<sum>} : vector<16xi1> -> vector<16xi32>
          %reduce_max3A_285 = arith.constant true
          %reduce_max3A_286 = vector.broadcast %reduce_max3A_285 : i1 to vector<16xi1>
          %reduce_max3A_287 = arith.constant -2147483648 : i32
          %reduce_max3A_288 = vector.broadcast %reduce_max3A_287 : i32 to vector<16xi32>
          %reduce_max3A_289 = arith.xori %all_reduce_population_count3A_284, %reduce_max3A_288 : vector<16xi32>
          %reduce_max3A_290 = tpu.scan <max>, %reduce_max3A_289 masked %reduce_max3A_286 : vector<16xi32>, vector<16xi1> -> vector<16xi32>
          %reduce_max3A_291 = arith.xori %reduce_max3A_290, %reduce_max3A_288 : vector<16xi32>
          %reduce_max3A_292 = vector.extract %reduce_max3A_291[15] : i32 from vector<16xi32>
          %gt3A_293 = arith.constant 0 : i32
          %gt3A_294 = arith.cmpi sgt, %reduce_max3A_292, %gt3A_293 : i32
          scf.condition(%gt3A_294) %while3A_282, %while3A_283 : vector<16xi1>, i32
        } do {
        ^bb0(%while3A_282: vector<16xi1>, %while3A_283: i32):
          %all_reduce_ffs3A = tpu.all_reduce %while3A_282 {dim = 0 : i64, kind = #tpu.reduction_kind<find_first_set>} : vector<16xi1> -> vector<16xi32>
          %reduce_max3A_284 = arith.constant true
          %reduce_max3A_285 = vector.broadcast %reduce_max3A_284 : i1 to vector<16xi1>
          %reduce_max3A_286 = arith.constant -2147483648 : i32
          %reduce_max3A_287 = vector.broadcast %reduce_max3A_286 : i32 to vector<16xi32>
          %reduce_max3A_288 = arith.xori %all_reduce_ffs3A, %reduce_max3A_287 : vector<16xi32>
          %reduce_max3A_289 = tpu.scan <max>, %reduce_max3A_288 masked %reduce_max3A_285 : vector<16xi32>, vector<16xi1> -> vector<16xi32>
          %reduce_max3A_290 = arith.xori %reduce_max3A_289, %reduce_max3A_287 : vector<16xi32>
          %reduce_max3A_291 = vector.extract %reduce_max3A_290[15] : i32 from vector<16xi32>
          %eq3A_292 = vector.broadcast %reduce_max3A_291 : i32 to vector<16xi32>
          %eq3A_293 = arith.cmpi eq, %iota3A, %eq3A_292 : vector<16xi32>
          %jit3A_294 = arith.constant 0 : i32
          %broadcast_in_dim3A_295 = vector.broadcast %jit3A_294 : i32 to vector<16xi32>
          %select_n3A_296 = arith.select %eq3A_293, %and3A_251, %broadcast_in_dim3A_295 : vector<16xi1>, vector<16xi32>
          %reduce_max3A_297 = arith.constant true
          %reduce_max3A_298 = vector.broadcast %reduce_max3A_297 : i1 to vector<16xi1>
          %reduce_max3A_299 = arith.constant -2147483648 : i32
          %reduce_max3A_300 = vector.broadcast %reduce_max3A_299 : i32 to vector<16xi32>
          %reduce_max3A_301 = arith.xori %select_n3A_296, %reduce_max3A_300 : vector<16xi32>
          %reduce_max3A_302 = tpu.scan <max>, %reduce_max3A_301 masked %reduce_max3A_298 : vector<16xi32>, vector<16xi1> -> vector<16xi32>
          %reduce_max3A_303 = arith.xori %reduce_max3A_302, %reduce_max3A_300 : vector<16xi32>
          %reduce_max3A_304 = vector.extract %reduce_max3A_303[15] : i32 from vector<16xi32>
          %jit3A_305 = arith.constant 0 : i32
          %broadcast_in_dim3A_306 = vector.broadcast %jit3A_305 : i32 to vector<16xi32>
          %select_n3A_307 = arith.select %eq3A_293, %shift_right_arithmetic3A_254, %broadcast_in_dim3A_306 : vector<16xi1>, vector<16xi32>
          %reduce_max3A_308 = arith.constant true
          %reduce_max3A_309 = vector.broadcast %reduce_max3A_308 : i1 to vector<16xi1>
          %reduce_max3A_310 = arith.constant -2147483648 : i32
          %reduce_max3A_311 = vector.broadcast %reduce_max3A_310 : i32 to vector<16xi32>
          %reduce_max3A_312 = arith.xori %select_n3A_307, %reduce_max3A_311 : vector<16xi32>
          %reduce_max3A_313 = tpu.scan <max>, %reduce_max3A_312 masked %reduce_max3A_309 : vector<16xi32>, vector<16xi1> -> vector<16xi32>
          %reduce_max3A_314 = arith.xori %reduce_max3A_313, %reduce_max3A_311 : vector<16xi32>
          %reduce_max3A_315 = vector.extract %reduce_max3A_314[15] : i32 from vector<16xi32>
          %broadcast_in_dim3A_316 = arith.constant 0 : i32
          %broadcast_in_dim3A_317 = vector.broadcast %broadcast_in_dim3A_316 : i32 to vector<16xi32>
          %sub3A_318 = arith.constant 31232 : i32
          %sub3A_319 = arith.subi %reduce_max3A_304, %sub3A_318 : i32
          %add3A_320 = vector.broadcast %sub3A_319 : i32 to vector<16xi32>
          %add3A_321 = arith.addi %broadcast_in_dim3A_317, %add3A_320 : vector<16xi32>
          %ge3A_322 = arith.constant 8 : i32
          %ge3A_323 = arith.cmpi sge, %while3A_283, %ge3A_322 : i32
          %convert_element_type3A_324 = arith.extui %ge3A_323 : i1 to i32
          %cond3A_325 = arith.constant 0 : i32
          %cond3A_326 = arith.cmpi ne, %convert_element_type3A_324, %cond3A_325 : i32
          scf.if %cond3A_326 {
            %dma_wait3A = arith.constant 0 : i32
            %dma_wait3A_389 = tpu.memref_slice %arg10[%dma_wait3A] : memref<512xf32, #tpu.memory_space<vmem>> -> memref<64xf32, #tpu.memory_space<vmem>>
            %dma_wait3A_390 = arith.constant 0 : i32
            %dma_wait3A_391 = tpu.memref_slice %arg4[%dma_wait3A_390] : memref<2097152xf32, #tpu.memory_space<hbm>> -> memref<64xf32, #tpu.memory_space<hbm>>
            %dma_wait3A_392 = arith.constant 0 : i32
            %dma_wait3A_393 = tpu.memref_slice %arg4[%dma_wait3A_392] : memref<2097152xf32, #tpu.memory_space<hbm>> -> memref<64xf32, #tpu.memory_space<hbm>>
            %dma_wait3A_394 = arith.constant 0 : i32
            %dma_wait3A_395 = tpu.memref_slice %arg10[%dma_wait3A_394] : memref<512xf32, #tpu.memory_space<vmem>> -> memref<64xf32, #tpu.memory_space<vmem>>
            tpu.wait_dma2 semaphore(%arg12 : memref<!tpu.dma_semaphore, #tpu.memory_space<semaphore_mem>>) src(%dma_wait3A_395 : memref<64xf32, #tpu.memory_space<vmem>>) dst(%dma_wait3A_393 : memref<64xf32, #tpu.memory_space<hbm>>)
          } else {
          }
          %jit3A_327 = arith.constant 8 : i32
          %eq3A_328 = arith.constant 0 : i32
          %eq3A_329 = arith.cmpi eq, %jit3A_327, %eq3A_328 : i32
          %jit3A_330 = arith.constant 1 : i32
          %select_n3A_331 = arith.select %eq3A_329, %jit3A_330, %jit3A_327 : i32
          %rem3A_332 = arith.remsi %while3A_283, %select_n3A_331 : i32
          %ne3A_333 = arith.constant 0 : i32
          %ne3A_334 = arith.cmpi ne, %rem3A_332, %ne3A_333 : i32
          %lt3A_335 = arith.constant 0 : i32
          %lt3A_336 = arith.cmpi slt, %rem3A_332, %lt3A_335 : i32
          %lt3A_337 = arith.constant 0 : i32
          %lt3A_338 = arith.cmpi slt, %select_n3A_331, %lt3A_337 : i32
          %ne3A_339 = arith.xori %lt3A_336, %lt3A_338 : i1
          %and3A_340 = arith.andi %ne3A_339, %ne3A_334 : i1
          %add3A_341 = arith.addi %rem3A_332, %select_n3A_331 : i32
          %select_n3A_342 = arith.select %and3A_340, %add3A_341, %rem3A_332 : i32
          %mul3A_343 = arith.constant 64 : i32
          %mul3A_344 = arith.muli %select_n3A_342, %mul3A_343 : i32
          %multiple_of3A_345 = tpu.assume_multiple %mul3A_344, 64 : i32
          %add3A_346 = arith.constant 0 : i32
          %add3A_347 = vector.broadcast %add3A_346 : i32 to vector<16xi32>
          %add3A_348 = arith.addi %add3A_347, %iota3A : vector<16xi32>
          %gather3A = tpu.vector_load_idx %arg9[%add3A_348, %add3A_321] : memref<64x64xf32, #tpu.memory_space<vmem>>[vector<16xi32>, vector<16xi32>], vector<16xf32>,
          %add3A_349 = arith.constant 0 : i32
          %add3A_350 = arith.addi %multiple_of3A_345, %add3A_349 : i32
          %swap3A_351 = arith.index_cast %add3A_350 : i32 to index
          %swap3A_352 = tpu.vector_load %arg10[%swap3A_351] {strides = array<i32>} : memref<512xf32, #tpu.memory_space<vmem>>, vector<16xf32>,
          tpu.vector_store %arg10[%swap3A_351], %gather3A {strides = array<i32>} : memref<512xf32, #tpu.memory_space<vmem>>, vector<16xf32>,
          %add3A_353 = arith.constant 16 : i32
          %add3A_354 = vector.broadcast %add3A_353 : i32 to vector<16xi32>
          %add3A_355 = arith.addi %add3A_354, %iota3A : vector<16xi32>
          %gather3A_356 = tpu.vector_load_idx %arg9[%add3A_355, %add3A_321] : memref<64x64xf32, #tpu.memory_space<vmem>>[vector<16xi32>, vector<16xi32>], vector<16xf32>,
          %add3A_357 = arith.constant 16 : i32
          %add3A_358 = arith.addi %multiple_of3A_345, %add3A_357 : i32
          %swap3A_359 = arith.index_cast %add3A_358 : i32 to index
          %swap3A_360 = tpu.vector_load %arg10[%swap3A_359] {strides = array<i32>} : memref<512xf32, #tpu.memory_space<vmem>>, vector<16xf32>,
          tpu.vector_store %arg10[%swap3A_359], %gather3A_356 {strides = array<i32>} : memref<512xf32, #tpu.memory_space<vmem>>, vector<16xf32>,
          %add3A_361 = arith.constant 32 : i32
          %add3A_362 = vector.broadcast %add3A_361 : i32 to vector<16xi32>
          %add3A_363 = arith.addi %add3A_362, %iota3A : vector<16xi32>
          %gather3A_364 = tpu.vector_load_idx %arg9[%add3A_363, %add3A_321] : memref<64x64xf32, #tpu.memory_space<vmem>>[vector<16xi32>, vector<16xi32>], vector<16xf32>,
          %add3A_365 = arith.constant 32 : i32
          %add3A_366 = arith.addi %multiple_of3A_345, %add3A_365 : i32
          %swap3A_367 = arith.index_cast %add3A_366 : i32 to index
          %swap3A_368 = tpu.vector_load %arg10[%swap3A_367] {strides = array<i32>} : memref<512xf32, #tpu.memory_space<vmem>>, vector<16xf32>,
          tpu.vector_store %arg10[%swap3A_367], %gather3A_364 {strides = array<i32>} : memref<512xf32, #tpu.memory_space<vmem>>, vector<16xf32>,
          %add3A_369 = arith.constant 48 : i32
          %add3A_370 = vector.broadcast %add3A_369 : i32 to vector<16xi32>
          %add3A_371 = arith.addi %add3A_370, %iota3A : vector<16xi32>
          %gather3A_372 = tpu.vector_load_idx %arg9[%add3A_371, %add3A_321] : memref<64x64xf32, #tpu.memory_space<vmem>>[vector<16xi32>, vector<16xi32>], vector<16xf32>,
          %add3A_373 = arith.constant 48 : i32
          %add3A_374 = arith.addi %multiple_of3A_345, %add3A_373 : i32
          %swap3A_375 = arith.index_cast %add3A_374 : i32 to index
          %swap3A_376 = tpu.vector_load %arg10[%swap3A_375] {strides = array<i32>} : memref<512xf32, #tpu.memory_space<vmem>>, vector<16xf32>,
          tpu.vector_store %arg10[%swap3A_375], %gather3A_372 {strides = array<i32>} : memref<512xf32, #tpu.memory_space<vmem>>, vector<16xf32>,
          %mul3A_377 = arith.constant 2 : i32
          %mul3A_378 = arith.muli %reduce_max3A_315, %mul3A_377 : i32
          %mul3A_379 = arith.constant 64 : i32
          %mul3A_380 = arith.muli %mul3A_378, %mul3A_379 : i32
          %dma_start3A_381 = tpu.memref_slice %arg10[%multiple_of3A_345] : memref<512xf32, #tpu.memory_space<vmem>> -> memref<64xf32, #tpu.memory_space<vmem>>
          %dma_start3A_382 = tpu.memref_slice %arg4[%mul3A_380] : memref<2097152xf32, #tpu.memory_space<hbm>> -> memref<64xf32, #tpu.memory_space<hbm>>
          %dma_start3A_383 = tpu.memref_slice %arg4[%mul3A_380] : memref<2097152xf32, #tpu.memory_space<hbm>> -> memref<64xf32, #tpu.memory_space<hbm>>
          %dma_start3A_384 = tpu.memref_slice %arg10[%multiple_of3A_345] : memref<512xf32, #tpu.memory_space<vmem>> -> memref<64xf32, #tpu.memory_space<vmem>>
          tpu.enqueue_dma source(%dma_start3A_384 : memref<64xf32, #tpu.memory_space<vmem>>) target(%dma_start3A_383 : memref<64xf32, #tpu.memory_space<hbm>>) target_semaphore(%arg12 : memref<!tpu.dma_semaphore, #tpu.memory_space<semaphore_mem>>)
          %not3A = arith.constant dense<true> : vector<16xi1>
          %not3A_385 = arith.xori %eq3A_293, %not3A : vector<16xi1>
          %and3A_386 = arith.andi %while3A_282, %not3A_385 : vector<16xi1>
          %add3A_387 = arith.constant 1 : i32
          %add3A_388 = arith.addi %while3A_283, %add3A_387 : i32
          scf.yield %and3A_386, %add3A_388 : vector<16xi1>, i32
        }
        scf.yield %while3A_281#1 : i32
      } else {
        scf.yield %while3A_178 : i32
      }
      scf.yield %cond3A_277 : i32
    }
    %while3A_172 = arith.constant 1 : i32
    %while3A_173 = scf.for %while3A_177 = %while3A_169 to %while3A_165 step %while3A_172 iter_args(%while3A_178 = %while3A_171) -> (i32)  : i32 {
      %mul3A_179 = arith.constant 64 : i32
      %mul3A_180 = arith.muli %while3A_177, %mul3A_179 : i32
      %add3A_181 = arith.constant 0 : i32
      %add3A_182 = arith.addi %mul3A_180, %add3A_181 : i32
      %multiple_of3A_183 = tpu.assume_multiple %add3A_182, 8 : i32
      %get3A = arith.index_cast %multiple_of3A_183 : i32 to index
      %get3A_184 = tpu.vector_load %arg6[%get3A] {strides = array<i32>} : memref<16448xi32, #tpu.memory_space<vmem>>, vector<16xi32>,
      %and3A_185 = arith.constant 32767 : i32
      %and3A_186 = vector.broadcast %and3A_185 : i32 to vector<16xi32>
      %and3A_187 = arith.andi %get3A_184, %and3A_186 : vector<16xi32>
      %shift_right_arithmetic3A = arith.constant 15 : i32
      %shift_right_arithmetic3A_188 = vector.broadcast %shift_right_arithmetic3A : i32 to vector<16xi32>
      %shift_right_arithmetic3A_189 = arith.shrsi %get3A_184, %shift_right_arithmetic3A_188 : vector<16xi32>
      %ge3A = arith.constant 31232 : i32
      %ge3A_190 = vector.broadcast %ge3A : i32 to vector<16xi32>
      %ge3A_191 = arith.cmpi sge, %and3A_187, %ge3A_190 : vector<16xi32>
      %lt3A_192 = arith.constant 31296 : i32
      %lt3A_193 = vector.broadcast %lt3A_192 : i32 to vector<16xi32>
      %lt3A_194 = arith.cmpi slt, %and3A_187, %lt3A_193 : vector<16xi32>
      %and3A_195 = arith.andi %ge3A_191, %lt3A_194 : vector<16xi1>
      %and3A_196 = vector.broadcast %eq3A_2 : i1 to vector<16xi1>
      %and3A_197 = arith.andi %and3A_195, %and3A_196 : vector<16xi1>
      %mul3A_198 = arith.constant 64 : i32
      %mul3A_199 = arith.muli %while3A_177, %mul3A_198 : i32
      %add3A_200 = arith.constant 16 : i32
      %add3A_201 = arith.addi %mul3A_199, %add3A_200 : i32
      %multiple_of3A_202 = tpu.assume_multiple %add3A_201, 8 : i32
      %get3A_203 = arith.index_cast %multiple_of3A_202 : i32 to index
      %get3A_204 = tpu.vector_load %arg6[%get3A_203] {strides = array<i32>} : memref<16448xi32, #tpu.memory_space<vmem>>, vector<16xi32>,
      %and3A_205 = arith.constant 32767 : i32
      %and3A_206 = vector.broadcast %and3A_205 : i32 to vector<16xi32>
      %and3A_207 = arith.andi %get3A_204, %and3A_206 : vector<16xi32>
      %shift_right_arithmetic3A_208 = arith.constant 15 : i32
      %shift_right_arithmetic3A_209 = vector.broadcast %shift_right_arithmetic3A_208 : i32 to vector<16xi32>
      %shift_right_arithmetic3A_210 = arith.shrsi %get3A_204, %shift_right_arithmetic3A_209 : vector<16xi32>
      %ge3A_211 = arith.constant 31232 : i32
      %ge3A_212 = vector.broadcast %ge3A_211 : i32 to vector<16xi32>
      %ge3A_213 = arith.cmpi sge, %and3A_207, %ge3A_212 : vector<16xi32>
      %lt3A_214 = arith.constant 31296 : i32
      %lt3A_215 = vector.broadcast %lt3A_214 : i32 to vector<16xi32>
      %lt3A_216 = arith.cmpi slt, %and3A_207, %lt3A_215 : vector<16xi32>
      %and3A_217 = arith.andi %ge3A_213, %lt3A_216 : vector<16xi1>
      %and3A_218 = vector.broadcast %eq3A_2 : i1 to vector<16xi1>
      %and3A_219 = arith.andi %and3A_217, %and3A_218 : vector<16xi1>
      %mul3A_220 = arith.constant 64 : i32
      %mul3A_221 = arith.muli %while3A_177, %mul3A_220 : i32
      %add3A_222 = arith.constant 32 : i32
      %add3A_223 = arith.addi %mul3A_221, %add3A_222 : i32
      %multiple_of3A_224 = tpu.assume_multiple %add3A_223, 8 : i32
      %get3A_225 = arith.index_cast %multiple_of3A_224 : i32 to index
      %get3A_226 = tpu.vector_load %arg6[%get3A_225] {strides = array<i32>} : memref<16448xi32, #tpu.memory_space<vmem>>, vector<16xi32>,
      %and3A_227 = arith.constant 32767 : i32
      %and3A_228 = vector.broadcast %and3A_227 : i32 to vector<16xi32>
      %and3A_229 = arith.andi %get3A_226, %and3A_228 : vector<16xi32>
      %shift_right_arithmetic3A_230 = arith.constant 15 : i32
      %shift_right_arithmetic3A_231 = vector.broadcast %shift_right_arithmetic3A_230 : i32 to vector<16xi32>
      %shift_right_arithmetic3A_232 = arith.shrsi %get3A_226, %shift_right_arithmetic3A_231 : vector<16xi32>
      %ge3A_233 = arith.constant 31232 : i32
      %ge3A_234 = vector.broadcast %ge3A_233 : i32 to vector<16xi32>
      %ge3A_235 = arith.cmpi sge, %and3A_229, %ge3A_234 : vector<16xi32>
      %lt3A_236 = arith.constant 31296 : i32
      %lt3A_237 = vector.broadcast %lt3A_236 : i32 to vector<16xi32>
      %lt3A_238 = arith.cmpi slt, %and3A_229, %lt3A_237 : vector<16xi32>
      %and3A_239 = arith.andi %ge3A_235, %lt3A_238 : vector<16xi1>
      %and3A_240 = vector.broadcast %eq3A_2 : i1 to vector<16xi1>
      %and3A_241 = arith.andi %and3A_239, %and3A_240 : vector<16xi1>
      %mul3A_242 = arith.constant 64 : i32
      %mul3A_243 = arith.muli %while3A_177, %mul3A_242 : i32
      %add3A_244 = arith.constant 48 : i32
      %add3A_245 = arith.addi %mul3A_243, %add3A_244 : i32
      %multiple_of3A_246 = tpu.assume_multiple %add3A_245, 8 : i32
      %get3A_247 = arith.index_cast %multiple_of3A_246 : i32 to index
      %get3A_248 = tpu.vector_load %arg6[%get3A_247] {strides = array<i32>} : memref<16448xi32, #tpu.memory_space<vmem>>, vector<16xi32>,
      %and3A_249 = arith.constant 32767 : i32
      %and3A_250 = vector.broadcast %and3A_249 : i32 to vector<16xi32>
      %and3A_251 = arith.andi %get3A_248, %and3A_250 : vector<16xi32>
      %shift_right_arithmetic3A_252 = arith.constant 15 : i32
      %shift_right_arithmetic3A_253 = vector.broadcast %shift_right_arithmetic3A_252 : i32 to vector<16xi32>
      %shift_right_arithmetic3A_254 = arith.shrsi %get3A_248, %shift_right_arithmetic3A_253 : vector<16xi32>
      %ge3A_255 = arith.constant 31232 : i32
      %ge3A_256 = vector.broadcast %ge3A_255 : i32 to vector<16xi32>
      %ge3A_257 = arith.cmpi sge, %and3A_251, %ge3A_256 : vector<16xi32>
      %lt3A_258 = arith.constant 31296 : i32
      %lt3A_259 = vector.broadcast %lt3A_258 : i32 to vector<16xi32>
      %lt3A_260 = arith.cmpi slt, %and3A_251, %lt3A_259 : vector<16xi32>
      %and3A_261 = arith.andi %ge3A_257, %lt3A_260 : vector<16xi1>
      %and3A_262 = vector.broadcast %eq3A_2 : i1 to vector<16xi1>
      %and3A_263 = arith.andi %and3A_261, %and3A_262 : vector<16xi1>
      %or3A = arith.ori %and3A_197, %and3A_219 : vector<16xi1>
      %or3A_264 = arith.ori %and3A_241, %and3A_263 : vector<16xi1>
      %or3A_265 = arith.ori %or3A, %or3A_264 : vector<16xi1>
      %all_reduce_population_count3A = tpu.all_reduce %or3A_265 {dim = 0 : i64, kind = #tpu.reduction_kind<sum>} : vector<16xi1> -> vector<16xi32>
      %reduce_max3A = arith.constant true
      %reduce_max3A_266 = vector.broadcast %reduce_max3A : i1 to vector<16xi1>
      %reduce_max3A_267 = arith.constant -2147483648 : i32
      %reduce_max3A_268 = vector.broadcast %reduce_max3A_267 : i32 to vector<16xi32>
      %reduce_max3A_269 = arith.xori %all_reduce_population_count3A, %reduce_max3A_268 : vector<16xi32>
      %reduce_max3A_270 = tpu.scan <max>, %reduce_max3A_269 masked %reduce_max3A_266 : vector<16xi32>, vector<16xi1> -> vector<16xi32>
      %reduce_max3A_271 = arith.xori %reduce_max3A_270, %reduce_max3A_268 : vector<16xi32>
      %reduce_max3A_272 = vector.extract %reduce_max3A_271[15] : i32 from vector<16xi32>
      %gt3A = arith.constant 0 : i32
      %gt3A_273 = arith.cmpi sgt, %reduce_max3A_272, %gt3A : i32
      %convert_element_type3A_274 = arith.extui %gt3A_273 : i1 to i32
      %cond3A_275 = arith.constant 0 : i32
      %cond3A_276 = arith.cmpi ne, %convert_element_type3A_274, %cond3A_275 : i32
      %cond3A_277 = scf.if %cond3A_276 -> (i32) {
        %while3A_278:2 = scf.while (%while3A_282 = %and3A_197, %while3A_283 = %while3A_178) : (vector<16xi1>, i32) -> (vector<16xi1>, i32) {
          %all_reduce_population_count3A_284 = tpu.all_reduce %while3A_282 {dim = 0 : i64, kind = #tpu.reduction_kind<sum>} : vector<16xi1> -> vector<16xi32>
          %reduce_max3A_285 = arith.constant true
          %reduce_max3A_286 = vector.broadcast %reduce_max3A_285 : i1 to vector<16xi1>
          %reduce_max3A_287 = arith.constant -2147483648 : i32
          %reduce_max3A_288 = vector.broadcast %reduce_max3A_287 : i32 to vector<16xi32>
          %reduce_max3A_289 = arith.xori %all_reduce_population_count3A_284, %reduce_max3A_288 : vector<16xi32>
          %reduce_max3A_290 = tpu.scan <max>, %reduce_max3A_289 masked %reduce_max3A_286 : vector<16xi32>, vector<16xi1> -> vector<16xi32>
          %reduce_max3A_291 = arith.xori %reduce_max3A_290, %reduce_max3A_288 : vector<16xi32>
          %reduce_max3A_292 = vector.extract %reduce_max3A_291[15] : i32 from vector<16xi32>
          %gt3A_293 = arith.constant 0 : i32
          %gt3A_294 = arith.cmpi sgt, %reduce_max3A_292, %gt3A_293 : i32
          scf.condition(%gt3A_294) %while3A_282, %while3A_283 : vector<16xi1>, i32
        } do {
        ^bb0(%while3A_282: vector<16xi1>, %while3A_283: i32):
          %all_reduce_ffs3A = tpu.all_reduce %while3A_282 {dim = 0 : i64, kind = #tpu.reduction_kind<find_first_set>} : vector<16xi1> -> vector<16xi32>
          %reduce_max3A_284 = arith.constant true
          %reduce_max3A_285 = vector.broadcast %reduce_max3A_284 : i1 to vector<16xi1>
          %reduce_max3A_286 = arith.constant -2147483648 : i32
          %reduce_max3A_287 = vector.broadcast %reduce_max3A_286 : i32 to vector<16xi32>
          %reduce_max3A_288 = arith.xori %all_reduce_ffs3A, %reduce_max3A_287 : vector<16xi32>
          %reduce_max3A_289 = tpu.scan <max>, %reduce_max3A_288 masked %reduce_max3A_285 : vector<16xi32>, vector<16xi1> -> vector<16xi32>
          %reduce_max3A_290 = arith.xori %reduce_max3A_289, %reduce_max3A_287 : vector<16xi32>
          %reduce_max3A_291 = vector.extract %reduce_max3A_290[15] : i32 from vector<16xi32>
          %eq3A_292 = vector.broadcast %reduce_max3A_291 : i32 to vector<16xi32>
          %eq3A_293 = arith.cmpi eq, %iota3A, %eq3A_292 : vector<16xi32>
          %jit3A_294 = arith.constant 0 : i32
          %broadcast_in_dim3A_295 = vector.broadcast %jit3A_294 : i32 to vector<16xi32>
          %select_n3A_296 = arith.select %eq3A_293, %and3A_187, %broadcast_in_dim3A_295 : vector<16xi1>, vector<16xi32>
          %reduce_max3A_297 = arith.constant true
          %reduce_max3A_298 = vector.broadcast %reduce_max3A_297 : i1 to vector<16xi1>
          %reduce_max3A_299 = arith.constant -2147483648 : i32
          %reduce_max3A_300 = vector.broadcast %reduce_max3A_299 : i32 to vector<16xi32>
          %reduce_max3A_301 = arith.xori %select_n3A_296, %reduce_max3A_300 : vector<16xi32>
          %reduce_max3A_302 = tpu.scan <max>, %reduce_max3A_301 masked %reduce_max3A_298 : vector<16xi32>, vector<16xi1> -> vector<16xi32>
          %reduce_max3A_303 = arith.xori %reduce_max3A_302, %reduce_max3A_300 : vector<16xi32>
          %reduce_max3A_304 = vector.extract %reduce_max3A_303[15] : i32 from vector<16xi32>
          %jit3A_305 = arith.constant 0 : i32
          %broadcast_in_dim3A_306 = vector.broadcast %jit3A_305 : i32 to vector<16xi32>
          %select_n3A_307 = arith.select %eq3A_293, %shift_right_arithmetic3A_189, %broadcast_in_dim3A_306 : vector<16xi1>, vector<16xi32>
          %reduce_max3A_308 = arith.constant true
          %reduce_max3A_309 = vector.broadcast %reduce_max3A_308 : i1 to vector<16xi1>
          %reduce_max3A_310 = arith.constant -2147483648 : i32
          %reduce_max3A_311 = vector.broadcast %reduce_max3A_310 : i32 to vector<16xi32>
          %reduce_max3A_312 = arith.xori %select_n3A_307, %reduce_max3A_311 : vector<16xi32>
          %reduce_max3A_313 = tpu.scan <max>, %reduce_max3A_312 masked %reduce_max3A_309 : vector<16xi32>, vector<16xi1> -> vector<16xi32>
          %reduce_max3A_314 = arith.xori %reduce_max3A_313, %reduce_max3A_311 : vector<16xi32>
          %reduce_max3A_315 = vector.extract %reduce_max3A_314[15] : i32 from vector<16xi32>
          %broadcast_in_dim3A_316 = arith.constant 0 : i32
          %broadcast_in_dim3A_317 = vector.broadcast %broadcast_in_dim3A_316 : i32 to vector<16xi32>
          %sub3A_318 = arith.constant 31232 : i32
          %sub3A_319 = arith.subi %reduce_max3A_304, %sub3A_318 : i32
          %add3A_320 = vector.broadcast %sub3A_319 : i32 to vector<16xi32>
          %add3A_321 = arith.addi %broadcast_in_dim3A_317, %add3A_320 : vector<16xi32>
          %ge3A_322 = arith.constant 8 : i32
          %ge3A_323 = arith.cmpi sge, %while3A_283, %ge3A_322 : i32
          %convert_element_type3A_324 = arith.extui %ge3A_323 : i1 to i32
          %cond3A_325 = arith.constant 0 : i32
          %cond3A_326 = arith.cmpi ne, %convert_element_type3A_324, %cond3A_325 : i32
          scf.if %cond3A_326 {
            %dma_wait3A = arith.constant 0 : i32
            %dma_wait3A_389 = tpu.memref_slice %arg10[%dma_wait3A] : memref<512xf32, #tpu.memory_space<vmem>> -> memref<64xf32, #tpu.memory_space<vmem>>
            %dma_wait3A_390 = arith.constant 0 : i32
            %dma_wait3A_391 = tpu.memref_slice %arg4[%dma_wait3A_390] : memref<2097152xf32, #tpu.memory_space<hbm>> -> memref<64xf32, #tpu.memory_space<hbm>>
            %dma_wait3A_392 = arith.constant 0 : i32
            %dma_wait3A_393 = tpu.memref_slice %arg4[%dma_wait3A_392] : memref<2097152xf32, #tpu.memory_space<hbm>> -> memref<64xf32, #tpu.memory_space<hbm>>
            %dma_wait3A_394 = arith.constant 0 : i32
            %dma_wait3A_395 = tpu.memref_slice %arg10[%dma_wait3A_394] : memref<512xf32, #tpu.memory_space<vmem>> -> memref<64xf32, #tpu.memory_space<vmem>>
            tpu.wait_dma2 semaphore(%arg12 : memref<!tpu.dma_semaphore, #tpu.memory_space<semaphore_mem>>) src(%dma_wait3A_395 : memref<64xf32, #tpu.memory_space<vmem>>) dst(%dma_wait3A_393 : memref<64xf32, #tpu.memory_space<hbm>>)
          } else {
          }
          %jit3A_327 = arith.constant 8 : i32
          %eq3A_328 = arith.constant 0 : i32
          %eq3A_329 = arith.cmpi eq, %jit3A_327, %eq3A_328 : i32
          %jit3A_330 = arith.constant 1 : i32
          %select_n3A_331 = arith.select %eq3A_329, %jit3A_330, %jit3A_327 : i32
          %rem3A_332 = arith.remsi %while3A_283, %select_n3A_331 : i32
          %ne3A_333 = arith.constant 0 : i32
          %ne3A_334 = arith.cmpi ne, %rem3A_332, %ne3A_333 : i32
          %lt3A_335 = arith.constant 0 : i32
          %lt3A_336 = arith.cmpi slt, %rem3A_332, %lt3A_335 : i32
          %lt3A_337 = arith.constant 0 : i32
          %lt3A_338 = arith.cmpi slt, %select_n3A_331, %lt3A_337 : i32
          %ne3A_339 = arith.xori %lt3A_336, %lt3A_338 : i1
          %and3A_340 = arith.andi %ne3A_339, %ne3A_334 : i1
          %add3A_341 = arith.addi %rem3A_332, %select_n3A_331 : i32
          %select_n3A_342 = arith.select %and3A_340, %add3A_341, %rem3A_332 : i32
          %mul3A_343 = arith.constant 64 : i32
          %mul3A_344 = arith.muli %select_n3A_342, %mul3A_343 : i32
          %multiple_of3A_345 = tpu.assume_multiple %mul3A_344, 64 : i32
          %add3A_346 = arith.constant 0 : i32
          %add3A_347 = vector.broadcast %add3A_346 : i32 to vector<16xi32>
          %add3A_348 = arith.addi %add3A_347, %iota3A : vector<16xi32>
          %gather3A = tpu.vector_load_idx %arg9[%add3A_348, %add3A_321] : memref<64x64xf32, #tpu.memory_space<vmem>>[vector<16xi32>, vector<16xi32>], vector<16xf32>,
          %add3A_349 = arith.constant 0 : i32
          %add3A_350 = arith.addi %multiple_of3A_345, %add3A_349 : i32
          %swap3A_351 = arith.index_cast %add3A_350 : i32 to index
          %swap3A_352 = tpu.vector_load %arg10[%swap3A_351] {strides = array<i32>} : memref<512xf32, #tpu.memory_space<vmem>>, vector<16xf32>,
          tpu.vector_store %arg10[%swap3A_351], %gather3A {strides = array<i32>} : memref<512xf32, #tpu.memory_space<vmem>>, vector<16xf32>,
          %add3A_353 = arith.constant 16 : i32
          %add3A_354 = vector.broadcast %add3A_353 : i32 to vector<16xi32>
          %add3A_355 = arith.addi %add3A_354, %iota3A : vector<16xi32>
          %gather3A_356 = tpu.vector_load_idx %arg9[%add3A_355, %add3A_321] : memref<64x64xf32, #tpu.memory_space<vmem>>[vector<16xi32>, vector<16xi32>], vector<16xf32>,
          %add3A_357 = arith.constant 16 : i32
          %add3A_358 = arith.addi %multiple_of3A_345, %add3A_357 : i32
          %swap3A_359 = arith.index_cast %add3A_358 : i32 to index
          %swap3A_360 = tpu.vector_load %arg10[%swap3A_359] {strides = array<i32>} : memref<512xf32, #tpu.memory_space<vmem>>, vector<16xf32>,
          tpu.vector_store %arg10[%swap3A_359], %gather3A_356 {strides = array<i32>} : memref<512xf32, #tpu.memory_space<vmem>>, vector<16xf32>,
          %add3A_361 = arith.constant 32 : i32
          %add3A_362 = vector.broadcast %add3A_361 : i32 to vector<16xi32>
          %add3A_363 = arith.addi %add3A_362, %iota3A : vector<16xi32>
          %gather3A_364 = tpu.vector_load_idx %arg9[%add3A_363, %add3A_321] : memref<64x64xf32, #tpu.memory_space<vmem>>[vector<16xi32>, vector<16xi32>], vector<16xf32>,
          %add3A_365 = arith.constant 32 : i32
          %add3A_366 = arith.addi %multiple_of3A_345, %add3A_365 : i32
          %swap3A_367 = arith.index_cast %add3A_366 : i32 to index
          %swap3A_368 = tpu.vector_load %arg10[%swap3A_367] {strides = array<i32>} : memref<512xf32, #tpu.memory_space<vmem>>, vector<16xf32>,
          tpu.vector_store %arg10[%swap3A_367], %gather3A_364 {strides = array<i32>} : memref<512xf32, #tpu.memory_space<vmem>>, vector<16xf32>,
          %add3A_369 = arith.constant 48 : i32
          %add3A_370 = vector.broadcast %add3A_369 : i32 to vector<16xi32>
          %add3A_371 = arith.addi %add3A_370, %iota3A : vector<16xi32>
          %gather3A_372 = tpu.vector_load_idx %arg9[%add3A_371, %add3A_321] : memref<64x64xf32, #tpu.memory_space<vmem>>[vector<16xi32>, vector<16xi32>], vector<16xf32>,
          %add3A_373 = arith.constant 48 : i32
          %add3A_374 = arith.addi %multiple_of3A_345, %add3A_373 : i32
          %swap3A_375 = arith.index_cast %add3A_374 : i32 to index
          %swap3A_376 = tpu.vector_load %arg10[%swap3A_375] {strides = array<i32>} : memref<512xf32, #tpu.memory_space<vmem>>, vector<16xf32>,
          tpu.vector_store %arg10[%swap3A_375], %gather3A_372 {strides = array<i32>} : memref<512xf32, #tpu.memory_space<vmem>>, vector<16xf32>,
          %mul3A_377 = arith.constant 2 : i32
          %mul3A_378 = arith.muli %reduce_max3A_315, %mul3A_377 : i32
          %mul3A_379 = arith.constant 64 : i32
          %mul3A_380 = arith.muli %mul3A_378, %mul3A_379 : i32
          %dma_start3A_381 = tpu.memref_slice %arg10[%multiple_of3A_345] : memref<512xf32, #tpu.memory_space<vmem>> -> memref<64xf32, #tpu.memory_space<vmem>>
          %dma_start3A_382 = tpu.memref_slice %arg4[%mul3A_380] : memref<2097152xf32, #tpu.memory_space<hbm>> -> memref<64xf32, #tpu.memory_space<hbm>>
          %dma_start3A_383 = tpu.memref_slice %arg4[%mul3A_380] : memref<2097152xf32, #tpu.memory_space<hbm>> -> memref<64xf32, #tpu.memory_space<hbm>>
          %dma_start3A_384 = tpu.memref_slice %arg10[%multiple_of3A_345] : memref<512xf32, #tpu.memory_space<vmem>> -> memref<64xf32, #tpu.memory_space<vmem>>
          tpu.enqueue_dma source(%dma_start3A_384 : memref<64xf32, #tpu.memory_space<vmem>>) target(%dma_start3A_383 : memref<64xf32, #tpu.memory_space<hbm>>) target_semaphore(%arg12 : memref<!tpu.dma_semaphore, #tpu.memory_space<semaphore_mem>>)
          %not3A = arith.constant dense<true> : vector<16xi1>
          %not3A_385 = arith.xori %eq3A_293, %not3A : vector<16xi1>
          %and3A_386 = arith.andi %while3A_282, %not3A_385 : vector<16xi1>
          %add3A_387 = arith.constant 1 : i32
          %add3A_388 = arith.addi %while3A_283, %add3A_387 : i32
          scf.yield %and3A_386, %add3A_388 : vector<16xi1>, i32
        }
        %while3A_279:2 = scf.while (%while3A_282 = %and3A_219, %while3A_283 = %while3A_278#1) : (vector<16xi1>, i32) -> (vector<16xi1>, i32) {
          %all_reduce_population_count3A_284 = tpu.all_reduce %while3A_282 {dim = 0 : i64, kind = #tpu.reduction_kind<sum>} : vector<16xi1> -> vector<16xi32>
          %reduce_max3A_285 = arith.constant true
          %reduce_max3A_286 = vector.broadcast %reduce_max3A_285 : i1 to vector<16xi1>
          %reduce_max3A_287 = arith.constant -2147483648 : i32
          %reduce_max3A_288 = vector.broadcast %reduce_max3A_287 : i32 to vector<16xi32>
          %reduce_max3A_289 = arith.xori %all_reduce_population_count3A_284, %reduce_max3A_288 : vector<16xi32>
          %reduce_max3A_290 = tpu.scan <max>, %reduce_max3A_289 masked %reduce_max3A_286 : vector<16xi32>, vector<16xi1> -> vector<16xi32>
          %reduce_max3A_291 = arith.xori %reduce_max3A_290, %reduce_max3A_288 : vector<16xi32>
          %reduce_max3A_292 = vector.extract %reduce_max3A_291[15] : i32 from vector<16xi32>
          %gt3A_293 = arith.constant 0 : i32
          %gt3A_294 = arith.cmpi sgt, %reduce_max3A_292, %gt3A_293 : i32
          scf.condition(%gt3A_294) %while3A_282, %while3A_283 : vector<16xi1>, i32
        } do {
        ^bb0(%while3A_282: vector<16xi1>, %while3A_283: i32):
          %all_reduce_ffs3A = tpu.all_reduce %while3A_282 {dim = 0 : i64, kind = #tpu.reduction_kind<find_first_set>} : vector<16xi1> -> vector<16xi32>
          %reduce_max3A_284 = arith.constant true
          %reduce_max3A_285 = vector.broadcast %reduce_max3A_284 : i1 to vector<16xi1>
          %reduce_max3A_286 = arith.constant -2147483648 : i32
          %reduce_max3A_287 = vector.broadcast %reduce_max3A_286 : i32 to vector<16xi32>
          %reduce_max3A_288 = arith.xori %all_reduce_ffs3A, %reduce_max3A_287 : vector<16xi32>
          %reduce_max3A_289 = tpu.scan <max>, %reduce_max3A_288 masked %reduce_max3A_285 : vector<16xi32>, vector<16xi1> -> vector<16xi32>
          %reduce_max3A_290 = arith.xori %reduce_max3A_289, %reduce_max3A_287 : vector<16xi32>
          %reduce_max3A_291 = vector.extract %reduce_max3A_290[15] : i32 from vector<16xi32>
          %eq3A_292 = vector.broadcast %reduce_max3A_291 : i32 to vector<16xi32>
          %eq3A_293 = arith.cmpi eq, %iota3A, %eq3A_292 : vector<16xi32>
          %jit3A_294 = arith.constant 0 : i32
          %broadcast_in_dim3A_295 = vector.broadcast %jit3A_294 : i32 to vector<16xi32>
          %select_n3A_296 = arith.select %eq3A_293, %and3A_207, %broadcast_in_dim3A_295 : vector<16xi1>, vector<16xi32>
          %reduce_max3A_297 = arith.constant true
          %reduce_max3A_298 = vector.broadcast %reduce_max3A_297 : i1 to vector<16xi1>
          %reduce_max3A_299 = arith.constant -2147483648 : i32
          %reduce_max3A_300 = vector.broadcast %reduce_max3A_299 : i32 to vector<16xi32>
          %reduce_max3A_301 = arith.xori %select_n3A_296, %reduce_max3A_300 : vector<16xi32>
          %reduce_max3A_302 = tpu.scan <max>, %reduce_max3A_301 masked %reduce_max3A_298 : vector<16xi32>, vector<16xi1> -> vector<16xi32>
          %reduce_max3A_303 = arith.xori %reduce_max3A_302, %reduce_max3A_300 : vector<16xi32>
          %reduce_max3A_304 = vector.extract %reduce_max3A_303[15] : i32 from vector<16xi32>
          %jit3A_305 = arith.constant 0 : i32
          %broadcast_in_dim3A_306 = vector.broadcast %jit3A_305 : i32 to vector<16xi32>
          %select_n3A_307 = arith.select %eq3A_293, %shift_right_arithmetic3A_210, %broadcast_in_dim3A_306 : vector<16xi1>, vector<16xi32>
          %reduce_max3A_308 = arith.constant true
          %reduce_max3A_309 = vector.broadcast %reduce_max3A_308 : i1 to vector<16xi1>
          %reduce_max3A_310 = arith.constant -2147483648 : i32
          %reduce_max3A_311 = vector.broadcast %reduce_max3A_310 : i32 to vector<16xi32>
          %reduce_max3A_312 = arith.xori %select_n3A_307, %reduce_max3A_311 : vector<16xi32>
          %reduce_max3A_313 = tpu.scan <max>, %reduce_max3A_312 masked %reduce_max3A_309 : vector<16xi32>, vector<16xi1> -> vector<16xi32>
          %reduce_max3A_314 = arith.xori %reduce_max3A_313, %reduce_max3A_311 : vector<16xi32>
          %reduce_max3A_315 = vector.extract %reduce_max3A_314[15] : i32 from vector<16xi32>
          %broadcast_in_dim3A_316 = arith.constant 0 : i32
          %broadcast_in_dim3A_317 = vector.broadcast %broadcast_in_dim3A_316 : i32 to vector<16xi32>
          %sub3A_318 = arith.constant 31232 : i32
          %sub3A_319 = arith.subi %reduce_max3A_304, %sub3A_318 : i32
          %add3A_320 = vector.broadcast %sub3A_319 : i32 to vector<16xi32>
          %add3A_321 = arith.addi %broadcast_in_dim3A_317, %add3A_320 : vector<16xi32>
          %ge3A_322 = arith.constant 8 : i32
          %ge3A_323 = arith.cmpi sge, %while3A_283, %ge3A_322 : i32
          %convert_element_type3A_324 = arith.extui %ge3A_323 : i1 to i32
          %cond3A_325 = arith.constant 0 : i32
          %cond3A_326 = arith.cmpi ne, %convert_element_type3A_324, %cond3A_325 : i32
          scf.if %cond3A_326 {
            %dma_wait3A = arith.constant 0 : i32
            %dma_wait3A_389 = tpu.memref_slice %arg10[%dma_wait3A] : memref<512xf32, #tpu.memory_space<vmem>> -> memref<64xf32, #tpu.memory_space<vmem>>
            %dma_wait3A_390 = arith.constant 0 : i32
            %dma_wait3A_391 = tpu.memref_slice %arg4[%dma_wait3A_390] : memref<2097152xf32, #tpu.memory_space<hbm>> -> memref<64xf32, #tpu.memory_space<hbm>>
            %dma_wait3A_392 = arith.constant 0 : i32
            %dma_wait3A_393 = tpu.memref_slice %arg4[%dma_wait3A_392] : memref<2097152xf32, #tpu.memory_space<hbm>> -> memref<64xf32, #tpu.memory_space<hbm>>
            %dma_wait3A_394 = arith.constant 0 : i32
            %dma_wait3A_395 = tpu.memref_slice %arg10[%dma_wait3A_394] : memref<512xf32, #tpu.memory_space<vmem>> -> memref<64xf32, #tpu.memory_space<vmem>>
            tpu.wait_dma2 semaphore(%arg12 : memref<!tpu.dma_semaphore, #tpu.memory_space<semaphore_mem>>) src(%dma_wait3A_395 : memref<64xf32, #tpu.memory_space<vmem>>) dst(%dma_wait3A_393 : memref<64xf32, #tpu.memory_space<hbm>>)
          } else {
          }
          %jit3A_327 = arith.constant 8 : i32
          %eq3A_328 = arith.constant 0 : i32
          %eq3A_329 = arith.cmpi eq, %jit3A_327, %eq3A_328 : i32
          %jit3A_330 = arith.constant 1 : i32
          %select_n3A_331 = arith.select %eq3A_329, %jit3A_330, %jit3A_327 : i32
          %rem3A_332 = arith.remsi %while3A_283, %select_n3A_331 : i32
          %ne3A_333 = arith.constant 0 : i32
          %ne3A_334 = arith.cmpi ne, %rem3A_332, %ne3A_333 : i32
          %lt3A_335 = arith.constant 0 : i32
          %lt3A_336 = arith.cmpi slt, %rem3A_332, %lt3A_335 : i32
          %lt3A_337 = arith.constant 0 : i32
          %lt3A_338 = arith.cmpi slt, %select_n3A_331, %lt3A_337 : i32
          %ne3A_339 = arith.xori %lt3A_336, %lt3A_338 : i1
          %and3A_340 = arith.andi %ne3A_339, %ne3A_334 : i1
          %add3A_341 = arith.addi %rem3A_332, %select_n3A_331 : i32
          %select_n3A_342 = arith.select %and3A_340, %add3A_341, %rem3A_332 : i32
          %mul3A_343 = arith.constant 64 : i32
          %mul3A_344 = arith.muli %select_n3A_342, %mul3A_343 : i32
          %multiple_of3A_345 = tpu.assume_multiple %mul3A_344, 64 : i32
          %add3A_346 = arith.constant 0 : i32
          %add3A_347 = vector.broadcast %add3A_346 : i32 to vector<16xi32>
          %add3A_348 = arith.addi %add3A_347, %iota3A : vector<16xi32>
          %gather3A = tpu.vector_load_idx %arg9[%add3A_348, %add3A_321] : memref<64x64xf32, #tpu.memory_space<vmem>>[vector<16xi32>, vector<16xi32>], vector<16xf32>,
          %add3A_349 = arith.constant 0 : i32
          %add3A_350 = arith.addi %multiple_of3A_345, %add3A_349 : i32
          %swap3A_351 = arith.index_cast %add3A_350 : i32 to index
          %swap3A_352 = tpu.vector_load %arg10[%swap3A_351] {strides = array<i32>} : memref<512xf32, #tpu.memory_space<vmem>>, vector<16xf32>,
          tpu.vector_store %arg10[%swap3A_351], %gather3A {strides = array<i32>} : memref<512xf32, #tpu.memory_space<vmem>>, vector<16xf32>,
          %add3A_353 = arith.constant 16 : i32
          %add3A_354 = vector.broadcast %add3A_353 : i32 to vector<16xi32>
          %add3A_355 = arith.addi %add3A_354, %iota3A : vector<16xi32>
          %gather3A_356 = tpu.vector_load_idx %arg9[%add3A_355, %add3A_321] : memref<64x64xf32, #tpu.memory_space<vmem>>[vector<16xi32>, vector<16xi32>], vector<16xf32>,
          %add3A_357 = arith.constant 16 : i32
          %add3A_358 = arith.addi %multiple_of3A_345, %add3A_357 : i32
          %swap3A_359 = arith.index_cast %add3A_358 : i32 to index
          %swap3A_360 = tpu.vector_load %arg10[%swap3A_359] {strides = array<i32>} : memref<512xf32, #tpu.memory_space<vmem>>, vector<16xf32>,
          tpu.vector_store %arg10[%swap3A_359], %gather3A_356 {strides = array<i32>} : memref<512xf32, #tpu.memory_space<vmem>>, vector<16xf32>,
          %add3A_361 = arith.constant 32 : i32
          %add3A_362 = vector.broadcast %add3A_361 : i32 to vector<16xi32>
          %add3A_363 = arith.addi %add3A_362, %iota3A : vector<16xi32>
          %gather3A_364 = tpu.vector_load_idx %arg9[%add3A_363, %add3A_321] : memref<64x64xf32, #tpu.memory_space<vmem>>[vector<16xi32>, vector<16xi32>], vector<16xf32>,
          %add3A_365 = arith.constant 32 : i32
          %add3A_366 = arith.addi %multiple_of3A_345, %add3A_365 : i32
          %swap3A_367 = arith.index_cast %add3A_366 : i32 to index
          %swap3A_368 = tpu.vector_load %arg10[%swap3A_367] {strides = array<i32>} : memref<512xf32, #tpu.memory_space<vmem>>, vector<16xf32>,
          tpu.vector_store %arg10[%swap3A_367], %gather3A_364 {strides = array<i32>} : memref<512xf32, #tpu.memory_space<vmem>>, vector<16xf32>,
          %add3A_369 = arith.constant 48 : i32
          %add3A_370 = vector.broadcast %add3A_369 : i32 to vector<16xi32>
          %add3A_371 = arith.addi %add3A_370, %iota3A : vector<16xi32>
          %gather3A_372 = tpu.vector_load_idx %arg9[%add3A_371, %add3A_321] : memref<64x64xf32, #tpu.memory_space<vmem>>[vector<16xi32>, vector<16xi32>], vector<16xf32>,
          %add3A_373 = arith.constant 48 : i32
          %add3A_374 = arith.addi %multiple_of3A_345, %add3A_373 : i32
          %swap3A_375 = arith.index_cast %add3A_374 : i32 to index
          %swap3A_376 = tpu.vector_load %arg10[%swap3A_375] {strides = array<i32>} : memref<512xf32, #tpu.memory_space<vmem>>, vector<16xf32>,
          tpu.vector_store %arg10[%swap3A_375], %gather3A_372 {strides = array<i32>} : memref<512xf32, #tpu.memory_space<vmem>>, vector<16xf32>,
          %mul3A_377 = arith.constant 2 : i32
          %mul3A_378 = arith.muli %reduce_max3A_315, %mul3A_377 : i32
          %mul3A_379 = arith.constant 64 : i32
          %mul3A_380 = arith.muli %mul3A_378, %mul3A_379 : i32
          %dma_start3A_381 = tpu.memref_slice %arg10[%multiple_of3A_345] : memref<512xf32, #tpu.memory_space<vmem>> -> memref<64xf32, #tpu.memory_space<vmem>>
          %dma_start3A_382 = tpu.memref_slice %arg4[%mul3A_380] : memref<2097152xf32, #tpu.memory_space<hbm>> -> memref<64xf32, #tpu.memory_space<hbm>>
          %dma_start3A_383 = tpu.memref_slice %arg4[%mul3A_380] : memref<2097152xf32, #tpu.memory_space<hbm>> -> memref<64xf32, #tpu.memory_space<hbm>>
          %dma_start3A_384 = tpu.memref_slice %arg10[%multiple_of3A_345] : memref<512xf32, #tpu.memory_space<vmem>> -> memref<64xf32, #tpu.memory_space<vmem>>
          tpu.enqueue_dma source(%dma_start3A_384 : memref<64xf32, #tpu.memory_space<vmem>>) target(%dma_start3A_383 : memref<64xf32, #tpu.memory_space<hbm>>) target_semaphore(%arg12 : memref<!tpu.dma_semaphore, #tpu.memory_space<semaphore_mem>>)
          %not3A = arith.constant dense<true> : vector<16xi1>
          %not3A_385 = arith.xori %eq3A_293, %not3A : vector<16xi1>
          %and3A_386 = arith.andi %while3A_282, %not3A_385 : vector<16xi1>
          %add3A_387 = arith.constant 1 : i32
          %add3A_388 = arith.addi %while3A_283, %add3A_387 : i32
          scf.yield %and3A_386, %add3A_388 : vector<16xi1>, i32
        }
        %while3A_280:2 = scf.while (%while3A_282 = %and3A_241, %while3A_283 = %while3A_279#1) : (vector<16xi1>, i32) -> (vector<16xi1>, i32) {
          %all_reduce_population_count3A_284 = tpu.all_reduce %while3A_282 {dim = 0 : i64, kind = #tpu.reduction_kind<sum>} : vector<16xi1> -> vector<16xi32>
          %reduce_max3A_285 = arith.constant true
          %reduce_max3A_286 = vector.broadcast %reduce_max3A_285 : i1 to vector<16xi1>
          %reduce_max3A_287 = arith.constant -2147483648 : i32
          %reduce_max3A_288 = vector.broadcast %reduce_max3A_287 : i32 to vector<16xi32>
          %reduce_max3A_289 = arith.xori %all_reduce_population_count3A_284, %reduce_max3A_288 : vector<16xi32>
          %reduce_max3A_290 = tpu.scan <max>, %reduce_max3A_289 masked %reduce_max3A_286 : vector<16xi32>, vector<16xi1> -> vector<16xi32>
          %reduce_max3A_291 = arith.xori %reduce_max3A_290, %reduce_max3A_288 : vector<16xi32>
          %reduce_max3A_292 = vector.extract %reduce_max3A_291[15] : i32 from vector<16xi32>
          %gt3A_293 = arith.constant 0 : i32
          %gt3A_294 = arith.cmpi sgt, %reduce_max3A_292, %gt3A_293 : i32
          scf.condition(%gt3A_294) %while3A_282, %while3A_283 : vector<16xi1>, i32
        } do {
        ^bb0(%while3A_282: vector<16xi1>, %while3A_283: i32):
          %all_reduce_ffs3A = tpu.all_reduce %while3A_282 {dim = 0 : i64, kind = #tpu.reduction_kind<find_first_set>} : vector<16xi1> -> vector<16xi32>
          %reduce_max3A_284 = arith.constant true
          %reduce_max3A_285 = vector.broadcast %reduce_max3A_284 : i1 to vector<16xi1>
          %reduce_max3A_286 = arith.constant -2147483648 : i32
          %reduce_max3A_287 = vector.broadcast %reduce_max3A_286 : i32 to vector<16xi32>
          %reduce_max3A_288 = arith.xori %all_reduce_ffs3A, %reduce_max3A_287 : vector<16xi32>
          %reduce_max3A_289 = tpu.scan <max>, %reduce_max3A_288 masked %reduce_max3A_285 : vector<16xi32>, vector<16xi1> -> vector<16xi32>
          %reduce_max3A_290 = arith.xori %reduce_max3A_289, %reduce_max3A_287 : vector<16xi32>
          %reduce_max3A_291 = vector.extract %reduce_max3A_290[15] : i32 from vector<16xi32>
          %eq3A_292 = vector.broadcast %reduce_max3A_291 : i32 to vector<16xi32>
          %eq3A_293 = arith.cmpi eq, %iota3A, %eq3A_292 : vector<16xi32>
          %jit3A_294 = arith.constant 0 : i32
          %broadcast_in_dim3A_295 = vector.broadcast %jit3A_294 : i32 to vector<16xi32>
          %select_n3A_296 = arith.select %eq3A_293, %and3A_229, %broadcast_in_dim3A_295 : vector<16xi1>, vector<16xi32>
          %reduce_max3A_297 = arith.constant true
          %reduce_max3A_298 = vector.broadcast %reduce_max3A_297 : i1 to vector<16xi1>
          %reduce_max3A_299 = arith.constant -2147483648 : i32
          %reduce_max3A_300 = vector.broadcast %reduce_max3A_299 : i32 to vector<16xi32>
          %reduce_max3A_301 = arith.xori %select_n3A_296, %reduce_max3A_300 : vector<16xi32>
          %reduce_max3A_302 = tpu.scan <max>, %reduce_max3A_301 masked %reduce_max3A_298 : vector<16xi32>, vector<16xi1> -> vector<16xi32>
          %reduce_max3A_303 = arith.xori %reduce_max3A_302, %reduce_max3A_300 : vector<16xi32>
          %reduce_max3A_304 = vector.extract %reduce_max3A_303[15] : i32 from vector<16xi32>
          %jit3A_305 = arith.constant 0 : i32
          %broadcast_in_dim3A_306 = vector.broadcast %jit3A_305 : i32 to vector<16xi32>
          %select_n3A_307 = arith.select %eq3A_293, %shift_right_arithmetic3A_232, %broadcast_in_dim3A_306 : vector<16xi1>, vector<16xi32>
          %reduce_max3A_308 = arith.constant true
          %reduce_max3A_309 = vector.broadcast %reduce_max3A_308 : i1 to vector<16xi1>
          %reduce_max3A_310 = arith.constant -2147483648 : i32
          %reduce_max3A_311 = vector.broadcast %reduce_max3A_310 : i32 to vector<16xi32>
          %reduce_max3A_312 = arith.xori %select_n3A_307, %reduce_max3A_311 : vector<16xi32>
          %reduce_max3A_313 = tpu.scan <max>, %reduce_max3A_312 masked %reduce_max3A_309 : vector<16xi32>, vector<16xi1> -> vector<16xi32>
          %reduce_max3A_314 = arith.xori %reduce_max3A_313, %reduce_max3A_311 : vector<16xi32>
          %reduce_max3A_315 = vector.extract %reduce_max3A_314[15] : i32 from vector<16xi32>
          %broadcast_in_dim3A_316 = arith.constant 0 : i32
          %broadcast_in_dim3A_317 = vector.broadcast %broadcast_in_dim3A_316 : i32 to vector<16xi32>
          %sub3A_318 = arith.constant 31232 : i32
          %sub3A_319 = arith.subi %reduce_max3A_304, %sub3A_318 : i32
          %add3A_320 = vector.broadcast %sub3A_319 : i32 to vector<16xi32>
          %add3A_321 = arith.addi %broadcast_in_dim3A_317, %add3A_320 : vector<16xi32>
          %ge3A_322 = arith.constant 8 : i32
          %ge3A_323 = arith.cmpi sge, %while3A_283, %ge3A_322 : i32
          %convert_element_type3A_324 = arith.extui %ge3A_323 : i1 to i32
          %cond3A_325 = arith.constant 0 : i32
          %cond3A_326 = arith.cmpi ne, %convert_element_type3A_324, %cond3A_325 : i32
          scf.if %cond3A_326 {
            %dma_wait3A = arith.constant 0 : i32
            %dma_wait3A_389 = tpu.memref_slice %arg10[%dma_wait3A] : memref<512xf32, #tpu.memory_space<vmem>> -> memref<64xf32, #tpu.memory_space<vmem>>
            %dma_wait3A_390 = arith.constant 0 : i32
            %dma_wait3A_391 = tpu.memref_slice %arg4[%dma_wait3A_390] : memref<2097152xf32, #tpu.memory_space<hbm>> -> memref<64xf32, #tpu.memory_space<hbm>>
            %dma_wait3A_392 = arith.constant 0 : i32
            %dma_wait3A_393 = tpu.memref_slice %arg4[%dma_wait3A_392] : memref<2097152xf32, #tpu.memory_space<hbm>> -> memref<64xf32, #tpu.memory_space<hbm>>
            %dma_wait3A_394 = arith.constant 0 : i32
            %dma_wait3A_395 = tpu.memref_slice %arg10[%dma_wait3A_394] : memref<512xf32, #tpu.memory_space<vmem>> -> memref<64xf32, #tpu.memory_space<vmem>>
            tpu.wait_dma2 semaphore(%arg12 : memref<!tpu.dma_semaphore, #tpu.memory_space<semaphore_mem>>) src(%dma_wait3A_395 : memref<64xf32, #tpu.memory_space<vmem>>) dst(%dma_wait3A_393 : memref<64xf32, #tpu.memory_space<hbm>>)
          } else {
          }
          %jit3A_327 = arith.constant 8 : i32
          %eq3A_328 = arith.constant 0 : i32
          %eq3A_329 = arith.cmpi eq, %jit3A_327, %eq3A_328 : i32
          %jit3A_330 = arith.constant 1 : i32
          %select_n3A_331 = arith.select %eq3A_329, %jit3A_330, %jit3A_327 : i32
          %rem3A_332 = arith.remsi %while3A_283, %select_n3A_331 : i32
          %ne3A_333 = arith.constant 0 : i32
          %ne3A_334 = arith.cmpi ne, %rem3A_332, %ne3A_333 : i32
          %lt3A_335 = arith.constant 0 : i32
          %lt3A_336 = arith.cmpi slt, %rem3A_332, %lt3A_335 : i32
          %lt3A_337 = arith.constant 0 : i32
          %lt3A_338 = arith.cmpi slt, %select_n3A_331, %lt3A_337 : i32
          %ne3A_339 = arith.xori %lt3A_336, %lt3A_338 : i1
          %and3A_340 = arith.andi %ne3A_339, %ne3A_334 : i1
          %add3A_341 = arith.addi %rem3A_332, %select_n3A_331 : i32
          %select_n3A_342 = arith.select %and3A_340, %add3A_341, %rem3A_332 : i32
          %mul3A_343 = arith.constant 64 : i32
          %mul3A_344 = arith.muli %select_n3A_342, %mul3A_343 : i32
          %multiple_of3A_345 = tpu.assume_multiple %mul3A_344, 64 : i32
          %add3A_346 = arith.constant 0 : i32
          %add3A_347 = vector.broadcast %add3A_346 : i32 to vector<16xi32>
          %add3A_348 = arith.addi %add3A_347, %iota3A : vector<16xi32>
          %gather3A = tpu.vector_load_idx %arg9[%add3A_348, %add3A_321] : memref<64x64xf32, #tpu.memory_space<vmem>>[vector<16xi32>, vector<16xi32>], vector<16xf32>,
          %add3A_349 = arith.constant 0 : i32
          %add3A_350 = arith.addi %multiple_of3A_345, %add3A_349 : i32
          %swap3A_351 = arith.index_cast %add3A_350 : i32 to index
          %swap3A_352 = tpu.vector_load %arg10[%swap3A_351] {strides = array<i32>} : memref<512xf32, #tpu.memory_space<vmem>>, vector<16xf32>,
          tpu.vector_store %arg10[%swap3A_351], %gather3A {strides = array<i32>} : memref<512xf32, #tpu.memory_space<vmem>>, vector<16xf32>,
          %add3A_353 = arith.constant 16 : i32
          %add3A_354 = vector.broadcast %add3A_353 : i32 to vector<16xi32>
          %add3A_355 = arith.addi %add3A_354, %iota3A : vector<16xi32>
          %gather3A_356 = tpu.vector_load_idx %arg9[%add3A_355, %add3A_321] : memref<64x64xf32, #tpu.memory_space<vmem>>[vector<16xi32>, vector<16xi32>], vector<16xf32>,
          %add3A_357 = arith.constant 16 : i32
          %add3A_358 = arith.addi %multiple_of3A_345, %add3A_357 : i32
          %swap3A_359 = arith.index_cast %add3A_358 : i32 to index
          %swap3A_360 = tpu.vector_load %arg10[%swap3A_359] {strides = array<i32>} : memref<512xf32, #tpu.memory_space<vmem>>, vector<16xf32>,
          tpu.vector_store %arg10[%swap3A_359], %gather3A_356 {strides = array<i32>} : memref<512xf32, #tpu.memory_space<vmem>>, vector<16xf32>,
          %add3A_361 = arith.constant 32 : i32
          %add3A_362 = vector.broadcast %add3A_361 : i32 to vector<16xi32>
          %add3A_363 = arith.addi %add3A_362, %iota3A : vector<16xi32>
          %gather3A_364 = tpu.vector_load_idx %arg9[%add3A_363, %add3A_321] : memref<64x64xf32, #tpu.memory_space<vmem>>[vector<16xi32>, vector<16xi32>], vector<16xf32>,
          %add3A_365 = arith.constant 32 : i32
          %add3A_366 = arith.addi %multiple_of3A_345, %add3A_365 : i32
          %swap3A_367 = arith.index_cast %add3A_366 : i32 to index
          %swap3A_368 = tpu.vector_load %arg10[%swap3A_367] {strides = array<i32>} : memref<512xf32, #tpu.memory_space<vmem>>, vector<16xf32>,
          tpu.vector_store %arg10[%swap3A_367], %gather3A_364 {strides = array<i32>} : memref<512xf32, #tpu.memory_space<vmem>>, vector<16xf32>,
          %add3A_369 = arith.constant 48 : i32
          %add3A_370 = vector.broadcast %add3A_369 : i32 to vector<16xi32>
          %add3A_371 = arith.addi %add3A_370, %iota3A : vector<16xi32>
          %gather3A_372 = tpu.vector_load_idx %arg9[%add3A_371, %add3A_321] : memref<64x64xf32, #tpu.memory_space<vmem>>[vector<16xi32>, vector<16xi32>], vector<16xf32>,
          %add3A_373 = arith.constant 48 : i32
          %add3A_374 = arith.addi %multiple_of3A_345, %add3A_373 : i32
          %swap3A_375 = arith.index_cast %add3A_374 : i32 to index
          %swap3A_376 = tpu.vector_load %arg10[%swap3A_375] {strides = array<i32>} : memref<512xf32, #tpu.memory_space<vmem>>, vector<16xf32>,
          tpu.vector_store %arg10[%swap3A_375], %gather3A_372 {strides = array<i32>} : memref<512xf32, #tpu.memory_space<vmem>>, vector<16xf32>,
          %mul3A_377 = arith.constant 2 : i32
          %mul3A_378 = arith.muli %reduce_max3A_315, %mul3A_377 : i32
          %mul3A_379 = arith.constant 64 : i32
          %mul3A_380 = arith.muli %mul3A_378, %mul3A_379 : i32
          %dma_start3A_381 = tpu.memref_slice %arg10[%multiple_of3A_345] : memref<512xf32, #tpu.memory_space<vmem>> -> memref<64xf32, #tpu.memory_space<vmem>>
          %dma_start3A_382 = tpu.memref_slice %arg4[%mul3A_380] : memref<2097152xf32, #tpu.memory_space<hbm>> -> memref<64xf32, #tpu.memory_space<hbm>>
          %dma_start3A_383 = tpu.memref_slice %arg4[%mul3A_380] : memref<2097152xf32, #tpu.memory_space<hbm>> -> memref<64xf32, #tpu.memory_space<hbm>>
          %dma_start3A_384 = tpu.memref_slice %arg10[%multiple_of3A_345] : memref<512xf32, #tpu.memory_space<vmem>> -> memref<64xf32, #tpu.memory_space<vmem>>
          tpu.enqueue_dma source(%dma_start3A_384 : memref<64xf32, #tpu.memory_space<vmem>>) target(%dma_start3A_383 : memref<64xf32, #tpu.memory_space<hbm>>) target_semaphore(%arg12 : memref<!tpu.dma_semaphore, #tpu.memory_space<semaphore_mem>>)
          %not3A = arith.constant dense<true> : vector<16xi1>
          %not3A_385 = arith.xori %eq3A_293, %not3A : vector<16xi1>
          %and3A_386 = arith.andi %while3A_282, %not3A_385 : vector<16xi1>
          %add3A_387 = arith.constant 1 : i32
          %add3A_388 = arith.addi %while3A_283, %add3A_387 : i32
          scf.yield %and3A_386, %add3A_388 : vector<16xi1>, i32
        }
        %while3A_281:2 = scf.while (%while3A_282 = %and3A_263, %while3A_283 = %while3A_280#1) : (vector<16xi1>, i32) -> (vector<16xi1>, i32) {
          %all_reduce_population_count3A_284 = tpu.all_reduce %while3A_282 {dim = 0 : i64, kind = #tpu.reduction_kind<sum>} : vector<16xi1> -> vector<16xi32>
          %reduce_max3A_285 = arith.constant true
          %reduce_max3A_286 = vector.broadcast %reduce_max3A_285 : i1 to vector<16xi1>
          %reduce_max3A_287 = arith.constant -2147483648 : i32
          %reduce_max3A_288 = vector.broadcast %reduce_max3A_287 : i32 to vector<16xi32>
          %reduce_max3A_289 = arith.xori %all_reduce_population_count3A_284, %reduce_max3A_288 : vector<16xi32>
          %reduce_max3A_290 = tpu.scan <max>, %reduce_max3A_289 masked %reduce_max3A_286 : vector<16xi32>, vector<16xi1> -> vector<16xi32>
          %reduce_max3A_291 = arith.xori %reduce_max3A_290, %reduce_max3A_288 : vector<16xi32>
          %reduce_max3A_292 = vector.extract %reduce_max3A_291[15] : i32 from vector<16xi32>
          %gt3A_293 = arith.constant 0 : i32
          %gt3A_294 = arith.cmpi sgt, %reduce_max3A_292, %gt3A_293 : i32
          scf.condition(%gt3A_294) %while3A_282, %while3A_283 : vector<16xi1>, i32
        } do {
        ^bb0(%while3A_282: vector<16xi1>, %while3A_283: i32):
          %all_reduce_ffs3A = tpu.all_reduce %while3A_282 {dim = 0 : i64, kind = #tpu.reduction_kind<find_first_set>} : vector<16xi1> -> vector<16xi32>
          %reduce_max3A_284 = arith.constant true
          %reduce_max3A_285 = vector.broadcast %reduce_max3A_284 : i1 to vector<16xi1>
          %reduce_max3A_286 = arith.constant -2147483648 : i32
          %reduce_max3A_287 = vector.broadcast %reduce_max3A_286 : i32 to vector<16xi32>
          %reduce_max3A_288 = arith.xori %all_reduce_ffs3A, %reduce_max3A_287 : vector<16xi32>
          %reduce_max3A_289 = tpu.scan <max>, %reduce_max3A_288 masked %reduce_max3A_285 : vector<16xi32>, vector<16xi1> -> vector<16xi32>
          %reduce_max3A_290 = arith.xori %reduce_max3A_289, %reduce_max3A_287 : vector<16xi32>
          %reduce_max3A_291 = vector.extract %reduce_max3A_290[15] : i32 from vector<16xi32>
          %eq3A_292 = vector.broadcast %reduce_max3A_291 : i32 to vector<16xi32>
          %eq3A_293 = arith.cmpi eq, %iota3A, %eq3A_292 : vector<16xi32>
          %jit3A_294 = arith.constant 0 : i32
          %broadcast_in_dim3A_295 = vector.broadcast %jit3A_294 : i32 to vector<16xi32>
          %select_n3A_296 = arith.select %eq3A_293, %and3A_251, %broadcast_in_dim3A_295 : vector<16xi1>, vector<16xi32>
          %reduce_max3A_297 = arith.constant true
          %reduce_max3A_298 = vector.broadcast %reduce_max3A_297 : i1 to vector<16xi1>
          %reduce_max3A_299 = arith.constant -2147483648 : i32
          %reduce_max3A_300 = vector.broadcast %reduce_max3A_299 : i32 to vector<16xi32>
          %reduce_max3A_301 = arith.xori %select_n3A_296, %reduce_max3A_300 : vector<16xi32>
          %reduce_max3A_302 = tpu.scan <max>, %reduce_max3A_301 masked %reduce_max3A_298 : vector<16xi32>, vector<16xi1> -> vector<16xi32>
          %reduce_max3A_303 = arith.xori %reduce_max3A_302, %reduce_max3A_300 : vector<16xi32>
          %reduce_max3A_304 = vector.extract %reduce_max3A_303[15] : i32 from vector<16xi32>
          %jit3A_305 = arith.constant 0 : i32
          %broadcast_in_dim3A_306 = vector.broadcast %jit3A_305 : i32 to vector<16xi32>
          %select_n3A_307 = arith.select %eq3A_293, %shift_right_arithmetic3A_254, %broadcast_in_dim3A_306 : vector<16xi1>, vector<16xi32>
          %reduce_max3A_308 = arith.constant true
          %reduce_max3A_309 = vector.broadcast %reduce_max3A_308 : i1 to vector<16xi1>
          %reduce_max3A_310 = arith.constant -2147483648 : i32
          %reduce_max3A_311 = vector.broadcast %reduce_max3A_310 : i32 to vector<16xi32>
          %reduce_max3A_312 = arith.xori %select_n3A_307, %reduce_max3A_311 : vector<16xi32>
          %reduce_max3A_313 = tpu.scan <max>, %reduce_max3A_312 masked %reduce_max3A_309 : vector<16xi32>, vector<16xi1> -> vector<16xi32>
          %reduce_max3A_314 = arith.xori %reduce_max3A_313, %reduce_max3A_311 : vector<16xi32>
          %reduce_max3A_315 = vector.extract %reduce_max3A_314[15] : i32 from vector<16xi32>
          %broadcast_in_dim3A_316 = arith.constant 0 : i32
          %broadcast_in_dim3A_317 = vector.broadcast %broadcast_in_dim3A_316 : i32 to vector<16xi32>
          %sub3A_318 = arith.constant 31232 : i32
          %sub3A_319 = arith.subi %reduce_max3A_304, %sub3A_318 : i32
          %add3A_320 = vector.broadcast %sub3A_319 : i32 to vector<16xi32>
          %add3A_321 = arith.addi %broadcast_in_dim3A_317, %add3A_320 : vector<16xi32>
          %ge3A_322 = arith.constant 8 : i32
          %ge3A_323 = arith.cmpi sge, %while3A_283, %ge3A_322 : i32
          %convert_element_type3A_324 = arith.extui %ge3A_323 : i1 to i32
          %cond3A_325 = arith.constant 0 : i32
          %cond3A_326 = arith.cmpi ne, %convert_element_type3A_324, %cond3A_325 : i32
          scf.if %cond3A_326 {
            %dma_wait3A = arith.constant 0 : i32
            %dma_wait3A_389 = tpu.memref_slice %arg10[%dma_wait3A] : memref<512xf32, #tpu.memory_space<vmem>> -> memref<64xf32, #tpu.memory_space<vmem>>
            %dma_wait3A_390 = arith.constant 0 : i32
            %dma_wait3A_391 = tpu.memref_slice %arg4[%dma_wait3A_390] : memref<2097152xf32, #tpu.memory_space<hbm>> -> memref<64xf32, #tpu.memory_space<hbm>>
            %dma_wait3A_392 = arith.constant 0 : i32
            %dma_wait3A_393 = tpu.memref_slice %arg4[%dma_wait3A_392] : memref<2097152xf32, #tpu.memory_space<hbm>> -> memref<64xf32, #tpu.memory_space<hbm>>
            %dma_wait3A_394 = arith.constant 0 : i32
            %dma_wait3A_395 = tpu.memref_slice %arg10[%dma_wait3A_394] : memref<512xf32, #tpu.memory_space<vmem>> -> memref<64xf32, #tpu.memory_space<vmem>>
            tpu.wait_dma2 semaphore(%arg12 : memref<!tpu.dma_semaphore, #tpu.memory_space<semaphore_mem>>) src(%dma_wait3A_395 : memref<64xf32, #tpu.memory_space<vmem>>) dst(%dma_wait3A_393 : memref<64xf32, #tpu.memory_space<hbm>>)
          } else {
          }
          %jit3A_327 = arith.constant 8 : i32
          %eq3A_328 = arith.constant 0 : i32
          %eq3A_329 = arith.cmpi eq, %jit3A_327, %eq3A_328 : i32
          %jit3A_330 = arith.constant 1 : i32
          %select_n3A_331 = arith.select %eq3A_329, %jit3A_330, %jit3A_327 : i32
          %rem3A_332 = arith.remsi %while3A_283, %select_n3A_331 : i32
          %ne3A_333 = arith.constant 0 : i32
          %ne3A_334 = arith.cmpi ne, %rem3A_332, %ne3A_333 : i32
          %lt3A_335 = arith.constant 0 : i32
          %lt3A_336 = arith.cmpi slt, %rem3A_332, %lt3A_335 : i32
          %lt3A_337 = arith.constant 0 : i32
          %lt3A_338 = arith.cmpi slt, %select_n3A_331, %lt3A_337 : i32
          %ne3A_339 = arith.xori %lt3A_336, %lt3A_338 : i1
          %and3A_340 = arith.andi %ne3A_339, %ne3A_334 : i1
          %add3A_341 = arith.addi %rem3A_332, %select_n3A_331 : i32
          %select_n3A_342 = arith.select %and3A_340, %add3A_341, %rem3A_332 : i32
          %mul3A_343 = arith.constant 64 : i32
          %mul3A_344 = arith.muli %select_n3A_342, %mul3A_343 : i32
          %multiple_of3A_345 = tpu.assume_multiple %mul3A_344, 64 : i32
          %add3A_346 = arith.constant 0 : i32
          %add3A_347 = vector.broadcast %add3A_346 : i32 to vector<16xi32>
          %add3A_348 = arith.addi %add3A_347, %iota3A : vector<16xi32>
          %gather3A = tpu.vector_load_idx %arg9[%add3A_348, %add3A_321] : memref<64x64xf32, #tpu.memory_space<vmem>>[vector<16xi32>, vector<16xi32>], vector<16xf32>,
          %add3A_349 = arith.constant 0 : i32
          %add3A_350 = arith.addi %multiple_of3A_345, %add3A_349 : i32
          %swap3A_351 = arith.index_cast %add3A_350 : i32 to index
          %swap3A_352 = tpu.vector_load %arg10[%swap3A_351] {strides = array<i32>} : memref<512xf32, #tpu.memory_space<vmem>>, vector<16xf32>,
          tpu.vector_store %arg10[%swap3A_351], %gather3A {strides = array<i32>} : memref<512xf32, #tpu.memory_space<vmem>>, vector<16xf32>,
          %add3A_353 = arith.constant 16 : i32
          %add3A_354 = vector.broadcast %add3A_353 : i32 to vector<16xi32>
          %add3A_355 = arith.addi %add3A_354, %iota3A : vector<16xi32>
          %gather3A_356 = tpu.vector_load_idx %arg9[%add3A_355, %add3A_321] : memref<64x64xf32, #tpu.memory_space<vmem>>[vector<16xi32>, vector<16xi32>], vector<16xf32>,
          %add3A_357 = arith.constant 16 : i32
          %add3A_358 = arith.addi %multiple_of3A_345, %add3A_357 : i32
          %swap3A_359 = arith.index_cast %add3A_358 : i32 to index
          %swap3A_360 = tpu.vector_load %arg10[%swap3A_359] {strides = array<i32>} : memref<512xf32, #tpu.memory_space<vmem>>, vector<16xf32>,
          tpu.vector_store %arg10[%swap3A_359], %gather3A_356 {strides = array<i32>} : memref<512xf32, #tpu.memory_space<vmem>>, vector<16xf32>,
          %add3A_361 = arith.constant 32 : i32
          %add3A_362 = vector.broadcast %add3A_361 : i32 to vector<16xi32>
          %add3A_363 = arith.addi %add3A_362, %iota3A : vector<16xi32>
          %gather3A_364 = tpu.vector_load_idx %arg9[%add3A_363, %add3A_321] : memref<64x64xf32, #tpu.memory_space<vmem>>[vector<16xi32>, vector<16xi32>], vector<16xf32>,
          %add3A_365 = arith.constant 32 : i32
          %add3A_366 = arith.addi %multiple_of3A_345, %add3A_365 : i32
          %swap3A_367 = arith.index_cast %add3A_366 : i32 to index
          %swap3A_368 = tpu.vector_load %arg10[%swap3A_367] {strides = array<i32>} : memref<512xf32, #tpu.memory_space<vmem>>, vector<16xf32>,
          tpu.vector_store %arg10[%swap3A_367], %gather3A_364 {strides = array<i32>} : memref<512xf32, #tpu.memory_space<vmem>>, vector<16xf32>,
          %add3A_369 = arith.constant 48 : i32
          %add3A_370 = vector.broadcast %add3A_369 : i32 to vector<16xi32>
          %add3A_371 = arith.addi %add3A_370, %iota3A : vector<16xi32>
          %gather3A_372 = tpu.vector_load_idx %arg9[%add3A_371, %add3A_321] : memref<64x64xf32, #tpu.memory_space<vmem>>[vector<16xi32>, vector<16xi32>], vector<16xf32>,
          %add3A_373 = arith.constant 48 : i32
          %add3A_374 = arith.addi %multiple_of3A_345, %add3A_373 : i32
          %swap3A_375 = arith.index_cast %add3A_374 : i32 to index
          %swap3A_376 = tpu.vector_load %arg10[%swap3A_375] {strides = array<i32>} : memref<512xf32, #tpu.memory_space<vmem>>, vector<16xf32>,
          tpu.vector_store %arg10[%swap3A_375], %gather3A_372 {strides = array<i32>} : memref<512xf32, #tpu.memory_space<vmem>>, vector<16xf32>,
          %mul3A_377 = arith.constant 2 : i32
          %mul3A_378 = arith.muli %reduce_max3A_315, %mul3A_377 : i32
          %mul3A_379 = arith.constant 64 : i32
          %mul3A_380 = arith.muli %mul3A_378, %mul3A_379 : i32
          %dma_start3A_381 = tpu.memref_slice %arg10[%multiple_of3A_345] : memref<512xf32, #tpu.memory_space<vmem>> -> memref<64xf32, #tpu.memory_space<vmem>>
          %dma_start3A_382 = tpu.memref_slice %arg4[%mul3A_380] : memref<2097152xf32, #tpu.memory_space<hbm>> -> memref<64xf32, #tpu.memory_space<hbm>>
          %dma_start3A_383 = tpu.memref_slice %arg4[%mul3A_380] : memref<2097152xf32, #tpu.memory_space<hbm>> -> memref<64xf32, #tpu.memory_space<hbm>>
          %dma_start3A_384 = tpu.memref_slice %arg10[%multiple_of3A_345] : memref<512xf32, #tpu.memory_space<vmem>> -> memref<64xf32, #tpu.memory_space<vmem>>
          tpu.enqueue_dma source(%dma_start3A_384 : memref<64xf32, #tpu.memory_space<vmem>>) target(%dma_start3A_383 : memref<64xf32, #tpu.memory_space<hbm>>) target_semaphore(%arg12 : memref<!tpu.dma_semaphore, #tpu.memory_space<semaphore_mem>>)
          %not3A = arith.constant dense<true> : vector<16xi1>
          %not3A_385 = arith.xori %eq3A_293, %not3A : vector<16xi1>
          %and3A_386 = arith.andi %while3A_282, %not3A_385 : vector<16xi1>
          %add3A_387 = arith.constant 1 : i32
          %add3A_388 = arith.addi %while3A_283, %add3A_387 : i32
          scf.yield %and3A_386, %add3A_388 : vector<16xi1>, i32
        }
        scf.yield %while3A_281#1 : i32
      } else {
        scf.yield %while3A_178 : i32
      }
      scf.yield %cond3A_277 : i32
    }
    %min3A_174 = arith.constant 8 : i32
    %min3A_175 = arith.minsi %while3A_173, %min3A_174 : i32
    %while3A_176 = scf.while (%while3A_177 = %min3A_175) : (i32) -> i32 {
      %gt3A = arith.constant 0 : i32
      %gt3A_178 = arith.cmpi sgt, %while3A_177, %gt3A : i32
      scf.condition(%gt3A_178) %while3A_177 : i32
    } do {
    ^bb0(%while3A_177: i32):
      %dma_wait3A = arith.constant 0 : i32
      %dma_wait3A_178 = tpu.memref_slice %arg10[%dma_wait3A] : memref<512xf32, #tpu.memory_space<vmem>> -> memref<64xf32, #tpu.memory_space<vmem>>
      %dma_wait3A_179 = arith.constant 0 : i32
      %dma_wait3A_180 = tpu.memref_slice %arg4[%dma_wait3A_179] : memref<2097152xf32, #tpu.memory_space<hbm>> -> memref<64xf32, #tpu.memory_space<hbm>>
      %dma_wait3A_181 = arith.constant 0 : i32
      %dma_wait3A_182 = tpu.memref_slice %arg4[%dma_wait3A_181] : memref<2097152xf32, #tpu.memory_space<hbm>> -> memref<64xf32, #tpu.memory_space<hbm>>
      %dma_wait3A_183 = arith.constant 0 : i32
      %dma_wait3A_184 = tpu.memref_slice %arg10[%dma_wait3A_183] : memref<512xf32, #tpu.memory_space<vmem>> -> memref<64xf32, #tpu.memory_space<vmem>>
      tpu.wait_dma2 semaphore(%arg12 : memref<!tpu.dma_semaphore, #tpu.memory_space<semaphore_mem>>) src(%dma_wait3A_184 : memref<64xf32, #tpu.memory_space<vmem>>) dst(%dma_wait3A_182 : memref<64xf32, #tpu.memory_space<hbm>>)
      %sub3A_185 = arith.constant 1 : i32
      %sub3A_186 = arith.subi %while3A_177, %sub3A_185 : i32
      scf.yield %sub3A_186 : i32
    }
    return
  }
}

</mosaic_0001>

<sc_bundles>
// kernel: kernel.3.cloned.1.call-start
scs
__scs_entry_jumppad:
0x0: {  	(pc) =	sbr.rel $0x88, $3  }
0x1: {  	(tag) =	ssettag $0x0;
	lr =	simm.s32 $0x1  }
0x2: {  	[smem:$0x3F9F] =	sst lr;
	_ =	strace $0xD0000000  }
0x3: {  	_ = 	snop  }
0x4: {  	_ = 	snop  }
0x5: {  	_ = 	snop  }
0x6: {  	_ = 	snop  }
0x7: {  	_ = 	snop  }
__scs_overlays_trampoline_lowered:
0x8: {  	[smem:$0x3FAE] =	sst s0  }
0x9: {  	[smem:$0x3FAF] =	sst s1  }
0xa: {  	[smem:$0x3FB0] =	sst s2  }
0xb: {  	[smem:$0x3FB1] =	sst s3  }
0xc: {  	[smem:$0x3FB2] =	sst s4  }
0xd: {  	[smem:$0x3FB3] =	sst s5  }
0xe: {  	[smem:$0x3FB4] =	sst s6  }
0xf: {  	[smem:$0x3FB5] =	sst s7  }
0x10: {  	[smem:$0x3FB6] =	sst s8  }
0x11: {  	[smem:$0x3FB7] =	sst s9;
	s0 =	simm.s32 @!p0 $0x0  }
0x12: {  	s1 =	sld [smem:$0x3F9D];
	s0 =	simm.s32 @p0 $0x1  }
0x13: {  	[smem:$0x3FB8] =	sst s0;
	s0 =	simm.s32 @!p1 $0x0  }
0x14: {  	s2 =	sld [smem:$0x3F9C];
	s0 =	simm.s32 @p1 $0x1  }
0x15: {  	[smem:$0x3FB9] =	sst s0;
	s0 =	simm.s32 @!p2 $0x0  }
0x16: {  	s3 =	sld [smem:$0x3FDB];
	s0 =	simm.s32 @p2 $0x1  }
0x17: {  	s4 =	simm.s32 $0x1BF5;
	[smem:$0x3FBB] =	sst s0  }
0x18: {  	s0 =	sld [smem:$0x3F9E];
	_ =	swait.ge [sflag:s4], $0x0  }
0x19: {  	s7 =	sld [smem:$0x3F9F]  }
0x1a: {  	s8 =	sadd.s32 $0xFFFFE003, lr  }
0x1b: {  	s9 =	sadd.s32 $0xFFFFFEF7, lr;
	s5 =	simm.s32 $0xFFFFFFFF;
	p2 =	slt.u32 s8, $0xFFFFF086  }
0x1c: {  	p1 =	slt.u32 s9, $0xF7A;
	s5 =	simm.s32 @!p2 $0x0  }
0x1d: {  	s5 =	simm.s32 @p1 $0x1;
	p0 =	seq.s32 s7, s2  }
0x1e: {  	s7 =	smul.u32 @!p0 $0xF7A, s2;
	p2 =	seq.s32 @!p0 s5, $0x0  }
0x1f: {  	s9 =	smul.u32 $0xF7A, s1;
	s8 =	simm.s32 @!p0 $0x1BF5;
	p2 =	por !p2, p0  }
0x20: {  	[sflag:s8] =	ssyncset.s32 @!p0 $0xFFFFF086;
	s6 =	sadd.s32 @!p0 s3, s7;
	s7 =	simm.s32 @!p0 $0x108  }
0x21: {  	s3 =	sadd.s32 s3, s9;
	s6 =	sadd.s32 @!p0 $0x88, s6;
	s7 =	simm.s32 @p2 $0x1082  }
0x22: {  	[simem:s7], [sflag:s8] =	dma.local @!p0 [hbm:s6], $0xF7A  }
0x23: {  	s9 =	sor.u32 $0xD0000000, s2;
	s6 =	simm.s32 $0x108;
	_ =	swait.ge @!p0 [sflag:s8], $0x0  }
0x24: {  	s3 =	sadd.s32 $0x88, s3;
	s6 =	simm.s32 @!p1 $0x1082;
	[sflag:s4] =	ssyncset.s32 $0xFFFFF086  }
0x25: {  	[simem:s6], [sflag:s4] =	dma.local [hbm:s3], $0xF7A  }
0x26: {  	[smem:$0x3F9F] =	sst s1;
	(tag) =	ssettag s2;
	_ =	strace s9  }
0x27: {  	s1 =	sld [smem:$0x3FAF]  }
0x28: {  	s2 =	sld [smem:$0x3FB0]  }
0x29: {  	s4 =	sld [smem:$0x3FB2]  }
0x2a: {  	p0 =	seq.s32 s5, $0x0;
	s5 =	sld [smem:$0x3FB3]  }
0x2b: {  	s6 =	sld [smem:$0x3FB4]  }
0x2c: {  	s7 =	sld [smem:$0x3FB5]  }
0x2d: {  	s3 =	simm.s32 $0x108;
	s8 =	sld [smem:$0x3FB6]  }
0x2e: {  	s3 =	simm.s32 @!p0 $0x1082;
	s9 =	sld [smem:$0x3FB7]  }
0x2f: {  	lr =	sadd.s32 s0, s3;
	s0 =	sld [smem:$0x3FAE]  }
0x30: {  	s3 =	sld [smem:$0x3FB1]  }
0x31: {  	[smem:$0x3FBA] =	sst s10  }
0x32: {  	s10 =	sld [smem:$0x3FB8];
	_ =	sdelay $0x3  }
0x33: {  	p0 =	seq.s32 s10, $0x1;
	s10 =	sld [smem:$0x3FBA];
	_ =	sdelay $0x3  }
0x34: {  	[smem:$0x3FBA] =	sst s10  }
0x35: {  	s10 =	sld [smem:$0x3FB9];
	_ =	sdelay $0x3  }
0x36: {  	p1 =	seq.s32 s10, $0x1;
	s10 =	sld [smem:$0x3FBA];
	_ =	sdelay $0x3  }
0x37: {  	[smem:$0x3FBA] =	sst s10  }
0x38: {  	s10 =	sld [smem:$0x3FBB]  }
0x39: {  	_ = 	snop;
	(pc) =	sbr.ind lr, $3  }
0x3a: {  	_ = 	snop  }
0x3b: {  	_ = 	snop  }
0x3c: {  	p2 =	seq.s32 s10, $0x1;
	s10 =	sld [smem:$0x3FBA]  }
0x3d: {  	_ =	shalt  }
0x3e: {  	_ =	shalt  }
0x3f: {  	_ =	shalt  }
0x40: {  	_ =	shalt  }
0x41: {  	_ =	shalt  }
0x42: {  	_ =	shalt  }
0x43: {  	_ =	shalt  }
0x44: {  	_ =	shalt  }
0x45: {  	_ =	shalt  }
0x46: {  	_ =	shalt  }
0x47: {  	_ =	shalt  }
0x48: {  	_ =	shalt  }
0x49: {  	_ =	shalt  }
0x4a: {  	_ =	shalt  }
0x4b: {  	_ =	shalt  }
0x4c: {  	_ =	shalt  }
0x4d: {  	_ =	shalt  }
0x4e: {  	_ =	shalt  }
0x4f: {  	_ =	shalt  }
0x50: {  	_ =	shalt  }
0x51: {  	_ =	shalt  }
0x52: {  	_ =	shalt  }
0x53: {  	_ =	shalt  }
0x54: {  	_ =	shalt  }
0x55: {  	_ =	shalt  }
0x56: {  	_ =	shalt  }
0x57: {  	_ =	shalt  }
0x58: {  	_ =	shalt  }
0x59: {  	_ =	shalt  }
0x5a: {  	_ =	shalt  }
0x5b: {  	_ =	shalt  }
0x5c: {  	_ =	shalt  }
0x5d: {  	_ =	shalt  }
0x5e: {  	_ =	shalt  }
0x5f: {  	_ =	shalt  }
0x60: {  	_ =	shalt  }
0x61: {  	_ =	shalt  }
0x62: {  	_ =	shalt  }
0x63: {  	_ =	shalt  }
0x64: {  	_ =	shalt  }
0x65: {  	_ =	shalt  }
0x66: {  	_ =	shalt  }
0x67: {  	_ =	shalt  }
0x68: {  	_ =	shalt  }
0x69: {  	_ =	shalt  }
0x6a: {  	_ =	shalt  }
0x6b: {  	_ =	shalt  }
0x6c: {  	_ =	shalt  }
0x6d: {  	_ =	shalt  }
0x6e: {  	_ =	shalt  }
0x6f: {  	_ =	shalt  }
0x70: {  	_ =	shalt  }
0x71: {  	_ =	shalt  }
0x72: {  	_ =	shalt  }
0x73: {  	_ =	shalt  }
0x74: {  	_ =	shalt  }
0x75: {  	_ =	shalt  }
0x76: {  	_ =	shalt  }
0x77: {  	_ =	shalt  }
0x78: {  	_ =	shalt  }
0x79: {  	_ =	shalt  }
0x7a: {  	_ =	shalt  }
0x7b: {  	_ =	shalt  }
0x7c: {  	_ =	shalt  }
0x7d: {  	_ =	shalt  }
0x7e: {  	_ =	shalt  }
0x7f: {  	_ =	shalt  }
0x80: {  	_ =	shalt  }
0x81: {  	_ =	shalt  }
0x82: {  	_ =	shalt  }
0x83: {  	_ =	shalt  }
0x84: {  	_ =	shalt  }
0x85: {  	_ =	shalt  }
0x86: {  	_ =	shalt  }
0x87: {  	_ =	shalt  }
.Lfunc_end0:
.L_simem_size_0:
called_computation_lowered:
.L_overlay_start_0:
0x88: {  	s2 =	sld [smem:$0x3FD9]  }
0x89: {  	s3 =	sld [smem:$0x3FFE];
	_ =	sdelay $0x1  }
0x8a: {  	s1 =	srdreg.scid  }
0x8b: {  	s0 =	sand.u32 $0x1, s1  }
0x8c: {  	s17 =	sshll.u32 s0, $0xA;
	s2 =	sadd.s32 s3, s2  }
0x8d: {  	s2 =	sadd.s32 s2, s17  }
0x8e: {  	[smem:$0x3FC6] =	sst s2  }
0x8f: {  	_ = 	snop  }
0x90: {  	s2 =	sld [smem:$0x3FC9]  }
0x91: {  	s18 =	sld [smem:$0x3FC8];
	(tm) =	ssettm $0x1  }
0x92: {  	s4 =	sld [smem:$0x3FFB];
	_ =	sdelay $0x3  }
0x93: {  	_ =	strace s4  }
0x94: {  	s4 =	sld [smem:$0x3FFC];
	_ =	sdelay $0x3  }
0x95: {  	_ =	strace s4  }
0x96: {  	s4 =	sld [smem:$0x3FFD];
	_ =	sdelay $0x3  }
0x97: {  	_ =	strace s4  }
0x98: {  	_ =	strace $0x8FFFFFFF  }
0x99: {  	s19 =	sld [smem:$0x3FDB];
	_ =	sdelay $0x1  }
0x9a: {  	s5 =	simm.s32 $_scs_section_size  }
0x9b: {  	s6 =	simm.s32 $_size__tile_overlayer_lowered;
	s7 =	simm.s32 $_tile_overlayer_lowered  }
0x9c: {  	s22 =	simm.s32 $0x1BFF;
	s21 =	sshll.u32 s7, $0x1;
	s4 =	sadd.s32 s5, s19  }
0x9d: {  	s8 =	simm.s32 $0x0;
	s20 =	sshll.u32 s6, $0x1;
	s6 =	sadd.s32 s21, s4  }
0x9e: {  	[timem:s8], [sflag:s22] =	dma.local [hbm:s6], s20  }
0x9f: {  	_ =	swait.ge [sflag:s22], s20  }
0xa0: {  	s5 =	ssub.s32 $0x0, s20;
	[sflag:s22] =	ssyncset.done $0x0  }
0xa1: {  	[sflag:s22] =	ssyncadd.s32 s5;
	_ =	sdelay $0x1  }
0xa2: {  	s23 =	simm.s32 $0x1B8B  }
0xa3: {  	_ =	swait.ge [sflag:s23], $0x1  }
0xa4: {  	[sflag:s23] =	ssyncset.done $0x0  }
0xa5: {  	s25 =	simm.s32 $0x1B8E;
	s24 =	sld [smem:$0x3FFE];
	[sflag:s23] =	ssyncadd.s32 $0xFFFFFFFF  }
0xa6: {  	s26 =	simm.s32 $execute0_lowered;
	[smem:$0x3FD2] =	sst s25  }
0xa7: {  	s6 =	sshll.u32 s26, $0x1;
	_ =	strace $0x80000046;
	[dreg:$0x1] =	wrdreg $0xFFFFFFFF  }
0xa8: {  	s28 =	simm.s32 $_size_execute0_lowered;
	s4 =	sadd.s32 s4, s6;
	[dreg:$0x0] =	wrdreg $0x0  }
0xa9: {  	s6 =	sshll.u32 s28, $0x1;
	[dreg:$0x2] =	wrdreg s4  }
0xaa: {  	[dreg:$0x3] =	wrdreg s6  }
0xab: {  	[dreg:$0x4] =	wrdreg $0xC0  }
0xac: {  	_ =	task [dreg:s8], $0x5FFFF  }
0xad: {  	[dreg:$0x1] =	wrdreg $0xFFFFFFFF  }
0xae: {  	[dreg:$0x0] =	wrdreg $0x60  }
0xaf: {  	[dreg:$0x2] =	wrdreg s2  }
0xb0: {  	[dreg:$0x3] =	wrdreg s18  }
0xb1: {  	[dreg:$0x4] =	wrdreg s24  }
0xb2: {  	[dreg:$0x5] =	wrdreg $0x9  }
0xb3: {  	_ =	task.clear_ibuf [dreg:s8], $0x6FFFF;
	_ =	strace $0x90000046  }
0xb4: {  	s29 =	simm.s32 $0x9;
	_ =	strace $0x80000048  }
0xb5: {  	_ =	swait.ge [sflag:s29], $0x1  }
0xb6: {  	[sflag:s29] =	ssyncadd.s32 $0xFFFFFFFF  }
0xb7: {  	_ =	strace $0x90000048  }
0xb8: {  	_ =	sfence  }
0xb9: {  	s30 =	sld [smem:$0x0];
	_ =	sdelay $0x2  }
0xba: {  	s31 =	sshll.u32 s1, $0xD;
	s1 =	sshrl.u32 s1, $0x2  }
0xbb: {  	s3 =	sand.u32 $0x4000, s31;
	s1 =	sadd.s32 s1, s30  }
0xbc: {  	s0 =	sor.u32 s3, s0;
	s1 =	sshll.u32 s1, $0x11  }
0xbd: {  	s0 =	sor.u32 s1, s0  }
0xbe: {  	s0 =	sadd.s32 $0x8F2B, s0  }
0xbf: {  	[sflag:s0] =	ssyncadd.remote.s32 $0x1  }
0xc0: {  	_ =	sfence.sel $0xFFFF  }
0xc1: {  	[dreg:$0x0] =	wrdreg $0xFFFFFFFF;
	(pc) =	sbr.abs _section_cstart, $3  }
0xc2: {  	[dreg:$0x1] =	wrdreg $0xFFFFFFFF  }
0xc3: {  	_ =	task.clear_ibuf [dreg:s8], $0x2FFFF;
	_ =	strace $0x9FFFFFFF  }
0xc4: {  	(tm) =	ssettm $0x7FFFFFFF  }
0xc5: {  	_ =	shalt  }
tec
execute0_lowered:
.L_overlay_start_1:
0x0: {  	(tag) =	ssettag $0x1  }
0x1: {  	s1 =	rddreg [dreg:$0x0]  }
0x2: {  	s9 =	rddreg [dreg:$0x1]  }
0x3: {  	s4 =	rddreg [dreg:$0x2]  }
0x4: {  	s0 =	rddreg [dreg:$0x3]  }
0x5: {  	s5 =	srdreg.scid;
	s2 =	stileid.u32  }
0x6: {  	s3 =	simm.s32 $0x0;
	s13 =	simm.s32 $0x5080;
	s14 =	simm.s32 $0xD080  }
0x7: {  	s15 =	simm.s32 $0x3;
	s16 =	simm.s32 $0x1;
	s17 =	simm.s32 $0x15080  }
0x8: {  	s19 =	simm.s32 $0x2;
	s20 =	simm.s32 $0x0;
	s5 =	sand.u32 $0x1, s5  }
0x9: {  	s6 =	sshll.u32 s2, $0x1;
	[smem:$0x7FF] =	sst s3;
	s4 =	sadd.s32 $0x400, s4  }
0xa: {  	p0 =	slt.u32 s2, $0x2;
	s18 =	sor.u32 s5, s6;
	s5 =	ssub.s32 $0x2, s5  }
0xb: {  	_ =	strace $0x80000047;
	s6 =	smul.u32 $0xF4, s18;
	s7 =	sshrl.u32 s5, $0x1  }
0xc: {  	vm0 =	vmxor vm0, vm0;
	s8 =	smin.u32 s18, $0x4;
	s10 =	ssub.s32 s5, s7;
	s5 =	simm.s32 $0x80  }
0xd: {  	vm1 =	vmmov vm0;
	p1 =	seq.s32 s18, $0x1F;
	s29 =	sadd.s32 s8, s6;
	s5 =	simm.s32 @!p0 $0x0  }
0xe: {  	vm1 =	vmneg @p0 vm1;
	s6 =	simm.s32 $0x40;
	s10 =	smax.u32 s10, $0x1;
	p0 =	sgt.u32 s2, $0x1  }
.Ltmp0:
0xf: {  	v0 =	vlaneseq.u32;
	s11 =	sshll.u32 s29, $0x7;
	s6 =	simm.s32 @!p1 $0x0;
	(pc) =	sbr.rel .LBB2_1-.Ltmp0, $4  }
0x10: {  	v3 =	vmul.u32 $0x200, v0;
	vm0 =	vmneg @p1 vm0;
	p1 =	sne.s32 s18, $0x1F;
	s18 =	simm.s32 $0x17080;
	s30 =	sadd.s32 $0x7A00, s11  }
0x11: {  	v5 =	vimm.s32 $0x7FFF;
	v4 =	vmul.u32 $0x8000, v0;
	v9 =	vand.u32 $0x7, v0;
	s31 =	sadd.s32 s5, s30;
	s5 =	sadd.s32 s9, s11;
	s8 =	sadd.s32 s9, s30  }
0x12: {  	v9 =	vmul.u32 $0x80, v9;
	v6 =	vor.u32 $0x6000, v3;
	v1 =	vmov s11;
	s9 =	sadd.s32 $0xF4200, s9;
	s11 =	simm.s32 $0x1000;
	s12 =	sor.u32 s6, s31  }
0x13: {  	v7 =	vor.u32 $0x4000, v3;
	v8 =	vor.u32 $0x2000, v3;
	s6 =	sadd.s32 $0x200, s5;
	s7 =	sadd.s32 $0x400, s5;
	v2 =	vmov s12;
	s12 =	simm.s32 $0x7A1400  }
.LBB2_56:
0x14: {  	[sflag:s19] =	ssyncadd.s32 $0xFFFFFFC0  }
.LBB2_57:
0x15: {  	s20 =	sadd.s32 $0x1, s20  }
0x16: {  	p2 =	sne.s32 s20, s10  }
.Ltmp1:
0x17: {  	_ = 	snop;
	(pc) =	sbr.rel @!p2 .LBB2_58-.Ltmp1, $1  }
0x18: {  	_ =	sdelay $0x3  }
.LBB2_1:
0x19: {  	[tilespmem:s13], [sflag:$0x1] =	stream.strided.gather [hbm4b:s5+s11], $0x8000, s12, s11, $0x38;
	[tilespmem:$0x19280] =	vst v63  }
0x1a: {  	s21 =	simm.s32 $0x0;
	s23 =	simm.s32 $0x0;
	s22 =	simm.s32 $0x0  }
0x1b: {  	[tilespmem:s14], [sflag:$0x1] =	stream.strided.gather [hbm4b:s6+s11], $0x8000, s12, s11, $0x38;
	[tilespmem:$0x19280] =	vst v63  }
.LBB2_2:
0x1c: {  	s24 =	sshll.u32 s22, $0x9  }
0x1d: {  	s25 =	simm.s32 $0x0;
	s24 =	sadd.s32 s1, s24  }
0x1e: {  	[tilespmem:s25], [sflag:$0x3] =	stream.linear.gather [hbm4b:s24+s25], $0x1000, $0x38;
	[tilespmem:$0x19280] =	vst v63  }
0x1f: {  	_ =	swait.ge [sflag:s15], $0x1000  }
0x20: {  	[sflag:s15] =	ssyncset.done $0x0  }
0x21: {  	s26 =	simm.s32 $0x20;
	[sflag:s15] =	ssyncadd.s32 $0xFFFFF000  }
0x22: {  	v12 =	vld [tilespmem:s26+$0xFFFFFFE0];
	_ =	sdelay $0x4  }
0x23: {  	vm2 =	vge.s32 v12, v1;
	vm3 =	vlt.s32 v12, v2  }
0x24: {  	vm5 =	vmand vm2, vm3  }
0x25: {  	v10 =	vmpcnt.ones.xlane vm5;
	_ =	sdelay $0x1  }
0x26: {  	v10 =	vxor.u32 $0x80000000, v10  }
0x27: {  	v13 =	vld [tilespmem:s26+$0xFFFFFFF0];
	(xrf0) =	vmax.scan.msk.u32 $0xffff, v10  }
0x28: {  	v14 =	vld [tilespmem:s26+$0x0];
	_ =	sdelay $0x1  }
0x29: {  	v15 =	vld [tilespmem:s26+$0x10];
	_ =	sdelay $0x1  }
0x2a: {  	vm2 =	vlt.s32 v13, v2;
	vm3 =	vge.s32 v13, v1  }
0x2b: {  	vm4 =	vlt.s32 v14, v2;
	vm3 =	vmand vm3, vm2;
	v10, _, _ =	vpop (xrf0)  }
0x2c: {  	vm2 =	vge.s32 v14, v1;
	(v2sf) =	vpush v10, $0xF;
	v10 =	vmpcnt.ones.xlane vm3  }
0x2d: {  	vm6 =	vlt.s32 v15, v2;
	vm4 =	vmand vm2, vm4;
	vm2 =	vge.s32 v15, v1  }
0x2e: {  	v11 =	vmpcnt.ones.xlane vm4;
	vm2 =	vmand vm2, vm6;
	v10 =	vxor.u32 $0x80000000, v10  }
0x2f: {  	v16 =	vmpcnt.ones.xlane vm2;
	(xrf0) =	vmax.scan.msk.u32 $0xffff, v10  }
0x30: {  	v11 =	vxor.u32 $0x80000000, v11  }
0x31: {  	v10 =	vxor.u32 $0x80000000, v16;
	(xrf0) =	vmax.scan.msk.u32 $0xffff, v11  }
0x32: {  	s29 =	sadd.s32 $0x0, s21;
	(xrf0) =	vmax.scan.msk.u32 $0xffff, v10  }
0x33: {  	s31 =	sadd.s32 $0x30, s29;
	v11 =	vmov s29  }
0x34: {  	v16 =	vmov s31;
	v17 =	vshll.u32 v11, $0xF  }
0x35: {  	s24 =	sadd.s32 $0x10, s29;
	v11 =	vshll.u32 v16, $0xF;
	v16 =	vor.u32 v4, v17;
	v18, _, _ =	vpop (xrf0)  }
0x36: {  	v17 =	vsub.s32 v12, v1;
	v12 =	vmov s24;
	(v2sf) =	vpush v18, $0xF  }
0x37: {  	v19 =	vshll.u32 v12, $0xF;
	v12 =	vsub.s32 v15, v1;
	v15, _, _ =	vpop (xrf0)  }
0x38: {  	(v2sf) =	vpush v15, $0xF;
	v15, _, _ =	vpop (xrf0)  }
0x39: {  	(v2sf) =	vpush v15, $0xF;
	_ =	sdelay $0x5  }
0x3a: {  	s30 =	sadd.s32 $0x20, s29  }
0x3b: {  	v10 =	vmov s30  }
0x3c: {  	s25 =	simm.s32 $0x60;
	v13 =	vsub.s32 v13, v1;
	v10 =	vshll.u32 v10, $0xF;
	v16 =	vor.u32 v16, v17  }
0x3d: {  	s26 =	simm.s32 $0x80;
	v14 =	vsub.s32 v14, v1;
	s24 =	simm.s32 $0x40;
	v10 =	vor.u32 v4, v10;
	[tilespmem:s23+$0x1000] =	vst.msk vm5, v16;
	v15 =	vor.u32 v4, v19;
	s28 =	spop (v2sf)  }
.LBB2_3:
0x3e: {  	p2 =	sne.s32 s26, $0xFC0  }
0x3f: {  	s23 =	sadd.s32 s28, s23;
	s28 =	smov.u32 s26;
	s26 =	sadd.s32 $0x40, s26  }
0x40: {  	v13 =	vor.u32 v15, v13;
	v10 =	vor.u32 v10, v14;
	v11 =	vor.u32 v4, v11;
	s23 =	sadd.s32 $0x80000000, s23;
	s29 =	spop (v2sf)  }
0x41: {  	v11 =	vor.u32 v11, v12;
	[tilespmem:s23+$0x1000] =	vst.msk vm3, v13;
	s23 =	sadd.s32 s29, s23  }
0x42: {  	s23 =	sadd.s32 $0x80000000, s23;
	s29 =	spop (v2sf)  }
0x43: {  	s24 =	sadd.s32 s24, s21;
	[tilespmem:s23+$0x1000] =	vst.msk vm4, v10;
	s23 =	sadd.s32 s29, s23;
	s29 =	spop (v2sf)  }
0x44: {  	s30 =	sadd.s32 $0x10, s24;
	s31 =	sadd.s32 $0x20, s24;
	v10 =	vmov s24;
	s23 =	sadd.s32 $0x80000000, s23  }
0x45: {  	v12 =	vmov s31;
	s31 =	sadd.s32 $0x30, s24;
	s24 =	smov.u32 s28;
	[tilespmem:s23+$0x1000] =	vst.msk vm2, v11;
	s23 =	sadd.s32 s29, s23  }
0x46: {  	v14 =	vshll.u32 v10, $0xF;
	v10 =	vshll.u32 v12, $0xF;
	v11 =	vmov s31;
	v13 =	vld [tilespmem:s25+$0xFFFFFFE0];
	s23 =	sadd.s32 $0x80000000, s23  }
0x47: {  	v10 =	vor.u32 v4, v10;
	v11 =	vshll.u32 v11, $0xF;
	v15 =	vld [tilespmem:s25+$0xFFFFFFF0]  }
0x48: {  	v16 =	vld [tilespmem:s25+$0x0];
	_ =	sdelay $0x1  }
0x49: {  	v14 =	vor.u32 v4, v14  }
0x4a: {  	vm2 =	vge.s32 v13, v1;
	vm3 =	vlt.s32 v13, v2;
	v13 =	vsub.s32 v13, v1;
	v12 =	vld [tilespmem:s25+$0x10]  }
0x4b: {  	v17 =	vmov s30;
	vm5 =	vmand vm2, vm3;
	vm2 =	vlt.s32 v15, v2  }
0x4c: {  	v17 =	vshll.u32 v17, $0xF;
	vm3 =	vge.s32 v15, v1;
	v18 =	vmpcnt.ones.xlane vm5  }
0x4d: {  	vm3 =	vmand vm3, vm2;
	vm2 =	vge.s32 v16, v1;
	vm4 =	vlt.s32 v16, v2  }
0x4e: {  	v19 =	vmpcnt.ones.xlane vm3;
	vm4 =	vmand vm2, vm4;
	v18 =	vxor.u32 $0x80000000, v18  }
0x4f: {  	v20 =	vmpcnt.ones.xlane vm4;
	vm2 =	vge.s32 v12, v1;
	vm6 =	vlt.s32 v12, v2;
	(xrf0) =	vmax.scan.msk.u32 $0xffff, v18  }
0x50: {  	v18 =	vxor.u32 $0x80000000, v19;
	v12 =	vsub.s32 v12, v1;
	vm2 =	vmand vm2, vm6  }
0x51: {  	v19 =	vor.u32 v14, v13;
	v20 =	vxor.u32 $0x80000000, v20;
	v21 =	vmpcnt.ones.xlane vm2;
	(xrf0) =	vmax.scan.msk.u32 $0xffff, v18  }
0x52: {  	v13 =	vsub.s32 v15, v1;
	v14 =	vsub.s32 v16, v1;
	[tilespmem:s23+$0x1000] =	vst.msk vm5, v19;
	(xrf0) =	vmax.scan.msk.u32 $0xffff, v20  }
0x53: {  	v16 =	vxor.u32 $0x80000000, v21  }
0x54: {  	(xrf0) =	vmax.scan.msk.u32 $0xffff, v16  }
0x55: {  	v15, _, _ =	vpop (xrf0)  }
0x56: {  	(v2sf) =	vpush v15, $0xF  }
0x57: {  	v15, _, _ =	vpop (xrf0)  }
0x58: {  	(v2sf) =	vpush v15, $0xF;
	v15, _, _ =	vpop (xrf0);
	_ =	sdelay $0x1  }
0x59: {  	(v2sf) =	vpush v15, $0xF;
	v15, _, _ =	vpop (xrf0)  }
0x5a: {  	(v2sf) =	vpush v15, $0xF;
	_ =	sdelay $0x4  }
0x5b: {  	v15 =	vor.u32 v4, v17  }
.Ltmp2:
0x5c: {  	(pc) =	sbr.rel @p2 .LBB2_3-.Ltmp2, $2  }
0x5d: {  	_ =	sdelay $0x2  }
0x5e: {  	s25 =	sadd.s32 $0x40, s25;
	s28 =	spop (v2sf)  }
0x5f: {  	s23 =	sadd.s32 s28, s23  }
0x60: {  	s23 =	sadd.s32 $0x80000000, s23;
	s26 =	spop (v2sf)  }
0x61: {  	s26 =	sadd.s32 s26, s23  }
0x62: {  	v13 =	vor.u32 v15, v13;
	s26 =	sadd.s32 $0x80000000, s26;
	s30 =	spop (v2sf)  }
0x63: {  	v10 =	vor.u32 v10, v14;
	v11 =	vor.u32 v4, v11;
	[tilespmem:s23+$0x1000] =	vst.msk vm3, v13;
	s31 =	sadd.s32 s30, s26  }
0x64: {  	v11 =	vor.u32 v11, v12;
	[tilespmem:s26+$0x1000] =	vst.msk vm4, v10;
	s23 =	sadd.s32 $0x80000000, s31  }
0x65: {  	[tilespmem:s23+$0x1000] =	vst.msk vm2, v11  }
0x66: {  	v10 =	vld [tilespmem:s25+$0xFFFFFFE0];
	_ =	sdelay $0x1  }
0x67: {  	v11 =	vld [tilespmem:s25+$0xFFFFFFF0]  }
0x68: {  	v48 =	vld [tilespmem:s25+$0x0];
	_ =	sdelay $0x1  }
0x69: {  	v13 =	vld [tilespmem:s25+$0x10];
	vm2 =	vge.s32 v10, v1;
	vm3 =	vlt.s32 v10, v2  }
0x6a: {  	vm14 =	vmand vm2, vm3  }
0x6b: {  	vm2 =	vlt.s32 v11, v2;
	vm3 =	vge.s32 v11, v1;
	v49 =	vmpcnt.ones.xlane vm14  }
0x6c: {  	vm5 =	vlt.s32 v48, v2;
	vm2 =	vmand vm3, vm2  }
0x6d: {  	vm3 =	vge.s32 v48, v1;
	v50 =	vmpcnt.ones.xlane vm2;
	v14 =	vxor.u32 $0x80000000, v49  }
0x6e: {  	vm15 =	vge.s32 v13, v1;
	vm3 =	vmand vm3, vm5;
	(xrf0) =	vmax.scan.msk.u32 $0xffff, v14  }
0x6f: {  	vm6 =	vlt.s32 v13, v2;
	v16 =	vmpcnt.ones.xlane vm3;
	v51 =	vxor.u32 $0x80000000, v50  }
0x70: {  	vm5 =	vmand vm15, vm6;
	(xrf0) =	vmax.scan.msk.u32 $0xffff, v51  }
0x71: {  	v53 =	vmpcnt.ones.xlane vm5;
	v52 =	vxor.u32 $0x80000000, v16  }
0x72: {  	(xrf0) =	vmax.scan.msk.u32 $0xffff, v52  }
0x73: {  	v54 =	vxor.u32 $0x80000000, v53  }
0x74: {  	(xrf0) =	vmax.scan.msk.u32 $0xffff, v54;
	v55, _, _ =	vpop (xrf0)  }
0x75: {  	(v2sf) =	vpush v55, $0xF  }
0x76: {  	v56, _, _ =	vpop (xrf0)  }
0x77: {  	(v2sf) =	vpush v56, $0xF  }
0x78: {  	v57, _, _ =	vpop (xrf0)  }
0x79: {  	(v2sf) =	vpush v57, $0xF  }
0x7a: {  	v58, _, _ =	vpop (xrf0)  }
0x7b: {  	(v2sf) =	vpush v58, $0xF;
	_ =	sdelay $0x5  }
0x7c: {  	s24 =	sadd.s32 s24, s21  }
0x7d: {  	s28 =	sadd.s32 $0x20, s24;
	s26 =	spop (v2sf)  }
0x7e: {  	v60 =	vmov s28;
	s23 =	sadd.s32 s26, s23  }
0x7f: {  	v15 =	vshll.u32 v60, $0xF;
	s23 =	sadd.s32 $0x80000000, s23;
	s29 =	spop (v2sf)  }
0x80: {  	v59 =	vmov s24;
	s30 =	sadd.s32 $0x10, s24;
	s24 =	sadd.s32 $0x30, s24;
	v15 =	vor.u32 v4, v15;
	s25 =	sadd.s32 s29, s23  }
0x81: {  	s22 =	sadd.s32 $0x1, s22;
	v61 =	vmov s24;
	v17 =	vmov s30;
	v14 =	vshll.u32 v59, $0xF;
	s28 =	spop (v2sf);
	s31 =	sadd.s32 $0x80000000, s25  }
0x82: {  	p2 =	sne.s32 s22, $0x4;
	v17 =	vshll.u32 v17, $0xF;
	v10 =	vsub.s32 v10, v1;
	v14 =	vor.u32 v4, v14;
	s25 =	sadd.s32 s28, s31  }
.Ltmp3:
0x83: {  	v62 =	vor.u32 v4, v17;
	v11 =	vsub.s32 v11, v1;
	v10 =	vor.u32 v14, v10;
	s29 =	spop (v2sf);
	s25 =	sadd.s32 $0x80000000, s25;
	(pc) =	sbr.rel @p2 .LBB2_2-.Ltmp3, $4  }
0x84: {  	v12 =	vsub.s32 v48, v1;
	v16 =	vshll.u32 v61, $0xF;
	[tilespmem:s23+$0x1000] =	vst.msk vm14, v10;
	v10 =	vor.u32 v62, v11;
	s30 =	sadd.s32 s29, s25  }
0x85: {  	v12 =	vor.u32 v15, v12;
	v63 =	vor.u32 v4, v16;
	v11 =	vsub.s32 v13, v1;
	[tilespmem:s31+$0x1000] =	vst.msk vm2, v10;
	s31 =	spop (v2sf);
	s23 =	sadd.s32 $0x80000000, s30  }
0x86: {  	v10 =	vor.u32 v63, v11;
	[tilespmem:s25+$0x1000] =	vst.msk vm3, v12;
	s24 =	sadd.s32 s31, s23  }
0x87: {  	s21 =	sadd.s32 $0x1000, s21;
	[tilespmem:s23+$0x1000] =	vst.msk vm5, v10;
	s23 =	sadd.s32 $0x80000000, s24  }
0x88: {  	s21 =	sadd.s32 $0x3F, s23  }
0x89: {  	s22 =	sand.u32 $0x3F, s21  }
0x8a: {  	s31 =	sshra.s32 s21, $0x1F;
	p3 =	slt.s32 s21, $0x1;
	p2 =	sne.s32 s22, $0x0  }
.Ltmp4:
0x8b: {  	s22 =	sshrl.u32 s31, $0x1A;
	p2 =	por !p3, !p2;
	(pc) =	sbr.rel .LBB2_6-.Ltmp4, $4  }
0x8c: {  	[tilespmem:s23+$0x1000] =	vst v5;
	s21 =	sadd.s32 s22, s21;
	s22 =	simm.s32 $0x1;
	p2 =	por !p2, !p2  }
0x8d: {  	[tilespmem:s23+$0x1010] =	vst v5;
	s21 =	sshra.s32 s21, $0x6;
	s22 =	simm.s32 @!p2 $0x0  }
0x8e: {  	[tilespmem:s23+$0x1020] =	vst v5;
	s22 =	ssub.s32 s21, s22  }
0x8f: {  	[tilespmem:s23+$0x1030] =	vst v5;
	s23 =	simm.s32 $0x0;
	s21 =	simm.s32 $0x0;
	p2 =	slt.s32 s22, $0x1  }
.LBB2_22:
0x90: {  	p3 =	sgt.u32 s23, $0x3A  }
0x91: {  	s25 =	sshll.u32 @!p3 s23, $0xF  }
0x92: {  	s24 =	sadd.s32 @!p3 s24, s7;
	s26 =	simm.s32 @!p3 $0x1000;
	s25 =	sand.u32 @!p3 $0x8000, s25  }
0x93: {  	s28 =	simm.s32 @!p3 $0x7A1400;
	s23 =	sadd.s32 $0x1, s23;
	s25 =	sor.u32 @!p3 $0x5080, s25  }
0x94: {  	[tilespmem:s25], [sflag:$0x1] =	stream.strided.gather @!p3 [hbm4b:s24+s26], $0x8000, s28, s26, $0x38;
	[tilespmem:$0x19280] =	vst v63  }
0x95: {  	p3 =	sne.s32 s23, $0x3D  }
.Ltmp5:
0x96: {  	_ = 	snop;
	(pc) =	sbr.rel @!p3 .LBB2_23-.Ltmp5, $1  }
0x97: {  	_ =	sdelay $0x3  }
.LBB2_6:
.Ltmp6:
0x98: {  	(pc) =	sbr.rel @p2 .LBB2_22-.Ltmp6, $4  }
0x99: {  	_ = 	snop  }
0x9a: {  	_ =	swait.ge [sflag:s16], $0x8000  }
0x9b: {  	[sflag:s16] =	ssyncset.done $0x0  }
0x9c: {  	s24 =	sshll.u32 s23, $0x9;
	[sflag:s16] =	ssyncadd.s32 $0xFFFF8000  }
0x9d: {  	s25 =	sshll.u32 s23, $0x6  }
0x9e: {  	s25 =	sand.u32 $0x40, s25  }
0x9f: {  	v10 =	vmov s25  }
0xa0: {  	s31 =	sadd.s32 $0x200, s24;
	v13 =	vshll.u32 v10, $0x9  }
.Ltmp7:
0xa1: {  	v11 =	vmov s31;
	v10 =	vor.u32 v3, v13;
	(pc) =	sbr.rel .LBB2_8-.Ltmp7, $4  }
0xa2: {  	v14 =	vor.u32 v8, v13;
	v15 =	vor.u32 v7, v13;
	v13 =	vor.u32 v6, v13  }
0xa3: {  	v12 =	vand.u32 $0x9000, v10;
	v10 =	vmov s24;
	v14 =	vand.u32 $0xB000, v14  }
0xa4: {  	v15 =	vand.u32 $0xD000, v15;
	v16 =	vand.u32 $0xF000, v13;
	v12 =	vor.u32 v9, v12  }
0xa5: {  	s25 =	simm.s32 $0x0;
	v13 =	vor.u32 v9, v14;
	v14 =	vor.u32 v9, v15;
	v15 =	vor.u32 v9, v16  }
.LBB2_21:
0xa6: {  	s25 =	sadd.s32 $0x1, s25  }
0xa7: {  	p3 =	sne.s32 s25, s22  }
.Ltmp8:
0xa8: {  	_ = 	snop;
	(pc) =	sbr.rel @!p3 .LBB2_22-.Ltmp8, $1  }
0xa9: {  	_ =	sdelay $0x3  }
.LBB2_8:
0xaa: {  	s26 =	sshll.u32 s25, $0x8  }
0xab: {  	s26 =	sshra.s32 s26, $0x2  }
0xac: {  	v22 =	vld [tilespmem:s26+$0x1000]  }
0xad: {  	v20 =	vld [tilespmem:s26+$0x1010]  }
0xae: {  	v18 =	vld [tilespmem:s26+$0x1020]  }
0xaf: {  	v16 =	vld [tilespmem:s26+$0x1030];
	_ =	sdelay $0x3  }
0xb0: {  	v23 =	vand.u32 $0x7FFF, v22  }
0xb1: {  	v21 =	vand.u32 $0x7FFF, v20;
	v19 =	vand.u32 $0x7FFF, v18;
	v17 =	vand.u32 $0x7FFF, v16  }
0xb2: {  	vm5 =	vge.u32 v23, v10;
	vm4 =	vge.u32 v21, v10;
	vm2 =	vge.u32 v19, v10  }
0xb3: {  	vm3 =	vlt.u32 v19, v11;
	vm6 =	vge.u32 v17, v10;
	vm7 =	vlt.u32 v17, v11  }
0xb4: {  	vm8 =	vlt.u32 v21, v11;
	vm3 =	vmand vm2, vm3;
	vm2 =	vmand vm6, vm7  }
0xb5: {  	vm6 =	vlt.u32 v23, v11;
	vm4 =	vmand vm4, vm8;
	vm7 =	vmor vm3, vm2  }
0xb6: {  	vm5 =	vmand vm5, vm6;
	vm6 =	vmor vm4, vm7  }
0xb7: {  	vm6 =	vmor vm5, vm6  }
0xb8: {  	v24 =	vmpcnt.ones.xlane vm6;
	_ =	sdelay $0x1  }
0xb9: {  	v24 =	vxor.u32 $0x80000000, v24  }
0xba: {  	(xrf0) =	vmax.scan.msk.u32 $0xffff, v24;
	_ =	sdelay $0x5  }
0xbb: {  	v24, _, _ =	vpop (xrf0)  }
0xbc: {  	(v2sf) =	vpush v24, $0xF;
	_ =	sdelay $0xe  }
0xbd: {  	s31 =	spop (v2sf)  }
0xbe: {  	p3 =	slt.u32 s31, $0x80000001  }
.Ltmp9:
0xbf: {  	_ = 	snop;
	(pc) =	sbr.rel @p3 .LBB2_21-.Ltmp9, $1  }
0xc0: {  	_ =	sdelay $0x3  }
0xc1: {  	v24 =	vmpcnt.ones.xlane vm5;
	_ =	sdelay $0x1  }
0xc2: {  	v24 =	vxor.u32 $0x80000000, v24  }
0xc3: {  	(xrf0) =	vmax.scan.msk.u32 $0xffff, v24;
	_ =	sdelay $0x5  }
0xc4: {  	v24, _, _ =	vpop (xrf0)  }
0xc5: {  	(v2sf) =	vpush v24, $0xF;
	_ =	sdelay $0xe  }
0xc6: {  	s26 =	spop (v2sf)  }
0xc7: {  	p3 =	slt.u32 s26, $0x80000001  }
.Ltmp10:
0xc8: {  	_ = 	snop;
	(pc) =	sbr.rel @p3 .LBB2_12-.Ltmp10, $1  }
0xc9: {  	_ =	sdelay $0x3  }
0xca: {  	v24 =	vshra.s32 v22, $0xF  }
0xcb: {  	v22 =	vor.u32 $0x80000000, v23;
	s26 =	sshll.u32 s21, $0x6;
	v23 =	vxor.u32 $0x80000000, v24  }
.LBB2_11:
0xcc: {  	v24 =	vmctz.xlane vm5;
	_ =	sdelay $0x1  }
0xcd: {  	v24 =	vxor.u32 $0x80000000, v24  }
0xce: {  	(xrf0) =	vmax.scan.msk.u32 $0xffff, v24;
	_ =	sdelay $0x5  }
0xcf: {  	v24, _, _ =	vpop (xrf0)  }
0xd0: {  	(v2sf) =	vpush v24, $0xF;
	_ =	sdelay $0xe  }
0xd1: {  	s28 =	spop (v2sf)  }
0xd2: {  	s28 =	sxor.u32 $0x80000000, s28  }
0xd3: {  	v59 =	vmov s28  }
0xd4: {  	vm6 =	vne.s32 v59, v0  }
0xd5: {  	v24 =	vsel vm6, $0x80000000, v22  }
0xd6: {  	(xrf0) =	vmax.scan.msk.u32 $0xffff, v24;
	_ =	sdelay $0x5  }
0xd7: {  	v25 =	vsel vm6, $0x80000000, v23;
	v24, _, _ =	vpop (xrf0)  }
0xd8: {  	(xrf0) =	vmax.scan.msk.u32 $0xffff, v25;
	(v2sf) =	vpush v24, $0xF;
	_ =	sdelay $0x5  }
0xd9: {  	v60, _, _ =	vpop (xrf0)  }
0xda: {  	(v2sf) =	vpush v60, $0xF;
	_ =	sdelay $0x7  }
0xdb: {  	s29 =	spop (v2sf)  }
0xdc: {  	s28 =	ssub.s32 s29, s24  }
0xdd: {  	v61 =	vmov s28  }
0xde: {  	v62 =	vshll.u32 v61, $0x3  }
0xdf: {  	v25 =	vand.u32 $0xFFFFFC00, v62  }
0xe0: {  	v24 =	vand.u32 $0x7F, v61;
	v26 =	vadd.s32 v12, v25  }
0xe1: {  	p3 =	slt.s32 s21, $0x8;
	v26 =	vor.u32 v24, v26  }
0xe2: {  	s29 =	simm.s32 @!p3 $0x2;
	s30 =	spop (v2sf)  }
0xe3: {  	vm5 =	vmand vm5, vm6;
	_ =	swait.ge @!p3 [sflag:s29], $0x40  }
0xe4: {  	v28 =	vmpcnt.ones.xlane vm5;
	[sflag:s29] =	ssyncset.done @!p3 $0x0  }
0xe5: {  	[sflag:s29] =	ssyncadd.s32 @!p3 $0xFFFFFFC0  }
0xe6: {  	v28 =	vxor.u32 $0x80000000, v28;
	v27 =	vadd.s32 v13, v25;
	v26 =	vld.idx.msk [tilespmem:v26+s13+$0x0], $0xffff  }
0xe7: {  	v27 =	vor.u32 v24, v27;
	(xrf0) =	vmax.scan.msk.u32 $0xffff, v28;
	_ =	sdelay $0x2  }
0xe8: {  	s31 =	sand.u32 $0x1C0, s26  }
0xe9: {  	[tilespmem:s31+$0x19080] =	vst v26  }
0xea: {  	v63 =	vadd.s32 v14, v25;
	v26 =	vld.idx.msk [tilespmem:v27+s13+$0x0], $0xffff  }
0xeb: {  	v28, _, _ =	vpop (xrf0);
	v27 =	vor.u32 v24, v63  }
0xec: {  	(v2sf) =	vpush v28, $0xF;
	_ =	sdelay $0x2  }
0xed: {  	[tilespmem:s31+$0x19090] =	vst v26  }
0xee: {  	v25 =	vadd.s32 v15, v25;
	v26 =	vld.idx.msk [tilespmem:v27+s13+$0x0], $0xffff  }
0xef: {  	v24 =	vor.u32 v24, v25;
	_ =	sdelay $0x3  }
0xf0: {  	[tilespmem:s31+$0x190A0] =	vst v26  }
0xf1: {  	v24 =	vld.idx.msk [tilespmem:v24+s13+$0x0], $0xffff;
	_ =	sdelay $0x4  }
0xf2: {  	s28 =	sshll.u32 s30, $0x4;
	s30 =	sadd.s32 $0x19080, s31;
	[tilespmem:s31+$0x190B0] =	vst v24;
	s31 =	spop (v2sf)  }
0xf3: {  	p3 =	sgt.u32 s31, $0x80000000  }
.Ltmp11:
0xf4: {  	_ = 	snop;
	(pc) =	sbr.rel @p3 .LBB2_11-.Ltmp11, $4  }
0xf5: {  	_ = 	snop  }
0xf6: {  	s28 =	sand.u32 $0x1FFFFFF0, s28  }
0xf7: {  	s21 =	sadd.s32 $0x1, s21;
	s26 =	sadd.s32 $0x40, s26;
	s28 =	sadd.s32 s4, s28  }
0xf8: {  	[hbm4b:s28+s3] =	stream.linear.scatter [tilespmem:s30], [sflag:$0x2], $0x40, $0x38;
	[tilespmem:$0x19280] =	vst v63  }
.LBB2_12:
0xf9: {  	v22 =	vmpcnt.ones.xlane vm4;
	_ =	sdelay $0x1  }
0xfa: {  	v22 =	vxor.u32 $0x80000000, v22  }
0xfb: {  	(xrf0) =	vmax.scan.msk.u32 $0xffff, v22;
	_ =	sdelay $0x5  }
0xfc: {  	v22, _, _ =	vpop (xrf0)  }
0xfd: {  	(v2sf) =	vpush v22, $0xF;
	_ =	sdelay $0xe  }
0xfe: {  	s26 =	spop (v2sf)  }
0xff: {  	p3 =	slt.u32 s26, $0x80000001  }
.Ltmp12:
0x100: {  	_ = 	snop;
	(pc) =	sbr.rel @p3 .LBB2_15-.Ltmp12, $1  }
0x101: {  	_ =	sdelay $0x3  }
0x102: {  	v22 =	vshra.s32 v20, $0xF  }
0x103: {  	v20 =	vor.u32 $0x80000000, v21;
	s26 =	sshll.u32 s21, $0x6;
	v21 =	vxor.u32 $0x80000000, v22  }
.LBB2_14:
0x104: {  	v22 =	vmctz.xlane vm4;
	_ =	sdelay $0x1  }
0x105: {  	v22 =	vxor.u32 $0x80000000, v22  }
0x106: {  	(xrf0) =	vmax.scan.msk.u32 $0xffff, v22;
	_ =	sdelay $0x5  }
0x107: {  	v22, _, _ =	vpop (xrf0)  }
0x108: {  	(v2sf) =	vpush v22, $0xF;
	_ =	sdelay $0xe  }
0x109: {  	s28 =	spop (v2sf)  }
0x10a: {  	s28 =	sxor.u32 $0x80000000, s28  }
0x10b: {  	v22 =	vmov s28  }
0x10c: {  	vm5 =	vne.s32 v22, v0  }
0x10d: {  	v22 =	vsel vm5, $0x80000000, v20  }
0x10e: {  	(xrf0) =	vmax.scan.msk.u32 $0xffff, v22;
	_ =	sdelay $0x5  }
0x10f: {  	v23 =	vsel vm5, $0x80000000, v21;
	v22, _, _ =	vpop (xrf0)  }
0x110: {  	(xrf0) =	vmax.scan.msk.u32 $0xffff, v23;
	(v2sf) =	vpush v22, $0xF;
	_ =	sdelay $0x5  }
0x111: {  	v22, _, _ =	vpop (xrf0)  }
0x112: {  	(v2sf) =	vpush v22, $0xF;
	_ =	sdelay $0x7  }
0x113: {  	s29 =	spop (v2sf)  }
0x114: {  	s28 =	ssub.s32 s29, s24  }
0x115: {  	v22 =	vmov s28  }
0x116: {  	v23 =	vshll.u32 v22, $0x3  }
0x117: {  	v23 =	vand.u32 $0xFFFFFC00, v23  }
0x118: {  	v22 =	vand.u32 $0x7F, v22;
	v24 =	vadd.s32 v12, v23  }
0x119: {  	p3 =	slt.s32 s21, $0x8;
	v24 =	vor.u32 v22, v24  }
0x11a: {  	s29 =	simm.s32 @!p3 $0x2;
	s30 =	spop (v2sf)  }
0x11b: {  	vm4 =	vmand vm4, vm5;
	_ =	swait.ge @!p3 [sflag:s29], $0x40  }
0x11c: {  	v26 =	vmpcnt.ones.xlane vm4;
	[sflag:s29] =	ssyncset.done @!p3 $0x0  }
0x11d: {  	[sflag:s29] =	ssyncadd.s32 @!p3 $0xFFFFFFC0  }
0x11e: {  	v26 =	vxor.u32 $0x80000000, v26;
	v25 =	vadd.s32 v13, v23;
	v24 =	vld.idx.msk [tilespmem:v24+s13+$0x0], $0xffff  }
0x11f: {  	v25 =	vor.u32 v22, v25;
	(xrf0) =	vmax.scan.msk.u32 $0xffff, v26;
	_ =	sdelay $0x2  }
0x120: {  	s31 =	sand.u32 $0x1C0, s26  }
0x121: {  	[tilespmem:s31+$0x19080] =	vst v24  }
0x122: {  	v63 =	vadd.s32 v14, v23;
	v24 =	vld.idx.msk [tilespmem:v25+s13+$0x0], $0xffff  }
0x123: {  	v26, _, _ =	vpop (xrf0);
	v25 =	vor.u32 v22, v63  }
0x124: {  	(v2sf) =	vpush v26, $0xF;
	_ =	sdelay $0x2  }
0x125: {  	[tilespmem:s31+$0x19090] =	vst v24  }
0x126: {  	v23 =	vadd.s32 v15, v23;
	v24 =	vld.idx.msk [tilespmem:v25+s13+$0x0], $0xffff  }
0x127: {  	v22 =	vor.u32 v22, v23;
	_ =	sdelay $0x3  }
0x128: {  	[tilespmem:s31+$0x190A0] =	vst v24  }
0x129: {  	v22 =	vld.idx.msk [tilespmem:v22+s13+$0x0], $0xffff;
	_ =	sdelay $0x4  }
0x12a: {  	s28 =	sshll.u32 s30, $0x4;
	s30 =	sadd.s32 $0x19080, s31;
	[tilespmem:s31+$0x190B0] =	vst v22;
	s31 =	spop (v2sf)  }
0x12b: {  	p3 =	sgt.u32 s31, $0x80000000  }
.Ltmp13:
0x12c: {  	_ = 	snop;
	(pc) =	sbr.rel @p3 .LBB2_14-.Ltmp13, $4  }
0x12d: {  	_ = 	snop  }
0x12e: {  	s28 =	sand.u32 $0x1FFFFFF0, s28  }
0x12f: {  	s21 =	sadd.s32 $0x1, s21;
	s26 =	sadd.s32 $0x40, s26;
	s28 =	sadd.s32 s4, s28  }
0x130: {  	[hbm4b:s28+s3] =	stream.linear.scatter [tilespmem:s30], [sflag:$0x2], $0x40, $0x38;
	[tilespmem:$0x19280] =	vst v63  }
.LBB2_15:
0x131: {  	v20 =	vmpcnt.ones.xlane vm3;
	_ =	sdelay $0x1  }
0x132: {  	v20 =	vxor.u32 $0x80000000, v20  }
0x133: {  	(xrf0) =	vmax.scan.msk.u32 $0xffff, v20;
	_ =	sdelay $0x5  }
0x134: {  	v20, _, _ =	vpop (xrf0)  }
0x135: {  	(v2sf) =	vpush v20, $0xF;
	_ =	sdelay $0xe  }
0x136: {  	s26 =	spop (v2sf)  }
0x137: {  	p3 =	slt.u32 s26, $0x80000001  }
.Ltmp14:
0x138: {  	_ = 	snop;
	(pc) =	sbr.rel @p3 .LBB2_18-.Ltmp14, $1  }
0x139: {  	_ =	sdelay $0x3  }
0x13a: {  	v20 =	vshra.s32 v18, $0xF  }
0x13b: {  	v18 =	vor.u32 $0x80000000, v19;
	s26 =	sshll.u32 s21, $0x6;
	v19 =	vxor.u32 $0x80000000, v20  }
.LBB2_17:
0x13c: {  	v20 =	vmctz.xlane vm3;
	_ =	sdelay $0x1  }
0x13d: {  	v20 =	vxor.u32 $0x80000000, v20  }
0x13e: {  	(xrf0) =	vmax.scan.msk.u32 $0xffff, v20;
	_ =	sdelay $0x5  }
0x13f: {  	v20, _, _ =	vpop (xrf0)  }
0x140: {  	(v2sf) =	vpush v20, $0xF;
	_ =	sdelay $0xe  }
0x141: {  	s28 =	spop (v2sf)  }
0x142: {  	s28 =	sxor.u32 $0x80000000, s28  }
0x143: {  	v20 =	vmov s28  }
0x144: {  	vm4 =	vne.s32 v20, v0  }
0x145: {  	v20 =	vsel vm4, $0x80000000, v18  }
0x146: {  	(xrf0) =	vmax.scan.msk.u32 $0xffff, v20;
	_ =	sdelay $0x5  }
0x147: {  	v21 =	vsel vm4, $0x80000000, v19;
	v20, _, _ =	vpop (xrf0)  }
0x148: {  	(xrf0) =	vmax.scan.msk.u32 $0xffff, v21;
	(v2sf) =	vpush v20, $0xF;
	_ =	sdelay $0x5  }
0x149: {  	v20, _, _ =	vpop (xrf0)  }
0x14a: {  	(v2sf) =	vpush v20, $0xF;
	_ =	sdelay $0x7  }
0x14b: {  	s29 =	spop (v2sf)  }
0x14c: {  	s28 =	ssub.s32 s29, s24  }
0x14d: {  	v20 =	vmov s28  }
0x14e: {  	v62 =	vshll.u32 v20, $0x3  }
0x14f: {  	v21 =	vand.u32 $0xFFFFFC00, v62  }
0x150: {  	v20 =	vand.u32 $0x7F, v20;
	v22 =	vadd.s32 v12, v21  }
0x151: {  	p3 =	slt.s32 s21, $0x8;
	v22 =	vor.u32 v20, v22  }
0x152: {  	s29 =	simm.s32 @!p3 $0x2;
	s30 =	spop (v2sf)  }
0x153: {  	vm3 =	vmand vm3, vm4;
	_ =	swait.ge @!p3 [sflag:s29], $0x40  }
0x154: {  	v24 =	vmpcnt.ones.xlane vm3;
	[sflag:s29] =	ssyncset.done @!p3 $0x0  }
0x155: {  	[sflag:s29] =	ssyncadd.s32 @!p3 $0xFFFFFFC0  }
0x156: {  	v24 =	vxor.u32 $0x80000000, v24;
	v23 =	vadd.s32 v13, v21;
	v22 =	vld.idx.msk [tilespmem:v22+s13+$0x0], $0xffff  }
0x157: {  	v23 =	vor.u32 v20, v23;
	(xrf0) =	vmax.scan.msk.u32 $0xffff, v24;
	_ =	sdelay $0x2  }
0x158: {  	s31 =	sand.u32 $0x1C0, s26  }
0x159: {  	[tilespmem:s31+$0x19080] =	vst v22  }
0x15a: {  	v63 =	vadd.s32 v14, v21;
	v22 =	vld.idx.msk [tilespmem:v23+s13+$0x0], $0xffff  }
0x15b: {  	v24, _, _ =	vpop (xrf0);
	v23 =	vor.u32 v20, v63  }
0x15c: {  	(v2sf) =	vpush v24, $0xF;
	_ =	sdelay $0x2  }
0x15d: {  	[tilespmem:s31+$0x19090] =	vst v22  }
0x15e: {  	v21 =	vadd.s32 v15, v21;
	v22 =	vld.idx.msk [tilespmem:v23+s13+$0x0], $0xffff  }
0x15f: {  	v20 =	vor.u32 v20, v21;
	_ =	sdelay $0x3  }
0x160: {  	[tilespmem:s31+$0x190A0] =	vst v22  }
0x161: {  	v20 =	vld.idx.msk [tilespmem:v20+s13+$0x0], $0xffff;
	_ =	sdelay $0x4  }
0x162: {  	s28 =	sshll.u32 s30, $0x4;
	s30 =	sadd.s32 $0x19080, s31;
	[tilespmem:s31+$0x190B0] =	vst v20;
	s31 =	spop (v2sf)  }
0x163: {  	p3 =	sgt.u32 s31, $0x80000000  }
.Ltmp15:
0x164: {  	_ = 	snop;
	(pc) =	sbr.rel @p3 .LBB2_17-.Ltmp15, $4  }
0x165: {  	_ = 	snop  }
0x166: {  	s28 =	sand.u32 $0x1FFFFFF0, s28  }
0x167: {  	s21 =	sadd.s32 $0x1, s21;
	s26 =	sadd.s32 $0x40, s26;
	s28 =	sadd.s32 s4, s28  }
0x168: {  	[hbm4b:s28+s3] =	stream.linear.scatter [tilespmem:s30], [sflag:$0x2], $0x40, $0x38;
	[tilespmem:$0x19280] =	vst v63  }
.LBB2_18:
0x169: {  	v18 =	vmpcnt.ones.xlane vm2;
	_ =	sdelay $0x1  }
0x16a: {  	v18 =	vxor.u32 $0x80000000, v18  }
0x16b: {  	(xrf0) =	vmax.scan.msk.u32 $0xffff, v18;
	_ =	sdelay $0x5  }
0x16c: {  	v18, _, _ =	vpop (xrf0)  }
0x16d: {  	(v2sf) =	vpush v18, $0xF;
	_ =	sdelay $0xe  }
0x16e: {  	s26 =	spop (v2sf)  }
0x16f: {  	p3 =	slt.u32 s26, $0x80000001  }
.Ltmp16:
0x170: {  	_ = 	snop;
	(pc) =	sbr.rel @p3 .LBB2_21-.Ltmp16, $1  }
0x171: {  	_ =	sdelay $0x3  }
0x172: {  	v18 =	vshra.s32 v16, $0xF  }
0x173: {  	v16 =	vor.u32 $0x80000000, v17;
	s26 =	sshll.u32 s21, $0x6;
	v17 =	vxor.u32 $0x80000000, v18  }
.LBB2_20:
0x174: {  	v18 =	vmctz.xlane vm2;
	_ =	sdelay $0x1  }
0x175: {  	v18 =	vxor.u32 $0x80000000, v18  }
0x176: {  	(xrf0) =	vmax.scan.msk.u32 $0xffff, v18;
	_ =	sdelay $0x5  }
0x177: {  	v18, _, _ =	vpop (xrf0)  }
0x178: {  	(v2sf) =	vpush v18, $0xF;
	_ =	sdelay $0xe  }
0x179: {  	s28 =	spop (v2sf)  }
0x17a: {  	s28 =	sxor.u32 $0x80000000, s28  }
0x17b: {  	v18 =	vmov s28  }
0x17c: {  	vm3 =	vne.s32 v18, v0  }
0x17d: {  	v18 =	vsel vm3, $0x80000000, v16  }
0x17e: {  	(xrf0) =	vmax.scan.msk.u32 $0xffff, v18;
	_ =	sdelay $0x5  }
0x17f: {  	v19 =	vsel vm3, $0x80000000, v17;
	v18, _, _ =	vpop (xrf0)  }
0x180: {  	(xrf0) =	vmax.scan.msk.u32 $0xffff, v19;
	(v2sf) =	vpush v18, $0xF;
	_ =	sdelay $0x5  }
0x181: {  	v18, _, _ =	vpop (xrf0)  }
0x182: {  	(v2sf) =	vpush v18, $0xF;
	_ =	sdelay $0x7  }
0x183: {  	s29 =	spop (v2sf)  }
0x184: {  	s28 =	ssub.s32 s29, s24  }
0x185: {  	v18 =	vmov s28  }
0x186: {  	v19 =	vshll.u32 v18, $0x3  }
0x187: {  	v19 =	vand.u32 $0xFFFFFC00, v19  }
0x188: {  	v18 =	vand.u32 $0x7F, v18;
	v20 =	vadd.s32 v12, v19  }
0x189: {  	p3 =	slt.s32 s21, $0x8;
	v20 =	vor.u32 v18, v20  }
0x18a: {  	s29 =	simm.s32 @!p3 $0x2;
	s30 =	spop (v2sf)  }
0x18b: {  	vm2 =	vmand vm2, vm3;
	_ =	swait.ge @!p3 [sflag:s29], $0x40  }
0x18c: {  	v22 =	vmpcnt.ones.xlane vm2;
	[sflag:s29] =	ssyncset.done @!p3 $0x0  }
0x18d: {  	[sflag:s29] =	ssyncadd.s32 @!p3 $0xFFFFFFC0  }
0x18e: {  	v22 =	vxor.u32 $0x80000000, v22;
	v21 =	vadd.s32 v13, v19;
	v20 =	vld.idx.msk [tilespmem:v20+s13+$0x0], $0xffff  }
0x18f: {  	v21 =	vor.u32 v18, v21;
	(xrf0) =	vmax.scan.msk.u32 $0xffff, v22;
	_ =	sdelay $0x2  }
0x190: {  	s31 =	sand.u32 $0x1C0, s26  }
0x191: {  	[tilespmem:s31+$0x19080] =	vst v20  }
0x192: {  	v63 =	vadd.s32 v14, v19;
	v20 =	vld.idx.msk [tilespmem:v21+s13+$0x0], $0xffff  }
0x193: {  	v22, _, _ =	vpop (xrf0);
	v21 =	vor.u32 v18, v63  }
0x194: {  	(v2sf) =	vpush v22, $0xF;
	_ =	sdelay $0x2  }
0x195: {  	[tilespmem:s31+$0x19090] =	vst v20  }
0x196: {  	v19 =	vadd.s32 v15, v19;
	v20 =	vld.idx.msk [tilespmem:v21+s13+$0x0], $0xffff  }
0x197: {  	v18 =	vor.u32 v18, v19;
	_ =	sdelay $0x3  }
0x198: {  	[tilespmem:s31+$0x190A0] =	vst v20  }
0x199: {  	v18 =	vld.idx.msk [tilespmem:v18+s13+$0x0], $0xffff;
	_ =	sdelay $0x4  }
0x19a: {  	s28 =	sshll.u32 s30, $0x4;
	s30 =	sadd.s32 $0x19080, s31;
	[tilespmem:s31+$0x190B0] =	vst v18;
	s31 =	spop (v2sf)  }
0x19b: {  	p3 =	sgt.u32 s31, $0x80000000  }
.Ltmp17:
0x19c: {  	_ = 	snop;
	(pc) =	sbr.rel @p3 .LBB2_20-.Ltmp17, $4  }
0x19d: {  	_ = 	snop  }
0x19e: {  	s28 =	sand.u32 $0x1FFFFFF0, s28  }
0x19f: {  	s21 =	sadd.s32 $0x1, s21;
	s26 =	sadd.s32 $0x40, s26;
	s28 =	sadd.s32 s4, s28  }
0x1a0: {  	[hbm4b:s28+s3] =	stream.linear.scatter [tilespmem:s30], [sflag:$0x2], $0x40, $0x38;
	[tilespmem:$0x19280] =	vst v63  }
.Ltmp18:
0x1a1: {  	_ = 	snop;
	(pc) =	sbr.rel .LBB2_21-.Ltmp18, $1  }
0x1a2: {  	_ =	sdelay $0x3  }
.LBB2_23:
0x1a3: {  	s23 =	simm.s32 @!p0 $0x400;
	s24 =	simm.s32 @!p0 $0x7A1400;
	s25 =	simm.s32 @!p0 $0x15080  }
0x1a4: {  	[tilespmem:s25], [sflag:$0x3] =	stream.strided.gather @!p0 [hbm4b:s8+s23], $0x2000, s24, s23, $0x38;
	[tilespmem:$0x19280] =	vst v63  }
.Ltmp19:
0x1a5: {  	_ = 	snop;
	(pc) =	sbr.rel @!p2 .LBB2_24-.Ltmp19, $4  }
0x1a6: {  	s23 =	simm.s32 @!p0 $0x3  }
0x1a7: {  	_ =	swait.ge @!p0 [sflag:s23], $0x2000  }
0x1a8: {  	[sflag:s23] =	ssyncset.done @!p0 $0x0  }
0x1a9: {  	[sflag:s23] =	ssyncadd.s32 @!p0 $0xFFFFE000;
	s23 =	simm.s32 $0x0  }
.LBB2_38:
0x1aa: {  	s23 =	simm.s32 @!p1 $0x400;
	s24 =	simm.s32 @!p1 $0x7A1400;
	s25 =	simm.s32 @!p1 $0x17080  }
0x1ab: {  	[tilespmem:s25], [sflag:$0x3] =	stream.strided.gather @!p1 [hbm4b:s9+s23], $0x2000, s24, s23, $0x38;
	[tilespmem:$0x19280] =	vst v63  }
.Ltmp20:
0x1ac: {  	_ = 	snop;
	(pc) =	sbr.rel @!p2 .LBB2_39-.Ltmp20, $4  }
0x1ad: {  	s23 =	simm.s32 @!p1 $0x3  }
0x1ae: {  	_ =	swait.ge @!p1 [sflag:s23], $0x2000  }
0x1af: {  	[sflag:s23] =	ssyncset.done @!p1 $0x0  }
0x1b0: {  	[sflag:s23] =	ssyncadd.s32 @!p1 $0xFFFFE000;
	s23 =	simm.s32 $0x0  }
.LBB2_53:
0x1b1: {  	p2 =	slt.s32 s21, $0x1  }
.Ltmp21:
0x1b2: {  	_ = 	snop;
	(pc) =	sbr.rel @p2 .LBB2_57-.Ltmp21, $1  }
0x1b3: {  	_ =	sdelay $0x3  }
0x1b4: {  	s21 =	smin.u32 s21, $0x8  }
0x1b5: {  	s21 =	sadd.s32 $0x1, s21  }
0x1b6: {  	s21 =	sadd.s32 $0xFFFFFFFF, s21  }
0x1b7: {  	p2 =	sgt.u32 s21, $0x1  }
.Ltmp22:
0x1b8: {  	_ = 	snop;
	(pc) =	sbr.rel @!p2 .LBB2_56-.Ltmp22, $3  }
0x1b9: {  	_ =	sdelay $0x1  }
0x1ba: {  	_ =	swait.ge [sflag:s19], $0x40  }
0x1bb: {  	[sflag:s19] =	ssyncset.done $0x0  }
.LBB2_55:
0x1bc: {  	s21 =	sadd.s32 $0xFFFFFFFF, s21  }
0x1bd: {  	[sflag:s19] =	ssyncadd.s32 $0xFFFFFFC0;
	p2 =	sgt.u32 s21, $0x1  }
.Ltmp23:
0x1be: {  	(pc) =	sbr.rel @p2 .LBB2_55-.Ltmp23, $3  }
0x1bf: {  	_ =	sdelay $0x1  }
0x1c0: {  	_ =	swait.ge [sflag:s19], $0x40  }
0x1c1: {  	[sflag:s19] =	ssyncset.done $0x0  }
.Ltmp24:
0x1c2: {  	_ = 	snop;
	(pc) =	sbr.rel .LBB2_56-.Ltmp24, $1  }
0x1c3: {  	_ =	sdelay $0x3  }
.LBB2_37:
0x1c4: {  	s23 =	sadd.s32 $0x1, s23  }
0x1c5: {  	p3 =	sne.s32 s23, s22  }
.Ltmp25:
0x1c6: {  	_ = 	snop;
	(pc) =	sbr.rel @!p3 .LBB2_38-.Ltmp25, $1  }
0x1c7: {  	_ =	sdelay $0x3  }
.LBB2_24:
0x1c8: {  	s24 =	sshll.u32 s23, $0x8  }
0x1c9: {  	s24 =	sshra.s32 s24, $0x2  }
0x1ca: {  	v12 =	vld [tilespmem:s24+$0x1010]  }
0x1cb: {  	v11 =	vld [tilespmem:s24+$0x1020]  }
0x1cc: {  	v10 =	vld [tilespmem:s24+$0x1030];
	_ =	sdelay $0x1  }
0x1cd: {  	v13 =	vld [tilespmem:s24+$0x1000];
	_ =	sdelay $0x2  }
0x1ce: {  	v14 =	vand.u32 $0x7F80, v12;
	v15 =	vand.u32 $0x7F80, v11;
	v16 =	vand.u32 $0x7F80, v10  }
0x1cf: {  	vm4 =	veq.s32 v14, $0x7A00;
	vm2 =	veq.s32 v15, $0x7A00;
	vm5 =	veq.s32 v16, $0x7A00  }
0x1d0: {  	v14 =	vand.u32 $0x7F80, v13;
	vm3 =	vmand vm1, vm2;
	vm2 =	vmand vm1, vm5  }
0x1d1: {  	vm5 =	veq.s32 v14, $0x7A00;
	vm4 =	vmand vm1, vm4;
	vm6 =	vmor vm3, vm2  }
0x1d2: {  	vm5 =	vmand vm1, vm5;
	vm6 =	vmor vm4, vm6  }
0x1d3: {  	vm6 =	vmor vm5, vm6  }
0x1d4: {  	v14 =	vmpcnt.ones.xlane vm6;
	_ =	sdelay $0x1  }
0x1d5: {  	v14 =	vxor.u32 $0x80000000, v14  }
0x1d6: {  	(xrf0) =	vmax.scan.msk.u32 $0xffff, v14;
	_ =	sdelay $0x5  }
0x1d7: {  	v14, _, _ =	vpop (xrf0)  }
0x1d8: {  	(v2sf) =	vpush v14, $0xF;
	_ =	sdelay $0xe  }
0x1d9: {  	s31 =	spop (v2sf)  }
0x1da: {  	p3 =	slt.u32 s31, $0x80000001  }
.Ltmp26:
0x1db: {  	_ = 	snop;
	(pc) =	sbr.rel @p3 .LBB2_37-.Ltmp26, $1  }
0x1dc: {  	_ =	sdelay $0x3  }
0x1dd: {  	v14 =	vmpcnt.ones.xlane vm5;
	_ =	sdelay $0x1  }
0x1de: {  	v14 =	vxor.u32 $0x80000000, v14  }
0x1df: {  	(xrf0) =	vmax.scan.msk.u32 $0xffff, v14;
	_ =	sdelay $0x5  }
0x1e0: {  	v14, _, _ =	vpop (xrf0)  }
0x1e1: {  	(v2sf) =	vpush v14, $0xF;
	_ =	sdelay $0xe  }
0x1e2: {  	s24 =	spop (v2sf)  }
0x1e3: {  	p3 =	slt.u32 s24, $0x80000001  }
.Ltmp27:
0x1e4: {  	_ = 	snop;
	(pc) =	sbr.rel @p3 .LBB2_28-.Ltmp27, $1  }
0x1e5: {  	_ =	sdelay $0x3  }
0x1e6: {  	v14 =	vand.u32 $0x7FFF, v13;
	v15 =	vshra.s32 v13, $0xF  }
0x1e7: {  	s24 =	sshll.u32 s21, $0x6;
	v13 =	vor.u32 $0x80000000, v14;
	v14 =	vxor.u32 $0x80000000, v15  }
.LBB2_27:
0x1e8: {  	v15 =	vmctz.xlane vm5;
	_ =	sdelay $0x1  }
0x1e9: {  	v15 =	vxor.u32 $0x80000000, v15  }
0x1ea: {  	(xrf0) =	vmax.scan.msk.u32 $0xffff, v15;
	_ =	sdelay $0x5  }
0x1eb: {  	v15, _, _ =	vpop (xrf0)  }
0x1ec: {  	(v2sf) =	vpush v15, $0xF;
	_ =	sdelay $0xe  }
0x1ed: {  	s25 =	spop (v2sf)  }
0x1ee: {  	s25 =	sxor.u32 $0x80000000, s25  }
0x1ef: {  	v15 =	vmov s25  }
0x1f0: {  	vm6 =	vne.s32 v15, v0  }
0x1f1: {  	v15 =	vsel vm6, $0x80000000, v13  }
0x1f2: {  	(xrf0) =	vmax.scan.msk.u32 $0xffff, v15  }
0x1f3: {  	v15 =	vsel vm6, $0x80000000, v14  }
0x1f4: {  	(xrf0) =	vmax.scan.msk.u32 $0xffff, v15;
	_ =	sdelay $0x3  }
0x1f5: {  	v15, _, _ =	vpop (xrf0)  }
0x1f6: {  	(v2sf) =	vpush v15, $0xF  }
0x1f7: {  	v15, _, _ =	vpop (xrf0)  }
0x1f8: {  	(v2sf) =	vpush v15, $0xF;
	_ =	sdelay $0xc  }
0x1f9: {  	vm5 =	vmand vm5, vm6;
	s28 =	spop (v2sf)  }
0x1fa: {  	p3 =	slt.s32 s21, $0x8;
	v19 =	vmpcnt.ones.xlane vm5;
	v15 =	vmul.u32 $0x80, v0;
	s25 =	sadd.s32 $0x7FFF8600, s28  }
0x1fb: {  	s26 =	simm.s32 @!p3 $0x2;
	s29 =	spop (v2sf);
	v16 =	vmov s25  }
0x1fc: {  	v19 =	vxor.u32 $0x80000000, v19;
	_ =	swait.ge @!p3 [sflag:s26], $0x40;
	v17 =	vadd.s32 v15, v16  }
0x1fd: {  	(xrf0) =	vmax.scan.msk.u32 $0xffff, v19;
	_ =	sdelay $0x1  }
0x1fe: {  	[sflag:s26] =	ssyncset.done @!p3 $0x0  }
0x1ff: {  	[sflag:s26] =	ssyncadd.s32 @!p3 $0xFFFFFFC0  }
0x200: {  	v18 =	vor.u32 $0x800, v15;
	v17 =	vld.idx.msk [tilespmem:v17+s17+$0x0], $0xffff  }
0x201: {  	v18 =	vadd.s32 v18, v16  }
0x202: {  	v19, _, _ =	vpop (xrf0)  }
0x203: {  	(v2sf) =	vpush v19, $0xF  }
0x204: {  	s30 =	sand.u32 $0x1C0, s24  }
0x205: {  	[tilespmem:s30+$0x19080] =	vst v17  }
0x206: {  	v63 =	vor.u32 $0x1000, v15;
	v17 =	vld.idx.msk [tilespmem:v18+s17+$0x0], $0xffff  }
0x207: {  	v18 =	vadd.s32 v63, v16;
	_ =	sdelay $0x3  }
0x208: {  	[tilespmem:s30+$0x19090] =	vst v17  }
0x209: {  	v15 =	vor.u32 $0x1800, v15;
	v17 =	vld.idx.msk [tilespmem:v18+s17+$0x0], $0xffff  }
0x20a: {  	v15 =	vadd.s32 v15, v16;
	_ =	sdelay $0x3  }
0x20b: {  	[tilespmem:s30+$0x190A0] =	vst v17  }
0x20c: {  	s31 =	spop (v2sf);
	v15 =	vld.idx.msk [tilespmem:v15+s17+$0x0], $0xffff  }
0x20d: {  	p3 =	sgt.u32 s31, $0x80000000  }
.Ltmp28:
0x20e: {  	_ = 	snop;
	(pc) =	sbr.rel @p3 .LBB2_27-.Ltmp28, $4  }
0x20f: {  	s25 =	sshll.u32 s29, $0x4  }
0x210: {  	s21 =	sadd.s32 $0x1, s21;
	s25 =	sand.u32 $0x1FFFFFF0, s25  }
0x211: {  	s24 =	sadd.s32 $0x40, s24;
	s28 =	sadd.s32 $0x19080, s30;
	s25 =	sadd.s32 s4, s25;
	[tilespmem:s30+$0x190B0] =	vst v15  }
0x212: {  	[hbm4b:s25+s3] =	stream.linear.scatter [tilespmem:s28], [sflag:$0x2], $0x40, $0x38;
	[tilespmem:$0x19280] =	vst v63  }
.LBB2_28:
0x213: {  	v13 =	vmpcnt.ones.xlane vm4;
	_ =	sdelay $0x1  }
0x214: {  	v13 =	vxor.u32 $0x80000000, v13  }
0x215: {  	(xrf0) =	vmax.scan.msk.u32 $0xffff, v13;
	_ =	sdelay $0x5  }
0x216: {  	v13, _, _ =	vpop (xrf0)  }
0x217: {  	(v2sf) =	vpush v13, $0xF;
	_ =	sdelay $0xe  }
0x218: {  	s24 =	spop (v2sf)  }
0x219: {  	p3 =	slt.u32 s24, $0x80000001  }
.Ltmp29:
0x21a: {  	_ = 	snop;
	(pc) =	sbr.rel @p3 .LBB2_31-.Ltmp29, $1  }
0x21b: {  	_ =	sdelay $0x3  }
0x21c: {  	v13 =	vand.u32 $0x7FFF, v12;
	v14 =	vshra.s32 v12, $0xF  }
0x21d: {  	s24 =	sshll.u32 s21, $0x6;
	v12 =	vor.u32 $0x80000000, v13;
	v13 =	vxor.u32 $0x80000000, v14  }
.LBB2_30:
0x21e: {  	v14 =	vmctz.xlane vm4;
	_ =	sdelay $0x1  }
0x21f: {  	v14 =	vxor.u32 $0x80000000, v14  }
0x220: {  	(xrf0) =	vmax.scan.msk.u32 $0xffff, v14;
	_ =	sdelay $0x5  }
0x221: {  	v14, _, _ =	vpop (xrf0)  }
0x222: {  	(v2sf) =	vpush v14, $0xF;
	_ =	sdelay $0xe  }
0x223: {  	s25 =	spop (v2sf)  }
0x224: {  	s25 =	sxor.u32 $0x80000000, s25  }
0x225: {  	v14 =	vmov s25  }
0x226: {  	vm5 =	vne.s32 v14, v0  }
0x227: {  	v14 =	vsel vm5, $0x80000000, v12  }
0x228: {  	(xrf0) =	vmax.scan.msk.u32 $0xffff, v14  }
0x229: {  	v14 =	vsel vm5, $0x80000000, v13  }
0x22a: {  	(xrf0) =	vmax.scan.msk.u32 $0xffff, v14;
	_ =	sdelay $0x3  }
0x22b: {  	v14, _, _ =	vpop (xrf0)  }
0x22c: {  	(v2sf) =	vpush v14, $0xF  }
0x22d: {  	v14, _, _ =	vpop (xrf0)  }
0x22e: {  	(v2sf) =	vpush v14, $0xF;
	_ =	sdelay $0xc  }
0x22f: {  	vm4 =	vmand vm4, vm5;
	s28 =	spop (v2sf)  }
0x230: {  	p3 =	slt.s32 s21, $0x8;
	v18 =	vmpcnt.ones.xlane vm4;
	v14 =	vmul.u32 $0x80, v0;
	s25 =	sadd.s32 $0x7FFF8600, s28  }
0x231: {  	s26 =	simm.s32 @!p3 $0x2;
	s29 =	spop (v2sf);
	v15 =	vmov s25  }
0x232: {  	v18 =	vxor.u32 $0x80000000, v18;
	_ =	swait.ge @!p3 [sflag:s26], $0x40;
	v16 =	vadd.s32 v14, v15  }
0x233: {  	(xrf0) =	vmax.scan.msk.u32 $0xffff, v18;
	_ =	sdelay $0x1  }
0x234: {  	[sflag:s26] =	ssyncset.done @!p3 $0x0  }
0x235: {  	[sflag:s26] =	ssyncadd.s32 @!p3 $0xFFFFFFC0  }
0x236: {  	v17 =	vor.u32 $0x800, v14;
	v16 =	vld.idx.msk [tilespmem:v16+s17+$0x0], $0xffff  }
0x237: {  	v17 =	vadd.s32 v17, v15  }
0x238: {  	v18, _, _ =	vpop (xrf0)  }
0x239: {  	(v2sf) =	vpush v18, $0xF  }
0x23a: {  	s30 =	sand.u32 $0x1C0, s24  }
0x23b: {  	[tilespmem:s30+$0x19080] =	vst v16  }
0x23c: {  	v63 =	vor.u32 $0x1000, v14;
	v16 =	vld.idx.msk [tilespmem:v17+s17+$0x0], $0xffff  }
0x23d: {  	v17 =	vadd.s32 v63, v15;
	_ =	sdelay $0x3  }
0x23e: {  	[tilespmem:s30+$0x19090] =	vst v16  }
0x23f: {  	v14 =	vor.u32 $0x1800, v14;
	v16 =	vld.idx.msk [tilespmem:v17+s17+$0x0], $0xffff  }
0x240: {  	v14 =	vadd.s32 v14, v15;
	_ =	sdelay $0x3  }
0x241: {  	[tilespmem:s30+$0x190A0] =	vst v16  }
0x242: {  	s31 =	spop (v2sf);
	v14 =	vld.idx.msk [tilespmem:v14+s17+$0x0], $0xffff  }
0x243: {  	p3 =	sgt.u32 s31, $0x80000000  }
.Ltmp30:
0x244: {  	_ = 	snop;
	(pc) =	sbr.rel @p3 .LBB2_30-.Ltmp30, $4  }
0x245: {  	s25 =	sshll.u32 s29, $0x4  }
0x246: {  	s21 =	sadd.s32 $0x1, s21;
	s25 =	sand.u32 $0x1FFFFFF0, s25  }
0x247: {  	s24 =	sadd.s32 $0x40, s24;
	s28 =	sadd.s32 $0x19080, s30;
	s25 =	sadd.s32 s4, s25;
	[tilespmem:s30+$0x190B0] =	vst v14  }
0x248: {  	[hbm4b:s25+s3] =	stream.linear.scatter [tilespmem:s28], [sflag:$0x2], $0x40, $0x38;
	[tilespmem:$0x19280] =	vst v63  }
.LBB2_31:
0x249: {  	v12 =	vmpcnt.ones.xlane vm3;
	_ =	sdelay $0x1  }
0x24a: {  	v12 =	vxor.u32 $0x80000000, v12  }
0x24b: {  	(xrf0) =	vmax.scan.msk.u32 $0xffff, v12;
	_ =	sdelay $0x5  }
0x24c: {  	v12, _, _ =	vpop (xrf0)  }
0x24d: {  	(v2sf) =	vpush v12, $0xF;
	_ =	sdelay $0xe  }
0x24e: {  	s24 =	spop (v2sf)  }
0x24f: {  	p3 =	slt.u32 s24, $0x80000001  }
.Ltmp31:
0x250: {  	_ = 	snop;
	(pc) =	sbr.rel @p3 .LBB2_34-.Ltmp31, $1  }
0x251: {  	_ =	sdelay $0x3  }
0x252: {  	v12 =	vand.u32 $0x7FFF, v11;
	v13 =	vshra.s32 v11, $0xF  }
0x253: {  	s24 =	sshll.u32 s21, $0x6;
	v11 =	vor.u32 $0x80000000, v12;
	v12 =	vxor.u32 $0x80000000, v13  }
.LBB2_33:
0x254: {  	v13 =	vmctz.xlane vm3;
	_ =	sdelay $0x1  }
0x255: {  	v13 =	vxor.u32 $0x80000000, v13  }
0x256: {  	(xrf0) =	vmax.scan.msk.u32 $0xffff, v13;
	_ =	sdelay $0x5  }
0x257: {  	v13, _, _ =	vpop (xrf0)  }
0x258: {  	(v2sf) =	vpush v13, $0xF;
	_ =	sdelay $0xe  }
0x259: {  	s25 =	spop (v2sf)  }
0x25a: {  	s25 =	sxor.u32 $0x80000000, s25  }
0x25b: {  	v13 =	vmov s25  }
0x25c: {  	vm4 =	vne.s32 v13, v0  }
0x25d: {  	v13 =	vsel vm4, $0x80000000, v11  }
0x25e: {  	(xrf0) =	vmax.scan.msk.u32 $0xffff, v13  }
0x25f: {  	v13 =	vsel vm4, $0x80000000, v12  }
0x260: {  	(xrf0) =	vmax.scan.msk.u32 $0xffff, v13;
	_ =	sdelay $0x3  }
0x261: {  	v13, _, _ =	vpop (xrf0)  }
0x262: {  	(v2sf) =	vpush v13, $0xF  }
0x263: {  	v13, _, _ =	vpop (xrf0)  }
0x264: {  	(v2sf) =	vpush v13, $0xF;
	_ =	sdelay $0xc  }
0x265: {  	vm3 =	vmand vm3, vm4;
	s28 =	spop (v2sf)  }
0x266: {  	p3 =	slt.s32 s21, $0x8;
	v17 =	vmpcnt.ones.xlane vm3;
	v13 =	vmul.u32 $0x80, v0;
	s25 =	sadd.s32 $0x7FFF8600, s28  }
0x267: {  	s26 =	simm.s32 @!p3 $0x2;
	s29 =	spop (v2sf);
	v14 =	vmov s25  }
0x268: {  	v17 =	vxor.u32 $0x80000000, v17;
	_ =	swait.ge @!p3 [sflag:s26], $0x40;
	v15 =	vadd.s32 v13, v14  }
0x269: {  	(xrf0) =	vmax.scan.msk.u32 $0xffff, v17;
	_ =	sdelay $0x1  }
0x26a: {  	[sflag:s26] =	ssyncset.done @!p3 $0x0  }
0x26b: {  	[sflag:s26] =	ssyncadd.s32 @!p3 $0xFFFFFFC0  }
0x26c: {  	v16 =	vor.u32 $0x800, v13;
	v15 =	vld.idx.msk [tilespmem:v15+s17+$0x0], $0xffff  }
0x26d: {  	v16 =	vadd.s32 v16, v14  }
0x26e: {  	v17, _, _ =	vpop (xrf0)  }
0x26f: {  	(v2sf) =	vpush v17, $0xF  }
0x270: {  	s30 =	sand.u32 $0x1C0, s24  }
0x271: {  	[tilespmem:s30+$0x19080] =	vst v15  }
0x272: {  	v63 =	vor.u32 $0x1000, v13;
	v15 =	vld.idx.msk [tilespmem:v16+s17+$0x0], $0xffff  }
0x273: {  	v16 =	vadd.s32 v63, v14;
	_ =	sdelay $0x3  }
0x274: {  	[tilespmem:s30+$0x19090] =	vst v15  }
0x275: {  	v13 =	vor.u32 $0x1800, v13;
	v15 =	vld.idx.msk [tilespmem:v16+s17+$0x0], $0xffff  }
0x276: {  	v13 =	vadd.s32 v13, v14;
	_ =	sdelay $0x3  }
0x277: {  	[tilespmem:s30+$0x190A0] =	vst v15  }
0x278: {  	s31 =	spop (v2sf);
	v13 =	vld.idx.msk [tilespmem:v13+s17+$0x0], $0xffff  }
0x279: {  	p3 =	sgt.u32 s31, $0x80000000  }
.Ltmp32:
0x27a: {  	_ = 	snop;
	(pc) =	sbr.rel @p3 .LBB2_33-.Ltmp32, $4  }
0x27b: {  	s25 =	sshll.u32 s29, $0x4  }
0x27c: {  	s21 =	sadd.s32 $0x1, s21;
	s25 =	sand.u32 $0x1FFFFFF0, s25  }
0x27d: {  	s24 =	sadd.s32 $0x40, s24;
	s28 =	sadd.s32 $0x19080, s30;
	s25 =	sadd.s32 s4, s25;
	[tilespmem:s30+$0x190B0] =	vst v13  }
0x27e: {  	[hbm4b:s25+s3] =	stream.linear.scatter [tilespmem:s28], [sflag:$0x2], $0x40, $0x38;
	[tilespmem:$0x19280] =	vst v63  }
.LBB2_34:
0x27f: {  	v11 =	vmpcnt.ones.xlane vm2;
	_ =	sdelay $0x1  }
0x280: {  	v11 =	vxor.u32 $0x80000000, v11  }
0x281: {  	(xrf0) =	vmax.scan.msk.u32 $0xffff, v11;
	_ =	sdelay $0x5  }
0x282: {  	v11, _, _ =	vpop (xrf0)  }
0x283: {  	(v2sf) =	vpush v11, $0xF;
	_ =	sdelay $0xe  }
0x284: {  	s24 =	spop (v2sf)  }
0x285: {  	p3 =	slt.u32 s24, $0x80000001  }
.Ltmp33:
0x286: {  	_ = 	snop;
	(pc) =	sbr.rel @p3 .LBB2_37-.Ltmp33, $1  }
0x287: {  	_ =	sdelay $0x3  }
0x288: {  	v11 =	vand.u32 $0x7FFF, v10;
	v12 =	vshra.s32 v10, $0xF  }
0x289: {  	s24 =	sshll.u32 s21, $0x6;
	v10 =	vor.u32 $0x80000000, v11;
	v11 =	vxor.u32 $0x80000000, v12  }
.LBB2_36:
0x28a: {  	v12 =	vmctz.xlane vm2;
	_ =	sdelay $0x1  }
0x28b: {  	v12 =	vxor.u32 $0x80000000, v12  }
0x28c: {  	(xrf0) =	vmax.scan.msk.u32 $0xffff, v12;
	_ =	sdelay $0x5  }
0x28d: {  	v12, _, _ =	vpop (xrf0)  }
0x28e: {  	(v2sf) =	vpush v12, $0xF;
	_ =	sdelay $0xe  }
0x28f: {  	s25 =	spop (v2sf)  }
0x290: {  	s25 =	sxor.u32 $0x80000000, s25  }
0x291: {  	v58 =	vmov s25  }
0x292: {  	vm3 =	vne.s32 v58, v0  }
0x293: {  	v12 =	vsel vm3, $0x80000000, v10  }
0x294: {  	(xrf0) =	vmax.scan.msk.u32 $0xffff, v12  }
0x295: {  	v59 =	vsel vm3, $0x80000000, v11  }
0x296: {  	(xrf0) =	vmax.scan.msk.u32 $0xffff, v59;
	_ =	sdelay $0x3  }
0x297: {  	v60, _, _ =	vpop (xrf0)  }
0x298: {  	(v2sf) =	vpush v60, $0xF  }
0x299: {  	v61, _, _ =	vpop (xrf0)  }
0x29a: {  	(v2sf) =	vpush v61, $0xF;
	_ =	sdelay $0xc  }
0x29b: {  	vm2 =	vmand vm2, vm3;
	s28 =	spop (v2sf)  }
0x29c: {  	v62 =	vmul.u32 $0x80, v0;
	p3 =	slt.s32 s21, $0x8;
	v16 =	vmpcnt.ones.xlane vm2;
	s25 =	sadd.s32 $0x7FFF8600, s28  }
0x29d: {  	s26 =	simm.s32 @!p3 $0x2;
	s29 =	spop (v2sf);
	v13 =	vmov s25  }
0x29e: {  	v16 =	vxor.u32 $0x80000000, v16;
	_ =	swait.ge @!p3 [sflag:s26], $0x40;
	v14 =	vadd.s32 v62, v13  }
0x29f: {  	(xrf0) =	vmax.scan.msk.u32 $0xffff, v16;
	_ =	sdelay $0x1  }
0x2a0: {  	[sflag:s26] =	ssyncset.done @!p3 $0x0  }
0x2a1: {  	[sflag:s26] =	ssyncadd.s32 @!p3 $0xFFFFFFC0  }
0x2a2: {  	v15 =	vor.u32 $0x800, v62;
	v14 =	vld.idx.msk [tilespmem:v14+s17+$0x0], $0xffff  }
0x2a3: {  	v15 =	vadd.s32 v15, v13  }
0x2a4: {  	v16, _, _ =	vpop (xrf0)  }
0x2a5: {  	(v2sf) =	vpush v16, $0xF  }
0x2a6: {  	s30 =	sand.u32 $0x1C0, s24  }
0x2a7: {  	[tilespmem:s30+$0x19080] =	vst v14  }
0x2a8: {  	v63 =	vor.u32 $0x1000, v62;
	v14 =	vld.idx.msk [tilespmem:v15+s17+$0x0], $0xffff  }
0x2a9: {  	v15 =	vadd.s32 v63, v13;
	_ =	sdelay $0x3  }
0x2aa: {  	[tilespmem:s30+$0x19090] =	vst v14  }
0x2ab: {  	v12 =	vor.u32 $0x1800, v62;
	v14 =	vld.idx.msk [tilespmem:v15+s17+$0x0], $0xffff  }
0x2ac: {  	v12 =	vadd.s32 v12, v13;
	_ =	sdelay $0x3  }
0x2ad: {  	[tilespmem:s30+$0x190A0] =	vst v14  }
0x2ae: {  	s31 =	spop (v2sf);
	v12 =	vld.idx.msk [tilespmem:v12+s17+$0x0], $0xffff  }
0x2af: {  	p3 =	sgt.u32 s31, $0x80000000  }
.Ltmp34:
0x2b0: {  	_ = 	snop;
	(pc) =	sbr.rel @p3 .LBB2_36-.Ltmp34, $4  }
0x2b1: {  	s25 =	sshll.u32 s29, $0x4  }
0x2b2: {  	s21 =	sadd.s32 $0x1, s21;
	s25 =	sand.u32 $0x1FFFFFF0, s25  }
0x2b3: {  	s24 =	sadd.s32 $0x40, s24;
	s28 =	sadd.s32 $0x19080, s30;
	s25 =	sadd.s32 s4, s25;
	[tilespmem:s30+$0x190B0] =	vst v12  }
0x2b4: {  	[hbm4b:s25+s3] =	stream.linear.scatter [tilespmem:s28], [sflag:$0x2], $0x40, $0x38;
	[tilespmem:$0x19280] =	vst v63  }
.Ltmp35:
0x2b5: {  	_ = 	snop;
	(pc) =	sbr.rel .LBB2_37-.Ltmp35, $1  }
0x2b6: {  	_ =	sdelay $0x3  }
.LBB2_52:
0x2b7: {  	s23 =	sadd.s32 $0x1, s23  }
0x2b8: {  	p2 =	sne.s32 s23, s22  }
.Ltmp36:
0x2b9: {  	_ = 	snop;
	(pc) =	sbr.rel @!p2 .LBB2_53-.Ltmp36, $1  }
0x2ba: {  	_ =	sdelay $0x3  }
.LBB2_39:
0x2bb: {  	s24 =	sshll.u32 s23, $0x8  }
0x2bc: {  	s24 =	sshra.s32 s24, $0x2  }
0x2bd: {  	v12 =	vld [tilespmem:s24+$0x1010]  }
0x2be: {  	v11 =	vld [tilespmem:s24+$0x1020]  }
0x2bf: {  	v10 =	vld [tilespmem:s24+$0x1030];
	_ =	sdelay $0x1  }
0x2c0: {  	v13 =	vld [tilespmem:s24+$0x1000];
	_ =	sdelay $0x2  }
0x2c1: {  	v14 =	vand.u32 $0x7FC0, v12;
	v15 =	vand.u32 $0x7FC0, v11;
	v16 =	vand.u32 $0x7FC0, v10  }
0x2c2: {  	vm4 =	veq.s32 v14, $0x7A00;
	vm2 =	veq.s32 v15, $0x7A00;
	vm5 =	veq.s32 v16, $0x7A00  }
0x2c3: {  	v14 =	vand.u32 $0x7FC0, v13;
	vm3 =	vmand vm0, vm2;
	vm2 =	vmand vm0, vm5  }
0x2c4: {  	vm5 =	veq.s32 v14, $0x7A00;
	vm4 =	vmand vm0, vm4;
	vm6 =	vmor vm3, vm2  }
0x2c5: {  	vm5 =	vmand vm0, vm5;
	vm6 =	vmor vm4, vm6  }
0x2c6: {  	vm6 =	vmor vm5, vm6  }
0x2c7: {  	v14 =	vmpcnt.ones.xlane vm6;
	_ =	sdelay $0x1  }
0x2c8: {  	v14 =	vxor.u32 $0x80000000, v14  }
0x2c9: {  	(xrf0) =	vmax.scan.msk.u32 $0xffff, v14;
	_ =	sdelay $0x5  }
0x2ca: {  	v14, _, _ =	vpop (xrf0)  }
0x2cb: {  	(v2sf) =	vpush v14, $0xF;
	_ =	sdelay $0xe  }
0x2cc: {  	s31 =	spop (v2sf)  }
0x2cd: {  	p2 =	slt.u32 s31, $0x80000001  }
.Ltmp37:
0x2ce: {  	_ = 	snop;
	(pc) =	sbr.rel @p2 .LBB2_52-.Ltmp37, $1  }
0x2cf: {  	_ =	sdelay $0x3  }
0x2d0: {  	v14 =	vmpcnt.ones.xlane vm5;
	_ =	sdelay $0x1  }
0x2d1: {  	v14 =	vxor.u32 $0x80000000, v14  }
0x2d2: {  	(xrf0) =	vmax.scan.msk.u32 $0xffff, v14;
	_ =	sdelay $0x5  }
0x2d3: {  	v14, _, _ =	vpop (xrf0)  }
0x2d4: {  	(v2sf) =	vpush v14, $0xF;
	_ =	sdelay $0xe  }
0x2d5: {  	s24 =	spop (v2sf)  }
0x2d6: {  	p2 =	slt.u32 s24, $0x80000001  }
.Ltmp38:
0x2d7: {  	_ = 	snop;
	(pc) =	sbr.rel @p2 .LBB2_43-.Ltmp38, $1  }
0x2d8: {  	_ =	sdelay $0x3  }
0x2d9: {  	v14 =	vand.u32 $0x7FFF, v13;
	v15 =	vshra.s32 v13, $0xF  }
0x2da: {  	s24 =	sshll.u32 s21, $0x6;
	v13 =	vor.u32 $0x80000000, v14;
	v14 =	vxor.u32 $0x80000000, v15  }
.LBB2_42:
0x2db: {  	v15 =	vmctz.xlane vm5;
	_ =	sdelay $0x1  }
0x2dc: {  	v15 =	vxor.u32 $0x80000000, v15  }
0x2dd: {  	(xrf0) =	vmax.scan.msk.u32 $0xffff, v15;
	_ =	sdelay $0x5  }
0x2de: {  	v15, _, _ =	vpop (xrf0)  }
0x2df: {  	(v2sf) =	vpush v15, $0xF;
	_ =	sdelay $0xe  }
0x2e0: {  	s25 =	spop (v2sf)  }
0x2e1: {  	s25 =	sxor.u32 $0x80000000, s25  }
0x2e2: {  	v15 =	vmov s25  }
0x2e3: {  	vm6 =	vne.s32 v15, v0  }
0x2e4: {  	v15 =	vsel vm6, $0x80000000, v13  }
0x2e5: {  	(xrf0) =	vmax.scan.msk.u32 $0xffff, v15  }
0x2e6: {  	v15 =	vsel vm6, $0x80000000, v14  }
0x2e7: {  	(xrf0) =	vmax.scan.msk.u32 $0xffff, v15;
	_ =	sdelay $0x3  }
0x2e8: {  	v15, _, _ =	vpop (xrf0)  }
0x2e9: {  	(v2sf) =	vpush v15, $0xF  }
0x2ea: {  	v15, _, _ =	vpop (xrf0)  }
0x2eb: {  	(v2sf) =	vpush v15, $0xF;
	_ =	sdelay $0xc  }
0x2ec: {  	vm5 =	vmand vm5, vm6;
	s28 =	spop (v2sf)  }
0x2ed: {  	p2 =	slt.s32 s21, $0x8;
	v19 =	vmpcnt.ones.xlane vm5;
	v15 =	vmul.u32 $0x80, v0;
	s25 =	sadd.s32 $0x7FFF8600, s28  }
0x2ee: {  	s26 =	simm.s32 @!p2 $0x2;
	s29 =	spop (v2sf);
	v16 =	vmov s25  }
0x2ef: {  	v19 =	vxor.u32 $0x80000000, v19;
	_ =	swait.ge @!p2 [sflag:s26], $0x40;
	v17 =	vadd.s32 v15, v16  }
0x2f0: {  	(xrf0) =	vmax.scan.msk.u32 $0xffff, v19;
	_ =	sdelay $0x1  }
0x2f1: {  	[sflag:s26] =	ssyncset.done @!p2 $0x0  }
0x2f2: {  	[sflag:s26] =	ssyncadd.s32 @!p2 $0xFFFFFFC0  }
0x2f3: {  	v18 =	vor.u32 $0x800, v15;
	v17 =	vld.idx.msk [tilespmem:v17+s18+$0x0], $0xffff  }
0x2f4: {  	v18 =	vadd.s32 v18, v16  }
0x2f5: {  	v19, _, _ =	vpop (xrf0)  }
0x2f6: {  	(v2sf) =	vpush v19, $0xF  }
0x2f7: {  	s30 =	sand.u32 $0x1C0, s24  }
0x2f8: {  	[tilespmem:s30+$0x19080] =	vst v17  }
0x2f9: {  	v63 =	vor.u32 $0x1000, v15;
	v17 =	vld.idx.msk [tilespmem:v18+s18+$0x0], $0xffff  }
0x2fa: {  	v18 =	vadd.s32 v63, v16;
	_ =	sdelay $0x3  }
0x2fb: {  	[tilespmem:s30+$0x19090] =	vst v17  }
0x2fc: {  	v15 =	vor.u32 $0x1800, v15;
	v17 =	vld.idx.msk [tilespmem:v18+s18+$0x0], $0xffff  }
0x2fd: {  	v15 =	vadd.s32 v15, v16;
	_ =	sdelay $0x3  }
0x2fe: {  	[tilespmem:s30+$0x190A0] =	vst v17  }
0x2ff: {  	s31 =	spop (v2sf);
	v15 =	vld.idx.msk [tilespmem:v15+s18+$0x0], $0xffff  }
0x300: {  	p2 =	sgt.u32 s31, $0x80000000  }
.Ltmp39:
0x301: {  	_ = 	snop;
	(pc) =	sbr.rel @p2 .LBB2_42-.Ltmp39, $4  }
0x302: {  	s25 =	sshll.u32 s29, $0x4  }
0x303: {  	s21 =	sadd.s32 $0x1, s21;
	s25 =	sand.u32 $0x1FFFFFF0, s25  }
0x304: {  	s24 =	sadd.s32 $0x40, s24;
	s28 =	sadd.s32 $0x19080, s30;
	s25 =	sadd.s32 s4, s25;
	[tilespmem:s30+$0x190B0] =	vst v15  }
0x305: {  	[hbm4b:s25+s3] =	stream.linear.scatter [tilespmem:s28], [sflag:$0x2], $0x40, $0x38;
	[tilespmem:$0x19280] =	vst v63  }
.LBB2_43:
0x306: {  	v13 =	vmpcnt.ones.xlane vm4;
	_ =	sdelay $0x1  }
0x307: {  	v13 =	vxor.u32 $0x80000000, v13  }
0x308: {  	(xrf0) =	vmax.scan.msk.u32 $0xffff, v13;
	_ =	sdelay $0x5  }
0x309: {  	v13, _, _ =	vpop (xrf0)  }
0x30a: {  	(v2sf) =	vpush v13, $0xF;
	_ =	sdelay $0xe  }
0x30b: {  	s24 =	spop (v2sf)  }
0x30c: {  	p2 =	slt.u32 s24, $0x80000001  }
.Ltmp40:
0x30d: {  	_ = 	snop;
	(pc) =	sbr.rel @p2 .LBB2_46-.Ltmp40, $1  }
0x30e: {  	_ =	sdelay $0x3  }
0x30f: {  	v13 =	vand.u32 $0x7FFF, v12;
	v14 =	vshra.s32 v12, $0xF  }
0x310: {  	s24 =	sshll.u32 s21, $0x6;
	v12 =	vor.u32 $0x80000000, v13;
	v13 =	vxor.u32 $0x80000000, v14  }
.LBB2_45:
0x311: {  	v14 =	vmctz.xlane vm4;
	_ =	sdelay $0x1  }
0x312: {  	v14 =	vxor.u32 $0x80000000, v14  }
0x313: {  	(xrf0) =	vmax.scan.msk.u32 $0xffff, v14;
	_ =	sdelay $0x5  }
0x314: {  	v14, _, _ =	vpop (xrf0)  }
0x315: {  	(v2sf) =	vpush v14, $0xF;
	_ =	sdelay $0xe  }
0x316: {  	s25 =	spop (v2sf)  }
0x317: {  	s25 =	sxor.u32 $0x80000000, s25  }
0x318: {  	v14 =	vmov s25  }
0x319: {  	vm5 =	vne.s32 v14, v0  }
0x31a: {  	v14 =	vsel vm5, $0x80000000, v12  }
0x31b: {  	(xrf0) =	vmax.scan.msk.u32 $0xffff, v14  }
0x31c: {  	v14 =	vsel vm5, $0x80000000, v13  }
0x31d: {  	(xrf0) =	vmax.scan.msk.u32 $0xffff, v14;
	_ =	sdelay $0x3  }
0x31e: {  	v14, _, _ =	vpop (xrf0)  }
0x31f: {  	(v2sf) =	vpush v14, $0xF  }
0x320: {  	v14, _, _ =	vpop (xrf0)  }
0x321: {  	(v2sf) =	vpush v14, $0xF;
	_ =	sdelay $0xc  }
0x322: {  	vm4 =	vmand vm4, vm5;
	s28 =	spop (v2sf)  }
0x323: {  	p2 =	slt.s32 s21, $0x8;
	v18 =	vmpcnt.ones.xlane vm4;
	v14 =	vmul.u32 $0x80, v0;
	s25 =	sadd.s32 $0x7FFF8600, s28  }
0x324: {  	s26 =	simm.s32 @!p2 $0x2;
	s29 =	spop (v2sf);
	v15 =	vmov s25  }
0x325: {  	v18 =	vxor.u32 $0x80000000, v18;
	_ =	swait.ge @!p2 [sflag:s26], $0x40;
	v16 =	vadd.s32 v14, v15  }
0x326: {  	(xrf0) =	vmax.scan.msk.u32 $0xffff, v18;
	_ =	sdelay $0x1  }
0x327: {  	[sflag:s26] =	ssyncset.done @!p2 $0x0  }
0x328: {  	[sflag:s26] =	ssyncadd.s32 @!p2 $0xFFFFFFC0  }
0x329: {  	v17 =	vor.u32 $0x800, v14;
	v16 =	vld.idx.msk [tilespmem:v16+s18+$0x0], $0xffff  }
0x32a: {  	v17 =	vadd.s32 v17, v15  }
0x32b: {  	v18, _, _ =	vpop (xrf0)  }
0x32c: {  	(v2sf) =	vpush v18, $0xF  }
0x32d: {  	s30 =	sand.u32 $0x1C0, s24  }
0x32e: {  	[tilespmem:s30+$0x19080] =	vst v16  }
0x32f: {  	v63 =	vor.u32 $0x1000, v14;
	v16 =	vld.idx.msk [tilespmem:v17+s18+$0x0], $0xffff  }
0x330: {  	v17 =	vadd.s32 v63, v15;
	_ =	sdelay $0x3  }
0x331: {  	[tilespmem:s30+$0x19090] =	vst v16  }
0x332: {  	v14 =	vor.u32 $0x1800, v14;
	v16 =	vld.idx.msk [tilespmem:v17+s18+$0x0], $0xffff  }
0x333: {  	v14 =	vadd.s32 v14, v15;
	_ =	sdelay $0x3  }
0x334: {  	[tilespmem:s30+$0x190A0] =	vst v16  }
0x335: {  	s31 =	spop (v2sf);
	v14 =	vld.idx.msk [tilespmem:v14+s18+$0x0], $0xffff  }
0x336: {  	p2 =	sgt.u32 s31, $0x80000000  }
.Ltmp41:
0x337: {  	_ = 	snop;
	(pc) =	sbr.rel @p2 .LBB2_45-.Ltmp41, $4  }
0x338: {  	s25 =	sshll.u32 s29, $0x4  }
0x339: {  	s21 =	sadd.s32 $0x1, s21;
	s25 =	sand.u32 $0x1FFFFFF0, s25  }
0x33a: {  	s24 =	sadd.s32 $0x40, s24;
	s28 =	sadd.s32 $0x19080, s30;
	s25 =	sadd.s32 s4, s25;
	[tilespmem:s30+$0x190B0] =	vst v14  }
0x33b: {  	[hbm4b:s25+s3] =	stream.linear.scatter [tilespmem:s28], [sflag:$0x2], $0x40, $0x38;
	[tilespmem:$0x19280] =	vst v63  }
.LBB2_46:
0x33c: {  	v12 =	vmpcnt.ones.xlane vm3;
	_ =	sdelay $0x1  }
0x33d: {  	v12 =	vxor.u32 $0x80000000, v12  }
0x33e: {  	(xrf0) =	vmax.scan.msk.u32 $0xffff, v12;
	_ =	sdelay $0x5  }
0x33f: {  	v12, _, _ =	vpop (xrf0)  }
0x340: {  	(v2sf) =	vpush v12, $0xF;
	_ =	sdelay $0xe  }
0x341: {  	s24 =	spop (v2sf)  }
0x342: {  	p2 =	slt.u32 s24, $0x80000001  }
.Ltmp42:
0x343: {  	_ = 	snop;
	(pc) =	sbr.rel @p2 .LBB2_49-.Ltmp42, $1  }
0x344: {  	_ =	sdelay $0x3  }
0x345: {  	v12 =	vand.u32 $0x7FFF, v11;
	v13 =	vshra.s32 v11, $0xF  }
0x346: {  	s24 =	sshll.u32 s21, $0x6;
	v11 =	vor.u32 $0x80000000, v12;
	v12 =	vxor.u32 $0x80000000, v13  }
.LBB2_48:
0x347: {  	v13 =	vmctz.xlane vm3;
	_ =	sdelay $0x1  }
0x348: {  	v13 =	vxor.u32 $0x80000000, v13  }
0x349: {  	(xrf0) =	vmax.scan.msk.u32 $0xffff, v13;
	_ =	sdelay $0x5  }
0x34a: {  	v13, _, _ =	vpop (xrf0)  }
0x34b: {  	(v2sf) =	vpush v13, $0xF;
	_ =	sdelay $0xe  }
0x34c: {  	s25 =	spop (v2sf)  }
0x34d: {  	s25 =	sxor.u32 $0x80000000, s25  }
0x34e: {  	v13 =	vmov s25  }
0x34f: {  	vm4 =	vne.s32 v13, v0  }
0x350: {  	v13 =	vsel vm4, $0x80000000, v11  }
0x351: {  	(xrf0) =	vmax.scan.msk.u32 $0xffff, v13  }
0x352: {  	v13 =	vsel vm4, $0x80000000, v12  }
0x353: {  	(xrf0) =	vmax.scan.msk.u32 $0xffff, v13;
	_ =	sdelay $0x3  }
0x354: {  	v13, _, _ =	vpop (xrf0)  }
0x355: {  	(v2sf) =	vpush v13, $0xF  }
0x356: {  	v13, _, _ =	vpop (xrf0)  }
0x357: {  	(v2sf) =	vpush v13, $0xF;
	_ =	sdelay $0xc  }
0x358: {  	vm3 =	vmand vm3, vm4;
	s28 =	spop (v2sf)  }
0x359: {  	p2 =	slt.s32 s21, $0x8;
	v17 =	vmpcnt.ones.xlane vm3;
	v13 =	vmul.u32 $0x80, v0;
	s25 =	sadd.s32 $0x7FFF8600, s28  }
0x35a: {  	s26 =	simm.s32 @!p2 $0x2;
	s29 =	spop (v2sf);
	v14 =	vmov s25  }
0x35b: {  	v17 =	vxor.u32 $0x80000000, v17;
	_ =	swait.ge @!p2 [sflag:s26], $0x40;
	v15 =	vadd.s32 v13, v14  }
0x35c: {  	(xrf0) =	vmax.scan.msk.u32 $0xffff, v17;
	_ =	sdelay $0x1  }
0x35d: {  	[sflag:s26] =	ssyncset.done @!p2 $0x0  }
0x35e: {  	[sflag:s26] =	ssyncadd.s32 @!p2 $0xFFFFFFC0  }
0x35f: {  	v16 =	vor.u32 $0x800, v13;
	v15 =	vld.idx.msk [tilespmem:v15+s18+$0x0], $0xffff  }
0x360: {  	v16 =	vadd.s32 v16, v14  }
0x361: {  	v17, _, _ =	vpop (xrf0)  }
0x362: {  	(v2sf) =	vpush v17, $0xF  }
0x363: {  	s30 =	sand.u32 $0x1C0, s24  }
0x364: {  	[tilespmem:s30+$0x19080] =	vst v15  }
0x365: {  	v63 =	vor.u32 $0x1000, v13;
	v15 =	vld.idx.msk [tilespmem:v16+s18+$0x0], $0xffff  }
0x366: {  	v16 =	vadd.s32 v63, v14;
	_ =	sdelay $0x3  }
0x367: {  	[tilespmem:s30+$0x19090] =	vst v15  }
0x368: {  	v13 =	vor.u32 $0x1800, v13;
	v15 =	vld.idx.msk [tilespmem:v16+s18+$0x0], $0xffff  }
0x369: {  	v13 =	vadd.s32 v13, v14;
	_ =	sdelay $0x3  }
0x36a: {  	[tilespmem:s30+$0x190A0] =	vst v15  }
0x36b: {  	s31 =	spop (v2sf);
	v13 =	vld.idx.msk [tilespmem:v13+s18+$0x0], $0xffff  }
0x36c: {  	p2 =	sgt.u32 s31, $0x80000000  }
.Ltmp43:
0x36d: {  	_ = 	snop;
	(pc) =	sbr.rel @p2 .LBB2_48-.Ltmp43, $4  }
0x36e: {  	s25 =	sshll.u32 s29, $0x4  }
0x36f: {  	s21 =	sadd.s32 $0x1, s21;
	s25 =	sand.u32 $0x1FFFFFF0, s25  }
0x370: {  	s24 =	sadd.s32 $0x40, s24;
	s28 =	sadd.s32 $0x19080, s30;
	s25 =	sadd.s32 s4, s25;
	[tilespmem:s30+$0x190B0] =	vst v13  }
0x371: {  	[hbm4b:s25+s3] =	stream.linear.scatter [tilespmem:s28], [sflag:$0x2], $0x40, $0x38;
	[tilespmem:$0x19280] =	vst v63  }
.LBB2_49:
0x372: {  	v11 =	vmpcnt.ones.xlane vm2;
	_ =	sdelay $0x1  }
0x373: {  	v11 =	vxor.u32 $0x80000000, v11  }
0x374: {  	(xrf0) =	vmax.scan.msk.u32 $0xffff, v11;
	_ =	sdelay $0x5  }
0x375: {  	v11, _, _ =	vpop (xrf0)  }
0x376: {  	(v2sf) =	vpush v11, $0xF;
	_ =	sdelay $0xe  }
0x377: {  	s24 =	spop (v2sf)  }
0x378: {  	p2 =	slt.u32 s24, $0x80000001  }
.Ltmp44:
0x379: {  	_ = 	snop;
	(pc) =	sbr.rel @p2 .LBB2_52-.Ltmp44, $1  }
0x37a: {  	_ =	sdelay $0x3  }
0x37b: {  	v11 =	vand.u32 $0x7FFF, v10;
	v12 =	vshra.s32 v10, $0xF  }
0x37c: {  	s24 =	sshll.u32 s21, $0x6;
	v10 =	vor.u32 $0x80000000, v11;
	v11 =	vxor.u32 $0x80000000, v12  }
.LBB2_51:
0x37d: {  	v12 =	vmctz.xlane vm2;
	_ =	sdelay $0x1  }
0x37e: {  	v12 =	vxor.u32 $0x80000000, v12  }
0x37f: {  	(xrf0) =	vmax.scan.msk.u32 $0xffff, v12;
	_ =	sdelay $0x5  }
0x380: {  	v12, _, _ =	vpop (xrf0)  }
0x381: {  	(v2sf) =	vpush v12, $0xF;
	_ =	sdelay $0xe  }
0x382: {  	s25 =	spop (v2sf)  }
0x383: {  	s25 =	sxor.u32 $0x80000000, s25  }
0x384: {  	v58 =	vmov s25  }
0x385: {  	vm3 =	vne.s32 v58, v0  }
0x386: {  	v12 =	vsel vm3, $0x80000000, v10  }
0x387: {  	(xrf0) =	vmax.scan.msk.u32 $0xffff, v12  }
0x388: {  	v59 =	vsel vm3, $0x80000000, v11  }
0x389: {  	(xrf0) =	vmax.scan.msk.u32 $0xffff, v59;
	_ =	sdelay $0x3  }
0x38a: {  	v60, _, _ =	vpop (xrf0)  }
0x38b: {  	(v2sf) =	vpush v60, $0xF  }
0x38c: {  	v61, _, _ =	vpop (xrf0)  }
0x38d: {  	(v2sf) =	vpush v61, $0xF;
	_ =	sdelay $0xc  }
0x38e: {  	vm2 =	vmand vm2, vm3;
	s28 =	spop (v2sf)  }
0x38f: {  	v62 =	vmul.u32 $0x80, v0;
	p2 =	slt.s32 s21, $0x8;
	v16 =	vmpcnt.ones.xlane vm2;
	s25 =	sadd.s32 $0x7FFF8600, s28  }
0x390: {  	s26 =	simm.s32 @!p2 $0x2;
	s29 =	spop (v2sf);
	v13 =	vmov s25  }
0x391: {  	v16 =	vxor.u32 $0x80000000, v16;
	_ =	swait.ge @!p2 [sflag:s26], $0x40;
	v14 =	vadd.s32 v62, v13  }
0x392: {  	(xrf0) =	vmax.scan.msk.u32 $0xffff, v16;
	_ =	sdelay $0x1  }
0x393: {  	[sflag:s26] =	ssyncset.done @!p2 $0x0  }
0x394: {  	[sflag:s26] =	ssyncadd.s32 @!p2 $0xFFFFFFC0  }
0x395: {  	v15 =	vor.u32 $0x800, v62;
	v14 =	vld.idx.msk [tilespmem:v14+s18+$0x0], $0xffff  }
0x396: {  	v15 =	vadd.s32 v15, v13  }
0x397: {  	v16, _, _ =	vpop (xrf0)  }
0x398: {  	(v2sf) =	vpush v16, $0xF  }
0x399: {  	s30 =	sand.u32 $0x1C0, s24  }
0x39a: {  	[tilespmem:s30+$0x19080] =	vst v14  }
0x39b: {  	v63 =	vor.u32 $0x1000, v62;
	v14 =	vld.idx.msk [tilespmem:v15+s18+$0x0], $0xffff  }
0x39c: {  	v15 =	vadd.s32 v63, v13;
	_ =	sdelay $0x3  }
0x39d: {  	[tilespmem:s30+$0x19090] =	vst v14  }
0x39e: {  	v12 =	vor.u32 $0x1800, v62;
	v14 =	vld.idx.msk [tilespmem:v15+s18+$0x0], $0xffff  }
0x39f: {  	v12 =	vadd.s32 v12, v13;
	_ =	sdelay $0x3  }
0x3a0: {  	[tilespmem:s30+$0x190A0] =	vst v14  }
0x3a1: {  	s31 =	spop (v2sf);
	v12 =	vld.idx.msk [tilespmem:v12+s18+$0x0], $0xffff  }
0x3a2: {  	p2 =	sgt.u32 s31, $0x80000000  }
.Ltmp45:
0x3a3: {  	_ = 	snop;
	(pc) =	sbr.rel @p2 .LBB2_51-.Ltmp45, $4  }
0x3a4: {  	s25 =	sshll.u32 s29, $0x4  }
0x3a5: {  	s21 =	sadd.s32 $0x1, s21;
	s25 =	sand.u32 $0x1FFFFFF0, s25  }
0x3a6: {  	s24 =	sadd.s32 $0x40, s24;
	s28 =	sadd.s32 $0x19080, s30;
	s25 =	sadd.s32 s4, s25;
	[tilespmem:s30+$0x190B0] =	vst v12  }
0x3a7: {  	[hbm4b:s25+s3] =	stream.linear.scatter [tilespmem:s28], [sflag:$0x2], $0x40, $0x38;
	[tilespmem:$0x19280] =	vst v63  }
.Ltmp46:
0x3a8: {  	_ = 	snop;
	(pc) =	sbr.rel .LBB2_52-.Ltmp46, $1  }
0x3a9: {  	_ =	sdelay $0x3  }
.LBB2_58:
0x3aa: {  	_ =	sfence.sel $0x180000  }
0x3ab: {  	[bflag:$0x0] =	sbarrier.arrive $0xFFFF  }
0x3ac: {  	p0 =	sne.s32 s2, $0x0;
	_ =	strace $0x90000047  }
0x3ad: {  	s0 =	sadd.s32 @!p0 $0x100000, s0;
	[bflag:$0x2] =	sbarrier.arrive $0xFFFF  }
0x3ae: {  	[sflag:s0] =	ssyncadd.tile.s32 @!p0 $0x1;
	_ =	shalt  }
.Lfunc_end2:
_tile_overlayer_lowered:
.L_overlay_start_2:
0x3af: {  	(tag) =	ssettag $0x2  }
0x3b0: {  	s0 =	rddreg [dreg:$0x0];
	s2 =	stileid.u32  }
0x3b1: {  	s1 =	rddreg [dreg:$0x1];
	p0 =	sne.s32 s2, $0x0  }
0x3b2: {  	s3 =	rddreg [dreg:$0x2];
	[bflag:$0x3] =	sbarrier.arrive $0xFFFF;
	s2 =	simm.s32 @!p0 $0x1C03  }
0x3b3: {  	[timem:s3], [sflag:s2] =	dma.local @!p0 [hbm:s0], s1  }
0x3b4: {  	s0 =	simm.s32 @!p0 $0x3  }
0x3b5: {  	_ =	swait.ge @!p0 [sflag:s0], s1  }
0x3b6: {  	s1 =	ssub.s32 @!p0 $0x0, s1;
	[sflag:s0] =	ssyncset.done @!p0 $0x0  }
0x3b7: {  	[sflag:s0] =	ssyncadd.s32 @!p0 s1  }
0x3b8: {  	[bflag:$0x3] =	sbarrier.arrive $0xFFFF  }
0x3b9: {  	_ =	shalt  }

</sc_bundles>
